<compile_context>
chip_gen: v7x
topology: tpu7x:2x2x1
jax: 0.10.2.dev20260603
libtpu: 0.0.44.dev20260713+nightly
codegen_flags: <defaults>
</compile_context>

<pallas_src>
import functools

import jax
import jax.numpy as jnp
from jax import lax
from jax.experimental import pallas as pl
from jax.experimental.pallas import tpu as pltpu
from jax.experimental.pallas import tpu_sc as plsc

N = 10000
NP = 10240
E = 320000
E_PAD = 327680
D = 128
P = 16384
CHUNK = 128
NCH = E_PAD // CHUNK
NCH_CORE = NCH // 2
MAXT = NCH_CORE // 16
RPT = NP // 16

_MESH = plsc.VectorSubcoreMesh(core_axis_name="c", subcore_axis_name="s")


TPS = NCH_CORE // 16

NCH0 = 1920
NCH1 = NCH - NCH0
TPS0 = NCH0 // 16
TPS1 = NCH1 // 16
MPH = 40


@functools.partial(
    pl.kernel,
    mesh=_MESH,
    out_type=jax.ShapeDtypeStruct((2, NP, D), jnp.float32),
    scratch_types=[
        pltpu.VMEM((TPS, CHUNK), jnp.int32),
        pltpu.VMEM((CHUNK, D), jnp.float32),
        pltpu.VMEM_SHARED((NP, D), jnp.float32),
        pltpu.SemaphoreType.DMA,
    ],
)
def _deg_kernel(dst_hbm, ones_hbm, zeros_hbm, out_hbm, idx_d, onesbuf, deg,
                sem):
    cid = lax.axis_index("c")
    sid = lax.axis_index("s")
    base = cid * NCH_CORE + sid * TPS
    pltpu.sync_copy(ones_hbm, onesbuf)
    pltpu.sync_copy(zeros_hbm.at[pl.ds(sid * RPT, RPT)],
                    deg.at[pl.ds(sid * RPT, RPT)])
    pltpu.sync_copy(dst_hbm.at[pl.ds(base, TPS)], idx_d)
    plsc.subcore_barrier()

    def body(u, carry):
        cps = [pltpu.async_copy(onesbuf, deg.at[idx_d.at[u * 8 + b]], sem,
                                add=True)
               for b in range(8)]
        for cp in cps:
            cp.wait()
        return carry

    lax.fori_loop(0, TPS // 8, body, 0)
    plsc.subcore_barrier()
    pltpu.sync_copy(deg.at[pl.ds(sid * RPT, RPT)],
                    out_hbm.at[cid].at[pl.ds(sid * RPT, RPT)])


@functools.partial(
    pl.kernel,
    mesh=_MESH,
    out_type=jax.ShapeDtypeStruct((2, NP, D), jnp.float32),
    scratch_types=[
        pltpu.VMEM((MPH, CHUNK), jnp.int32),
        pltpu.VMEM((MPH, CHUNK), jnp.int32),
        pltpu.VMEM((2, CHUNK, D), jnp.float32),
        pltpu.VMEM_SHARED((NP, D), jnp.float32),
        pltpu.SemaphoreType.DMA,
        pltpu.SemaphoreType.DMA,
    ],
)
def _msg_kernel(hhat_hbm, src_hbm, dst_hbm, zeros_hbm, out_hbm,
                idx_s, idx_d, rows, acc, s0, s1):
    cid = lax.axis_index("c")
    sid = lax.axis_index("s")
    pltpu.sync_copy(zeros_hbm.at[pl.ds(sid * RPT, RPT)],
                    acc.at[pl.ds(sid * RPT, RPT)])
    plsc.subcore_barrier()
    sems = (s0, s1)

    def run(tps_c, core_base):
        base = core_base + sid * tps_c
        for phase in range(tps_c // MPH):
            pltpu.sync_copy(src_hbm.at[pl.ds(base + phase * MPH, MPH)],
                            idx_s)
            pltpu.sync_copy(dst_hbm.at[pl.ds(base + phase * MPH, MPH)],
                            idx_d)

            def body(u, carry):
                cps = [pltpu.async_copy(hhat_hbm.at[idx_s.at[u * 2 + b]],
                                        rows.at[b], sems[b])
                       for b in range(2)]
                for b in range(2):
                    cps[b].wait()
                    pltpu.sync_copy(rows.at[b], acc.at[idx_d.at[u * 2 + b]],
                                    add=True)
                return carry

            lax.fori_loop(0, MPH // 2, body, 0)

    @pl.when(cid == 0)
    def _():
        run(TPS0, 0)

    @pl.when(cid == 1)
    def _():
        run(TPS1, NCH0)
    plsc.subcore_barrier()
    pltpu.sync_copy(acc.at[pl.ds(sid * RPT, RPT)],
                    out_hbm.at[cid].at[pl.ds(sid * RPT, RPT)])


_GPT = P // 32


@functools.partial(
    pl.kernel,
    mesh=_MESH,
    out_type=(jax.ShapeDtypeStruct((P, D), jnp.float32),
              jax.ShapeDtypeStruct((P, D), jnp.float32)),
    scratch_types=[
        pltpu.VMEM((CHUNK,), jnp.int32),
        pltpu.VMEM((CHUNK, D), jnp.float32),
        pltpu.SemaphoreType.DMA,
    ],
)
def _gather_kernel(h2_hbm, tf_hbm, gene_hbm, tf_out, gene_out,
                   idx_v, rows, sem):
    cid = lax.axis_index("c")
    sid = lax.axis_index("s")
    wid = sid * 2 + cid
    for idx_hbm, out_hbm in ((tf_hbm, tf_out), (gene_hbm, gene_out)):
        for k in range(_GPT // CHUNK):
            base = wid * _GPT + k * CHUNK
            pltpu.sync_copy(idx_hbm.at[pl.ds(base, CHUNK)], idx_v)
            pltpu.async_copy(h2_hbm.at[idx_v], rows, sem).wait()
            pltpu.sync_copy(rows, out_hbm.at[pl.ds(base, CHUNK)])


_RB = 1024
_RBH = 2048
_EB = 256


def _prep_body(adj_ref, src_ref, dst_ref):
    src_ref[...] = adj_ref[0]
    dst_ref[...] = adj_ref[1]


def _prep_call(adj3):
    return pl.pallas_call(
        _prep_body,
        grid=(NCH // _EB,),
        in_specs=[pl.BlockSpec((2, _EB, CHUNK), lambda i: (0, i, 0))],
        out_specs=[
            pl.BlockSpec((_EB, CHUNK), lambda i: (i, 0)),
            pl.BlockSpec((_EB, CHUNK), lambda i: (i, 0)),
        ],
        out_shape=[
            jax.ShapeDtypeStruct((NCH, CHUNK), jnp.int32),
            jax.ShapeDtypeStruct((NCH, CHUNK), jnp.int32),
        ],
    )(adj3)


def _ab_body(x_ref, w1_ref, deg_ref, hhat_ref, dinv_ref):
    g = jnp.dot(x_ref[...], w1_ref[...], preferred_element_type=jnp.float32)
    deg = deg_ref[0, :, 0] + deg_ref[1, :, 0] + 1.0
    dinv = lax.rsqrt(deg)[:, None]
    dinv_ref[...] = dinv
    hhat_ref[...] = g * dinv


def _c_body(acc_ref, hhat_ref, dinv_ref, b1_ref, w2_ref, out_ref):
    dinv = dinv_ref[...]
    h1 = jnp.maximum((acc_ref[0] + acc_ref[1] + hhat_ref[...]) * dinv
                     + b1_ref[...], 0.0)
    g2 = jnp.dot(h1, w2_ref[...], preferred_element_type=jnp.float32)
    out_ref[...] = g2 * dinv


def _d_body(acc_ref, hhat_ref, dinv_ref, b2_ref, out_ref):
    out_ref[...] = ((acc_ref[0] + acc_ref[1] + hhat_ref[...])
                    * dinv_ref[...] + b2_ref[...])


def _head_body(tf_ref, gene_ref, w1a_ref, w1b_ref, bh1_ref, w2_ref, bh2_ref,
               out_ref):
    z = (jnp.dot(tf_ref[...], w1a_ref[...], preferred_element_type=jnp.float32)
         + jnp.dot(gene_ref[...], w1b_ref[...],
                   preferred_element_type=jnp.float32)
         + bh1_ref[...])
    g = 0.5 * z * (1.0 + lax.erf(z * 0.7071067811865476))
    out_ref[...] = (jnp.dot(g, w2_ref[...], preferred_element_type=jnp.float32)
                    + bh2_ref[...])


def _ab_call(x_pad, W1, deg2):
    return pl.pallas_call(
        _ab_body,
        grid=(NP // _RB,),
        in_specs=[
            pl.BlockSpec((_RB, D), lambda i: (i, 0)),
            pl.BlockSpec((D, D), lambda i: (0, 0)),
            pl.BlockSpec((2, _RB, D), lambda i: (0, i, 0)),
        ],
        out_specs=[
            pl.BlockSpec((_RB, D), lambda i: (i, 0)),
            pl.BlockSpec((_RB, 1), lambda i: (i, 0)),
        ],
        out_shape=[
            jax.ShapeDtypeStruct((NP, D), jnp.float32),
            jax.ShapeDtypeStruct((NP, 1), jnp.float32),
        ],
    )(x_pad, W1, deg2)


def _c_call(acc1, hhat1, dinv, b1r, W2):
    return pl.pallas_call(
        _c_body,
        grid=(NP // _RB,),
        in_specs=[
            pl.BlockSpec((2, _RB, D), lambda i: (0, i, 0)),
            pl.BlockSpec((_RB, D), lambda i: (i, 0)),
            pl.BlockSpec((_RB, 1), lambda i: (i, 0)),
            pl.BlockSpec((1, D), lambda i: (0, 0)),
            pl.BlockSpec((D, D), lambda i: (0, 0)),
        ],
        out_specs=pl.BlockSpec((_RB, D), lambda i: (i, 0)),
        out_shape=jax.ShapeDtypeStruct((NP, D), jnp.float32),
    )(acc1, hhat1, dinv, b1r, W2)


def _d_call(acc2, hhat2, dinv, b2r):
    return pl.pallas_call(
        _d_body,
        grid=(NP // _RB,),
        in_specs=[
            pl.BlockSpec((2, _RB, D), lambda i: (0, i, 0)),
            pl.BlockSpec((_RB, D), lambda i: (i, 0)),
            pl.BlockSpec((_RB, 1), lambda i: (i, 0)),
            pl.BlockSpec((1, D), lambda i: (0, 0)),
        ],
        out_specs=pl.BlockSpec((_RB, D), lambda i: (i, 0)),
        out_shape=jax.ShapeDtypeStruct((NP, D), jnp.float32),
    )(acc2, hhat2, dinv, b2r)


def _head_call(tf_emb, gene_emb, Wh1a, Wh1b, bh1r, Wh2p, bh2p):
    return pl.pallas_call(
        _head_body,
        grid=(P // _RBH,),
        in_specs=[
            pl.BlockSpec((_RBH, D), lambda i: (i, 0)),
            pl.BlockSpec((_RBH, D), lambda i: (i, 0)),
            pl.BlockSpec((D, D), lambda i: (0, 0)),
            pl.BlockSpec((D, D), lambda i: (0, 0)),
            pl.BlockSpec((1, D), lambda i: (0, 0)),
            pl.BlockSpec((D, D), lambda i: (0, 0)),
            pl.BlockSpec((1, D), lambda i: (0, 0)),
        ],
        out_specs=pl.BlockSpec((_RBH, D), lambda i: (i, 0)),
        out_shape=jax.ShapeDtypeStruct((P, D), jnp.float32),
    )(tf_emb, gene_emb, Wh1a, Wh1b, bh1r, Wh2p, bh2p)


def kernel(x, adj, tf_idx, gene_idx, W1, b1, W2, b2, Wh1, bh1, Wh2, bh2):
    pad_idx = jnp.full((E_PAD - E,), N, jnp.int32)
    src = jnp.concatenate([adj[0].astype(jnp.int32), pad_idx])
    dst = jnp.concatenate([adj[1].astype(jnp.int32), pad_idx])
    src = src.reshape(NCH, CHUNK)
    dst = dst.reshape(NCH, CHUNK)
    tf32 = tf_idx.astype(jnp.int32)
    gene32 = gene_idx.astype(jnp.int32)

    x_pad = jnp.zeros((NP, D), jnp.float32).at[:N].set(x)
    zeros_nd = jnp.zeros((NP, D), jnp.float32)
    ones_col = jnp.zeros((CHUNK, D), jnp.float32).at[:, 0].set(1.0)

    b1r = b1.reshape(1, D)
    b2r = b2.reshape(1, D)
    bh1r = bh1.reshape(1, D)
    Wh1a = Wh1[:D]
    Wh1b = Wh1[D:]
    Wh2p = jnp.zeros((D, D), jnp.float32).at[:, :3].set(Wh2)
    bh2p = jnp.zeros((1, D), jnp.float32).at[0, :3].set(bh2)

    deg2 = _deg_kernel(dst, ones_col, zeros_nd)
    hhat1, dinv = _ab_call(x_pad, W1, deg2)
    acc1 = _msg_kernel(hhat1, src, dst, zeros_nd)
    hhat2 = _c_call(acc1, hhat1, dinv, b1r, W2)
    acc2 = _msg_kernel(hhat2, src, dst, zeros_nd)
    h2 = _d_call(acc2, hhat2, dinv, b2r)
    tf_emb, gene_emb = _gather_kernel(h2, tf32, gene32)
    out = _head_call(tf_emb, gene_emb, Wh1a, Wh1b, bh1r, Wh2p, bh2p)
    return out[:, :3]

# --- scband reference (transcript-rebuilt; emitter-appended) ---
"""Pipeline reference for scband-sc-reg-net-gcnpretrainer-12386685681958 (READ-ONLY COPY).

The authoritative reference and input builder live on the scoring server;
editing this copy changes nothing except your own understanding.
"""

import jax, jax.numpy as jnp
import numpy as np

N = 10000
E = 320000
D = 128
H = 128
P = 16384
C = 3


def setup_inputs(seed: int = 0) -> dict:
    key = jax.random.key(seed)
    ks = jax.random.split(key, 16)
    x = jax.random.normal(ks[0], (N, D), dtype=jnp.float32)
    adj = jax.random.randint(ks[1], (2, E), 0, N, dtype=jnp.int64)
    tf_idx = jax.random.randint(ks[2], (P,), 0, N, dtype=jnp.int64)
    gene_idx = jax.random.randint(ks[3], (P,), 0, N, dtype=jnp.int64)
    W1 = jax.random.normal(ks[4], (D, H), dtype=jnp.float32) / np.sqrt(D)
    b1 = jnp.zeros((H,), dtype=jnp.float32)
    W2 = jax.random.normal(ks[5], (H, H), dtype=jnp.float32) / np.sqrt(H)
    b2 = jnp.zeros((H,), dtype=jnp.float32)
    Wh1 = jax.random.normal(ks[6], (2 * H, H), dtype=jnp.float32) / np.sqrt(2 * H)
    bh1 = jnp.zeros((H,), dtype=jnp.float32)
    Wh2 = jax.random.normal(ks[7], (H, C), dtype=jnp.float32) / np.sqrt(H)
    bh2 = jnp.zeros((C,), dtype=jnp.float32)
    return {"x": x, "adj": adj, "tf_idx": tf_idx, "gene_idx": gene_idx,
            "W1": W1, "b1": b1, "W2": W2, "b2": b2,
            "Wh1": Wh1, "bh1": bh1, "Wh2": Wh2, "bh2": bh2}


def gcn_conv(x, edge_index, W, b, n_nodes):
    # GCNConv with self-loops and symmetric degree normalization
    loop = jnp.arange(n_nodes, dtype=edge_index.dtype)
    src = jnp.concatenate([edge_index[0], loop])
    dst = jnp.concatenate([edge_index[1], loop])
    deg = jax.ops.segment_sum(jnp.ones_like(dst, dtype=x.dtype), dst, num_segments=n_nodes)
    dinv = jnp.where(deg > 0, 1.0 / jnp.sqrt(deg), 0.0)
    norm = dinv[src] * dinv[dst]
    h = x @ W
    msg = h[src] * norm[:, None]
    out = jax.ops.segment_sum(msg, dst, num_segments=n_nodes)
    return out + b


def reference(x, adj, tf_idx, gene_idx, W1, b1, W2, b2, Wh1, bh1, Wh2, bh2):
    n = x.shape[0]
    # encode (eval mode: dropout is identity)
    h = gcn_conv(x, adj, W1, b1, n)
    h = jax.nn.relu(h)
    h = gcn_conv(h, adj, W2, b2, n)
    # head on (tf, gene) pairs
    tf_emb = h[tf_idx]
    gene_emb = h[gene_idx]
    z = jnp.concatenate([tf_emb, gene_emb], axis=-1)
    z = z @ Wh1 + bh1
    z = jax.nn.gelu(z, approximate=False)
    logits = z @ Wh2 + bh2
    return logits

if __name__ == "__main__":
    import jax
    _d = setup_inputs()
    print(jax.jit(kernel)(*tuple(_d.values())))

</pallas_src>

<mosaic_0001>
#map = affine_map<(d0, d1) -> (0, 0)>
#map1 = affine_map<(d0, d1) -> (0, 0, 0)>
module attributes {stable_mosaic.version = 14 : i64} {
  func.func @_deg_kernel(%arg0: i32, %arg1: i32, %arg2: memref<2560x128xi32, #tpu.memory_space<hbm>>, %arg3: memref<128x128xf32, #tpu.memory_space<hbm>>, %arg4: memref<10240x128xf32, #tpu.memory_space<hbm>>, %arg5: memref<2x10240x128xf32, #tpu.memory_space<hbm>>, %arg6: memref<80x128xi32, #tpu.memory_space<vmem>>, %arg7: memref<128x128xf32, #tpu.memory_space<vmem>>, %arg8: memref<10240x128xf32, #tpu.memory_space<vmem_shared>>, %arg9: memref<!tpu.dma_semaphore, #tpu.memory_space<semaphore_mem>>) attributes {dimension_semantics = [#tpu.dimension_semantics<core_parallel>, #tpu.dimension_semantics<subcore_parallel>], iteration_bounds = array<i64: 2, 16>, scalar_prefetch = 0 : i64, scratch_operands = 4 : i64, tpu.core_type = #tpu.core_type<sc_vector_subcore>, window_params = [{transform_indices = #map}, {transform_indices = #map}, {transform_indices = #map}, {transform_indices = #map1}]} {
    %mul3A = arith.constant 1280 : i32
    %mul3A_0 = arith.muli %arg0, %mul3A : i32
    %mul3A_1 = arith.constant 80 : i32
    %mul3A_2 = arith.muli %arg1, %mul3A_1 : i32
    %add3A = arith.addi %mul3A_0, %mul3A_2 : i32
    "tpu.region"() ({
      %run_scoped3A = tpu.sem_alloc : memref<!tpu.dma_semaphore, #tpu.memory_space<semaphore_mem>>
      tpu.enqueue_dma source(%arg3 : memref<128x128xf32, #tpu.memory_space<hbm>>) target(%arg7 : memref<128x128xf32, #tpu.memory_space<vmem>>) target_semaphore(%run_scoped3A : memref<!tpu.dma_semaphore, #tpu.memory_space<semaphore_mem>>)
      tpu.wait_dma2 semaphore(%run_scoped3A : memref<!tpu.dma_semaphore, #tpu.memory_space<semaphore_mem>>) src(%arg3 : memref<128x128xf32, #tpu.memory_space<hbm>>) dst(%arg7 : memref<128x128xf32, #tpu.memory_space<vmem>>)
      tpu.yield
    }) : () -> ()
    %mul3A_3 = arith.constant 640 : i32
    %mul3A_4 = arith.muli %arg1, %mul3A_3 : i32
    %mul3A_5 = arith.constant 640 : i32
    %mul3A_6 = arith.muli %arg1, %mul3A_5 : i32
    "tpu.region"() ({
      %run_scoped3A = tpu.sem_alloc : memref<!tpu.dma_semaphore, #tpu.memory_space<semaphore_mem>>
      %dma_start3A = arith.constant 0 : i32
      %dma_start3A_17 = tpu.memref_slice %arg8[%mul3A_6, %dma_start3A] : memref<10240x128xf32, #tpu.memory_space<vmem_shared>> -> memref<640x128xf32, #tpu.memory_space<vmem_shared>>
      %dma_start3A_18 = arith.constant 0 : i32
      %dma_start3A_19 = tpu.memref_slice %arg4[%mul3A_4, %dma_start3A_18] : memref<10240x128xf32, #tpu.memory_space<hbm>> -> memref<640x128xf32, #tpu.memory_space<hbm>>
      tpu.enqueue_dma source(%dma_start3A_19 : memref<640x128xf32, #tpu.memory_space<hbm>>) target(%dma_start3A_17 : memref<640x128xf32, #tpu.memory_space<vmem_shared>>) target_semaphore(%run_scoped3A : memref<!tpu.dma_semaphore, #tpu.memory_space<semaphore_mem>>)
      %dma_wait3A = arith.constant 0 : i32
      %dma_wait3A_20 = tpu.memref_slice %arg8[%mul3A_6, %dma_wait3A] : memref<10240x128xf32, #tpu.memory_space<vmem_shared>> -> memref<640x128xf32, #tpu.memory_space<vmem_shared>>
      %dma_wait3A_21 = arith.constant 0 : i32
      %dma_wait3A_22 = tpu.memref_slice %arg4[%mul3A_4, %dma_wait3A_21] : memref<10240x128xf32, #tpu.memory_space<hbm>> -> memref<640x128xf32, #tpu.memory_space<hbm>>
      tpu.wait_dma2 semaphore(%run_scoped3A : memref<!tpu.dma_semaphore, #tpu.memory_space<semaphore_mem>>) src(%dma_wait3A_22 : memref<640x128xf32, #tpu.memory_space<hbm>>) dst(%dma_wait3A_20 : memref<640x128xf32, #tpu.memory_space<vmem_shared>>)
      tpu.yield
    }) : () -> ()
    "tpu.region"() ({
      %run_scoped3A = tpu.sem_alloc : memref<!tpu.dma_semaphore, #tpu.memory_space<semaphore_mem>>
      %dma_start3A = arith.constant 0 : i32
      %dma_start3A_17 = tpu.memref_slice %arg2[%add3A, %dma_start3A] : memref<2560x128xi32, #tpu.memory_space<hbm>> -> memref<80x128xi32, #tpu.memory_space<hbm>>
      %dma_start3A_18 = arith.constant 0 : i32
      %dma_start3A_19 = tpu.memref_slice %arg2[%add3A, %dma_start3A_18] : memref<2560x128xi32, #tpu.memory_space<hbm>> -> memref<80x128xi32, #tpu.memory_space<hbm>>
      tpu.enqueue_dma source(%dma_start3A_19 : memref<80x128xi32, #tpu.memory_space<hbm>>) target(%arg6 : memref<80x128xi32, #tpu.memory_space<vmem>>) target_semaphore(%run_scoped3A : memref<!tpu.dma_semaphore, #tpu.memory_space<semaphore_mem>>)
      %dma_wait3A = arith.constant 0 : i32
      %dma_wait3A_20 = tpu.memref_slice %arg2[%add3A, %dma_wait3A] : memref<2560x128xi32, #tpu.memory_space<hbm>> -> memref<80x128xi32, #tpu.memory_space<hbm>>
      %dma_wait3A_21 = arith.constant 0 : i32
      %dma_wait3A_22 = tpu.memref_slice %arg2[%add3A, %dma_wait3A_21] : memref<2560x128xi32, #tpu.memory_space<hbm>> -> memref<80x128xi32, #tpu.memory_space<hbm>>
      tpu.wait_dma2 semaphore(%run_scoped3A : memref<!tpu.dma_semaphore, #tpu.memory_space<semaphore_mem>>) src(%dma_wait3A_22 : memref<80x128xi32, #tpu.memory_space<hbm>>) dst(%arg6 : memref<80x128xi32, #tpu.memory_space<vmem>>)
      tpu.yield
    }) : () -> ()
    %barrier3A = arith.constant 0 : index
    tpu.barrier barrier_id(%barrier3A)
    %scan3A = arith.constant 0 : i32
    %scan3A_7 = arith.constant 0 : i32
    %scan3A_8 = arith.constant 10 : i32
    %scan3A_9 = arith.addi %scan3A_7, %scan3A_8 : i32
    %scan3A_10 = arith.constant 1 : i32
    scf.for %scan3A_17 = %scan3A_7 to %scan3A_9 step %scan3A_10  : i32 {
      %mul3A_18 = arith.constant 8 : i32
      %mul3A_19 = arith.muli %scan3A_17, %mul3A_18 : i32
      %add3A_20 = arith.constant 0 : i32
      %add3A_21 = arith.addi %mul3A_19, %add3A_20 : i32
      %dma_start3A = arith.constant 0 : i32
      %dma_start3A_22 = tpu.memref_slice %arg6[%add3A_21, %dma_start3A] : memref<80x128xi32, #tpu.memory_space<vmem>> -> memref<1x128xi32, #tpu.memory_space<vmem>>
      %dma_start3A_23 = tpu.memref_squeeze %dma_start3A_22 : memref<1x128xi32, #tpu.memory_space<vmem>> -> memref<128xi32, #tpu.memory_space<vmem>>
      %dma_start3A_24 = arith.constant 0 : i32
      %dma_start3A_25 = arith.constant 0 : i32
      %dma_start3A_26 = tpu.memref_slice %arg8[%dma_start3A_24, %dma_start3A_25] : memref<10240x128xf32, #tpu.memory_space<vmem_shared>> -> memref<10240x128xf32, #tpu.memory_space<vmem_shared>>
      tpu.enqueue_indirect_dma source(%arg7 : memref<128x128xf32, #tpu.memory_space<vmem>>) target(%dma_start3A_26 : memref<10240x128xf32, #tpu.memory_space<vmem_shared>>) offsets(%dma_start3A_23 : memref<128xi32, #tpu.memory_space<vmem>>) semaphore(%arg9 : memref<!tpu.dma_semaphore, #tpu.memory_space<semaphore_mem>>) {add = true}
      %mul3A_27 = arith.constant 8 : i32
      %mul3A_28 = arith.muli %scan3A_17, %mul3A_27 : i32
      %add3A_29 = arith.constant 1 : i32
      %add3A_30 = arith.addi %mul3A_28, %add3A_29 : i32
      %dma_start3A_31 = arith.constant 0 : i32
      %dma_start3A_32 = tpu.memref_slice %arg6[%add3A_30, %dma_start3A_31] : memref<80x128xi32, #tpu.memory_space<vmem>> -> memref<1x128xi32, #tpu.memory_space<vmem>>
      %dma_start3A_33 = tpu.memref_squeeze %dma_start3A_32 : memref<1x128xi32, #tpu.memory_space<vmem>> -> memref<128xi32, #tpu.memory_space<vmem>>
      %dma_start3A_34 = arith.constant 0 : i32
      %dma_start3A_35 = arith.constant 0 : i32
      %dma_start3A_36 = tpu.memref_slice %arg8[%dma_start3A_34, %dma_start3A_35] : memref<10240x128xf32, #tpu.memory_space<vmem_shared>> -> memref<10240x128xf32, #tpu.memory_space<vmem_shared>>
      tpu.enqueue_indirect_dma source(%arg7 : memref<128x128xf32, #tpu.memory_space<vmem>>) target(%dma_start3A_36 : memref<10240x128xf32, #tpu.memory_space<vmem_shared>>) offsets(%dma_start3A_33 : memref<128xi32, #tpu.memory_space<vmem>>) semaphore(%arg9 : memref<!tpu.dma_semaphore, #tpu.memory_space<semaphore_mem>>) {add = true}
      %mul3A_37 = arith.constant 8 : i32
      %mul3A_38 = arith.muli %scan3A_17, %mul3A_37 : i32
      %add3A_39 = arith.constant 2 : i32
      %add3A_40 = arith.addi %mul3A_38, %add3A_39 : i32
      %dma_start3A_41 = arith.constant 0 : i32
      %dma_start3A_42 = tpu.memref_slice %arg6[%add3A_40, %dma_start3A_41] : memref<80x128xi32, #tpu.memory_space<vmem>> -> memref<1x128xi32, #tpu.memory_space<vmem>>
      %dma_start3A_43 = tpu.memref_squeeze %dma_start3A_42 : memref<1x128xi32, #tpu.memory_space<vmem>> -> memref<128xi32, #tpu.memory_space<vmem>>
      %dma_start3A_44 = arith.constant 0 : i32
      %dma_start3A_45 = arith.constant 0 : i32
      %dma_start3A_46 = tpu.memref_slice %arg8[%dma_start3A_44, %dma_start3A_45] : memref<10240x128xf32, #tpu.memory_space<vmem_shared>> -> memref<10240x128xf32, #tpu.memory_space<vmem_shared>>
      tpu.enqueue_indirect_dma source(%arg7 : memref<128x128xf32, #tpu.memory_space<vmem>>) target(%dma_start3A_46 : memref<10240x128xf32, #tpu.memory_space<vmem_shared>>) offsets(%dma_start3A_43 : memref<128xi32, #tpu.memory_space<vmem>>) semaphore(%arg9 : memref<!tpu.dma_semaphore, #tpu.memory_space<semaphore_mem>>) {add = true}
      %mul3A_47 = arith.constant 8 : i32
      %mul3A_48 = arith.muli %scan3A_17, %mul3A_47 : i32
      %add3A_49 = arith.constant 3 : i32
      %add3A_50 = arith.addi %mul3A_48, %add3A_49 : i32
      %dma_start3A_51 = arith.constant 0 : i32
      %dma_start3A_52 = tpu.memref_slice %arg6[%add3A_50, %dma_start3A_51] : memref<80x128xi32, #tpu.memory_space<vmem>> -> memref<1x128xi32, #tpu.memory_space<vmem>>
      %dma_start3A_53 = tpu.memref_squeeze %dma_start3A_52 : memref<1x128xi32, #tpu.memory_space<vmem>> -> memref<128xi32, #tpu.memory_space<vmem>>
      %dma_start3A_54 = arith.constant 0 : i32
      %dma_start3A_55 = arith.constant 0 : i32
      %dma_start3A_56 = tpu.memref_slice %arg8[%dma_start3A_54, %dma_start3A_55] : memref<10240x128xf32, #tpu.memory_space<vmem_shared>> -> memref<10240x128xf32, #tpu.memory_space<vmem_shared>>
      tpu.enqueue_indirect_dma source(%arg7 : memref<128x128xf32, #tpu.memory_space<vmem>>) target(%dma_start3A_56 : memref<10240x128xf32, #tpu.memory_space<vmem_shared>>) offsets(%dma_start3A_53 : memref<128xi32, #tpu.memory_space<vmem>>) semaphore(%arg9 : memref<!tpu.dma_semaphore, #tpu.memory_space<semaphore_mem>>) {add = true}
      %mul3A_57 = arith.constant 8 : i32
      %mul3A_58 = arith.muli %scan3A_17, %mul3A_57 : i32
      %add3A_59 = arith.constant 4 : i32
      %add3A_60 = arith.addi %mul3A_58, %add3A_59 : i32
      %dma_start3A_61 = arith.constant 0 : i32
      %dma_start3A_62 = tpu.memref_slice %arg6[%add3A_60, %dma_start3A_61] : memref<80x128xi32, #tpu.memory_space<vmem>> -> memref<1x128xi32, #tpu.memory_space<vmem>>
      %dma_start3A_63 = tpu.memref_squeeze %dma_start3A_62 : memref<1x128xi32, #tpu.memory_space<vmem>> -> memref<128xi32, #tpu.memory_space<vmem>>
      %dma_start3A_64 = arith.constant 0 : i32
      %dma_start3A_65 = arith.constant 0 : i32
      %dma_start3A_66 = tpu.memref_slice %arg8[%dma_start3A_64, %dma_start3A_65] : memref<10240x128xf32, #tpu.memory_space<vmem_shared>> -> memref<10240x128xf32, #tpu.memory_space<vmem_shared>>
      tpu.enqueue_indirect_dma source(%arg7 : memref<128x128xf32, #tpu.memory_space<vmem>>) target(%dma_start3A_66 : memref<10240x128xf32, #tpu.memory_space<vmem_shared>>) offsets(%dma_start3A_63 : memref<128xi32, #tpu.memory_space<vmem>>) semaphore(%arg9 : memref<!tpu.dma_semaphore, #tpu.memory_space<semaphore_mem>>) {add = true}
      %mul3A_67 = arith.constant 8 : i32
      %mul3A_68 = arith.muli %scan3A_17, %mul3A_67 : i32
      %add3A_69 = arith.constant 5 : i32
      %add3A_70 = arith.addi %mul3A_68, %add3A_69 : i32
      %dma_start3A_71 = arith.constant 0 : i32
      %dma_start3A_72 = tpu.memref_slice %arg6[%add3A_70, %dma_start3A_71] : memref<80x128xi32, #tpu.memory_space<vmem>> -> memref<1x128xi32, #tpu.memory_space<vmem>>
      %dma_start3A_73 = tpu.memref_squeeze %dma_start3A_72 : memref<1x128xi32, #tpu.memory_space<vmem>> -> memref<128xi32, #tpu.memory_space<vmem>>
      %dma_start3A_74 = arith.constant 0 : i32
      %dma_start3A_75 = arith.constant 0 : i32
      %dma_start3A_76 = tpu.memref_slice %arg8[%dma_start3A_74, %dma_start3A_75] : memref<10240x128xf32, #tpu.memory_space<vmem_shared>> -> memref<10240x128xf32, #tpu.memory_space<vmem_shared>>
      tpu.enqueue_indirect_dma source(%arg7 : memref<128x128xf32, #tpu.memory_space<vmem>>) target(%dma_start3A_76 : memref<10240x128xf32, #tpu.memory_space<vmem_shared>>) offsets(%dma_start3A_73 : memref<128xi32, #tpu.memory_space<vmem>>) semaphore(%arg9 : memref<!tpu.dma_semaphore, #tpu.memory_space<semaphore_mem>>) {add = true}
      %mul3A_77 = arith.constant 8 : i32
      %mul3A_78 = arith.muli %scan3A_17, %mul3A_77 : i32
      %add3A_79 = arith.constant 6 : i32
      %add3A_80 = arith.addi %mul3A_78, %add3A_79 : i32
      %dma_start3A_81 = arith.constant 0 : i32
      %dma_start3A_82 = tpu.memref_slice %arg6[%add3A_80, %dma_start3A_81] : memref<80x128xi32, #tpu.memory_space<vmem>> -> memref<1x128xi32, #tpu.memory_space<vmem>>
      %dma_start3A_83 = tpu.memref_squeeze %dma_start3A_82 : memref<1x128xi32, #tpu.memory_space<vmem>> -> memref<128xi32, #tpu.memory_space<vmem>>
      %dma_start3A_84 = arith.constant 0 : i32
      %dma_start3A_85 = arith.constant 0 : i32
      %dma_start3A_86 = tpu.memref_slice %arg8[%dma_start3A_84, %dma_start3A_85] : memref<10240x128xf32, #tpu.memory_space<vmem_shared>> -> memref<10240x128xf32, #tpu.memory_space<vmem_shared>>
      tpu.enqueue_indirect_dma source(%arg7 : memref<128x128xf32, #tpu.memory_space<vmem>>) target(%dma_start3A_86 : memref<10240x128xf32, #tpu.memory_space<vmem_shared>>) offsets(%dma_start3A_83 : memref<128xi32, #tpu.memory_space<vmem>>) semaphore(%arg9 : memref<!tpu.dma_semaphore, #tpu.memory_space<semaphore_mem>>) {add = true}
      %mul3A_87 = arith.constant 8 : i32
      %mul3A_88 = arith.muli %scan3A_17, %mul3A_87 : i32
      %add3A_89 = arith.constant 7 : i32
      %add3A_90 = arith.addi %mul3A_88, %add3A_89 : i32
      %dma_start3A_91 = arith.constant 0 : i32
      %dma_start3A_92 = tpu.memref_slice %arg6[%add3A_90, %dma_start3A_91] : memref<80x128xi32, #tpu.memory_space<vmem>> -> memref<1x128xi32, #tpu.memory_space<vmem>>
      %dma_start3A_93 = tpu.memref_squeeze %dma_start3A_92 : memref<1x128xi32, #tpu.memory_space<vmem>> -> memref<128xi32, #tpu.memory_space<vmem>>
      %dma_start3A_94 = arith.constant 0 : i32
      %dma_start3A_95 = arith.constant 0 : i32
      %dma_start3A_96 = tpu.memref_slice %arg8[%dma_start3A_94, %dma_start3A_95] : memref<10240x128xf32, #tpu.memory_space<vmem_shared>> -> memref<10240x128xf32, #tpu.memory_space<vmem_shared>>
      tpu.enqueue_indirect_dma source(%arg7 : memref<128x128xf32, #tpu.memory_space<vmem>>) target(%dma_start3A_96 : memref<10240x128xf32, #tpu.memory_space<vmem_shared>>) offsets(%dma_start3A_93 : memref<128xi32, #tpu.memory_space<vmem>>) semaphore(%arg9 : memref<!tpu.dma_semaphore, #tpu.memory_space<semaphore_mem>>) {add = true}
      %dma_wait3A = arith.constant 0 : i32
      %dma_wait3A_97 = tpu.memref_slice %arg6[%add3A_21, %dma_wait3A] : memref<80x128xi32, #tpu.memory_space<vmem>> -> memref<1x128xi32, #tpu.memory_space<vmem>>
      %dma_wait3A_98 = tpu.memref_squeeze %dma_wait3A_97 : memref<1x128xi32, #tpu.memory_space<vmem>> -> memref<128xi32, #tpu.memory_space<vmem>>
      %dma_wait3A_99 = arith.constant 0 : i32
      %dma_wait3A_100 = arith.constant 0 : i32
      %dma_wait3A_101 = tpu.memref_slice %arg8[%dma_wait3A_99, %dma_wait3A_100] : memref<10240x128xf32, #tpu.memory_space<vmem_shared>> -> memref<10240x128xf32, #tpu.memory_space<vmem_shared>>
      tpu.wait_indirect_dma semaphore(%arg9 : memref<!tpu.dma_semaphore, #tpu.memory_space<semaphore_mem>>) src(%arg7 : memref<128x128xf32, #tpu.memory_space<vmem>>) dst(%dma_wait3A_101 : memref<10240x128xf32, #tpu.memory_space<vmem_shared>>)
      %dma_wait3A_102 = arith.constant 0 : i32
      %dma_wait3A_103 = tpu.memref_slice %arg6[%add3A_30, %dma_wait3A_102] : memref<80x128xi32, #tpu.memory_space<vmem>> -> memref<1x128xi32, #tpu.memory_space<vmem>>
      %dma_wait3A_104 = tpu.memref_squeeze %dma_wait3A_103 : memref<1x128xi32, #tpu.memory_space<vmem>> -> memref<128xi32, #tpu.memory_space<vmem>>
      %dma_wait3A_105 = arith.constant 0 : i32
      %dma_wait3A_106 = arith.constant 0 : i32
      %dma_wait3A_107 = tpu.memref_slice %arg8[%dma_wait3A_105, %dma_wait3A_106] : memref<10240x128xf32, #tpu.memory_space<vmem_shared>> -> memref<10240x128xf32, #tpu.memory_space<vmem_shared>>
      tpu.wait_indirect_dma semaphore(%arg9 : memref<!tpu.dma_semaphore, #tpu.memory_space<semaphore_mem>>) src(%arg7 : memref<128x128xf32, #tpu.memory_space<vmem>>) dst(%dma_wait3A_107 : memref<10240x128xf32, #tpu.memory_space<vmem_shared>>)
      %dma_wait3A_108 = arith.constant 0 : i32
      %dma_wait3A_109 = tpu.memref_slice %arg6[%add3A_40, %dma_wait3A_108] : memref<80x128xi32, #tpu.memory_space<vmem>> -> memref<1x128xi32, #tpu.memory_space<vmem>>
      %dma_wait3A_110 = tpu.memref_squeeze %dma_wait3A_109 : memref<1x128xi32, #tpu.memory_space<vmem>> -> memref<128xi32, #tpu.memory_space<vmem>>
      %dma_wait3A_111 = arith.constant 0 : i32
      %dma_wait3A_112 = arith.constant 0 : i32
      %dma_wait3A_113 = tpu.memref_slice %arg8[%dma_wait3A_111, %dma_wait3A_112] : memref<10240x128xf32, #tpu.memory_space<vmem_shared>> -> memref<10240x128xf32, #tpu.memory_space<vmem_shared>>
      tpu.wait_indirect_dma semaphore(%arg9 : memref<!tpu.dma_semaphore, #tpu.memory_space<semaphore_mem>>) src(%arg7 : memref<128x128xf32, #tpu.memory_space<vmem>>) dst(%dma_wait3A_113 : memref<10240x128xf32, #tpu.memory_space<vmem_shared>>)
      %dma_wait3A_114 = arith.constant 0 : i32
      %dma_wait3A_115 = tpu.memref_slice %arg6[%add3A_50, %dma_wait3A_114] : memref<80x128xi32, #tpu.memory_space<vmem>> -> memref<1x128xi32, #tpu.memory_space<vmem>>
      %dma_wait3A_116 = tpu.memref_squeeze %dma_wait3A_115 : memref<1x128xi32, #tpu.memory_space<vmem>> -> memref<128xi32, #tpu.memory_space<vmem>>
      %dma_wait3A_117 = arith.constant 0 : i32
      %dma_wait3A_118 = arith.constant 0 : i32
      %dma_wait3A_119 = tpu.memref_slice %arg8[%dma_wait3A_117, %dma_wait3A_118] : memref<10240x128xf32, #tpu.memory_space<vmem_shared>> -> memref<10240x128xf32, #tpu.memory_space<vmem_shared>>
      tpu.wait_indirect_dma semaphore(%arg9 : memref<!tpu.dma_semaphore, #tpu.memory_space<semaphore_mem>>) src(%arg7 : memref<128x128xf32, #tpu.memory_space<vmem>>) dst(%dma_wait3A_119 : memref<10240x128xf32, #tpu.memory_space<vmem_shared>>)
      %dma_wait3A_120 = arith.constant 0 : i32
      %dma_wait3A_121 = tpu.memref_slice %arg6[%add3A_60, %dma_wait3A_120] : memref<80x128xi32, #tpu.memory_space<vmem>> -> memref<1x128xi32, #tpu.memory_space<vmem>>
      %dma_wait3A_122 = tpu.memref_squeeze %dma_wait3A_121 : memref<1x128xi32, #tpu.memory_space<vmem>> -> memref<128xi32, #tpu.memory_space<vmem>>
      %dma_wait3A_123 = arith.constant 0 : i32
      %dma_wait3A_124 = arith.constant 0 : i32
      %dma_wait3A_125 = tpu.memref_slice %arg8[%dma_wait3A_123, %dma_wait3A_124] : memref<10240x128xf32, #tpu.memory_space<vmem_shared>> -> memref<10240x128xf32, #tpu.memory_space<vmem_shared>>
      tpu.wait_indirect_dma semaphore(%arg9 : memref<!tpu.dma_semaphore, #tpu.memory_space<semaphore_mem>>) src(%arg7 : memref<128x128xf32, #tpu.memory_space<vmem>>) dst(%dma_wait3A_125 : memref<10240x128xf32, #tpu.memory_space<vmem_shared>>)
      %dma_wait3A_126 = arith.constant 0 : i32
      %dma_wait3A_127 = tpu.memref_slice %arg6[%add3A_70, %dma_wait3A_126] : memref<80x128xi32, #tpu.memory_space<vmem>> -> memref<1x128xi32, #tpu.memory_space<vmem>>
      %dma_wait3A_128 = tpu.memref_squeeze %dma_wait3A_127 : memref<1x128xi32, #tpu.memory_space<vmem>> -> memref<128xi32, #tpu.memory_space<vmem>>
      %dma_wait3A_129 = arith.constant 0 : i32
      %dma_wait3A_130 = arith.constant 0 : i32
      %dma_wait3A_131 = tpu.memref_slice %arg8[%dma_wait3A_129, %dma_wait3A_130] : memref<10240x128xf32, #tpu.memory_space<vmem_shared>> -> memref<10240x128xf32, #tpu.memory_space<vmem_shared>>
      tpu.wait_indirect_dma semaphore(%arg9 : memref<!tpu.dma_semaphore, #tpu.memory_space<semaphore_mem>>) src(%arg7 : memref<128x128xf32, #tpu.memory_space<vmem>>) dst(%dma_wait3A_131 : memref<10240x128xf32, #tpu.memory_space<vmem_shared>>)
      %dma_wait3A_132 = arith.constant 0 : i32
      %dma_wait3A_133 = tpu.memref_slice %arg6[%add3A_80, %dma_wait3A_132] : memref<80x128xi32, #tpu.memory_space<vmem>> -> memref<1x128xi32, #tpu.memory_space<vmem>>
      %dma_wait3A_134 = tpu.memref_squeeze %dma_wait3A_133 : memref<1x128xi32, #tpu.memory_space<vmem>> -> memref<128xi32, #tpu.memory_space<vmem>>
      %dma_wait3A_135 = arith.constant 0 : i32
      %dma_wait3A_136 = arith.constant 0 : i32
      %dma_wait3A_137 = tpu.memref_slice %arg8[%dma_wait3A_135, %dma_wait3A_136] : memref<10240x128xf32, #tpu.memory_space<vmem_shared>> -> memref<10240x128xf32, #tpu.memory_space<vmem_shared>>
      tpu.wait_indirect_dma semaphore(%arg9 : memref<!tpu.dma_semaphore, #tpu.memory_space<semaphore_mem>>) src(%arg7 : memref<128x128xf32, #tpu.memory_space<vmem>>) dst(%dma_wait3A_137 : memref<10240x128xf32, #tpu.memory_space<vmem_shared>>)
      %dma_wait3A_138 = arith.constant 0 : i32
      %dma_wait3A_139 = tpu.memref_slice %arg6[%add3A_90, %dma_wait3A_138] : memref<80x128xi32, #tpu.memory_space<vmem>> -> memref<1x128xi32, #tpu.memory_space<vmem>>
      %dma_wait3A_140 = tpu.memref_squeeze %dma_wait3A_139 : memref<1x128xi32, #tpu.memory_space<vmem>> -> memref<128xi32, #tpu.memory_space<vmem>>
      %dma_wait3A_141 = arith.constant 0 : i32
      %dma_wait3A_142 = arith.constant 0 : i32
      %dma_wait3A_143 = tpu.memref_slice %arg8[%dma_wait3A_141, %dma_wait3A_142] : memref<10240x128xf32, #tpu.memory_space<vmem_shared>> -> memref<10240x128xf32, #tpu.memory_space<vmem_shared>>
      tpu.wait_indirect_dma semaphore(%arg9 : memref<!tpu.dma_semaphore, #tpu.memory_space<semaphore_mem>>) src(%arg7 : memref<128x128xf32, #tpu.memory_space<vmem>>) dst(%dma_wait3A_143 : memref<10240x128xf32, #tpu.memory_space<vmem_shared>>)
    }
    %scan3A_11 = arith.constant 10 : i32
    %barrier3A_12 = arith.constant 0 : index
    tpu.barrier barrier_id(%barrier3A_12)
    %mul3A_13 = arith.constant 640 : i32
    %mul3A_14 = arith.muli %arg1, %mul3A_13 : i32
    %mul3A_15 = arith.constant 640 : i32
    %mul3A_16 = arith.muli %arg1, %mul3A_15 : i32
    "tpu.region"() ({
      %run_scoped3A = tpu.sem_alloc : memref<!tpu.dma_semaphore, #tpu.memory_space<semaphore_mem>>
      %dma_start3A = arith.constant 0 : i32
      %dma_start3A_17 = arith.constant 0 : i32
      %dma_start3A_18 = tpu.memref_slice %arg5[%arg0, %dma_start3A, %dma_start3A_17] : memref<2x10240x128xf32, #tpu.memory_space<hbm>> -> memref<1x10240x128xf32, #tpu.memory_space<hbm>>
      %dma_start3A_19 = tpu.memref_squeeze %dma_start3A_18 : memref<1x10240x128xf32, #tpu.memory_space<hbm>> -> memref<10240x128xf32, #tpu.memory_space<hbm>>
      %dma_start3A_20 = arith.constant 0 : i32
      %dma_start3A_21 = tpu.memref_slice %dma_start3A_19[%mul3A_16, %dma_start3A_20] : memref<10240x128xf32, #tpu.memory_space<hbm>> -> memref<640x128xf32, #tpu.memory_space<hbm>>
      %dma_start3A_22 = arith.constant 0 : i32
      %dma_start3A_23 = tpu.memref_slice %arg8[%mul3A_14, %dma_start3A_22] : memref<10240x128xf32, #tpu.memory_space<vmem_shared>> -> memref<640x128xf32, #tpu.memory_space<vmem_shared>>
      tpu.enqueue_dma source(%dma_start3A_23 : memref<640x128xf32, #tpu.memory_space<vmem_shared>>) target(%dma_start3A_21 : memref<640x128xf32, #tpu.memory_space<hbm>>) target_semaphore(%run_scoped3A : memref<!tpu.dma_semaphore, #tpu.memory_space<semaphore_mem>>)
      %dma_wait3A = arith.constant 0 : i32
      %dma_wait3A_24 = arith.constant 0 : i32
      %dma_wait3A_25 = tpu.memref_slice %arg5[%arg0, %dma_wait3A, %dma_wait3A_24] : memref<2x10240x128xf32, #tpu.memory_space<hbm>> -> memref<1x10240x128xf32, #tpu.memory_space<hbm>>
      %dma_wait3A_26 = tpu.memref_squeeze %dma_wait3A_25 : memref<1x10240x128xf32, #tpu.memory_space<hbm>> -> memref<10240x128xf32, #tpu.memory_space<hbm>>
      %dma_wait3A_27 = arith.constant 0 : i32
      %dma_wait3A_28 = tpu.memref_slice %dma_wait3A_26[%mul3A_16, %dma_wait3A_27] : memref<10240x128xf32, #tpu.memory_space<hbm>> -> memref<640x128xf32, #tpu.memory_space<hbm>>
      %dma_wait3A_29 = arith.constant 0 : i32
      %dma_wait3A_30 = tpu.memref_slice %arg8[%mul3A_14, %dma_wait3A_29] : memref<10240x128xf32, #tpu.memory_space<vmem_shared>> -> memref<640x128xf32, #tpu.memory_space<vmem_shared>>
      tpu.wait_dma2 semaphore(%run_scoped3A : memref<!tpu.dma_semaphore, #tpu.memory_space<semaphore_mem>>) src(%dma_wait3A_30 : memref<640x128xf32, #tpu.memory_space<vmem_shared>>) dst(%dma_wait3A_28 : memref<640x128xf32, #tpu.memory_space<hbm>>)
      tpu.yield
    }) : () -> ()
    return
  }
}

#map = affine_map<(d0, d1) -> (0, 0)>
#map1 = affine_map<(d0, d1) -> (0, 0, 0)>
module attributes {stable_mosaic.version = 14 : i64} {
  func.func @_msg_kernel(%arg0: i32, %arg1: i32, %arg2: memref<10240x128xf32, #tpu.memory_space<hbm>>, %arg3: memref<2560x128xi32, #tpu.memory_space<hbm>>, %arg4: memref<2560x128xi32, #tpu.memory_space<hbm>>, %arg5: memref<10240x128xf32, #tpu.memory_space<hbm>>, %arg6: memref<2x10240x128xf32, #tpu.memory_space<hbm>>, %arg7: memref<40x128xi32, #tpu.memory_space<vmem>>, %arg8: memref<40x128xi32, #tpu.memory_space<vmem>>, %arg9: memref<2x128x128xf32, #tpu.memory_space<vmem>>, %arg10: memref<10240x128xf32, #tpu.memory_space<vmem_shared>>, %arg11: memref<!tpu.dma_semaphore, #tpu.memory_space<semaphore_mem>>, %arg12: memref<!tpu.dma_semaphore, #tpu.memory_space<semaphore_mem>>) attributes {dimension_semantics = [#tpu.dimension_semantics<core_parallel>, #tpu.dimension_semantics<subcore_parallel>], iteration_bounds = array<i64: 2, 16>, scalar_prefetch = 0 : i64, scratch_operands = 6 : i64, tpu.core_type = #tpu.core_type<sc_vector_subcore>, window_params = [{transform_indices = #map}, {transform_indices = #map}, {transform_indices = #map}, {transform_indices = #map}, {transform_indices = #map1}]} {
    %mul3A = arith.constant 640 : i32
    %mul3A_0 = arith.muli %arg1, %mul3A : i32
    %mul3A_1 = arith.constant 640 : i32
    %mul3A_2 = arith.muli %arg1, %mul3A_1 : i32
    "tpu.region"() ({
      %run_scoped3A = tpu.sem_alloc : memref<!tpu.dma_semaphore, #tpu.memory_space<semaphore_mem>>
      %dma_start3A = arith.constant 0 : i32
      %dma_start3A_15 = tpu.memref_slice %arg10[%mul3A_2, %dma_start3A] : memref<10240x128xf32, #tpu.memory_space<vmem_shared>> -> memref<640x128xf32, #tpu.memory_space<vmem_shared>>
      %dma_start3A_16 = arith.constant 0 : i32
      %dma_start3A_17 = tpu.memref_slice %arg5[%mul3A_0, %dma_start3A_16] : memref<10240x128xf32, #tpu.memory_space<hbm>> -> memref<640x128xf32, #tpu.memory_space<hbm>>
      tpu.enqueue_dma source(%dma_start3A_17 : memref<640x128xf32, #tpu.memory_space<hbm>>) target(%dma_start3A_15 : memref<640x128xf32, #tpu.memory_space<vmem_shared>>) target_semaphore(%run_scoped3A : memref<!tpu.dma_semaphore, #tpu.memory_space<semaphore_mem>>)
      %dma_wait3A = arith.constant 0 : i32
      %dma_wait3A_18 = tpu.memref_slice %arg10[%mul3A_2, %dma_wait3A] : memref<10240x128xf32, #tpu.memory_space<vmem_shared>> -> memref<640x128xf32, #tpu.memory_space<vmem_shared>>
      %dma_wait3A_19 = arith.constant 0 : i32
      %dma_wait3A_20 = tpu.memref_slice %arg5[%mul3A_0, %dma_wait3A_19] : memref<10240x128xf32, #tpu.memory_space<hbm>> -> memref<640x128xf32, #tpu.memory_space<hbm>>
      tpu.wait_dma2 semaphore(%run_scoped3A : memref<!tpu.dma_semaphore, #tpu.memory_space<semaphore_mem>>) src(%dma_wait3A_20 : memref<640x128xf32, #tpu.memory_space<hbm>>) dst(%dma_wait3A_18 : memref<640x128xf32, #tpu.memory_space<vmem_shared>>)
      tpu.yield
    }) : () -> ()
    %barrier3A = arith.constant 0 : index
    tpu.barrier barrier_id(%barrier3A)
    %eq3A = arith.constant 0 : i32
    %eq3A_3 = arith.cmpi eq, %arg0, %eq3A : i32
    %convert_element_type3A = arith.extui %eq3A_3 : i1 to i32
    %cond3A = arith.constant 0 : i32
    %cond3A_4 = arith.cmpi ne, %convert_element_type3A, %cond3A : i32
    scf.if %cond3A_4 {
      %mul3A_15 = arith.constant 120 : i32
      %mul3A_16 = arith.muli %arg1, %mul3A_15 : i32
      %add3A = arith.constant 0 : i32
      %add3A_17 = arith.addi %add3A, %mul3A_16 : i32
      %add3A_18 = arith.constant 0 : i32
      %add3A_19 = arith.addi %add3A_17, %add3A_18 : i32
      "tpu.region"() ({
        %run_scoped3A = tpu.sem_alloc : memref<!tpu.dma_semaphore, #tpu.memory_space<semaphore_mem>>
        %dma_start3A = arith.constant 0 : i32
        %dma_start3A_47 = tpu.memref_slice %arg3[%add3A_19, %dma_start3A] : memref<2560x128xi32, #tpu.memory_space<hbm>> -> memref<40x128xi32, #tpu.memory_space<hbm>>
        %dma_start3A_48 = arith.constant 0 : i32
        %dma_start3A_49 = tpu.memref_slice %arg3[%add3A_19, %dma_start3A_48] : memref<2560x128xi32, #tpu.memory_space<hbm>> -> memref<40x128xi32, #tpu.memory_space<hbm>>
        tpu.enqueue_dma source(%dma_start3A_49 : memref<40x128xi32, #tpu.memory_space<hbm>>) target(%arg7 : memref<40x128xi32, #tpu.memory_space<vmem>>) target_semaphore(%run_scoped3A : memref<!tpu.dma_semaphore, #tpu.memory_space<semaphore_mem>>)
        %dma_wait3A = arith.constant 0 : i32
        %dma_wait3A_50 = tpu.memref_slice %arg3[%add3A_19, %dma_wait3A] : memref<2560x128xi32, #tpu.memory_space<hbm>> -> memref<40x128xi32, #tpu.memory_space<hbm>>
        %dma_wait3A_51 = arith.constant 0 : i32
        %dma_wait3A_52 = tpu.memref_slice %arg3[%add3A_19, %dma_wait3A_51] : memref<2560x128xi32, #tpu.memory_space<hbm>> -> memref<40x128xi32, #tpu.memory_space<hbm>>
        tpu.wait_dma2 semaphore(%run_scoped3A : memref<!tpu.dma_semaphore, #tpu.memory_space<semaphore_mem>>) src(%dma_wait3A_52 : memref<40x128xi32, #tpu.memory_space<hbm>>) dst(%arg7 : memref<40x128xi32, #tpu.memory_space<vmem>>)
        tpu.yield
      }) : () -> ()
      %add3A_20 = arith.constant 0 : i32
      %add3A_21 = arith.addi %add3A_17, %add3A_20 : i32
      "tpu.region"() ({
        %run_scoped3A = tpu.sem_alloc : memref<!tpu.dma_semaphore, #tpu.memory_space<semaphore_mem>>
        %dma_start3A = arith.constant 0 : i32
        %dma_start3A_47 = tpu.memref_slice %arg4[%add3A_21, %dma_start3A] : memref<2560x128xi32, #tpu.memory_space<hbm>> -> memref<40x128xi32, #tpu.memory_space<hbm>>
        %dma_start3A_48 = arith.constant 0 : i32
        %dma_start3A_49 = tpu.memref_slice %arg4[%add3A_21, %dma_start3A_48] : memref<2560x128xi32, #tpu.memory_space<hbm>> -> memref<40x128xi32, #tpu.memory_space<hbm>>
        tpu.enqueue_dma source(%dma_start3A_49 : memref<40x128xi32, #tpu.memory_space<hbm>>) target(%arg8 : memref<40x128xi32, #tpu.memory_space<vmem>>) target_semaphore(%run_scoped3A : memref<!tpu.dma_semaphore, #tpu.memory_space<semaphore_mem>>)
        %dma_wait3A = arith.constant 0 : i32
        %dma_wait3A_50 = tpu.memref_slice %arg4[%add3A_21, %dma_wait3A] : memref<2560x128xi32, #tpu.memory_space<hbm>> -> memref<40x128xi32, #tpu.memory_space<hbm>>
        %dma_wait3A_51 = arith.constant 0 : i32
        %dma_wait3A_52 = tpu.memref_slice %arg4[%add3A_21, %dma_wait3A_51] : memref<2560x128xi32, #tpu.memory_space<hbm>> -> memref<40x128xi32, #tpu.memory_space<hbm>>
        tpu.wait_dma2 semaphore(%run_scoped3A : memref<!tpu.dma_semaphore, #tpu.memory_space<semaphore_mem>>) src(%dma_wait3A_52 : memref<40x128xi32, #tpu.memory_space<hbm>>) dst(%arg8 : memref<40x128xi32, #tpu.memory_space<vmem>>)
        tpu.yield
      }) : () -> ()
      %scan3A = arith.constant 0 : i32
      %scan3A_22 = arith.constant 0 : i32
      %scan3A_23 = arith.constant 20 : i32
      %scan3A_24 = arith.addi %scan3A_22, %scan3A_23 : i32
      %scan3A_25 = arith.constant 1 : i32
      scf.for %scan3A_47 = %scan3A_22 to %scan3A_24 step %scan3A_25  : i32 {
        %mul3A_48 = arith.constant 2 : i32
        %mul3A_49 = arith.muli %scan3A_47, %mul3A_48 : i32
        %add3A_50 = arith.constant 0 : i32
        %add3A_51 = arith.addi %mul3A_49, %add3A_50 : i32
        %dma_start3A = arith.constant 0 : i32
        %dma_start3A_52 = arith.constant 0 : i32
        %dma_start3A_53 = arith.constant 0 : i32
        %dma_start3A_54 = tpu.memref_slice %arg9[%dma_start3A, %dma_start3A_52, %dma_start3A_53] : memref<2x128x128xf32, #tpu.memory_space<vmem>> -> memref<1x128x128xf32, #tpu.memory_space<vmem>>
        %dma_start3A_55 = tpu.memref_squeeze %dma_start3A_54 : memref<1x128x128xf32, #tpu.memory_space<vmem>> -> memref<128x128xf32, #tpu.memory_space<vmem>>
        %dma_start3A_56 = arith.constant 0 : i32
        %dma_start3A_57 = tpu.memref_slice %arg7[%add3A_51, %dma_start3A_56] : memref<40x128xi32, #tpu.memory_space<vmem>> -> memref<1x128xi32, #tpu.memory_space<vmem>>
        %dma_start3A_58 = tpu.memref_squeeze %dma_start3A_57 : memref<1x128xi32, #tpu.memory_space<vmem>> -> memref<128xi32, #tpu.memory_space<vmem>>
        %dma_start3A_59 = arith.constant 0 : i32
        %dma_start3A_60 = arith.constant 0 : i32
        %dma_start3A_61 = tpu.memref_slice %arg2[%dma_start3A_59, %dma_start3A_60] : memref<10240x128xf32, #tpu.memory_space<hbm>> -> memref<10240x128xf32, #tpu.memory_space<hbm>>
        tpu.enqueue_indirect_dma source(%dma_start3A_61 : memref<10240x128xf32, #tpu.memory_space<hbm>>) target(%dma_start3A_55 : memref<128x128xf32, #tpu.memory_space<vmem>>) offsets(%dma_start3A_58 : memref<128xi32, #tpu.memory_space<vmem>>) semaphore(%arg11 : memref<!tpu.dma_semaphore, #tpu.memory_space<semaphore_mem>>)
        %mul3A_62 = arith.constant 2 : i32
        %mul3A_63 = arith.muli %scan3A_47, %mul3A_62 : i32
        %add3A_64 = arith.constant 1 : i32
        %add3A_65 = arith.addi %mul3A_63, %add3A_64 : i32
        %dma_start3A_66 = arith.constant 1 : i32
        %dma_start3A_67 = arith.constant 0 : i32
        %dma_start3A_68 = arith.constant 0 : i32
        %dma_start3A_69 = tpu.memref_slice %arg9[%dma_start3A_66, %dma_start3A_67, %dma_start3A_68] : memref<2x128x128xf32, #tpu.memory_space<vmem>> -> memref<1x128x128xf32, #tpu.memory_space<vmem>>
        %dma_start3A_70 = tpu.memref_squeeze %dma_start3A_69 : memref<1x128x128xf32, #tpu.memory_space<vmem>> -> memref<128x128xf32, #tpu.memory_space<vmem>>
        %dma_start3A_71 = arith.constant 0 : i32
        %dma_start3A_72 = tpu.memref_slice %arg7[%add3A_65, %dma_start3A_71] : memref<40x128xi32, #tpu.memory_space<vmem>> -> memref<1x128xi32, #tpu.memory_space<vmem>>
        %dma_start3A_73 = tpu.memref_squeeze %dma_start3A_72 : memref<1x128xi32, #tpu.memory_space<vmem>> -> memref<128xi32, #tpu.memory_space<vmem>>
        %dma_start3A_74 = arith.constant 0 : i32
        %dma_start3A_75 = arith.constant 0 : i32
        %dma_start3A_76 = tpu.memref_slice %arg2[%dma_start3A_74, %dma_start3A_75] : memref<10240x128xf32, #tpu.memory_space<hbm>> -> memref<10240x128xf32, #tpu.memory_space<hbm>>
        tpu.enqueue_indirect_dma source(%dma_start3A_76 : memref<10240x128xf32, #tpu.memory_space<hbm>>) target(%dma_start3A_70 : memref<128x128xf32, #tpu.memory_space<vmem>>) offsets(%dma_start3A_73 : memref<128xi32, #tpu.memory_space<vmem>>) semaphore(%arg12 : memref<!tpu.dma_semaphore, #tpu.memory_space<semaphore_mem>>)
        %dma_wait3A = arith.constant 0 : i32
        %dma_wait3A_77 = arith.constant 0 : i32
        %dma_wait3A_78 = arith.constant 0 : i32
        %dma_wait3A_79 = tpu.memref_slice %arg9[%dma_wait3A, %dma_wait3A_77, %dma_wait3A_78] : memref<2x128x128xf32, #tpu.memory_space<vmem>> -> memref<1x128x128xf32, #tpu.memory_space<vmem>>
        %dma_wait3A_80 = tpu.memref_squeeze %dma_wait3A_79 : memref<1x128x128xf32, #tpu.memory_space<vmem>> -> memref<128x128xf32, #tpu.memory_space<vmem>>
        %dma_wait3A_81 = arith.constant 0 : i32
        %dma_wait3A_82 = tpu.memref_slice %arg7[%add3A_51, %dma_wait3A_81] : memref<40x128xi32, #tpu.memory_space<vmem>> -> memref<1x128xi32, #tpu.memory_space<vmem>>
        %dma_wait3A_83 = tpu.memref_squeeze %dma_wait3A_82 : memref<1x128xi32, #tpu.memory_space<vmem>> -> memref<128xi32, #tpu.memory_space<vmem>>
        %dma_wait3A_84 = arith.constant 0 : i32
        %dma_wait3A_85 = arith.constant 0 : i32
        %dma_wait3A_86 = tpu.memref_slice %arg2[%dma_wait3A_84, %dma_wait3A_85] : memref<10240x128xf32, #tpu.memory_space<hbm>> -> memref<10240x128xf32, #tpu.memory_space<hbm>>
        tpu.wait_indirect_dma semaphore(%arg11 : memref<!tpu.dma_semaphore, #tpu.memory_space<semaphore_mem>>) src(%dma_wait3A_86 : memref<10240x128xf32, #tpu.memory_space<hbm>>) dst(%dma_wait3A_80 : memref<128x128xf32, #tpu.memory_space<vmem>>)
        %mul3A_87 = arith.constant 2 : i32
        %mul3A_88 = arith.muli %scan3A_47, %mul3A_87 : i32
        %add3A_89 = arith.constant 0 : i32
        %add3A_90 = arith.addi %mul3A_88, %add3A_89 : i32
        %run_scoped3A = arith.constant 0 : i32
        "tpu.region"() ({
          %run_scoped3A_107 = tpu.sem_alloc : memref<!tpu.dma_semaphore, #tpu.memory_space<semaphore_mem>>
          %dma_start3A_108 = arith.constant 0 : i32
          %dma_start3A_109 = arith.constant 0 : i32
          %dma_start3A_110 = tpu.memref_slice %arg9[%run_scoped3A, %dma_start3A_108, %dma_start3A_109] : memref<2x128x128xf32, #tpu.memory_space<vmem>> -> memref<1x128x128xf32, #tpu.memory_space<vmem>>
          %dma_start3A_111 = tpu.memref_squeeze %dma_start3A_110 : memref<1x128x128xf32, #tpu.memory_space<vmem>> -> memref<128x128xf32, #tpu.memory_space<vmem>>
          %dma_start3A_112 = arith.constant 0 : i32
          %dma_start3A_113 = tpu.memref_slice %arg8[%add3A_90, %dma_start3A_112] : memref<40x128xi32, #tpu.memory_space<vmem>> -> memref<1x128xi32, #tpu.memory_space<vmem>>
          %dma_start3A_114 = tpu.memref_squeeze %dma_start3A_113 : memref<1x128xi32, #tpu.memory_space<vmem>> -> memref<128xi32, #tpu.memory_space<vmem>>
          %dma_start3A_115 = arith.constant 0 : i32
          %dma_start3A_116 = arith.constant 0 : i32
          %dma_start3A_117 = tpu.memref_slice %arg10[%dma_start3A_115, %dma_start3A_116] : memref<10240x128xf32, #tpu.memory_space<vmem_shared>> -> memref<10240x128xf32, #tpu.memory_space<vmem_shared>>
          tpu.enqueue_indirect_dma source(%dma_start3A_111 : memref<128x128xf32, #tpu.memory_space<vmem>>) target(%dma_start3A_117 : memref<10240x128xf32, #tpu.memory_space<vmem_shared>>) offsets(%dma_start3A_114 : memref<128xi32, #tpu.memory_space<vmem>>) semaphore(%run_scoped3A_107 : memref<!tpu.dma_semaphore, #tpu.memory_space<semaphore_mem>>) {add = true}
          %dma_wait3A_118 = arith.constant 0 : i32
          %dma_wait3A_119 = arith.constant 0 : i32
          %dma_wait3A_120 = tpu.memref_slice %arg9[%run_scoped3A, %dma_wait3A_118, %dma_wait3A_119] : memref<2x128x128xf32, #tpu.memory_space<vmem>> -> memref<1x128x128xf32, #tpu.memory_space<vmem>>
          %dma_wait3A_121 = tpu.memref_squeeze %dma_wait3A_120 : memref<1x128x128xf32, #tpu.memory_space<vmem>> -> memref<128x128xf32, #tpu.memory_space<vmem>>
          %dma_wait3A_122 = arith.constant 0 : i32
          %dma_wait3A_123 = tpu.memref_slice %arg8[%add3A_90, %dma_wait3A_122] : memref<40x128xi32, #tpu.memory_space<vmem>> -> memref<1x128xi32, #tpu.memory_space<vmem>>
          %dma_wait3A_124 = tpu.memref_squeeze %dma_wait3A_123 : memref<1x128xi32, #tpu.memory_space<vmem>> -> memref<128xi32, #tpu.memory_space<vmem>>
          %dma_wait3A_125 = arith.constant 0 : i32
          %dma_wait3A_126 = arith.constant 0 : i32
          %dma_wait3A_127 = tpu.memref_slice %arg10[%dma_wait3A_125, %dma_wait3A_126] : memref<10240x128xf32, #tpu.memory_space<vmem_shared>> -> memref<10240x128xf32, #tpu.memory_space<vmem_shared>>
          tpu.wait_indirect_dma semaphore(%run_scoped3A_107 : memref<!tpu.dma_semaphore, #tpu.memory_space<semaphore_mem>>) src(%dma_wait3A_121 : memref<128x128xf32, #tpu.memory_space<vmem>>) dst(%dma_wait3A_127 : memref<10240x128xf32, #tpu.memory_space<vmem_shared>>)
          tpu.yield
        }) : () -> ()
        %dma_wait3A_91 = arith.constant 1 : i32
        %dma_wait3A_92 = arith.constant 0 : i32
        %dma_wait3A_93 = arith.constant 0 : i32
        %dma_wait3A_94 = tpu.memref_slice %arg9[%dma_wait3A_91, %dma_wait3A_92, %dma_wait3A_93] : memref<2x128x128xf32, #tpu.memory_space<vmem>> -> memref<1x128x128xf32, #tpu.memory_space<vmem>>
        %dma_wait3A_95 = tpu.memref_squeeze %dma_wait3A_94 : memref<1x128x128xf32, #tpu.memory_space<vmem>> -> memref<128x128xf32, #tpu.memory_space<vmem>>
        %dma_wait3A_96 = arith.constant 0 : i32
        %dma_wait3A_97 = tpu.memref_slice %arg7[%add3A_65, %dma_wait3A_96] : memref<40x128xi32, #tpu.memory_space<vmem>> -> memref<1x128xi32, #tpu.memory_space<vmem>>
        %dma_wait3A_98 = tpu.memref_squeeze %dma_wait3A_97 : memref<1x128xi32, #tpu.memory_space<vmem>> -> memref<128xi32, #tpu.memory_space<vmem>>
        %dma_wait3A_99 = arith.constant 0 : i32
        %dma_wait3A_100 = arith.constant 0 : i32
        %dma_wait3A_101 = tpu.memref_slice %arg2[%dma_wait3A_99, %dma_wait3A_100] : memref<10240x128xf32, #tpu.memory_space<hbm>> -> memref<10240x128xf32, #tpu.memory_space<hbm>>
        tpu.wait_indirect_dma semaphore(%arg12 : memref<!tpu.dma_semaphore, #tpu.memory_space<semaphore_mem>>) src(%dma_wait3A_101 : memref<10240x128xf32, #tpu.memory_space<hbm>>) dst(%dma_wait3A_95 : memref<128x128xf32, #tpu.memory_space<vmem>>)
        %mul3A_102 = arith.constant 2 : i32
        %mul3A_103 = arith.muli %scan3A_47, %mul3A_102 : i32
        %add3A_104 = arith.constant 1 : i32
        %add3A_105 = arith.addi %mul3A_103, %add3A_104 : i32
        %run_scoped3A_106 = arith.constant 1 : i32
        "tpu.region"() ({
          %run_scoped3A_107 = tpu.sem_alloc : memref<!tpu.dma_semaphore, #tpu.memory_space<semaphore_mem>>
          %dma_start3A_108 = arith.constant 0 : i32
          %dma_start3A_109 = arith.constant 0 : i32
          %dma_start3A_110 = tpu.memref_slice %arg9[%run_scoped3A_106, %dma_start3A_108, %dma_start3A_109] : memref<2x128x128xf32, #tpu.memory_space<vmem>> -> memref<1x128x128xf32, #tpu.memory_space<vmem>>
          %dma_start3A_111 = tpu.memref_squeeze %dma_start3A_110 : memref<1x128x128xf32, #tpu.memory_space<vmem>> -> memref<128x128xf32, #tpu.memory_space<vmem>>
          %dma_start3A_112 = arith.constant 0 : i32
          %dma_start3A_113 = tpu.memref_slice %arg8[%add3A_105, %dma_start3A_112] : memref<40x128xi32, #tpu.memory_space<vmem>> -> memref<1x128xi32, #tpu.memory_space<vmem>>
          %dma_start3A_114 = tpu.memref_squeeze %dma_start3A_113 : memref<1x128xi32, #tpu.memory_space<vmem>> -> memref<128xi32, #tpu.memory_space<vmem>>
          %dma_start3A_115 = arith.constant 0 : i32
          %dma_start3A_116 = arith.constant 0 : i32
          %dma_start3A_117 = tpu.memref_slice %arg10[%dma_start3A_115, %dma_start3A_116] : memref<10240x128xf32, #tpu.memory_space<vmem_shared>> -> memref<10240x128xf32, #tpu.memory_space<vmem_shared>>
          tpu.enqueue_indirect_dma source(%dma_start3A_111 : memref<128x128xf32, #tpu.memory_space<vmem>>) target(%dma_start3A_117 : memref<10240x128xf32, #tpu.memory_space<vmem_shared>>) offsets(%dma_start3A_114 : memref<128xi32, #tpu.memory_space<vmem>>) semaphore(%run_scoped3A_107 : memref<!tpu.dma_semaphore, #tpu.memory_space<semaphore_mem>>) {add = true}
          %dma_wait3A_118 = arith.constant 0 : i32
          %dma_wait3A_119 = arith.constant 0 : i32
          %dma_wait3A_120 = tpu.memref_slice %arg9[%run_scoped3A_106, %dma_wait3A_118, %dma_wait3A_119] : memref<2x128x128xf32, #tpu.memory_space<vmem>> -> memref<1x128x128xf32, #tpu.memory_space<vmem>>
          %dma_wait3A_121 = tpu.memref_squeeze %dma_wait3A_120 : memref<1x128x128xf32, #tpu.memory_space<vmem>> -> memref<128x128xf32, #tpu.memory_space<vmem>>
          %dma_wait3A_122 = arith.constant 0 : i32
          %dma_wait3A_123 = tpu.memref_slice %arg8[%add3A_105, %dma_wait3A_122] : memref<40x128xi32, #tpu.memory_space<vmem>> -> memref<1x128xi32, #tpu.memory_space<vmem>>
          %dma_wait3A_124 = tpu.memref_squeeze %dma_wait3A_123 : memref<1x128xi32, #tpu.memory_space<vmem>> -> memref<128xi32, #tpu.memory_space<vmem>>
          %dma_wait3A_125 = arith.constant 0 : i32
          %dma_wait3A_126 = arith.constant 0 : i32
          %dma_wait3A_127 = tpu.memref_slice %arg10[%dma_wait3A_125, %dma_wait3A_126] : memref<10240x128xf32, #tpu.memory_space<vmem_shared>> -> memref<10240x128xf32, #tpu.memory_space<vmem_shared>>
          tpu.wait_indirect_dma semaphore(%run_scoped3A_107 : memref<!tpu.dma_semaphore, #tpu.memory_space<semaphore_mem>>) src(%dma_wait3A_121 : memref<128x128xf32, #tpu.memory_space<vmem>>) dst(%dma_wait3A_127 : memref<10240x128xf32, #tpu.memory_space<vmem_shared>>)
          tpu.yield
        }) : () -> ()
      }
      %scan3A_26 = arith.constant 20 : i32
      %add3A_27 = arith.constant 40 : i32
      %add3A_28 = arith.addi %add3A_17, %add3A_27 : i32
      "tpu.region"() ({
        %run_scoped3A = tpu.sem_alloc : memref<!tpu.dma_semaphore, #tpu.memory_space<semaphore_mem>>
        %dma_start3A = arith.constant 0 : i32
        %dma_start3A_47 = tpu.memref_slice %arg3[%add3A_28, %dma_start3A] : memref<2560x128xi32, #tpu.memory_space<hbm>> -> memref<40x128xi32, #tpu.memory_space<hbm>>
        %dma_start3A_48 = arith.constant 0 : i32
        %dma_start3A_49 = tpu.memref_slice %arg3[%add3A_28, %dma_start3A_48] : memref<2560x128xi32, #tpu.memory_space<hbm>> -> memref<40x128xi32, #tpu.memory_space<hbm>>
        tpu.enqueue_dma source(%dma_start3A_49 : memref<40x128xi32, #tpu.memory_space<hbm>>) target(%arg7 : memref<40x128xi32, #tpu.memory_space<vmem>>) target_semaphore(%run_scoped3A : memref<!tpu.dma_semaphore, #tpu.memory_space<semaphore_mem>>)
        %dma_wait3A = arith.constant 0 : i32
        %dma_wait3A_50 = tpu.memref_slice %arg3[%add3A_28, %dma_wait3A] : memref<2560x128xi32, #tpu.memory_space<hbm>> -> memref<40x128xi32, #tpu.memory_space<hbm>>
        %dma_wait3A_51 = arith.constant 0 : i32
        %dma_wait3A_52 = tpu.memref_slice %arg3[%add3A_28, %dma_wait3A_51] : memref<2560x128xi32, #tpu.memory_space<hbm>> -> memref<40x128xi32, #tpu.memory_space<hbm>>
        tpu.wait_dma2 semaphore(%run_scoped3A : memref<!tpu.dma_semaphore, #tpu.memory_space<semaphore_mem>>) src(%dma_wait3A_52 : memref<40x128xi32, #tpu.memory_space<hbm>>) dst(%arg7 : memref<40x128xi32, #tpu.memory_space<vmem>>)
        tpu.yield
      }) : () -> ()
      %add3A_29 = arith.constant 40 : i32
      %add3A_30 = arith.addi %add3A_17, %add3A_29 : i32
      "tpu.region"() ({
        %run_scoped3A = tpu.sem_alloc : memref<!tpu.dma_semaphore, #tpu.memory_space<semaphore_mem>>
        %dma_start3A = arith.constant 0 : i32
        %dma_start3A_47 = tpu.memref_slice %arg4[%add3A_30, %dma_start3A] : memref<2560x128xi32, #tpu.memory_space<hbm>> -> memref<40x128xi32, #tpu.memory_space<hbm>>
        %dma_start3A_48 = arith.constant 0 : i32
        %dma_start3A_49 = tpu.memref_slice %arg4[%add3A_30, %dma_start3A_48] : memref<2560x128xi32, #tpu.memory_space<hbm>> -> memref<40x128xi32, #tpu.memory_space<hbm>>
        tpu.enqueue_dma source(%dma_start3A_49 : memref<40x128xi32, #tpu.memory_space<hbm>>) target(%arg8 : memref<40x128xi32, #tpu.memory_space<vmem>>) target_semaphore(%run_scoped3A : memref<!tpu.dma_semaphore, #tpu.memory_space<semaphore_mem>>)
        %dma_wait3A = arith.constant 0 : i32
        %dma_wait3A_50 = tpu.memref_slice %arg4[%add3A_30, %dma_wait3A] : memref<2560x128xi32, #tpu.memory_space<hbm>> -> memref<40x128xi32, #tpu.memory_space<hbm>>
        %dma_wait3A_51 = arith.constant 0 : i32
        %dma_wait3A_52 = tpu.memref_slice %arg4[%add3A_30, %dma_wait3A_51] : memref<2560x128xi32, #tpu.memory_space<hbm>> -> memref<40x128xi32, #tpu.memory_space<hbm>>
        tpu.wait_dma2 semaphore(%run_scoped3A : memref<!tpu.dma_semaphore, #tpu.memory_space<semaphore_mem>>) src(%dma_wait3A_52 : memref<40x128xi32, #tpu.memory_space<hbm>>) dst(%arg8 : memref<40x128xi32, #tpu.memory_space<vmem>>)
        tpu.yield
      }) : () -> ()
      %scan3A_31 = arith.constant 0 : i32
      %scan3A_32 = arith.constant 0 : i32
      %scan3A_33 = arith.constant 20 : i32
      %scan3A_34 = arith.addi %scan3A_32, %scan3A_33 : i32
      %scan3A_35 = arith.constant 1 : i32
      scf.for %scan3A_47 = %scan3A_32 to %scan3A_34 step %scan3A_35  : i32 {
        %mul3A_48 = arith.constant 2 : i32
        %mul3A_49 = arith.muli %scan3A_47, %mul3A_48 : i32
        %add3A_50 = arith.constant 0 : i32
        %add3A_51 = arith.addi %mul3A_49, %add3A_50 : i32
        %dma_start3A = arith.constant 0 : i32
        %dma_start3A_52 = arith.constant 0 : i32
        %dma_start3A_53 = arith.constant 0 : i32
        %dma_start3A_54 = tpu.memref_slice %arg9[%dma_start3A, %dma_start3A_52, %dma_start3A_53] : memref<2x128x128xf32, #tpu.memory_space<vmem>> -> memref<1x128x128xf32, #tpu.memory_space<vmem>>
        %dma_start3A_55 = tpu.memref_squeeze %dma_start3A_54 : memref<1x128x128xf32, #tpu.memory_space<vmem>> -> memref<128x128xf32, #tpu.memory_space<vmem>>
        %dma_start3A_56 = arith.constant 0 : i32
        %dma_start3A_57 = tpu.memref_slice %arg7[%add3A_51, %dma_start3A_56] : memref<40x128xi32, #tpu.memory_space<vmem>> -> memref<1x128xi32, #tpu.memory_space<vmem>>
        %dma_start3A_58 = tpu.memref_squeeze %dma_start3A_57 : memref<1x128xi32, #tpu.memory_space<vmem>> -> memref<128xi32, #tpu.memory_space<vmem>>
        %dma_start3A_59 = arith.constant 0 : i32
        %dma_start3A_60 = arith.constant 0 : i32
        %dma_start3A_61 = tpu.memref_slice %arg2[%dma_start3A_59, %dma_start3A_60] : memref<10240x128xf32, #tpu.memory_space<hbm>> -> memref<10240x128xf32, #tpu.memory_space<hbm>>
        tpu.enqueue_indirect_dma source(%dma_start3A_61 : memref<10240x128xf32, #tpu.memory_space<hbm>>) target(%dma_start3A_55 : memref<128x128xf32, #tpu.memory_space<vmem>>) offsets(%dma_start3A_58 : memref<128xi32, #tpu.memory_space<vmem>>) semaphore(%arg11 : memref<!tpu.dma_semaphore, #tpu.memory_space<semaphore_mem>>)
        %mul3A_62 = arith.constant 2 : i32
        %mul3A_63 = arith.muli %scan3A_47, %mul3A_62 : i32
        %add3A_64 = arith.constant 1 : i32
        %add3A_65 = arith.addi %mul3A_63, %add3A_64 : i32
        %dma_start3A_66 = arith.constant 1 : i32
        %dma_start3A_67 = arith.constant 0 : i32
        %dma_start3A_68 = arith.constant 0 : i32
        %dma_start3A_69 = tpu.memref_slice %arg9[%dma_start3A_66, %dma_start3A_67, %dma_start3A_68] : memref<2x128x128xf32, #tpu.memory_space<vmem>> -> memref<1x128x128xf32, #tpu.memory_space<vmem>>
        %dma_start3A_70 = tpu.memref_squeeze %dma_start3A_69 : memref<1x128x128xf32, #tpu.memory_space<vmem>> -> memref<128x128xf32, #tpu.memory_space<vmem>>
        %dma_start3A_71 = arith.constant 0 : i32
        %dma_start3A_72 = tpu.memref_slice %arg7[%add3A_65, %dma_start3A_71] : memref<40x128xi32, #tpu.memory_space<vmem>> -> memref<1x128xi32, #tpu.memory_space<vmem>>
        %dma_start3A_73 = tpu.memref_squeeze %dma_start3A_72 : memref<1x128xi32, #tpu.memory_space<vmem>> -> memref<128xi32, #tpu.memory_space<vmem>>
        %dma_start3A_74 = arith.constant 0 : i32
        %dma_start3A_75 = arith.constant 0 : i32
        %dma_start3A_76 = tpu.memref_slice %arg2[%dma_start3A_74, %dma_start3A_75] : memref<10240x128xf32, #tpu.memory_space<hbm>> -> memref<10240x128xf32, #tpu.memory_space<hbm>>
        tpu.enqueue_indirect_dma source(%dma_start3A_76 : memref<10240x128xf32, #tpu.memory_space<hbm>>) target(%dma_start3A_70 : memref<128x128xf32, #tpu.memory_space<vmem>>) offsets(%dma_start3A_73 : memref<128xi32, #tpu.memory_space<vmem>>) semaphore(%arg12 : memref<!tpu.dma_semaphore, #tpu.memory_space<semaphore_mem>>)
        %dma_wait3A = arith.constant 0 : i32
        %dma_wait3A_77 = arith.constant 0 : i32
        %dma_wait3A_78 = arith.constant 0 : i32
        %dma_wait3A_79 = tpu.memref_slice %arg9[%dma_wait3A, %dma_wait3A_77, %dma_wait3A_78] : memref<2x128x128xf32, #tpu.memory_space<vmem>> -> memref<1x128x128xf32, #tpu.memory_space<vmem>>
        %dma_wait3A_80 = tpu.memref_squeeze %dma_wait3A_79 : memref<1x128x128xf32, #tpu.memory_space<vmem>> -> memref<128x128xf32, #tpu.memory_space<vmem>>
        %dma_wait3A_81 = arith.constant 0 : i32
        %dma_wait3A_82 = tpu.memref_slice %arg7[%add3A_51, %dma_wait3A_81] : memref<40x128xi32, #tpu.memory_space<vmem>> -> memref<1x128xi32, #tpu.memory_space<vmem>>
        %dma_wait3A_83 = tpu.memref_squeeze %dma_wait3A_82 : memref<1x128xi32, #tpu.memory_space<vmem>> -> memref<128xi32, #tpu.memory_space<vmem>>
        %dma_wait3A_84 = arith.constant 0 : i32
        %dma_wait3A_85 = arith.constant 0 : i32
        %dma_wait3A_86 = tpu.memref_slice %arg2[%dma_wait3A_84, %dma_wait3A_85] : memref<10240x128xf32, #tpu.memory_space<hbm>> -> memref<10240x128xf32, #tpu.memory_space<hbm>>
        tpu.wait_indirect_dma semaphore(%arg11 : memref<!tpu.dma_semaphore, #tpu.memory_space<semaphore_mem>>) src(%dma_wait3A_86 : memref<10240x128xf32, #tpu.memory_space<hbm>>) dst(%dma_wait3A_80 : memref<128x128xf32, #tpu.memory_space<vmem>>)
        %mul3A_87 = arith.constant 2 : i32
        %mul3A_88 = arith.muli %scan3A_47, %mul3A_87 : i32
        %add3A_89 = arith.constant 0 : i32
        %add3A_90 = arith.addi %mul3A_88, %add3A_89 : i32
        %run_scoped3A = arith.constant 0 : i32
        "tpu.region"() ({
          %run_scoped3A_107 = tpu.sem_alloc : memref<!tpu.dma_semaphore, #tpu.memory_space<semaphore_mem>>
          %dma_start3A_108 = arith.constant 0 : i32
          %dma_start3A_109 = arith.constant 0 : i32
          %dma_start3A_110 = tpu.memref_slice %arg9[%run_scoped3A, %dma_start3A_108, %dma_start3A_109] : memref<2x128x128xf32, #tpu.memory_space<vmem>> -> memref<1x128x128xf32, #tpu.memory_space<vmem>>
          %dma_start3A_111 = tpu.memref_squeeze %dma_start3A_110 : memref<1x128x128xf32, #tpu.memory_space<vmem>> -> memref<128x128xf32, #tpu.memory_space<vmem>>
          %dma_start3A_112 = arith.constant 0 : i32
          %dma_start3A_113 = tpu.memref_slice %arg8[%add3A_90, %dma_start3A_112] : memref<40x128xi32, #tpu.memory_space<vmem>> -> memref<1x128xi32, #tpu.memory_space<vmem>>
          %dma_start3A_114 = tpu.memref_squeeze %dma_start3A_113 : memref<1x128xi32, #tpu.memory_space<vmem>> -> memref<128xi32, #tpu.memory_space<vmem>>
          %dma_start3A_115 = arith.constant 0 : i32
          %dma_start3A_116 = arith.constant 0 : i32
          %dma_start3A_117 = tpu.memref_slice %arg10[%dma_start3A_115, %dma_start3A_116] : memref<10240x128xf32, #tpu.memory_space<vmem_shared>> -> memref<10240x128xf32, #tpu.memory_space<vmem_shared>>
          tpu.enqueue_indirect_dma source(%dma_start3A_111 : memref<128x128xf32, #tpu.memory_space<vmem>>) target(%dma_start3A_117 : memref<10240x128xf32, #tpu.memory_space<vmem_shared>>) offsets(%dma_start3A_114 : memref<128xi32, #tpu.memory_space<vmem>>) semaphore(%run_scoped3A_107 : memref<!tpu.dma_semaphore, #tpu.memory_space<semaphore_mem>>) {add = true}
          %dma_wait3A_118 = arith.constant 0 : i32
          %dma_wait3A_119 = arith.constant 0 : i32
          %dma_wait3A_120 = tpu.memref_slice %arg9[%run_scoped3A, %dma_wait3A_118, %dma_wait3A_119] : memref<2x128x128xf32, #tpu.memory_space<vmem>> -> memref<1x128x128xf32, #tpu.memory_space<vmem>>
          %dma_wait3A_121 = tpu.memref_squeeze %dma_wait3A_120 : memref<1x128x128xf32, #tpu.memory_space<vmem>> -> memref<128x128xf32, #tpu.memory_space<vmem>>
          %dma_wait3A_122 = arith.constant 0 : i32
          %dma_wait3A_123 = tpu.memref_slice %arg8[%add3A_90, %dma_wait3A_122] : memref<40x128xi32, #tpu.memory_space<vmem>> -> memref<1x128xi32, #tpu.memory_space<vmem>>
          %dma_wait3A_124 = tpu.memref_squeeze %dma_wait3A_123 : memref<1x128xi32, #tpu.memory_space<vmem>> -> memref<128xi32, #tpu.memory_space<vmem>>
          %dma_wait3A_125 = arith.constant 0 : i32
          %dma_wait3A_126 = arith.constant 0 : i32
          %dma_wait3A_127 = tpu.memref_slice %arg10[%dma_wait3A_125, %dma_wait3A_126] : memref<10240x128xf32, #tpu.memory_space<vmem_shared>> -> memref<10240x128xf32, #tpu.memory_space<vmem_shared>>
          tpu.wait_indirect_dma semaphore(%run_scoped3A_107 : memref<!tpu.dma_semaphore, #tpu.memory_space<semaphore_mem>>) src(%dma_wait3A_121 : memref<128x128xf32, #tpu.memory_space<vmem>>) dst(%dma_wait3A_127 : memref<10240x128xf32, #tpu.memory_space<vmem_shared>>)
          tpu.yield
        }) : () -> ()
        %dma_wait3A_91 = arith.constant 1 : i32
        %dma_wait3A_92 = arith.constant 0 : i32
        %dma_wait3A_93 = arith.constant 0 : i32
        %dma_wait3A_94 = tpu.memref_slice %arg9[%dma_wait3A_91, %dma_wait3A_92, %dma_wait3A_93] : memref<2x128x128xf32, #tpu.memory_space<vmem>> -> memref<1x128x128xf32, #tpu.memory_space<vmem>>
        %dma_wait3A_95 = tpu.memref_squeeze %dma_wait3A_94 : memref<1x128x128xf32, #tpu.memory_space<vmem>> -> memref<128x128xf32, #tpu.memory_space<vmem>>
        %dma_wait3A_96 = arith.constant 0 : i32
        %dma_wait3A_97 = tpu.memref_slice %arg7[%add3A_65, %dma_wait3A_96] : memref<40x128xi32, #tpu.memory_space<vmem>> -> memref<1x128xi32, #tpu.memory_space<vmem>>
        %dma_wait3A_98 = tpu.memref_squeeze %dma_wait3A_97 : memref<1x128xi32, #tpu.memory_space<vmem>> -> memref<128xi32, #tpu.memory_space<vmem>>
        %dma_wait3A_99 = arith.constant 0 : i32
        %dma_wait3A_100 = arith.constant 0 : i32
        %dma_wait3A_101 = tpu.memref_slice %arg2[%dma_wait3A_99, %dma_wait3A_100] : memref<10240x128xf32, #tpu.memory_space<hbm>> -> memref<10240x128xf32, #tpu.memory_space<hbm>>
        tpu.wait_indirect_dma semaphore(%arg12 : memref<!tpu.dma_semaphore, #tpu.memory_space<semaphore_mem>>) src(%dma_wait3A_101 : memref<10240x128xf32, #tpu.memory_space<hbm>>) dst(%dma_wait3A_95 : memref<128x128xf32, #tpu.memory_space<vmem>>)
        %mul3A_102 = arith.constant 2 : i32
        %mul3A_103 = arith.muli %scan3A_47, %mul3A_102 : i32
        %add3A_104 = arith.constant 1 : i32
        %add3A_105 = arith.addi %mul3A_103, %add3A_104 : i32
        %run_scoped3A_106 = arith.constant 1 : i32
        "tpu.region"() ({
          %run_scoped3A_107 = tpu.sem_alloc : memref<!tpu.dma_semaphore, #tpu.memory_space<semaphore_mem>>
          %dma_start3A_108 = arith.constant 0 : i32
          %dma_start3A_109 = arith.constant 0 : i32
          %dma_start3A_110 = tpu.memref_slice %arg9[%run_scoped3A_106, %dma_start3A_108, %dma_start3A_109] : memref<2x128x128xf32, #tpu.memory_space<vmem>> -> memref<1x128x128xf32, #tpu.memory_space<vmem>>
          %dma_start3A_111 = tpu.memref_squeeze %dma_start3A_110 : memref<1x128x128xf32, #tpu.memory_space<vmem>> -> memref<128x128xf32, #tpu.memory_space<vmem>>
          %dma_start3A_112 = arith.constant 0 : i32
          %dma_start3A_113 = tpu.memref_slice %arg8[%add3A_105, %dma_start3A_112] : memref<40x128xi32, #tpu.memory_space<vmem>> -> memref<1x128xi32, #tpu.memory_space<vmem>>
          %dma_start3A_114 = tpu.memref_squeeze %dma_start3A_113 : memref<1x128xi32, #tpu.memory_space<vmem>> -> memref<128xi32, #tpu.memory_space<vmem>>
          %dma_start3A_115 = arith.constant 0 : i32
          %dma_start3A_116 = arith.constant 0 : i32
          %dma_start3A_117 = tpu.memref_slice %arg10[%dma_start3A_115, %dma_start3A_116] : memref<10240x128xf32, #tpu.memory_space<vmem_shared>> -> memref<10240x128xf32, #tpu.memory_space<vmem_shared>>
          tpu.enqueue_indirect_dma source(%dma_start3A_111 : memref<128x128xf32, #tpu.memory_space<vmem>>) target(%dma_start3A_117 : memref<10240x128xf32, #tpu.memory_space<vmem_shared>>) offsets(%dma_start3A_114 : memref<128xi32, #tpu.memory_space<vmem>>) semaphore(%run_scoped3A_107 : memref<!tpu.dma_semaphore, #tpu.memory_space<semaphore_mem>>) {add = true}
          %dma_wait3A_118 = arith.constant 0 : i32
          %dma_wait3A_119 = arith.constant 0 : i32
          %dma_wait3A_120 = tpu.memref_slice %arg9[%run_scoped3A_106, %dma_wait3A_118, %dma_wait3A_119] : memref<2x128x128xf32, #tpu.memory_space<vmem>> -> memref<1x128x128xf32, #tpu.memory_space<vmem>>
          %dma_wait3A_121 = tpu.memref_squeeze %dma_wait3A_120 : memref<1x128x128xf32, #tpu.memory_space<vmem>> -> memref<128x128xf32, #tpu.memory_space<vmem>>
          %dma_wait3A_122 = arith.constant 0 : i32
          %dma_wait3A_123 = tpu.memref_slice %arg8[%add3A_105, %dma_wait3A_122] : memref<40x128xi32, #tpu.memory_space<vmem>> -> memref<1x128xi32, #tpu.memory_space<vmem>>
          %dma_wait3A_124 = tpu.memref_squeeze %dma_wait3A_123 : memref<1x128xi32, #tpu.memory_space<vmem>> -> memref<128xi32, #tpu.memory_space<vmem>>
          %dma_wait3A_125 = arith.constant 0 : i32
          %dma_wait3A_126 = arith.constant 0 : i32
          %dma_wait3A_127 = tpu.memref_slice %arg10[%dma_wait3A_125, %dma_wait3A_126] : memref<10240x128xf32, #tpu.memory_space<vmem_shared>> -> memref<10240x128xf32, #tpu.memory_space<vmem_shared>>
          tpu.wait_indirect_dma semaphore(%run_scoped3A_107 : memref<!tpu.dma_semaphore, #tpu.memory_space<semaphore_mem>>) src(%dma_wait3A_121 : memref<128x128xf32, #tpu.memory_space<vmem>>) dst(%dma_wait3A_127 : memref<10240x128xf32, #tpu.memory_space<vmem_shared>>)
          tpu.yield
        }) : () -> ()
      }
      %scan3A_36 = arith.constant 20 : i32
      %add3A_37 = arith.constant 80 : i32
      %add3A_38 = arith.addi %add3A_17, %add3A_37 : i32
      "tpu.region"() ({
        %run_scoped3A = tpu.sem_alloc : memref<!tpu.dma_semaphore, #tpu.memory_space<semaphore_mem>>
        %dma_start3A = arith.constant 0 : i32
        %dma_start3A_47 = tpu.memref_slice %arg3[%add3A_38, %dma_start3A] : memref<2560x128xi32, #tpu.memory_space<hbm>> -> memref<40x128xi32, #tpu.memory_space<hbm>>
        %dma_start3A_48 = arith.constant 0 : i32
        %dma_start3A_49 = tpu.memref_slice %arg3[%add3A_38, %dma_start3A_48] : memref<2560x128xi32, #tpu.memory_space<hbm>> -> memref<40x128xi32, #tpu.memory_space<hbm>>
        tpu.enqueue_dma source(%dma_start3A_49 : memref<40x128xi32, #tpu.memory_space<hbm>>) target(%arg7 : memref<40x128xi32, #tpu.memory_space<vmem>>) target_semaphore(%run_scoped3A : memref<!tpu.dma_semaphore, #tpu.memory_space<semaphore_mem>>)
        %dma_wait3A = arith.constant 0 : i32
        %dma_wait3A_50 = tpu.memref_slice %arg3[%add3A_38, %dma_wait3A] : memref<2560x128xi32, #tpu.memory_space<hbm>> -> memref<40x128xi32, #tpu.memory_space<hbm>>
        %dma_wait3A_51 = arith.constant 0 : i32
        %dma_wait3A_52 = tpu.memref_slice %arg3[%add3A_38, %dma_wait3A_51] : memref<2560x128xi32, #tpu.memory_space<hbm>> -> memref<40x128xi32, #tpu.memory_space<hbm>>
        tpu.wait_dma2 semaphore(%run_scoped3A : memref<!tpu.dma_semaphore, #tpu.memory_space<semaphore_mem>>) src(%dma_wait3A_52 : memref<40x128xi32, #tpu.memory_space<hbm>>) dst(%arg7 : memref<40x128xi32, #tpu.memory_space<vmem>>)
        tpu.yield
      }) : () -> ()
      %add3A_39 = arith.constant 80 : i32
      %add3A_40 = arith.addi %add3A_17, %add3A_39 : i32
      "tpu.region"() ({
        %run_scoped3A = tpu.sem_alloc : memref<!tpu.dma_semaphore, #tpu.memory_space<semaphore_mem>>
        %dma_start3A = arith.constant 0 : i32
        %dma_start3A_47 = tpu.memref_slice %arg4[%add3A_40, %dma_start3A] : memref<2560x128xi32, #tpu.memory_space<hbm>> -> memref<40x128xi32, #tpu.memory_space<hbm>>
        %dma_start3A_48 = arith.constant 0 : i32
        %dma_start3A_49 = tpu.memref_slice %arg4[%add3A_40, %dma_start3A_48] : memref<2560x128xi32, #tpu.memory_space<hbm>> -> memref<40x128xi32, #tpu.memory_space<hbm>>
        tpu.enqueue_dma source(%dma_start3A_49 : memref<40x128xi32, #tpu.memory_space<hbm>>) target(%arg8 : memref<40x128xi32, #tpu.memory_space<vmem>>) target_semaphore(%run_scoped3A : memref<!tpu.dma_semaphore, #tpu.memory_space<semaphore_mem>>)
        %dma_wait3A = arith.constant 0 : i32
        %dma_wait3A_50 = tpu.memref_slice %arg4[%add3A_40, %dma_wait3A] : memref<2560x128xi32, #tpu.memory_space<hbm>> -> memref<40x128xi32, #tpu.memory_space<hbm>>
        %dma_wait3A_51 = arith.constant 0 : i32
        %dma_wait3A_52 = tpu.memref_slice %arg4[%add3A_40, %dma_wait3A_51] : memref<2560x128xi32, #tpu.memory_space<hbm>> -> memref<40x128xi32, #tpu.memory_space<hbm>>
        tpu.wait_dma2 semaphore(%run_scoped3A : memref<!tpu.dma_semaphore, #tpu.memory_space<semaphore_mem>>) src(%dma_wait3A_52 : memref<40x128xi32, #tpu.memory_space<hbm>>) dst(%arg8 : memref<40x128xi32, #tpu.memory_space<vmem>>)
        tpu.yield
      }) : () -> ()
      %scan3A_41 = arith.constant 0 : i32
      %scan3A_42 = arith.constant 0 : i32
      %scan3A_43 = arith.constant 20 : i32
      %scan3A_44 = arith.addi %scan3A_42, %scan3A_43 : i32
      %scan3A_45 = arith.constant 1 : i32
      scf.for %scan3A_47 = %scan3A_42 to %scan3A_44 step %scan3A_45  : i32 {
        %mul3A_48 = arith.constant 2 : i32
        %mul3A_49 = arith.muli %scan3A_47, %mul3A_48 : i32
        %add3A_50 = arith.constant 0 : i32
        %add3A_51 = arith.addi %mul3A_49, %add3A_50 : i32
        %dma_start3A = arith.constant 0 : i32
        %dma_start3A_52 = arith.constant 0 : i32
        %dma_start3A_53 = arith.constant 0 : i32
        %dma_start3A_54 = tpu.memref_slice %arg9[%dma_start3A, %dma_start3A_52, %dma_start3A_53] : memref<2x128x128xf32, #tpu.memory_space<vmem>> -> memref<1x128x128xf32, #tpu.memory_space<vmem>>
        %dma_start3A_55 = tpu.memref_squeeze %dma_start3A_54 : memref<1x128x128xf32, #tpu.memory_space<vmem>> -> memref<128x128xf32, #tpu.memory_space<vmem>>
        %dma_start3A_56 = arith.constant 0 : i32
        %dma_start3A_57 = tpu.memref_slice %arg7[%add3A_51, %dma_start3A_56] : memref<40x128xi32, #tpu.memory_space<vmem>> -> memref<1x128xi32, #tpu.memory_space<vmem>>
        %dma_start3A_58 = tpu.memref_squeeze %dma_start3A_57 : memref<1x128xi32, #tpu.memory_space<vmem>> -> memref<128xi32, #tpu.memory_space<vmem>>
        %dma_start3A_59 = arith.constant 0 : i32
        %dma_start3A_60 = arith.constant 0 : i32
        %dma_start3A_61 = tpu.memref_slice %arg2[%dma_start3A_59, %dma_start3A_60] : memref<10240x128xf32, #tpu.memory_space<hbm>> -> memref<10240x128xf32, #tpu.memory_space<hbm>>
        tpu.enqueue_indirect_dma source(%dma_start3A_61 : memref<10240x128xf32, #tpu.memory_space<hbm>>) target(%dma_start3A_55 : memref<128x128xf32, #tpu.memory_space<vmem>>) offsets(%dma_start3A_58 : memref<128xi32, #tpu.memory_space<vmem>>) semaphore(%arg11 : memref<!tpu.dma_semaphore, #tpu.memory_space<semaphore_mem>>)
        %mul3A_62 = arith.constant 2 : i32
        %mul3A_63 = arith.muli %scan3A_47, %mul3A_62 : i32
        %add3A_64 = arith.constant 1 : i32
        %add3A_65 = arith.addi %mul3A_63, %add3A_64 : i32
        %dma_start3A_66 = arith.constant 1 : i32
        %dma_start3A_67 = arith.constant 0 : i32
        %dma_start3A_68 = arith.constant 0 : i32
        %dma_start3A_69 = tpu.memref_slice %arg9[%dma_start3A_66, %dma_start3A_67, %dma_start3A_68] : memref<2x128x128xf32, #tpu.memory_space<vmem>> -> memref<1x128x128xf32, #tpu.memory_space<vmem>>
        %dma_start3A_70 = tpu.memref_squeeze %dma_start3A_69 : memref<1x128x128xf32, #tpu.memory_space<vmem>> -> memref<128x128xf32, #tpu.memory_space<vmem>>
        %dma_start3A_71 = arith.constant 0 : i32
        %dma_start3A_72 = tpu.memref_slice %arg7[%add3A_65, %dma_start3A_71] : memref<40x128xi32, #tpu.memory_space<vmem>> -> memref<1x128xi32, #tpu.memory_space<vmem>>
        %dma_start3A_73 = tpu.memref_squeeze %dma_start3A_72 : memref<1x128xi32, #tpu.memory_space<vmem>> -> memref<128xi32, #tpu.memory_space<vmem>>
        %dma_start3A_74 = arith.constant 0 : i32
        %dma_start3A_75 = arith.constant 0 : i32
        %dma_start3A_76 = tpu.memref_slice %arg2[%dma_start3A_74, %dma_start3A_75] : memref<10240x128xf32, #tpu.memory_space<hbm>> -> memref<10240x128xf32, #tpu.memory_space<hbm>>
        tpu.enqueue_indirect_dma source(%dma_start3A_76 : memref<10240x128xf32, #tpu.memory_space<hbm>>) target(%dma_start3A_70 : memref<128x128xf32, #tpu.memory_space<vmem>>) offsets(%dma_start3A_73 : memref<128xi32, #tpu.memory_space<vmem>>) semaphore(%arg12 : memref<!tpu.dma_semaphore, #tpu.memory_space<semaphore_mem>>)
        %dma_wait3A = arith.constant 0 : i32
        %dma_wait3A_77 = arith.constant 0 : i32
        %dma_wait3A_78 = arith.constant 0 : i32
        %dma_wait3A_79 = tpu.memref_slice %arg9[%dma_wait3A, %dma_wait3A_77, %dma_wait3A_78] : memref<2x128x128xf32, #tpu.memory_space<vmem>> -> memref<1x128x128xf32, #tpu.memory_space<vmem>>
        %dma_wait3A_80 = tpu.memref_squeeze %dma_wait3A_79 : memref<1x128x128xf32, #tpu.memory_space<vmem>> -> memref<128x128xf32, #tpu.memory_space<vmem>>
        %dma_wait3A_81 = arith.constant 0 : i32
        %dma_wait3A_82 = tpu.memref_slice %arg7[%add3A_51, %dma_wait3A_81] : memref<40x128xi32, #tpu.memory_space<vmem>> -> memref<1x128xi32, #tpu.memory_space<vmem>>
        %dma_wait3A_83 = tpu.memref_squeeze %dma_wait3A_82 : memref<1x128xi32, #tpu.memory_space<vmem>> -> memref<128xi32, #tpu.memory_space<vmem>>
        %dma_wait3A_84 = arith.constant 0 : i32
        %dma_wait3A_85 = arith.constant 0 : i32
        %dma_wait3A_86 = tpu.memref_slice %arg2[%dma_wait3A_84, %dma_wait3A_85] : memref<10240x128xf32, #tpu.memory_space<hbm>> -> memref<10240x128xf32, #tpu.memory_space<hbm>>
        tpu.wait_indirect_dma semaphore(%arg11 : memref<!tpu.dma_semaphore, #tpu.memory_space<semaphore_mem>>) src(%dma_wait3A_86 : memref<10240x128xf32, #tpu.memory_space<hbm>>) dst(%dma_wait3A_80 : memref<128x128xf32, #tpu.memory_space<vmem>>)
        %mul3A_87 = arith.constant 2 : i32
        %mul3A_88 = arith.muli %scan3A_47, %mul3A_87 : i32
        %add3A_89 = arith.constant 0 : i32
        %add3A_90 = arith.addi %mul3A_88, %add3A_89 : i32
        %run_scoped3A = arith.constant 0 : i32
        "tpu.region"() ({
          %run_scoped3A_107 = tpu.sem_alloc : memref<!tpu.dma_semaphore, #tpu.memory_space<semaphore_mem>>
          %dma_start3A_108 = arith.constant 0 : i32
          %dma_start3A_109 = arith.constant 0 : i32
          %dma_start3A_110 = tpu.memref_slice %arg9[%run_scoped3A, %dma_start3A_108, %dma_start3A_109] : memref<2x128x128xf32, #tpu.memory_space<vmem>> -> memref<1x128x128xf32, #tpu.memory_space<vmem>>
          %dma_start3A_111 = tpu.memref_squeeze %dma_start3A_110 : memref<1x128x128xf32, #tpu.memory_space<vmem>> -> memref<128x128xf32, #tpu.memory_space<vmem>>
          %dma_start3A_112 = arith.constant 0 : i32
          %dma_start3A_113 = tpu.memref_slice %arg8[%add3A_90, %dma_start3A_112] : memref<40x128xi32, #tpu.memory_space<vmem>> -> memref<1x128xi32, #tpu.memory_space<vmem>>
          %dma_start3A_114 = tpu.memref_squeeze %dma_start3A_113 : memref<1x128xi32, #tpu.memory_space<vmem>> -> memref<128xi32, #tpu.memory_space<vmem>>
          %dma_start3A_115 = arith.constant 0 : i32
          %dma_start3A_116 = arith.constant 0 : i32
          %dma_start3A_117 = tpu.memref_slice %arg10[%dma_start3A_115, %dma_start3A_116] : memref<10240x128xf32, #tpu.memory_space<vmem_shared>> -> memref<10240x128xf32, #tpu.memory_space<vmem_shared>>
          tpu.enqueue_indirect_dma source(%dma_start3A_111 : memref<128x128xf32, #tpu.memory_space<vmem>>) target(%dma_start3A_117 : memref<10240x128xf32, #tpu.memory_space<vmem_shared>>) offsets(%dma_start3A_114 : memref<128xi32, #tpu.memory_space<vmem>>) semaphore(%run_scoped3A_107 : memref<!tpu.dma_semaphore, #tpu.memory_space<semaphore_mem>>) {add = true}
          %dma_wait3A_118 = arith.constant 0 : i32
          %dma_wait3A_119 = arith.constant 0 : i32
          %dma_wait3A_120 = tpu.memref_slice %arg9[%run_scoped3A, %dma_wait3A_118, %dma_wait3A_119] : memref<2x128x128xf32, #tpu.memory_space<vmem>> -> memref<1x128x128xf32, #tpu.memory_space<vmem>>
          %dma_wait3A_121 = tpu.memref_squeeze %dma_wait3A_120 : memref<1x128x128xf32, #tpu.memory_space<vmem>> -> memref<128x128xf32, #tpu.memory_space<vmem>>
          %dma_wait3A_122 = arith.constant 0 : i32
          %dma_wait3A_123 = tpu.memref_slice %arg8[%add3A_90, %dma_wait3A_122] : memref<40x128xi32, #tpu.memory_space<vmem>> -> memref<1x128xi32, #tpu.memory_space<vmem>>
          %dma_wait3A_124 = tpu.memref_squeeze %dma_wait3A_123 : memref<1x128xi32, #tpu.memory_space<vmem>> -> memref<128xi32, #tpu.memory_space<vmem>>
          %dma_wait3A_125 = arith.constant 0 : i32
          %dma_wait3A_126 = arith.constant 0 : i32
          %dma_wait3A_127 = tpu.memref_slice %arg10[%dma_wait3A_125, %dma_wait3A_126] : memref<10240x128xf32, #tpu.memory_space<vmem_shared>> -> memref<10240x128xf32, #tpu.memory_space<vmem_shared>>
          tpu.wait_indirect_dma semaphore(%run_scoped3A_107 : memref<!tpu.dma_semaphore, #tpu.memory_space<semaphore_mem>>) src(%dma_wait3A_121 : memref<128x128xf32, #tpu.memory_space<vmem>>) dst(%dma_wait3A_127 : memref<10240x128xf32, #tpu.memory_space<vmem_shared>>)
          tpu.yield
        }) : () -> ()
        %dma_wait3A_91 = arith.constant 1 : i32
        %dma_wait3A_92 = arith.constant 0 : i32
        %dma_wait3A_93 = arith.constant 0 : i32
        %dma_wait3A_94 = tpu.memref_slice %arg9[%dma_wait3A_91, %dma_wait3A_92, %dma_wait3A_93] : memref<2x128x128xf32, #tpu.memory_space<vmem>> -> memref<1x128x128xf32, #tpu.memory_space<vmem>>
        %dma_wait3A_95 = tpu.memref_squeeze %dma_wait3A_94 : memref<1x128x128xf32, #tpu.memory_space<vmem>> -> memref<128x128xf32, #tpu.memory_space<vmem>>
        %dma_wait3A_96 = arith.constant 0 : i32
        %dma_wait3A_97 = tpu.memref_slice %arg7[%add3A_65, %dma_wait3A_96] : memref<40x128xi32, #tpu.memory_space<vmem>> -> memref<1x128xi32, #tpu.memory_space<vmem>>
        %dma_wait3A_98 = tpu.memref_squeeze %dma_wait3A_97 : memref<1x128xi32, #tpu.memory_space<vmem>> -> memref<128xi32, #tpu.memory_space<vmem>>
        %dma_wait3A_99 = arith.constant 0 : i32
        %dma_wait3A_100 = arith.constant 0 : i32
        %dma_wait3A_101 = tpu.memref_slice %arg2[%dma_wait3A_99, %dma_wait3A_100] : memref<10240x128xf32, #tpu.memory_space<hbm>> -> memref<10240x128xf32, #tpu.memory_space<hbm>>
        tpu.wait_indirect_dma semaphore(%arg12 : memref<!tpu.dma_semaphore, #tpu.memory_space<semaphore_mem>>) src(%dma_wait3A_101 : memref<10240x128xf32, #tpu.memory_space<hbm>>) dst(%dma_wait3A_95 : memref<128x128xf32, #tpu.memory_space<vmem>>)
        %mul3A_102 = arith.constant 2 : i32
        %mul3A_103 = arith.muli %scan3A_47, %mul3A_102 : i32
        %add3A_104 = arith.constant 1 : i32
        %add3A_105 = arith.addi %mul3A_103, %add3A_104 : i32
        %run_scoped3A_106 = arith.constant 1 : i32
        "tpu.region"() ({
          %run_scoped3A_107 = tpu.sem_alloc : memref<!tpu.dma_semaphore, #tpu.memory_space<semaphore_mem>>
          %dma_start3A_108 = arith.constant 0 : i32
          %dma_start3A_109 = arith.constant 0 : i32
          %dma_start3A_110 = tpu.memref_slice %arg9[%run_scoped3A_106, %dma_start3A_108, %dma_start3A_109] : memref<2x128x128xf32, #tpu.memory_space<vmem>> -> memref<1x128x128xf32, #tpu.memory_space<vmem>>
          %dma_start3A_111 = tpu.memref_squeeze %dma_start3A_110 : memref<1x128x128xf32, #tpu.memory_space<vmem>> -> memref<128x128xf32, #tpu.memory_space<vmem>>
          %dma_start3A_112 = arith.constant 0 : i32
          %dma_start3A_113 = tpu.memref_slice %arg8[%add3A_105, %dma_start3A_112] : memref<40x128xi32, #tpu.memory_space<vmem>> -> memref<1x128xi32, #tpu.memory_space<vmem>>
          %dma_start3A_114 = tpu.memref_squeeze %dma_start3A_113 : memref<1x128xi32, #tpu.memory_space<vmem>> -> memref<128xi32, #tpu.memory_space<vmem>>
          %dma_start3A_115 = arith.constant 0 : i32
          %dma_start3A_116 = arith.constant 0 : i32
          %dma_start3A_117 = tpu.memref_slice %arg10[%dma_start3A_115, %dma_start3A_116] : memref<10240x128xf32, #tpu.memory_space<vmem_shared>> -> memref<10240x128xf32, #tpu.memory_space<vmem_shared>>
          tpu.enqueue_indirect_dma source(%dma_start3A_111 : memref<128x128xf32, #tpu.memory_space<vmem>>) target(%dma_start3A_117 : memref<10240x128xf32, #tpu.memory_space<vmem_shared>>) offsets(%dma_start3A_114 : memref<128xi32, #tpu.memory_space<vmem>>) semaphore(%run_scoped3A_107 : memref<!tpu.dma_semaphore, #tpu.memory_space<semaphore_mem>>) {add = true}
          %dma_wait3A_118 = arith.constant 0 : i32
          %dma_wait3A_119 = arith.constant 0 : i32
          %dma_wait3A_120 = tpu.memref_slice %arg9[%run_scoped3A_106, %dma_wait3A_118, %dma_wait3A_119] : memref<2x128x128xf32, #tpu.memory_space<vmem>> -> memref<1x128x128xf32, #tpu.memory_space<vmem>>
          %dma_wait3A_121 = tpu.memref_squeeze %dma_wait3A_120 : memref<1x128x128xf32, #tpu.memory_space<vmem>> -> memref<128x128xf32, #tpu.memory_space<vmem>>
          %dma_wait3A_122 = arith.constant 0 : i32
          %dma_wait3A_123 = tpu.memref_slice %arg8[%add3A_105, %dma_wait3A_122] : memref<40x128xi32, #tpu.memory_space<vmem>> -> memref<1x128xi32, #tpu.memory_space<vmem>>
          %dma_wait3A_124 = tpu.memref_squeeze %dma_wait3A_123 : memref<1x128xi32, #tpu.memory_space<vmem>> -> memref<128xi32, #tpu.memory_space<vmem>>
          %dma_wait3A_125 = arith.constant 0 : i32
          %dma_wait3A_126 = arith.constant 0 : i32
          %dma_wait3A_127 = tpu.memref_slice %arg10[%dma_wait3A_125, %dma_wait3A_126] : memref<10240x128xf32, #tpu.memory_space<vmem_shared>> -> memref<10240x128xf32, #tpu.memory_space<vmem_shared>>
          tpu.wait_indirect_dma semaphore(%run_scoped3A_107 : memref<!tpu.dma_semaphore, #tpu.memory_space<semaphore_mem>>) src(%dma_wait3A_121 : memref<128x128xf32, #tpu.memory_space<vmem>>) dst(%dma_wait3A_127 : memref<10240x128xf32, #tpu.memory_space<vmem_shared>>)
          tpu.yield
        }) : () -> ()
      }
      %scan3A_46 = arith.constant 20 : i32
    } else {
    }
    %eq3A_5 = arith.constant 1 : i32
    %eq3A_6 = arith.cmpi eq, %arg0, %eq3A_5 : i32
    %convert_element_type3A_7 = arith.extui %eq3A_6 : i1 to i32
    %cond3A_8 = arith.constant 0 : i32
    %cond3A_9 = arith.cmpi ne, %convert_element_type3A_7, %cond3A_8 : i32
    scf.if %cond3A_9 {
      %mul3A_15 = arith.constant 40 : i32
      %mul3A_16 = arith.muli %arg1, %mul3A_15 : i32
      %add3A = arith.constant 1920 : i32
      %add3A_17 = arith.addi %add3A, %mul3A_16 : i32
      %add3A_18 = arith.constant 0 : i32
      %add3A_19 = arith.addi %add3A_17, %add3A_18 : i32
      "tpu.region"() ({
        %run_scoped3A = tpu.sem_alloc : memref<!tpu.dma_semaphore, #tpu.memory_space<semaphore_mem>>
        %dma_start3A = arith.constant 0 : i32
        %dma_start3A_27 = tpu.memref_slice %arg3[%add3A_19, %dma_start3A] : memref<2560x128xi32, #tpu.memory_space<hbm>> -> memref<40x128xi32, #tpu.memory_space<hbm>>
        %dma_start3A_28 = arith.constant 0 : i32
        %dma_start3A_29 = tpu.memref_slice %arg3[%add3A_19, %dma_start3A_28] : memref<2560x128xi32, #tpu.memory_space<hbm>> -> memref<40x128xi32, #tpu.memory_space<hbm>>
        tpu.enqueue_dma source(%dma_start3A_29 : memref<40x128xi32, #tpu.memory_space<hbm>>) target(%arg7 : memref<40x128xi32, #tpu.memory_space<vmem>>) target_semaphore(%run_scoped3A : memref<!tpu.dma_semaphore, #tpu.memory_space<semaphore_mem>>)
        %dma_wait3A = arith.constant 0 : i32
        %dma_wait3A_30 = tpu.memref_slice %arg3[%add3A_19, %dma_wait3A] : memref<2560x128xi32, #tpu.memory_space<hbm>> -> memref<40x128xi32, #tpu.memory_space<hbm>>
        %dma_wait3A_31 = arith.constant 0 : i32
        %dma_wait3A_32 = tpu.memref_slice %arg3[%add3A_19, %dma_wait3A_31] : memref<2560x128xi32, #tpu.memory_space<hbm>> -> memref<40x128xi32, #tpu.memory_space<hbm>>
        tpu.wait_dma2 semaphore(%run_scoped3A : memref<!tpu.dma_semaphore, #tpu.memory_space<semaphore_mem>>) src(%dma_wait3A_32 : memref<40x128xi32, #tpu.memory_space<hbm>>) dst(%arg7 : memref<40x128xi32, #tpu.memory_space<vmem>>)
        tpu.yield
      }) : () -> ()
      %add3A_20 = arith.constant 0 : i32
      %add3A_21 = arith.addi %add3A_17, %add3A_20 : i32
      "tpu.region"() ({
        %run_scoped3A = tpu.sem_alloc : memref<!tpu.dma_semaphore, #tpu.memory_space<semaphore_mem>>
        %dma_start3A = arith.constant 0 : i32
        %dma_start3A_27 = tpu.memref_slice %arg4[%add3A_21, %dma_start3A] : memref<2560x128xi32, #tpu.memory_space<hbm>> -> memref<40x128xi32, #tpu.memory_space<hbm>>
        %dma_start3A_28 = arith.constant 0 : i32
        %dma_start3A_29 = tpu.memref_slice %arg4[%add3A_21, %dma_start3A_28] : memref<2560x128xi32, #tpu.memory_space<hbm>> -> memref<40x128xi32, #tpu.memory_space<hbm>>
        tpu.enqueue_dma source(%dma_start3A_29 : memref<40x128xi32, #tpu.memory_space<hbm>>) target(%arg8 : memref<40x128xi32, #tpu.memory_space<vmem>>) target_semaphore(%run_scoped3A : memref<!tpu.dma_semaphore, #tpu.memory_space<semaphore_mem>>)
        %dma_wait3A = arith.constant 0 : i32
        %dma_wait3A_30 = tpu.memref_slice %arg4[%add3A_21, %dma_wait3A] : memref<2560x128xi32, #tpu.memory_space<hbm>> -> memref<40x128xi32, #tpu.memory_space<hbm>>
        %dma_wait3A_31 = arith.constant 0 : i32
        %dma_wait3A_32 = tpu.memref_slice %arg4[%add3A_21, %dma_wait3A_31] : memref<2560x128xi32, #tpu.memory_space<hbm>> -> memref<40x128xi32, #tpu.memory_space<hbm>>
        tpu.wait_dma2 semaphore(%run_scoped3A : memref<!tpu.dma_semaphore, #tpu.memory_space<semaphore_mem>>) src(%dma_wait3A_32 : memref<40x128xi32, #tpu.memory_space<hbm>>) dst(%arg8 : memref<40x128xi32, #tpu.memory_space<vmem>>)
        tpu.yield
      }) : () -> ()
      %scan3A = arith.constant 0 : i32
      %scan3A_22 = arith.constant 0 : i32
      %scan3A_23 = arith.constant 20 : i32
      %scan3A_24 = arith.addi %scan3A_22, %scan3A_23 : i32
      %scan3A_25 = arith.constant 1 : i32
      scf.for %scan3A_27 = %scan3A_22 to %scan3A_24 step %scan3A_25  : i32 {
        %mul3A_28 = arith.constant 2 : i32
        %mul3A_29 = arith.muli %scan3A_27, %mul3A_28 : i32
        %add3A_30 = arith.constant 0 : i32
        %add3A_31 = arith.addi %mul3A_29, %add3A_30 : i32
        %dma_start3A = arith.constant 0 : i32
        %dma_start3A_32 = arith.constant 0 : i32
        %dma_start3A_33 = arith.constant 0 : i32
        %dma_start3A_34 = tpu.memref_slice %arg9[%dma_start3A, %dma_start3A_32, %dma_start3A_33] : memref<2x128x128xf32, #tpu.memory_space<vmem>> -> memref<1x128x128xf32, #tpu.memory_space<vmem>>
        %dma_start3A_35 = tpu.memref_squeeze %dma_start3A_34 : memref<1x128x128xf32, #tpu.memory_space<vmem>> -> memref<128x128xf32, #tpu.memory_space<vmem>>
        %dma_start3A_36 = arith.constant 0 : i32
        %dma_start3A_37 = tpu.memref_slice %arg7[%add3A_31, %dma_start3A_36] : memref<40x128xi32, #tpu.memory_space<vmem>> -> memref<1x128xi32, #tpu.memory_space<vmem>>
        %dma_start3A_38 = tpu.memref_squeeze %dma_start3A_37 : memref<1x128xi32, #tpu.memory_space<vmem>> -> memref<128xi32, #tpu.memory_space<vmem>>
        %dma_start3A_39 = arith.constant 0 : i32
        %dma_start3A_40 = arith.constant 0 : i32
        %dma_start3A_41 = tpu.memref_slice %arg2[%dma_start3A_39, %dma_start3A_40] : memref<10240x128xf32, #tpu.memory_space<hbm>> -> memref<10240x128xf32, #tpu.memory_space<hbm>>
        tpu.enqueue_indirect_dma source(%dma_start3A_41 : memref<10240x128xf32, #tpu.memory_space<hbm>>) target(%dma_start3A_35 : memref<128x128xf32, #tpu.memory_space<vmem>>) offsets(%dma_start3A_38 : memref<128xi32, #tpu.memory_space<vmem>>) semaphore(%arg11 : memref<!tpu.dma_semaphore, #tpu.memory_space<semaphore_mem>>)
        %mul3A_42 = arith.constant 2 : i32
        %mul3A_43 = arith.muli %scan3A_27, %mul3A_42 : i32
        %add3A_44 = arith.constant 1 : i32
        %add3A_45 = arith.addi %mul3A_43, %add3A_44 : i32
        %dma_start3A_46 = arith.constant 1 : i32
        %dma_start3A_47 = arith.constant 0 : i32
        %dma_start3A_48 = arith.constant 0 : i32
        %dma_start3A_49 = tpu.memref_slice %arg9[%dma_start3A_46, %dma_start3A_47, %dma_start3A_48] : memref<2x128x128xf32, #tpu.memory_space<vmem>> -> memref<1x128x128xf32, #tpu.memory_space<vmem>>
        %dma_start3A_50 = tpu.memref_squeeze %dma_start3A_49 : memref<1x128x128xf32, #tpu.memory_space<vmem>> -> memref<128x128xf32, #tpu.memory_space<vmem>>
        %dma_start3A_51 = arith.constant 0 : i32
        %dma_start3A_52 = tpu.memref_slice %arg7[%add3A_45, %dma_start3A_51] : memref<40x128xi32, #tpu.memory_space<vmem>> -> memref<1x128xi32, #tpu.memory_space<vmem>>
        %dma_start3A_53 = tpu.memref_squeeze %dma_start3A_52 : memref<1x128xi32, #tpu.memory_space<vmem>> -> memref<128xi32, #tpu.memory_space<vmem>>
        %dma_start3A_54 = arith.constant 0 : i32
        %dma_start3A_55 = arith.constant 0 : i32
        %dma_start3A_56 = tpu.memref_slice %arg2[%dma_start3A_54, %dma_start3A_55] : memref<10240x128xf32, #tpu.memory_space<hbm>> -> memref<10240x128xf32, #tpu.memory_space<hbm>>
        tpu.enqueue_indirect_dma source(%dma_start3A_56 : memref<10240x128xf32, #tpu.memory_space<hbm>>) target(%dma_start3A_50 : memref<128x128xf32, #tpu.memory_space<vmem>>) offsets(%dma_start3A_53 : memref<128xi32, #tpu.memory_space<vmem>>) semaphore(%arg12 : memref<!tpu.dma_semaphore, #tpu.memory_space<semaphore_mem>>)
        %dma_wait3A = arith.constant 0 : i32
        %dma_wait3A_57 = arith.constant 0 : i32
        %dma_wait3A_58 = arith.constant 0 : i32
        %dma_wait3A_59 = tpu.memref_slice %arg9[%dma_wait3A, %dma_wait3A_57, %dma_wait3A_58] : memref<2x128x128xf32, #tpu.memory_space<vmem>> -> memref<1x128x128xf32, #tpu.memory_space<vmem>>
        %dma_wait3A_60 = tpu.memref_squeeze %dma_wait3A_59 : memref<1x128x128xf32, #tpu.memory_space<vmem>> -> memref<128x128xf32, #tpu.memory_space<vmem>>
        %dma_wait3A_61 = arith.constant 0 : i32
        %dma_wait3A_62 = tpu.memref_slice %arg7[%add3A_31, %dma_wait3A_61] : memref<40x128xi32, #tpu.memory_space<vmem>> -> memref<1x128xi32, #tpu.memory_space<vmem>>
        %dma_wait3A_63 = tpu.memref_squeeze %dma_wait3A_62 : memref<1x128xi32, #tpu.memory_space<vmem>> -> memref<128xi32, #tpu.memory_space<vmem>>
        %dma_wait3A_64 = arith.constant 0 : i32
        %dma_wait3A_65 = arith.constant 0 : i32
        %dma_wait3A_66 = tpu.memref_slice %arg2[%dma_wait3A_64, %dma_wait3A_65] : memref<10240x128xf32, #tpu.memory_space<hbm>> -> memref<10240x128xf32, #tpu.memory_space<hbm>>
        tpu.wait_indirect_dma semaphore(%arg11 : memref<!tpu.dma_semaphore, #tpu.memory_space<semaphore_mem>>) src(%dma_wait3A_66 : memref<10240x128xf32, #tpu.memory_space<hbm>>) dst(%dma_wait3A_60 : memref<128x128xf32, #tpu.memory_space<vmem>>)
        %mul3A_67 = arith.constant 2 : i32
        %mul3A_68 = arith.muli %scan3A_27, %mul3A_67 : i32
        %add3A_69 = arith.constant 0 : i32
        %add3A_70 = arith.addi %mul3A_68, %add3A_69 : i32
        %run_scoped3A = arith.constant 0 : i32
        "tpu.region"() ({
          %run_scoped3A_87 = tpu.sem_alloc : memref<!tpu.dma_semaphore, #tpu.memory_space<semaphore_mem>>
          %dma_start3A_88 = arith.constant 0 : i32
          %dma_start3A_89 = arith.constant 0 : i32
          %dma_start3A_90 = tpu.memref_slice %arg9[%run_scoped3A, %dma_start3A_88, %dma_start3A_89] : memref<2x128x128xf32, #tpu.memory_space<vmem>> -> memref<1x128x128xf32, #tpu.memory_space<vmem>>
          %dma_start3A_91 = tpu.memref_squeeze %dma_start3A_90 : memref<1x128x128xf32, #tpu.memory_space<vmem>> -> memref<128x128xf32, #tpu.memory_space<vmem>>
          %dma_start3A_92 = arith.constant 0 : i32
          %dma_start3A_93 = tpu.memref_slice %arg8[%add3A_70, %dma_start3A_92] : memref<40x128xi32, #tpu.memory_space<vmem>> -> memref<1x128xi32, #tpu.memory_space<vmem>>
          %dma_start3A_94 = tpu.memref_squeeze %dma_start3A_93 : memref<1x128xi32, #tpu.memory_space<vmem>> -> memref<128xi32, #tpu.memory_space<vmem>>
          %dma_start3A_95 = arith.constant 0 : i32
          %dma_start3A_96 = arith.constant 0 : i32
          %dma_start3A_97 = tpu.memref_slice %arg10[%dma_start3A_95, %dma_start3A_96] : memref<10240x128xf32, #tpu.memory_space<vmem_shared>> -> memref<10240x128xf32, #tpu.memory_space<vmem_shared>>
          tpu.enqueue_indirect_dma source(%dma_start3A_91 : memref<128x128xf32, #tpu.memory_space<vmem>>) target(%dma_start3A_97 : memref<10240x128xf32, #tpu.memory_space<vmem_shared>>) offsets(%dma_start3A_94 : memref<128xi32, #tpu.memory_space<vmem>>) semaphore(%run_scoped3A_87 : memref<!tpu.dma_semaphore, #tpu.memory_space<semaphore_mem>>) {add = true}
          %dma_wait3A_98 = arith.constant 0 : i32
          %dma_wait3A_99 = arith.constant 0 : i32
          %dma_wait3A_100 = tpu.memref_slice %arg9[%run_scoped3A, %dma_wait3A_98, %dma_wait3A_99] : memref<2x128x128xf32, #tpu.memory_space<vmem>> -> memref<1x128x128xf32, #tpu.memory_space<vmem>>
          %dma_wait3A_101 = tpu.memref_squeeze %dma_wait3A_100 : memref<1x128x128xf32, #tpu.memory_space<vmem>> -> memref<128x128xf32, #tpu.memory_space<vmem>>
          %dma_wait3A_102 = arith.constant 0 : i32
          %dma_wait3A_103 = tpu.memref_slice %arg8[%add3A_70, %dma_wait3A_102] : memref<40x128xi32, #tpu.memory_space<vmem>> -> memref<1x128xi32, #tpu.memory_space<vmem>>
          %dma_wait3A_104 = tpu.memref_squeeze %dma_wait3A_103 : memref<1x128xi32, #tpu.memory_space<vmem>> -> memref<128xi32, #tpu.memory_space<vmem>>
          %dma_wait3A_105 = arith.constant 0 : i32
          %dma_wait3A_106 = arith.constant 0 : i32
          %dma_wait3A_107 = tpu.memref_slice %arg10[%dma_wait3A_105, %dma_wait3A_106] : memref<10240x128xf32, #tpu.memory_space<vmem_shared>> -> memref<10240x128xf32, #tpu.memory_space<vmem_shared>>
          tpu.wait_indirect_dma semaphore(%run_scoped3A_87 : memref<!tpu.dma_semaphore, #tpu.memory_space<semaphore_mem>>) src(%dma_wait3A_101 : memref<128x128xf32, #tpu.memory_space<vmem>>) dst(%dma_wait3A_107 : memref<10240x128xf32, #tpu.memory_space<vmem_shared>>)
          tpu.yield
        }) : () -> ()
        %dma_wait3A_71 = arith.constant 1 : i32
        %dma_wait3A_72 = arith.constant 0 : i32
        %dma_wait3A_73 = arith.constant 0 : i32
        %dma_wait3A_74 = tpu.memref_slice %arg9[%dma_wait3A_71, %dma_wait3A_72, %dma_wait3A_73] : memref<2x128x128xf32, #tpu.memory_space<vmem>> -> memref<1x128x128xf32, #tpu.memory_space<vmem>>
        %dma_wait3A_75 = tpu.memref_squeeze %dma_wait3A_74 : memref<1x128x128xf32, #tpu.memory_space<vmem>> -> memref<128x128xf32, #tpu.memory_space<vmem>>
        %dma_wait3A_76 = arith.constant 0 : i32
        %dma_wait3A_77 = tpu.memref_slice %arg7[%add3A_45, %dma_wait3A_76] : memref<40x128xi32, #tpu.memory_space<vmem>> -> memref<1x128xi32, #tpu.memory_space<vmem>>
        %dma_wait3A_78 = tpu.memref_squeeze %dma_wait3A_77 : memref<1x128xi32, #tpu.memory_space<vmem>> -> memref<128xi32, #tpu.memory_space<vmem>>
        %dma_wait3A_79 = arith.constant 0 : i32
        %dma_wait3A_80 = arith.constant 0 : i32
        %dma_wait3A_81 = tpu.memref_slice %arg2[%dma_wait3A_79, %dma_wait3A_80] : memref<10240x128xf32, #tpu.memory_space<hbm>> -> memref<10240x128xf32, #tpu.memory_space<hbm>>
        tpu.wait_indirect_dma semaphore(%arg12 : memref<!tpu.dma_semaphore, #tpu.memory_space<semaphore_mem>>) src(%dma_wait3A_81 : memref<10240x128xf32, #tpu.memory_space<hbm>>) dst(%dma_wait3A_75 : memref<128x128xf32, #tpu.memory_space<vmem>>)
        %mul3A_82 = arith.constant 2 : i32
        %mul3A_83 = arith.muli %scan3A_27, %mul3A_82 : i32
        %add3A_84 = arith.constant 1 : i32
        %add3A_85 = arith.addi %mul3A_83, %add3A_84 : i32
        %run_scoped3A_86 = arith.constant 1 : i32
        "tpu.region"() ({
          %run_scoped3A_87 = tpu.sem_alloc : memref<!tpu.dma_semaphore, #tpu.memory_space<semaphore_mem>>
          %dma_start3A_88 = arith.constant 0 : i32
          %dma_start3A_89 = arith.constant 0 : i32
          %dma_start3A_90 = tpu.memref_slice %arg9[%run_scoped3A_86, %dma_start3A_88, %dma_start3A_89] : memref<2x128x128xf32, #tpu.memory_space<vmem>> -> memref<1x128x128xf32, #tpu.memory_space<vmem>>
          %dma_start3A_91 = tpu.memref_squeeze %dma_start3A_90 : memref<1x128x128xf32, #tpu.memory_space<vmem>> -> memref<128x128xf32, #tpu.memory_space<vmem>>
          %dma_start3A_92 = arith.constant 0 : i32
          %dma_start3A_93 = tpu.memref_slice %arg8[%add3A_85, %dma_start3A_92] : memref<40x128xi32, #tpu.memory_space<vmem>> -> memref<1x128xi32, #tpu.memory_space<vmem>>
          %dma_start3A_94 = tpu.memref_squeeze %dma_start3A_93 : memref<1x128xi32, #tpu.memory_space<vmem>> -> memref<128xi32, #tpu.memory_space<vmem>>
          %dma_start3A_95 = arith.constant 0 : i32
          %dma_start3A_96 = arith.constant 0 : i32
          %dma_start3A_97 = tpu.memref_slice %arg10[%dma_start3A_95, %dma_start3A_96] : memref<10240x128xf32, #tpu.memory_space<vmem_shared>> -> memref<10240x128xf32, #tpu.memory_space<vmem_shared>>
          tpu.enqueue_indirect_dma source(%dma_start3A_91 : memref<128x128xf32, #tpu.memory_space<vmem>>) target(%dma_start3A_97 : memref<10240x128xf32, #tpu.memory_space<vmem_shared>>) offsets(%dma_start3A_94 : memref<128xi32, #tpu.memory_space<vmem>>) semaphore(%run_scoped3A_87 : memref<!tpu.dma_semaphore, #tpu.memory_space<semaphore_mem>>) {add = true}
          %dma_wait3A_98 = arith.constant 0 : i32
          %dma_wait3A_99 = arith.constant 0 : i32
          %dma_wait3A_100 = tpu.memref_slice %arg9[%run_scoped3A_86, %dma_wait3A_98, %dma_wait3A_99] : memref<2x128x128xf32, #tpu.memory_space<vmem>> -> memref<1x128x128xf32, #tpu.memory_space<vmem>>
          %dma_wait3A_101 = tpu.memref_squeeze %dma_wait3A_100 : memref<1x128x128xf32, #tpu.memory_space<vmem>> -> memref<128x128xf32, #tpu.memory_space<vmem>>
          %dma_wait3A_102 = arith.constant 0 : i32
          %dma_wait3A_103 = tpu.memref_slice %arg8[%add3A_85, %dma_wait3A_102] : memref<40x128xi32, #tpu.memory_space<vmem>> -> memref<1x128xi32, #tpu.memory_space<vmem>>
          %dma_wait3A_104 = tpu.memref_squeeze %dma_wait3A_103 : memref<1x128xi32, #tpu.memory_space<vmem>> -> memref<128xi32, #tpu.memory_space<vmem>>
          %dma_wait3A_105 = arith.constant 0 : i32
          %dma_wait3A_106 = arith.constant 0 : i32
          %dma_wait3A_107 = tpu.memref_slice %arg10[%dma_wait3A_105, %dma_wait3A_106] : memref<10240x128xf32, #tpu.memory_space<vmem_shared>> -> memref<10240x128xf32, #tpu.memory_space<vmem_shared>>
          tpu.wait_indirect_dma semaphore(%run_scoped3A_87 : memref<!tpu.dma_semaphore, #tpu.memory_space<semaphore_mem>>) src(%dma_wait3A_101 : memref<128x128xf32, #tpu.memory_space<vmem>>) dst(%dma_wait3A_107 : memref<10240x128xf32, #tpu.memory_space<vmem_shared>>)
          tpu.yield
        }) : () -> ()
      }
      %scan3A_26 = arith.constant 20 : i32
    } else {
    }
    %barrier3A_10 = arith.constant 0 : index
    tpu.barrier barrier_id(%barrier3A_10)
    %mul3A_11 = arith.constant 640 : i32
    %mul3A_12 = arith.muli %arg1, %mul3A_11 : i32
    %mul3A_13 = arith.constant 640 : i32
    %mul3A_14 = arith.muli %arg1, %mul3A_13 : i32
    "tpu.region"() ({
      %run_scoped3A = tpu.sem_alloc : memref<!tpu.dma_semaphore, #tpu.memory_space<semaphore_mem>>
      %dma_start3A = arith.constant 0 : i32
      %dma_start3A_15 = arith.constant 0 : i32
      %dma_start3A_16 = tpu.memref_slice %arg6[%arg0, %dma_start3A, %dma_start3A_15] : memref<2x10240x128xf32, #tpu.memory_space<hbm>> -> memref<1x10240x128xf32, #tpu.memory_space<hbm>>
      %dma_start3A_17 = tpu.memref_squeeze %dma_start3A_16 : memref<1x10240x128xf32, #tpu.memory_space<hbm>> -> memref<10240x128xf32, #tpu.memory_space<hbm>>
      %dma_start3A_18 = arith.constant 0 : i32
      %dma_start3A_19 = tpu.memref_slice %dma_start3A_17[%mul3A_14, %dma_start3A_18] : memref<10240x128xf32, #tpu.memory_space<hbm>> -> memref<640x128xf32, #tpu.memory_space<hbm>>
      %dma_start3A_20 = arith.constant 0 : i32
      %dma_start3A_21 = tpu.memref_slice %arg10[%mul3A_12, %dma_start3A_20] : memref<10240x128xf32, #tpu.memory_space<vmem_shared>> -> memref<640x128xf32, #tpu.memory_space<vmem_shared>>
      tpu.enqueue_dma source(%dma_start3A_21 : memref<640x128xf32, #tpu.memory_space<vmem_shared>>) target(%dma_start3A_19 : memref<640x128xf32, #tpu.memory_space<hbm>>) target_semaphore(%run_scoped3A : memref<!tpu.dma_semaphore, #tpu.memory_space<semaphore_mem>>)
      %dma_wait3A = arith.constant 0 : i32
      %dma_wait3A_22 = arith.constant 0 : i32
      %dma_wait3A_23 = tpu.memref_slice %arg6[%arg0, %dma_wait3A, %dma_wait3A_22] : memref<2x10240x128xf32, #tpu.memory_space<hbm>> -> memref<1x10240x128xf32, #tpu.memory_space<hbm>>
      %dma_wait3A_24 = tpu.memref_squeeze %dma_wait3A_23 : memref<1x10240x128xf32, #tpu.memory_space<hbm>> -> memref<10240x128xf32, #tpu.memory_space<hbm>>
      %dma_wait3A_25 = arith.constant 0 : i32
      %dma_wait3A_26 = tpu.memref_slice %dma_wait3A_24[%mul3A_14, %dma_wait3A_25] : memref<10240x128xf32, #tpu.memory_space<hbm>> -> memref<640x128xf32, #tpu.memory_space<hbm>>
      %dma_wait3A_27 = arith.constant 0 : i32
      %dma_wait3A_28 = tpu.memref_slice %arg10[%mul3A_12, %dma_wait3A_27] : memref<10240x128xf32, #tpu.memory_space<vmem_shared>> -> memref<640x128xf32, #tpu.memory_space<vmem_shared>>
      tpu.wait_dma2 semaphore(%run_scoped3A : memref<!tpu.dma_semaphore, #tpu.memory_space<semaphore_mem>>) src(%dma_wait3A_28 : memref<640x128xf32, #tpu.memory_space<vmem_shared>>) dst(%dma_wait3A_26 : memref<640x128xf32, #tpu.memory_space<hbm>>)
      tpu.yield
    }) : () -> ()
    return
  }
}

#map = affine_map<(d0, d1) -> (0, 0)>
#map1 = affine_map<(d0, d1) -> (0)>
module attributes {stable_mosaic.version = 14 : i64} {
  func.func @_gather_kernel(%arg0: i32, %arg1: i32, %arg2: memref<10240x128xf32, #tpu.memory_space<hbm>>, %arg3: memref<16384xi32, #tpu.memory_space<hbm>>, %arg4: memref<16384xi32, #tpu.memory_space<hbm>>, %arg5: memref<16384x128xf32, #tpu.memory_space<hbm>>, %arg6: memref<16384x128xf32, #tpu.memory_space<hbm>>, %arg7: memref<128xi32, #tpu.memory_space<vmem>>, %arg8: memref<128x128xf32, #tpu.memory_space<vmem>>, %arg9: memref<!tpu.dma_semaphore, #tpu.memory_space<semaphore_mem>>) attributes {dimension_semantics = [#tpu.dimension_semantics<core_parallel>, #tpu.dimension_semantics<subcore_parallel>], iteration_bounds = array<i64: 2, 16>, scalar_prefetch = 0 : i64, scratch_operands = 3 : i64, tpu.core_type = #tpu.core_type<sc_vector_subcore>, window_params = [{transform_indices = #map}, {transform_indices = #map1}, {transform_indices = #map1}, {transform_indices = #map}, {transform_indices = #map}]} {
    %mul3A = arith.constant 2 : i32
    %mul3A_0 = arith.muli %arg1, %mul3A : i32
    %add3A = arith.addi %mul3A_0, %arg0 : i32
    %mul3A_1 = arith.constant 512 : i32
    %mul3A_2 = arith.muli %add3A, %mul3A_1 : i32
    %add3A_3 = arith.constant 0 : i32
    %add3A_4 = arith.addi %mul3A_2, %add3A_3 : i32
    "tpu.region"() ({
      %run_scoped3A = tpu.sem_alloc : memref<!tpu.dma_semaphore, #tpu.memory_space<semaphore_mem>>
      %dma_start3A_79 = tpu.memref_slice %arg3[%add3A_4] : memref<16384xi32, #tpu.memory_space<hbm>> -> memref<128xi32, #tpu.memory_space<hbm>>
      %dma_start3A_80 = tpu.memref_slice %arg3[%add3A_4] : memref<16384xi32, #tpu.memory_space<hbm>> -> memref<128xi32, #tpu.memory_space<hbm>>
      tpu.enqueue_dma source(%dma_start3A_80 : memref<128xi32, #tpu.memory_space<hbm>>) target(%arg7 : memref<128xi32, #tpu.memory_space<vmem>>) target_semaphore(%run_scoped3A : memref<!tpu.dma_semaphore, #tpu.memory_space<semaphore_mem>>)
      %dma_wait3A_81 = tpu.memref_slice %arg3[%add3A_4] : memref<16384xi32, #tpu.memory_space<hbm>> -> memref<128xi32, #tpu.memory_space<hbm>>
      %dma_wait3A_82 = tpu.memref_slice %arg3[%add3A_4] : memref<16384xi32, #tpu.memory_space<hbm>> -> memref<128xi32, #tpu.memory_space<hbm>>
      tpu.wait_dma2 semaphore(%run_scoped3A : memref<!tpu.dma_semaphore, #tpu.memory_space<semaphore_mem>>) src(%dma_wait3A_82 : memref<128xi32, #tpu.memory_space<hbm>>) dst(%arg7 : memref<128xi32, #tpu.memory_space<vmem>>)
      tpu.yield
    }) : () -> ()
    %dma_start3A = arith.constant 0 : i32
    %dma_start3A_5 = arith.constant 0 : i32
    %dma_start3A_6 = tpu.memref_slice %arg2[%dma_start3A, %dma_start3A_5] : memref<10240x128xf32, #tpu.memory_space<hbm>> -> memref<10240x128xf32, #tpu.memory_space<hbm>>
    tpu.enqueue_indirect_dma source(%dma_start3A_6 : memref<10240x128xf32, #tpu.memory_space<hbm>>) target(%arg8 : memref<128x128xf32, #tpu.memory_space<vmem>>) offsets(%arg7 : memref<128xi32, #tpu.memory_space<vmem>>) semaphore(%arg9 : memref<!tpu.dma_semaphore, #tpu.memory_space<semaphore_mem>>)
    %dma_wait3A = arith.constant 0 : i32
    %dma_wait3A_7 = arith.constant 0 : i32
    %dma_wait3A_8 = tpu.memref_slice %arg2[%dma_wait3A, %dma_wait3A_7] : memref<10240x128xf32, #tpu.memory_space<hbm>> -> memref<10240x128xf32, #tpu.memory_space<hbm>>
    tpu.wait_indirect_dma semaphore(%arg9 : memref<!tpu.dma_semaphore, #tpu.memory_space<semaphore_mem>>) src(%dma_wait3A_8 : memref<10240x128xf32, #tpu.memory_space<hbm>>) dst(%arg8 : memref<128x128xf32, #tpu.memory_space<vmem>>)
    "tpu.region"() ({
      %run_scoped3A = tpu.sem_alloc : memref<!tpu.dma_semaphore, #tpu.memory_space<semaphore_mem>>
      %dma_start3A_79 = arith.constant 0 : i32
      %dma_start3A_80 = tpu.memref_slice %arg5[%add3A_4, %dma_start3A_79] : memref<16384x128xf32, #tpu.memory_space<hbm>> -> memref<128x128xf32, #tpu.memory_space<hbm>>
      %dma_start3A_81 = arith.constant 0 : i32
      %dma_start3A_82 = tpu.memref_slice %arg5[%add3A_4, %dma_start3A_81] : memref<16384x128xf32, #tpu.memory_space<hbm>> -> memref<128x128xf32, #tpu.memory_space<hbm>>
      tpu.enqueue_dma source(%arg8 : memref<128x128xf32, #tpu.memory_space<vmem>>) target(%dma_start3A_82 : memref<128x128xf32, #tpu.memory_space<hbm>>) target_semaphore(%run_scoped3A : memref<!tpu.dma_semaphore, #tpu.memory_space<semaphore_mem>>)
      %dma_wait3A_83 = arith.constant 0 : i32
      %dma_wait3A_84 = tpu.memref_slice %arg5[%add3A_4, %dma_wait3A_83] : memref<16384x128xf32, #tpu.memory_space<hbm>> -> memref<128x128xf32, #tpu.memory_space<hbm>>
      %dma_wait3A_85 = arith.constant 0 : i32
      %dma_wait3A_86 = tpu.memref_slice %arg5[%add3A_4, %dma_wait3A_85] : memref<16384x128xf32, #tpu.memory_space<hbm>> -> memref<128x128xf32, #tpu.memory_space<hbm>>
      tpu.wait_dma2 semaphore(%run_scoped3A : memref<!tpu.dma_semaphore, #tpu.memory_space<semaphore_mem>>) src(%arg8 : memref<128x128xf32, #tpu.memory_space<vmem>>) dst(%dma_wait3A_86 : memref<128x128xf32, #tpu.memory_space<hbm>>)
      tpu.yield
    }) : () -> ()
    %mul3A_9 = arith.constant 512 : i32
    %mul3A_10 = arith.muli %add3A, %mul3A_9 : i32
    %add3A_11 = arith.constant 128 : i32
    %add3A_12 = arith.addi %mul3A_10, %add3A_11 : i32
    "tpu.region"() ({
      %run_scoped3A = tpu.sem_alloc : memref<!tpu.dma_semaphore, #tpu.memory_space<semaphore_mem>>
      %dma_start3A_79 = tpu.memref_slice %arg3[%add3A_12] : memref<16384xi32, #tpu.memory_space<hbm>> -> memref<128xi32, #tpu.memory_space<hbm>>
      %dma_start3A_80 = tpu.memref_slice %arg3[%add3A_12] : memref<16384xi32, #tpu.memory_space<hbm>> -> memref<128xi32, #tpu.memory_space<hbm>>
      tpu.enqueue_dma source(%dma_start3A_80 : memref<128xi32, #tpu.memory_space<hbm>>) target(%arg7 : memref<128xi32, #tpu.memory_space<vmem>>) target_semaphore(%run_scoped3A : memref<!tpu.dma_semaphore, #tpu.memory_space<semaphore_mem>>)
      %dma_wait3A_81 = tpu.memref_slice %arg3[%add3A_12] : memref<16384xi32, #tpu.memory_space<hbm>> -> memref<128xi32, #tpu.memory_space<hbm>>
      %dma_wait3A_82 = tpu.memref_slice %arg3[%add3A_12] : memref<16384xi32, #tpu.memory_space<hbm>> -> memref<128xi32, #tpu.memory_space<hbm>>
      tpu.wait_dma2 semaphore(%run_scoped3A : memref<!tpu.dma_semaphore, #tpu.memory_space<semaphore_mem>>) src(%dma_wait3A_82 : memref<128xi32, #tpu.memory_space<hbm>>) dst(%arg7 : memref<128xi32, #tpu.memory_space<vmem>>)
      tpu.yield
    }) : () -> ()
    %dma_start3A_13 = arith.constant 0 : i32
    %dma_start3A_14 = arith.constant 0 : i32
    %dma_start3A_15 = tpu.memref_slice %arg2[%dma_start3A_13, %dma_start3A_14] : memref<10240x128xf32, #tpu.memory_space<hbm>> -> memref<10240x128xf32, #tpu.memory_space<hbm>>
    tpu.enqueue_indirect_dma source(%dma_start3A_15 : memref<10240x128xf32, #tpu.memory_space<hbm>>) target(%arg8 : memref<128x128xf32, #tpu.memory_space<vmem>>) offsets(%arg7 : memref<128xi32, #tpu.memory_space<vmem>>) semaphore(%arg9 : memref<!tpu.dma_semaphore, #tpu.memory_space<semaphore_mem>>)
    %dma_wait3A_16 = arith.constant 0 : i32
    %dma_wait3A_17 = arith.constant 0 : i32
    %dma_wait3A_18 = tpu.memref_slice %arg2[%dma_wait3A_16, %dma_wait3A_17] : memref<10240x128xf32, #tpu.memory_space<hbm>> -> memref<10240x128xf32, #tpu.memory_space<hbm>>
    tpu.wait_indirect_dma semaphore(%arg9 : memref<!tpu.dma_semaphore, #tpu.memory_space<semaphore_mem>>) src(%dma_wait3A_18 : memref<10240x128xf32, #tpu.memory_space<hbm>>) dst(%arg8 : memref<128x128xf32, #tpu.memory_space<vmem>>)
    "tpu.region"() ({
      %run_scoped3A = tpu.sem_alloc : memref<!tpu.dma_semaphore, #tpu.memory_space<semaphore_mem>>
      %dma_start3A_79 = arith.constant 0 : i32
      %dma_start3A_80 = tpu.memref_slice %arg5[%add3A_12, %dma_start3A_79] : memref<16384x128xf32, #tpu.memory_space<hbm>> -> memref<128x128xf32, #tpu.memory_space<hbm>>
      %dma_start3A_81 = arith.constant 0 : i32
      %dma_start3A_82 = tpu.memref_slice %arg5[%add3A_12, %dma_start3A_81] : memref<16384x128xf32, #tpu.memory_space<hbm>> -> memref<128x128xf32, #tpu.memory_space<hbm>>
      tpu.enqueue_dma source(%arg8 : memref<128x128xf32, #tpu.memory_space<vmem>>) target(%dma_start3A_82 : memref<128x128xf32, #tpu.memory_space<hbm>>) target_semaphore(%run_scoped3A : memref<!tpu.dma_semaphore, #tpu.memory_space<semaphore_mem>>)
      %dma_wait3A_83 = arith.constant 0 : i32
      %dma_wait3A_84 = tpu.memref_slice %arg5[%add3A_12, %dma_wait3A_83] : memref<16384x128xf32, #tpu.memory_space<hbm>> -> memref<128x128xf32, #tpu.memory_space<hbm>>
      %dma_wait3A_85 = arith.constant 0 : i32
      %dma_wait3A_86 = tpu.memref_slice %arg5[%add3A_12, %dma_wait3A_85] : memref<16384x128xf32, #tpu.memory_space<hbm>> -> memref<128x128xf32, #tpu.memory_space<hbm>>
      tpu.wait_dma2 semaphore(%run_scoped3A : memref<!tpu.dma_semaphore, #tpu.memory_space<semaphore_mem>>) src(%arg8 : memref<128x128xf32, #tpu.memory_space<vmem>>) dst(%dma_wait3A_86 : memref<128x128xf32, #tpu.memory_space<hbm>>)
      tpu.yield
    }) : () -> ()
    %mul3A_19 = arith.constant 512 : i32
    %mul3A_20 = arith.muli %add3A, %mul3A_19 : i32
    %add3A_21 = arith.constant 256 : i32
    %add3A_22 = arith.addi %mul3A_20, %add3A_21 : i32
    "tpu.region"() ({
      %run_scoped3A = tpu.sem_alloc : memref<!tpu.dma_semaphore, #tpu.memory_space<semaphore_mem>>
      %dma_start3A_79 = tpu.memref_slice %arg3[%add3A_22] : memref<16384xi32, #tpu.memory_space<hbm>> -> memref<128xi32, #tpu.memory_space<hbm>>
      %dma_start3A_80 = tpu.memref_slice %arg3[%add3A_22] : memref<16384xi32, #tpu.memory_space<hbm>> -> memref<128xi32, #tpu.memory_space<hbm>>
      tpu.enqueue_dma source(%dma_start3A_80 : memref<128xi32, #tpu.memory_space<hbm>>) target(%arg7 : memref<128xi32, #tpu.memory_space<vmem>>) target_semaphore(%run_scoped3A : memref<!tpu.dma_semaphore, #tpu.memory_space<semaphore_mem>>)
      %dma_wait3A_81 = tpu.memref_slice %arg3[%add3A_22] : memref<16384xi32, #tpu.memory_space<hbm>> -> memref<128xi32, #tpu.memory_space<hbm>>
      %dma_wait3A_82 = tpu.memref_slice %arg3[%add3A_22] : memref<16384xi32, #tpu.memory_space<hbm>> -> memref<128xi32, #tpu.memory_space<hbm>>
      tpu.wait_dma2 semaphore(%run_scoped3A : memref<!tpu.dma_semaphore, #tpu.memory_space<semaphore_mem>>) src(%dma_wait3A_82 : memref<128xi32, #tpu.memory_space<hbm>>) dst(%arg7 : memref<128xi32, #tpu.memory_space<vmem>>)
      tpu.yield
    }) : () -> ()
    %dma_start3A_23 = arith.constant 0 : i32
    %dma_start3A_24 = arith.constant 0 : i32
    %dma_start3A_25 = tpu.memref_slice %arg2[%dma_start3A_23, %dma_start3A_24] : memref<10240x128xf32, #tpu.memory_space<hbm>> -> memref<10240x128xf32, #tpu.memory_space<hbm>>
    tpu.enqueue_indirect_dma source(%dma_start3A_25 : memref<10240x128xf32, #tpu.memory_space<hbm>>) target(%arg8 : memref<128x128xf32, #tpu.memory_space<vmem>>) offsets(%arg7 : memref<128xi32, #tpu.memory_space<vmem>>) semaphore(%arg9 : memref<!tpu.dma_semaphore, #tpu.memory_space<semaphore_mem>>)
    %dma_wait3A_26 = arith.constant 0 : i32
    %dma_wait3A_27 = arith.constant 0 : i32
    %dma_wait3A_28 = tpu.memref_slice %arg2[%dma_wait3A_26, %dma_wait3A_27] : memref<10240x128xf32, #tpu.memory_space<hbm>> -> memref<10240x128xf32, #tpu.memory_space<hbm>>
    tpu.wait_indirect_dma semaphore(%arg9 : memref<!tpu.dma_semaphore, #tpu.memory_space<semaphore_mem>>) src(%dma_wait3A_28 : memref<10240x128xf32, #tpu.memory_space<hbm>>) dst(%arg8 : memref<128x128xf32, #tpu.memory_space<vmem>>)
    "tpu.region"() ({
      %run_scoped3A = tpu.sem_alloc : memref<!tpu.dma_semaphore, #tpu.memory_space<semaphore_mem>>
      %dma_start3A_79 = arith.constant 0 : i32
      %dma_start3A_80 = tpu.memref_slice %arg5[%add3A_22, %dma_start3A_79] : memref<16384x128xf32, #tpu.memory_space<hbm>> -> memref<128x128xf32, #tpu.memory_space<hbm>>
      %dma_start3A_81 = arith.constant 0 : i32
      %dma_start3A_82 = tpu.memref_slice %arg5[%add3A_22, %dma_start3A_81] : memref<16384x128xf32, #tpu.memory_space<hbm>> -> memref<128x128xf32, #tpu.memory_space<hbm>>
      tpu.enqueue_dma source(%arg8 : memref<128x128xf32, #tpu.memory_space<vmem>>) target(%dma_start3A_82 : memref<128x128xf32, #tpu.memory_space<hbm>>) target_semaphore(%run_scoped3A : memref<!tpu.dma_semaphore, #tpu.memory_space<semaphore_mem>>)
      %dma_wait3A_83 = arith.constant 0 : i32
      %dma_wait3A_84 = tpu.memref_slice %arg5[%add3A_22, %dma_wait3A_83] : memref<16384x128xf32, #tpu.memory_space<hbm>> -> memref<128x128xf32, #tpu.memory_space<hbm>>
      %dma_wait3A_85 = arith.constant 0 : i32
      %dma_wait3A_86 = tpu.memref_slice %arg5[%add3A_22, %dma_wait3A_85] : memref<16384x128xf32, #tpu.memory_space<hbm>> -> memref<128x128xf32, #tpu.memory_space<hbm>>
      tpu.wait_dma2 semaphore(%run_scoped3A : memref<!tpu.dma_semaphore, #tpu.memory_space<semaphore_mem>>) src(%arg8 : memref<128x128xf32, #tpu.memory_space<vmem>>) dst(%dma_wait3A_86 : memref<128x128xf32, #tpu.memory_space<hbm>>)
      tpu.yield
    }) : () -> ()
    %mul3A_29 = arith.constant 512 : i32
    %mul3A_30 = arith.muli %add3A, %mul3A_29 : i32
    %add3A_31 = arith.constant 384 : i32
    %add3A_32 = arith.addi %mul3A_30, %add3A_31 : i32
    "tpu.region"() ({
      %run_scoped3A = tpu.sem_alloc : memref<!tpu.dma_semaphore, #tpu.memory_space<semaphore_mem>>
      %dma_start3A_79 = tpu.memref_slice %arg3[%add3A_32] : memref<16384xi32, #tpu.memory_space<hbm>> -> memref<128xi32, #tpu.memory_space<hbm>>
      %dma_start3A_80 = tpu.memref_slice %arg3[%add3A_32] : memref<16384xi32, #tpu.memory_space<hbm>> -> memref<128xi32, #tpu.memory_space<hbm>>
      tpu.enqueue_dma source(%dma_start3A_80 : memref<128xi32, #tpu.memory_space<hbm>>) target(%arg7 : memref<128xi32, #tpu.memory_space<vmem>>) target_semaphore(%run_scoped3A : memref<!tpu.dma_semaphore, #tpu.memory_space<semaphore_mem>>)
      %dma_wait3A_81 = tpu.memref_slice %arg3[%add3A_32] : memref<16384xi32, #tpu.memory_space<hbm>> -> memref<128xi32, #tpu.memory_space<hbm>>
      %dma_wait3A_82 = tpu.memref_slice %arg3[%add3A_32] : memref<16384xi32, #tpu.memory_space<hbm>> -> memref<128xi32, #tpu.memory_space<hbm>>
      tpu.wait_dma2 semaphore(%run_scoped3A : memref<!tpu.dma_semaphore, #tpu.memory_space<semaphore_mem>>) src(%dma_wait3A_82 : memref<128xi32, #tpu.memory_space<hbm>>) dst(%arg7 : memref<128xi32, #tpu.memory_space<vmem>>)
      tpu.yield
    }) : () -> ()
    %dma_start3A_33 = arith.constant 0 : i32
    %dma_start3A_34 = arith.constant 0 : i32
    %dma_start3A_35 = tpu.memref_slice %arg2[%dma_start3A_33, %dma_start3A_34] : memref<10240x128xf32, #tpu.memory_space<hbm>> -> memref<10240x128xf32, #tpu.memory_space<hbm>>
    tpu.enqueue_indirect_dma source(%dma_start3A_35 : memref<10240x128xf32, #tpu.memory_space<hbm>>) target(%arg8 : memref<128x128xf32, #tpu.memory_space<vmem>>) offsets(%arg7 : memref<128xi32, #tpu.memory_space<vmem>>) semaphore(%arg9 : memref<!tpu.dma_semaphore, #tpu.memory_space<semaphore_mem>>)
    %dma_wait3A_36 = arith.constant 0 : i32
    %dma_wait3A_37 = arith.constant 0 : i32
    %dma_wait3A_38 = tpu.memref_slice %arg2[%dma_wait3A_36, %dma_wait3A_37] : memref<10240x128xf32, #tpu.memory_space<hbm>> -> memref<10240x128xf32, #tpu.memory_space<hbm>>
    tpu.wait_indirect_dma semaphore(%arg9 : memref<!tpu.dma_semaphore, #tpu.memory_space<semaphore_mem>>) src(%dma_wait3A_38 : memref<10240x128xf32, #tpu.memory_space<hbm>>) dst(%arg8 : memref<128x128xf32, #tpu.memory_space<vmem>>)
    "tpu.region"() ({
      %run_scoped3A = tpu.sem_alloc : memref<!tpu.dma_semaphore, #tpu.memory_space<semaphore_mem>>
      %dma_start3A_79 = arith.constant 0 : i32
      %dma_start3A_80 = tpu.memref_slice %arg5[%add3A_32, %dma_start3A_79] : memref<16384x128xf32, #tpu.memory_space<hbm>> -> memref<128x128xf32, #tpu.memory_space<hbm>>
      %dma_start3A_81 = arith.constant 0 : i32
      %dma_start3A_82 = tpu.memref_slice %arg5[%add3A_32, %dma_start3A_81] : memref<16384x128xf32, #tpu.memory_space<hbm>> -> memref<128x128xf32, #tpu.memory_space<hbm>>
      tpu.enqueue_dma source(%arg8 : memref<128x128xf32, #tpu.memory_space<vmem>>) target(%dma_start3A_82 : memref<128x128xf32, #tpu.memory_space<hbm>>) target_semaphore(%run_scoped3A : memref<!tpu.dma_semaphore, #tpu.memory_space<semaphore_mem>>)
      %dma_wait3A_83 = arith.constant 0 : i32
      %dma_wait3A_84 = tpu.memref_slice %arg5[%add3A_32, %dma_wait3A_83] : memref<16384x128xf32, #tpu.memory_space<hbm>> -> memref<128x128xf32, #tpu.memory_space<hbm>>
      %dma_wait3A_85 = arith.constant 0 : i32
      %dma_wait3A_86 = tpu.memref_slice %arg5[%add3A_32, %dma_wait3A_85] : memref<16384x128xf32, #tpu.memory_space<hbm>> -> memref<128x128xf32, #tpu.memory_space<hbm>>
      tpu.wait_dma2 semaphore(%run_scoped3A : memref<!tpu.dma_semaphore, #tpu.memory_space<semaphore_mem>>) src(%arg8 : memref<128x128xf32, #tpu.memory_space<vmem>>) dst(%dma_wait3A_86 : memref<128x128xf32, #tpu.memory_space<hbm>>)
      tpu.yield
    }) : () -> ()
    %mul3A_39 = arith.constant 512 : i32
    %mul3A_40 = arith.muli %add3A, %mul3A_39 : i32
    %add3A_41 = arith.constant 0 : i32
    %add3A_42 = arith.addi %mul3A_40, %add3A_41 : i32
    "tpu.region"() ({
      %run_scoped3A = tpu.sem_alloc : memref<!tpu.dma_semaphore, #tpu.memory_space<semaphore_mem>>
      %dma_start3A_79 = tpu.memref_slice %arg4[%add3A_42] : memref<16384xi32, #tpu.memory_space<hbm>> -> memref<128xi32, #tpu.memory_space<hbm>>
      %dma_start3A_80 = tpu.memref_slice %arg4[%add3A_42] : memref<16384xi32, #tpu.memory_space<hbm>> -> memref<128xi32, #tpu.memory_space<hbm>>
      tpu.enqueue_dma source(%dma_start3A_80 : memref<128xi32, #tpu.memory_space<hbm>>) target(%arg7 : memref<128xi32, #tpu.memory_space<vmem>>) target_semaphore(%run_scoped3A : memref<!tpu.dma_semaphore, #tpu.memory_space<semaphore_mem>>)
      %dma_wait3A_81 = tpu.memref_slice %arg4[%add3A_42] : memref<16384xi32, #tpu.memory_space<hbm>> -> memref<128xi32, #tpu.memory_space<hbm>>
      %dma_wait3A_82 = tpu.memref_slice %arg4[%add3A_42] : memref<16384xi32, #tpu.memory_space<hbm>> -> memref<128xi32, #tpu.memory_space<hbm>>
      tpu.wait_dma2 semaphore(%run_scoped3A : memref<!tpu.dma_semaphore, #tpu.memory_space<semaphore_mem>>) src(%dma_wait3A_82 : memref<128xi32, #tpu.memory_space<hbm>>) dst(%arg7 : memref<128xi32, #tpu.memory_space<vmem>>)
      tpu.yield
    }) : () -> ()
    %dma_start3A_43 = arith.constant 0 : i32
    %dma_start3A_44 = arith.constant 0 : i32
    %dma_start3A_45 = tpu.memref_slice %arg2[%dma_start3A_43, %dma_start3A_44] : memref<10240x128xf32, #tpu.memory_space<hbm>> -> memref<10240x128xf32, #tpu.memory_space<hbm>>
    tpu.enqueue_indirect_dma source(%dma_start3A_45 : memref<10240x128xf32, #tpu.memory_space<hbm>>) target(%arg8 : memref<128x128xf32, #tpu.memory_space<vmem>>) offsets(%arg7 : memref<128xi32, #tpu.memory_space<vmem>>) semaphore(%arg9 : memref<!tpu.dma_semaphore, #tpu.memory_space<semaphore_mem>>)
    %dma_wait3A_46 = arith.constant 0 : i32
    %dma_wait3A_47 = arith.constant 0 : i32
    %dma_wait3A_48 = tpu.memref_slice %arg2[%dma_wait3A_46, %dma_wait3A_47] : memref<10240x128xf32, #tpu.memory_space<hbm>> -> memref<10240x128xf32, #tpu.memory_space<hbm>>
    tpu.wait_indirect_dma semaphore(%arg9 : memref<!tpu.dma_semaphore, #tpu.memory_space<semaphore_mem>>) src(%dma_wait3A_48 : memref<10240x128xf32, #tpu.memory_space<hbm>>) dst(%arg8 : memref<128x128xf32, #tpu.memory_space<vmem>>)
    "tpu.region"() ({
      %run_scoped3A = tpu.sem_alloc : memref<!tpu.dma_semaphore, #tpu.memory_space<semaphore_mem>>
      %dma_start3A_79 = arith.constant 0 : i32
      %dma_start3A_80 = tpu.memref_slice %arg6[%add3A_42, %dma_start3A_79] : memref<16384x128xf32, #tpu.memory_space<hbm>> -> memref<128x128xf32, #tpu.memory_space<hbm>>
      %dma_start3A_81 = arith.constant 0 : i32
      %dma_start3A_82 = tpu.memref_slice %arg6[%add3A_42, %dma_start3A_81] : memref<16384x128xf32, #tpu.memory_space<hbm>> -> memref<128x128xf32, #tpu.memory_space<hbm>>
      tpu.enqueue_dma source(%arg8 : memref<128x128xf32, #tpu.memory_space<vmem>>) target(%dma_start3A_82 : memref<128x128xf32, #tpu.memory_space<hbm>>) target_semaphore(%run_scoped3A : memref<!tpu.dma_semaphore, #tpu.memory_space<semaphore_mem>>)
      %dma_wait3A_83 = arith.constant 0 : i32
      %dma_wait3A_84 = tpu.memref_slice %arg6[%add3A_42, %dma_wait3A_83] : memref<16384x128xf32, #tpu.memory_space<hbm>> -> memref<128x128xf32, #tpu.memory_space<hbm>>
      %dma_wait3A_85 = arith.constant 0 : i32
      %dma_wait3A_86 = tpu.memref_slice %arg6[%add3A_42, %dma_wait3A_85] : memref<16384x128xf32, #tpu.memory_space<hbm>> -> memref<128x128xf32, #tpu.memory_space<hbm>>
      tpu.wait_dma2 semaphore(%run_scoped3A : memref<!tpu.dma_semaphore, #tpu.memory_space<semaphore_mem>>) src(%arg8 : memref<128x128xf32, #tpu.memory_space<vmem>>) dst(%dma_wait3A_86 : memref<128x128xf32, #tpu.memory_space<hbm>>)
      tpu.yield
    }) : () -> ()
    %mul3A_49 = arith.constant 512 : i32
    %mul3A_50 = arith.muli %add3A, %mul3A_49 : i32
    %add3A_51 = arith.constant 128 : i32
    %add3A_52 = arith.addi %mul3A_50, %add3A_51 : i32
    "tpu.region"() ({
      %run_scoped3A = tpu.sem_alloc : memref<!tpu.dma_semaphore, #tpu.memory_space<semaphore_mem>>
      %dma_start3A_79 = tpu.memref_slice %arg4[%add3A_52] : memref<16384xi32, #tpu.memory_space<hbm>> -> memref<128xi32, #tpu.memory_space<hbm>>
      %dma_start3A_80 = tpu.memref_slice %arg4[%add3A_52] : memref<16384xi32, #tpu.memory_space<hbm>> -> memref<128xi32, #tpu.memory_space<hbm>>
      tpu.enqueue_dma source(%dma_start3A_80 : memref<128xi32, #tpu.memory_space<hbm>>) target(%arg7 : memref<128xi32, #tpu.memory_space<vmem>>) target_semaphore(%run_scoped3A : memref<!tpu.dma_semaphore, #tpu.memory_space<semaphore_mem>>)
      %dma_wait3A_81 = tpu.memref_slice %arg4[%add3A_52] : memref<16384xi32, #tpu.memory_space<hbm>> -> memref<128xi32, #tpu.memory_space<hbm>>
      %dma_wait3A_82 = tpu.memref_slice %arg4[%add3A_52] : memref<16384xi32, #tpu.memory_space<hbm>> -> memref<128xi32, #tpu.memory_space<hbm>>
      tpu.wait_dma2 semaphore(%run_scoped3A : memref<!tpu.dma_semaphore, #tpu.memory_space<semaphore_mem>>) src(%dma_wait3A_82 : memref<128xi32, #tpu.memory_space<hbm>>) dst(%arg7 : memref<128xi32, #tpu.memory_space<vmem>>)
      tpu.yield
    }) : () -> ()
    %dma_start3A_53 = arith.constant 0 : i32
    %dma_start3A_54 = arith.constant 0 : i32
    %dma_start3A_55 = tpu.memref_slice %arg2[%dma_start3A_53, %dma_start3A_54] : memref<10240x128xf32, #tpu.memory_space<hbm>> -> memref<10240x128xf32, #tpu.memory_space<hbm>>
    tpu.enqueue_indirect_dma source(%dma_start3A_55 : memref<10240x128xf32, #tpu.memory_space<hbm>>) target(%arg8 : memref<128x128xf32, #tpu.memory_space<vmem>>) offsets(%arg7 : memref<128xi32, #tpu.memory_space<vmem>>) semaphore(%arg9 : memref<!tpu.dma_semaphore, #tpu.memory_space<semaphore_mem>>)
    %dma_wait3A_56 = arith.constant 0 : i32
    %dma_wait3A_57 = arith.constant 0 : i32
    %dma_wait3A_58 = tpu.memref_slice %arg2[%dma_wait3A_56, %dma_wait3A_57] : memref<10240x128xf32, #tpu.memory_space<hbm>> -> memref<10240x128xf32, #tpu.memory_space<hbm>>
    tpu.wait_indirect_dma semaphore(%arg9 : memref<!tpu.dma_semaphore, #tpu.memory_space<semaphore_mem>>) src(%dma_wait3A_58 : memref<10240x128xf32, #tpu.memory_space<hbm>>) dst(%arg8 : memref<128x128xf32, #tpu.memory_space<vmem>>)
    "tpu.region"() ({
      %run_scoped3A = tpu.sem_alloc : memref<!tpu.dma_semaphore, #tpu.memory_space<semaphore_mem>>
      %dma_start3A_79 = arith.constant 0 : i32
      %dma_start3A_80 = tpu.memref_slice %arg6[%add3A_52, %dma_start3A_79] : memref<16384x128xf32, #tpu.memory_space<hbm>> -> memref<128x128xf32, #tpu.memory_space<hbm>>
      %dma_start3A_81 = arith.constant 0 : i32
      %dma_start3A_82 = tpu.memref_slice %arg6[%add3A_52, %dma_start3A_81] : memref<16384x128xf32, #tpu.memory_space<hbm>> -> memref<128x128xf32, #tpu.memory_space<hbm>>
      tpu.enqueue_dma source(%arg8 : memref<128x128xf32, #tpu.memory_space<vmem>>) target(%dma_start3A_82 : memref<128x128xf32, #tpu.memory_space<hbm>>) target_semaphore(%run_scoped3A : memref<!tpu.dma_semaphore, #tpu.memory_space<semaphore_mem>>)
      %dma_wait3A_83 = arith.constant 0 : i32
      %dma_wait3A_84 = tpu.memref_slice %arg6[%add3A_52, %dma_wait3A_83] : memref<16384x128xf32, #tpu.memory_space<hbm>> -> memref<128x128xf32, #tpu.memory_space<hbm>>
      %dma_wait3A_85 = arith.constant 0 : i32
      %dma_wait3A_86 = tpu.memref_slice %arg6[%add3A_52, %dma_wait3A_85] : memref<16384x128xf32, #tpu.memory_space<hbm>> -> memref<128x128xf32, #tpu.memory_space<hbm>>
      tpu.wait_dma2 semaphore(%run_scoped3A : memref<!tpu.dma_semaphore, #tpu.memory_space<semaphore_mem>>) src(%arg8 : memref<128x128xf32, #tpu.memory_space<vmem>>) dst(%dma_wait3A_86 : memref<128x128xf32, #tpu.memory_space<hbm>>)
      tpu.yield
    }) : () -> ()
    %mul3A_59 = arith.constant 512 : i32
    %mul3A_60 = arith.muli %add3A, %mul3A_59 : i32
    %add3A_61 = arith.constant 256 : i32
    %add3A_62 = arith.addi %mul3A_60, %add3A_61 : i32
    "tpu.region"() ({
      %run_scoped3A = tpu.sem_alloc : memref<!tpu.dma_semaphore, #tpu.memory_space<semaphore_mem>>
      %dma_start3A_79 = tpu.memref_slice %arg4[%add3A_62] : memref<16384xi32, #tpu.memory_space<hbm>> -> memref<128xi32, #tpu.memory_space<hbm>>
      %dma_start3A_80 = tpu.memref_slice %arg4[%add3A_62] : memref<16384xi32, #tpu.memory_space<hbm>> -> memref<128xi32, #tpu.memory_space<hbm>>
      tpu.enqueue_dma source(%dma_start3A_80 : memref<128xi32, #tpu.memory_space<hbm>>) target(%arg7 : memref<128xi32, #tpu.memory_space<vmem>>) target_semaphore(%run_scoped3A : memref<!tpu.dma_semaphore, #tpu.memory_space<semaphore_mem>>)
      %dma_wait3A_81 = tpu.memref_slice %arg4[%add3A_62] : memref<16384xi32, #tpu.memory_space<hbm>> -> memref<128xi32, #tpu.memory_space<hbm>>
      %dma_wait3A_82 = tpu.memref_slice %arg4[%add3A_62] : memref<16384xi32, #tpu.memory_space<hbm>> -> memref<128xi32, #tpu.memory_space<hbm>>
      tpu.wait_dma2 semaphore(%run_scoped3A : memref<!tpu.dma_semaphore, #tpu.memory_space<semaphore_mem>>) src(%dma_wait3A_82 : memref<128xi32, #tpu.memory_space<hbm>>) dst(%arg7 : memref<128xi32, #tpu.memory_space<vmem>>)
      tpu.yield
    }) : () -> ()
    %dma_start3A_63 = arith.constant 0 : i32
    %dma_start3A_64 = arith.constant 0 : i32
    %dma_start3A_65 = tpu.memref_slice %arg2[%dma_start3A_63, %dma_start3A_64] : memref<10240x128xf32, #tpu.memory_space<hbm>> -> memref<10240x128xf32, #tpu.memory_space<hbm>>
    tpu.enqueue_indirect_dma source(%dma_start3A_65 : memref<10240x128xf32, #tpu.memory_space<hbm>>) target(%arg8 : memref<128x128xf32, #tpu.memory_space<vmem>>) offsets(%arg7 : memref<128xi32, #tpu.memory_space<vmem>>) semaphore(%arg9 : memref<!tpu.dma_semaphore, #tpu.memory_space<semaphore_mem>>)
    %dma_wait3A_66 = arith.constant 0 : i32
    %dma_wait3A_67 = arith.constant 0 : i32
    %dma_wait3A_68 = tpu.memref_slice %arg2[%dma_wait3A_66, %dma_wait3A_67] : memref<10240x128xf32, #tpu.memory_space<hbm>> -> memref<10240x128xf32, #tpu.memory_space<hbm>>
    tpu.wait_indirect_dma semaphore(%arg9 : memref<!tpu.dma_semaphore, #tpu.memory_space<semaphore_mem>>) src(%dma_wait3A_68 : memref<10240x128xf32, #tpu.memory_space<hbm>>) dst(%arg8 : memref<128x128xf32, #tpu.memory_space<vmem>>)
    "tpu.region"() ({
      %run_scoped3A = tpu.sem_alloc : memref<!tpu.dma_semaphore, #tpu.memory_space<semaphore_mem>>
      %dma_start3A_79 = arith.constant 0 : i32
      %dma_start3A_80 = tpu.memref_slice %arg6[%add3A_62, %dma_start3A_79] : memref<16384x128xf32, #tpu.memory_space<hbm>> -> memref<128x128xf32, #tpu.memory_space<hbm>>
      %dma_start3A_81 = arith.constant 0 : i32
      %dma_start3A_82 = tpu.memref_slice %arg6[%add3A_62, %dma_start3A_81] : memref<16384x128xf32, #tpu.memory_space<hbm>> -> memref<128x128xf32, #tpu.memory_space<hbm>>
      tpu.enqueue_dma source(%arg8 : memref<128x128xf32, #tpu.memory_space<vmem>>) target(%dma_start3A_82 : memref<128x128xf32, #tpu.memory_space<hbm>>) target_semaphore(%run_scoped3A : memref<!tpu.dma_semaphore, #tpu.memory_space<semaphore_mem>>)
      %dma_wait3A_83 = arith.constant 0 : i32
      %dma_wait3A_84 = tpu.memref_slice %arg6[%add3A_62, %dma_wait3A_83] : memref<16384x128xf32, #tpu.memory_space<hbm>> -> memref<128x128xf32, #tpu.memory_space<hbm>>
      %dma_wait3A_85 = arith.constant 0 : i32
      %dma_wait3A_86 = tpu.memref_slice %arg6[%add3A_62, %dma_wait3A_85] : memref<16384x128xf32, #tpu.memory_space<hbm>> -> memref<128x128xf32, #tpu.memory_space<hbm>>
      tpu.wait_dma2 semaphore(%run_scoped3A : memref<!tpu.dma_semaphore, #tpu.memory_space<semaphore_mem>>) src(%arg8 : memref<128x128xf32, #tpu.memory_space<vmem>>) dst(%dma_wait3A_86 : memref<128x128xf32, #tpu.memory_space<hbm>>)
      tpu.yield
    }) : () -> ()
    %mul3A_69 = arith.constant 512 : i32
    %mul3A_70 = arith.muli %add3A, %mul3A_69 : i32
    %add3A_71 = arith.constant 384 : i32
    %add3A_72 = arith.addi %mul3A_70, %add3A_71 : i32
    "tpu.region"() ({
      %run_scoped3A = tpu.sem_alloc : memref<!tpu.dma_semaphore, #tpu.memory_space<semaphore_mem>>
      %dma_start3A_79 = tpu.memref_slice %arg4[%add3A_72] : memref<16384xi32, #tpu.memory_space<hbm>> -> memref<128xi32, #tpu.memory_space<hbm>>
      %dma_start3A_80 = tpu.memref_slice %arg4[%add3A_72] : memref<16384xi32, #tpu.memory_space<hbm>> -> memref<128xi32, #tpu.memory_space<hbm>>
      tpu.enqueue_dma source(%dma_start3A_80 : memref<128xi32, #tpu.memory_space<hbm>>) target(%arg7 : memref<128xi32, #tpu.memory_space<vmem>>) target_semaphore(%run_scoped3A : memref<!tpu.dma_semaphore, #tpu.memory_space<semaphore_mem>>)
      %dma_wait3A_81 = tpu.memref_slice %arg4[%add3A_72] : memref<16384xi32, #tpu.memory_space<hbm>> -> memref<128xi32, #tpu.memory_space<hbm>>
      %dma_wait3A_82 = tpu.memref_slice %arg4[%add3A_72] : memref<16384xi32, #tpu.memory_space<hbm>> -> memref<128xi32, #tpu.memory_space<hbm>>
      tpu.wait_dma2 semaphore(%run_scoped3A : memref<!tpu.dma_semaphore, #tpu.memory_space<semaphore_mem>>) src(%dma_wait3A_82 : memref<128xi32, #tpu.memory_space<hbm>>) dst(%arg7 : memref<128xi32, #tpu.memory_space<vmem>>)
      tpu.yield
    }) : () -> ()
    %dma_start3A_73 = arith.constant 0 : i32
    %dma_start3A_74 = arith.constant 0 : i32
    %dma_start3A_75 = tpu.memref_slice %arg2[%dma_start3A_73, %dma_start3A_74] : memref<10240x128xf32, #tpu.memory_space<hbm>> -> memref<10240x128xf32, #tpu.memory_space<hbm>>
    tpu.enqueue_indirect_dma source(%dma_start3A_75 : memref<10240x128xf32, #tpu.memory_space<hbm>>) target(%arg8 : memref<128x128xf32, #tpu.memory_space<vmem>>) offsets(%arg7 : memref<128xi32, #tpu.memory_space<vmem>>) semaphore(%arg9 : memref<!tpu.dma_semaphore, #tpu.memory_space<semaphore_mem>>)
    %dma_wait3A_76 = arith.constant 0 : i32
    %dma_wait3A_77 = arith.constant 0 : i32
    %dma_wait3A_78 = tpu.memref_slice %arg2[%dma_wait3A_76, %dma_wait3A_77] : memref<10240x128xf32, #tpu.memory_space<hbm>> -> memref<10240x128xf32, #tpu.memory_space<hbm>>
    tpu.wait_indirect_dma semaphore(%arg9 : memref<!tpu.dma_semaphore, #tpu.memory_space<semaphore_mem>>) src(%dma_wait3A_78 : memref<10240x128xf32, #tpu.memory_space<hbm>>) dst(%arg8 : memref<128x128xf32, #tpu.memory_space<vmem>>)
    "tpu.region"() ({
      %run_scoped3A = tpu.sem_alloc : memref<!tpu.dma_semaphore, #tpu.memory_space<semaphore_mem>>
      %dma_start3A_79 = arith.constant 0 : i32
      %dma_start3A_80 = tpu.memref_slice %arg6[%add3A_72, %dma_start3A_79] : memref<16384x128xf32, #tpu.memory_space<hbm>> -> memref<128x128xf32, #tpu.memory_space<hbm>>
      %dma_start3A_81 = arith.constant 0 : i32
      %dma_start3A_82 = tpu.memref_slice %arg6[%add3A_72, %dma_start3A_81] : memref<16384x128xf32, #tpu.memory_space<hbm>> -> memref<128x128xf32, #tpu.memory_space<hbm>>
      tpu.enqueue_dma source(%arg8 : memref<128x128xf32, #tpu.memory_space<vmem>>) target(%dma_start3A_82 : memref<128x128xf32, #tpu.memory_space<hbm>>) target_semaphore(%run_scoped3A : memref<!tpu.dma_semaphore, #tpu.memory_space<semaphore_mem>>)
      %dma_wait3A_83 = arith.constant 0 : i32
      %dma_wait3A_84 = tpu.memref_slice %arg6[%add3A_72, %dma_wait3A_83] : memref<16384x128xf32, #tpu.memory_space<hbm>> -> memref<128x128xf32, #tpu.memory_space<hbm>>
      %dma_wait3A_85 = arith.constant 0 : i32
      %dma_wait3A_86 = tpu.memref_slice %arg6[%add3A_72, %dma_wait3A_85] : memref<16384x128xf32, #tpu.memory_space<hbm>> -> memref<128x128xf32, #tpu.memory_space<hbm>>
      tpu.wait_dma2 semaphore(%run_scoped3A : memref<!tpu.dma_semaphore, #tpu.memory_space<semaphore_mem>>) src(%arg8 : memref<128x128xf32, #tpu.memory_space<vmem>>) dst(%dma_wait3A_86 : memref<128x128xf32, #tpu.memory_space<hbm>>)
      tpu.yield
    }) : () -> ()
    return
  }
}

#map = affine_map<(d0, d1) -> (0, 0)>
#map1 = affine_map<(d0, d1) -> (0, 0, 0)>
module attributes {stable_mosaic.version = 14 : i64} {
  func.func @_msg_kernel(%arg0: i32, %arg1: i32, %arg2: memref<10240x128xf32, #tpu.memory_space<hbm>>, %arg3: memref<2560x128xi32, #tpu.memory_space<hbm>>, %arg4: memref<2560x128xi32, #tpu.memory_space<hbm>>, %arg5: memref<10240x128xf32, #tpu.memory_space<hbm>>, %arg6: memref<2x10240x128xf32, #tpu.memory_space<hbm>>, %arg7: memref<40x128xi32, #tpu.memory_space<vmem>>, %arg8: memref<40x128xi32, #tpu.memory_space<vmem>>, %arg9: memref<2x128x128xf32, #tpu.memory_space<vmem>>, %arg10: memref<10240x128xf32, #tpu.memory_space<vmem_shared>>, %arg11: memref<!tpu.dma_semaphore, #tpu.memory_space<semaphore_mem>>, %arg12: memref<!tpu.dma_semaphore, #tpu.memory_space<semaphore_mem>>) attributes {dimension_semantics = [#tpu.dimension_semantics<core_parallel>, #tpu.dimension_semantics<subcore_parallel>], iteration_bounds = array<i64: 2, 16>, scalar_prefetch = 0 : i64, scratch_operands = 6 : i64, tpu.core_type = #tpu.core_type<sc_vector_subcore>, window_params = [{transform_indices = #map}, {transform_indices = #map}, {transform_indices = #map}, {transform_indices = #map}, {transform_indices = #map1}]} {
    %mul3A = arith.constant 640 : i32
    %mul3A_0 = arith.muli %arg1, %mul3A : i32
    %mul3A_1 = arith.constant 640 : i32
    %mul3A_2 = arith.muli %arg1, %mul3A_1 : i32
    "tpu.region"() ({
      %run_scoped3A = tpu.sem_alloc : memref<!tpu.dma_semaphore, #tpu.memory_space<semaphore_mem>>
      %dma_start3A = arith.constant 0 : i32
      %dma_start3A_15 = tpu.memref_slice %arg10[%mul3A_2, %dma_start3A] : memref<10240x128xf32, #tpu.memory_space<vmem_shared>> -> memref<640x128xf32, #tpu.memory_space<vmem_shared>>
      %dma_start3A_16 = arith.constant 0 : i32
      %dma_start3A_17 = tpu.memref_slice %arg5[%mul3A_0, %dma_start3A_16] : memref<10240x128xf32, #tpu.memory_space<hbm>> -> memref<640x128xf32, #tpu.memory_space<hbm>>
      tpu.enqueue_dma source(%dma_start3A_17 : memref<640x128xf32, #tpu.memory_space<hbm>>) target(%dma_start3A_15 : memref<640x128xf32, #tpu.memory_space<vmem_shared>>) target_semaphore(%run_scoped3A : memref<!tpu.dma_semaphore, #tpu.memory_space<semaphore_mem>>)
      %dma_wait3A = arith.constant 0 : i32
      %dma_wait3A_18 = tpu.memref_slice %arg10[%mul3A_2, %dma_wait3A] : memref<10240x128xf32, #tpu.memory_space<vmem_shared>> -> memref<640x128xf32, #tpu.memory_space<vmem_shared>>
      %dma_wait3A_19 = arith.constant 0 : i32
      %dma_wait3A_20 = tpu.memref_slice %arg5[%mul3A_0, %dma_wait3A_19] : memref<10240x128xf32, #tpu.memory_space<hbm>> -> memref<640x128xf32, #tpu.memory_space<hbm>>
      tpu.wait_dma2 semaphore(%run_scoped3A : memref<!tpu.dma_semaphore, #tpu.memory_space<semaphore_mem>>) src(%dma_wait3A_20 : memref<640x128xf32, #tpu.memory_space<hbm>>) dst(%dma_wait3A_18 : memref<640x128xf32, #tpu.memory_space<vmem_shared>>)
      tpu.yield
    }) : () -> ()
    %barrier3A = arith.constant 0 : index
    tpu.barrier barrier_id(%barrier3A)
    %eq3A = arith.constant 0 : i32
    %eq3A_3 = arith.cmpi eq, %arg0, %eq3A : i32
    %convert_element_type3A = arith.extui %eq3A_3 : i1 to i32
    %cond3A = arith.constant 0 : i32
    %cond3A_4 = arith.cmpi ne, %convert_element_type3A, %cond3A : i32
    scf.if %cond3A_4 {
      %mul3A_15 = arith.constant 120 : i32
      %mul3A_16 = arith.muli %arg1, %mul3A_15 : i32
      %add3A = arith.constant 0 : i32
      %add3A_17 = arith.addi %add3A, %mul3A_16 : i32
      %add3A_18 = arith.constant 0 : i32
      %add3A_19 = arith.addi %add3A_17, %add3A_18 : i32
      "tpu.region"() ({
        %run_scoped3A = tpu.sem_alloc : memref<!tpu.dma_semaphore, #tpu.memory_space<semaphore_mem>>
        %dma_start3A = arith.constant 0 : i32
        %dma_start3A_47 = tpu.memref_slice %arg3[%add3A_19, %dma_start3A] : memref<2560x128xi32, #tpu.memory_space<hbm>> -> memref<40x128xi32, #tpu.memory_space<hbm>>
        %dma_start3A_48 = arith.constant 0 : i32
        %dma_start3A_49 = tpu.memref_slice %arg3[%add3A_19, %dma_start3A_48] : memref<2560x128xi32, #tpu.memory_space<hbm>> -> memref<40x128xi32, #tpu.memory_space<hbm>>
        tpu.enqueue_dma source(%dma_start3A_49 : memref<40x128xi32, #tpu.memory_space<hbm>>) target(%arg7 : memref<40x128xi32, #tpu.memory_space<vmem>>) target_semaphore(%run_scoped3A : memref<!tpu.dma_semaphore, #tpu.memory_space<semaphore_mem>>)
        %dma_wait3A = arith.constant 0 : i32
        %dma_wait3A_50 = tpu.memref_slice %arg3[%add3A_19, %dma_wait3A] : memref<2560x128xi32, #tpu.memory_space<hbm>> -> memref<40x128xi32, #tpu.memory_space<hbm>>
        %dma_wait3A_51 = arith.constant 0 : i32
        %dma_wait3A_52 = tpu.memref_slice %arg3[%add3A_19, %dma_wait3A_51] : memref<2560x128xi32, #tpu.memory_space<hbm>> -> memref<40x128xi32, #tpu.memory_space<hbm>>
        tpu.wait_dma2 semaphore(%run_scoped3A : memref<!tpu.dma_semaphore, #tpu.memory_space<semaphore_mem>>) src(%dma_wait3A_52 : memref<40x128xi32, #tpu.memory_space<hbm>>) dst(%arg7 : memref<40x128xi32, #tpu.memory_space<vmem>>)
        tpu.yield
      }) : () -> ()
      %add3A_20 = arith.constant 0 : i32
      %add3A_21 = arith.addi %add3A_17, %add3A_20 : i32
      "tpu.region"() ({
        %run_scoped3A = tpu.sem_alloc : memref<!tpu.dma_semaphore, #tpu.memory_space<semaphore_mem>>
        %dma_start3A = arith.constant 0 : i32
        %dma_start3A_47 = tpu.memref_slice %arg4[%add3A_21, %dma_start3A] : memref<2560x128xi32, #tpu.memory_space<hbm>> -> memref<40x128xi32, #tpu.memory_space<hbm>>
        %dma_start3A_48 = arith.constant 0 : i32
        %dma_start3A_49 = tpu.memref_slice %arg4[%add3A_21, %dma_start3A_48] : memref<2560x128xi32, #tpu.memory_space<hbm>> -> memref<40x128xi32, #tpu.memory_space<hbm>>
        tpu.enqueue_dma source(%dma_start3A_49 : memref<40x128xi32, #tpu.memory_space<hbm>>) target(%arg8 : memref<40x128xi32, #tpu.memory_space<vmem>>) target_semaphore(%run_scoped3A : memref<!tpu.dma_semaphore, #tpu.memory_space<semaphore_mem>>)
        %dma_wait3A = arith.constant 0 : i32
        %dma_wait3A_50 = tpu.memref_slice %arg4[%add3A_21, %dma_wait3A] : memref<2560x128xi32, #tpu.memory_space<hbm>> -> memref<40x128xi32, #tpu.memory_space<hbm>>
        %dma_wait3A_51 = arith.constant 0 : i32
        %dma_wait3A_52 = tpu.memref_slice %arg4[%add3A_21, %dma_wait3A_51] : memref<2560x128xi32, #tpu.memory_space<hbm>> -> memref<40x128xi32, #tpu.memory_space<hbm>>
        tpu.wait_dma2 semaphore(%run_scoped3A : memref<!tpu.dma_semaphore, #tpu.memory_space<semaphore_mem>>) src(%dma_wait3A_52 : memref<40x128xi32, #tpu.memory_space<hbm>>) dst(%arg8 : memref<40x128xi32, #tpu.memory_space<vmem>>)
        tpu.yield
      }) : () -> ()
      %scan3A = arith.constant 0 : i32
      %scan3A_22 = arith.constant 0 : i32
      %scan3A_23 = arith.constant 20 : i32
      %scan3A_24 = arith.addi %scan3A_22, %scan3A_23 : i32
      %scan3A_25 = arith.constant 1 : i32
      scf.for %scan3A_47 = %scan3A_22 to %scan3A_24 step %scan3A_25  : i32 {
        %mul3A_48 = arith.constant 2 : i32
        %mul3A_49 = arith.muli %scan3A_47, %mul3A_48 : i32
        %add3A_50 = arith.constant 0 : i32
        %add3A_51 = arith.addi %mul3A_49, %add3A_50 : i32
        %dma_start3A = arith.constant 0 : i32
        %dma_start3A_52 = arith.constant 0 : i32
        %dma_start3A_53 = arith.constant 0 : i32
        %dma_start3A_54 = tpu.memref_slice %arg9[%dma_start3A, %dma_start3A_52, %dma_start3A_53] : memref<2x128x128xf32, #tpu.memory_space<vmem>> -> memref<1x128x128xf32, #tpu.memory_space<vmem>>
        %dma_start3A_55 = tpu.memref_squeeze %dma_start3A_54 : memref<1x128x128xf32, #tpu.memory_space<vmem>> -> memref<128x128xf32, #tpu.memory_space<vmem>>
        %dma_start3A_56 = arith.constant 0 : i32
        %dma_start3A_57 = tpu.memref_slice %arg7[%add3A_51, %dma_start3A_56] : memref<40x128xi32, #tpu.memory_space<vmem>> -> memref<1x128xi32, #tpu.memory_space<vmem>>
        %dma_start3A_58 = tpu.memref_squeeze %dma_start3A_57 : memref<1x128xi32, #tpu.memory_space<vmem>> -> memref<128xi32, #tpu.memory_space<vmem>>
        %dma_start3A_59 = arith.constant 0 : i32
        %dma_start3A_60 = arith.constant 0 : i32
        %dma_start3A_61 = tpu.memref_slice %arg2[%dma_start3A_59, %dma_start3A_60] : memref<10240x128xf32, #tpu.memory_space<hbm>> -> memref<10240x128xf32, #tpu.memory_space<hbm>>
        tpu.enqueue_indirect_dma source(%dma_start3A_61 : memref<10240x128xf32, #tpu.memory_space<hbm>>) target(%dma_start3A_55 : memref<128x128xf32, #tpu.memory_space<vmem>>) offsets(%dma_start3A_58 : memref<128xi32, #tpu.memory_space<vmem>>) semaphore(%arg11 : memref<!tpu.dma_semaphore, #tpu.memory_space<semaphore_mem>>)
        %mul3A_62 = arith.constant 2 : i32
        %mul3A_63 = arith.muli %scan3A_47, %mul3A_62 : i32
        %add3A_64 = arith.constant 1 : i32
        %add3A_65 = arith.addi %mul3A_63, %add3A_64 : i32
        %dma_start3A_66 = arith.constant 1 : i32
        %dma_start3A_67 = arith.constant 0 : i32
        %dma_start3A_68 = arith.constant 0 : i32
        %dma_start3A_69 = tpu.memref_slice %arg9[%dma_start3A_66, %dma_start3A_67, %dma_start3A_68] : memref<2x128x128xf32, #tpu.memory_space<vmem>> -> memref<1x128x128xf32, #tpu.memory_space<vmem>>
        %dma_start3A_70 = tpu.memref_squeeze %dma_start3A_69 : memref<1x128x128xf32, #tpu.memory_space<vmem>> -> memref<128x128xf32, #tpu.memory_space<vmem>>
        %dma_start3A_71 = arith.constant 0 : i32
        %dma_start3A_72 = tpu.memref_slice %arg7[%add3A_65, %dma_start3A_71] : memref<40x128xi32, #tpu.memory_space<vmem>> -> memref<1x128xi32, #tpu.memory_space<vmem>>
        %dma_start3A_73 = tpu.memref_squeeze %dma_start3A_72 : memref<1x128xi32, #tpu.memory_space<vmem>> -> memref<128xi32, #tpu.memory_space<vmem>>
        %dma_start3A_74 = arith.constant 0 : i32
        %dma_start3A_75 = arith.constant 0 : i32
        %dma_start3A_76 = tpu.memref_slice %arg2[%dma_start3A_74, %dma_start3A_75] : memref<10240x128xf32, #tpu.memory_space<hbm>> -> memref<10240x128xf32, #tpu.memory_space<hbm>>
        tpu.enqueue_indirect_dma source(%dma_start3A_76 : memref<10240x128xf32, #tpu.memory_space<hbm>>) target(%dma_start3A_70 : memref<128x128xf32, #tpu.memory_space<vmem>>) offsets(%dma_start3A_73 : memref<128xi32, #tpu.memory_space<vmem>>) semaphore(%arg12 : memref<!tpu.dma_semaphore, #tpu.memory_space<semaphore_mem>>)
        %dma_wait3A = arith.constant 0 : i32
        %dma_wait3A_77 = arith.constant 0 : i32
        %dma_wait3A_78 = arith.constant 0 : i32
        %dma_wait3A_79 = tpu.memref_slice %arg9[%dma_wait3A, %dma_wait3A_77, %dma_wait3A_78] : memref<2x128x128xf32, #tpu.memory_space<vmem>> -> memref<1x128x128xf32, #tpu.memory_space<vmem>>
        %dma_wait3A_80 = tpu.memref_squeeze %dma_wait3A_79 : memref<1x128x128xf32, #tpu.memory_space<vmem>> -> memref<128x128xf32, #tpu.memory_space<vmem>>
        %dma_wait3A_81 = arith.constant 0 : i32
        %dma_wait3A_82 = tpu.memref_slice %arg7[%add3A_51, %dma_wait3A_81] : memref<40x128xi32, #tpu.memory_space<vmem>> -> memref<1x128xi32, #tpu.memory_space<vmem>>
        %dma_wait3A_83 = tpu.memref_squeeze %dma_wait3A_82 : memref<1x128xi32, #tpu.memory_space<vmem>> -> memref<128xi32, #tpu.memory_space<vmem>>
        %dma_wait3A_84 = arith.constant 0 : i32
        %dma_wait3A_85 = arith.constant 0 : i32
        %dma_wait3A_86 = tpu.memref_slice %arg2[%dma_wait3A_84, %dma_wait3A_85] : memref<10240x128xf32, #tpu.memory_space<hbm>> -> memref<10240x128xf32, #tpu.memory_space<hbm>>
        tpu.wait_indirect_dma semaphore(%arg11 : memref<!tpu.dma_semaphore, #tpu.memory_space<semaphore_mem>>) src(%dma_wait3A_86 : memref<10240x128xf32, #tpu.memory_space<hbm>>) dst(%dma_wait3A_80 : memref<128x128xf32, #tpu.memory_space<vmem>>)
        %mul3A_87 = arith.constant 2 : i32
        %mul3A_88 = arith.muli %scan3A_47, %mul3A_87 : i32
        %add3A_89 = arith.constant 0 : i32
        %add3A_90 = arith.addi %mul3A_88, %add3A_89 : i32
        %run_scoped3A = arith.constant 0 : i32
        "tpu.region"() ({
          %run_scoped3A_107 = tpu.sem_alloc : memref<!tpu.dma_semaphore, #tpu.memory_space<semaphore_mem>>
          %dma_start3A_108 = arith.constant 0 : i32
          %dma_start3A_109 = arith.constant 0 : i32
          %dma_start3A_110 = tpu.memref_slice %arg9[%run_scoped3A, %dma_start3A_108, %dma_start3A_109] : memref<2x128x128xf32, #tpu.memory_space<vmem>> -> memref<1x128x128xf32, #tpu.memory_space<vmem>>
          %dma_start3A_111 = tpu.memref_squeeze %dma_start3A_110 : memref<1x128x128xf32, #tpu.memory_space<vmem>> -> memref<128x128xf32, #tpu.memory_space<vmem>>
          %dma_start3A_112 = arith.constant 0 : i32
          %dma_start3A_113 = tpu.memref_slice %arg8[%add3A_90, %dma_start3A_112] : memref<40x128xi32, #tpu.memory_space<vmem>> -> memref<1x128xi32, #tpu.memory_space<vmem>>
          %dma_start3A_114 = tpu.memref_squeeze %dma_start3A_113 : memref<1x128xi32, #tpu.memory_space<vmem>> -> memref<128xi32, #tpu.memory_space<vmem>>
          %dma_start3A_115 = arith.constant 0 : i32
          %dma_start3A_116 = arith.constant 0 : i32
          %dma_start3A_117 = tpu.memref_slice %arg10[%dma_start3A_115, %dma_start3A_116] : memref<10240x128xf32, #tpu.memory_space<vmem_shared>> -> memref<10240x128xf32, #tpu.memory_space<vmem_shared>>
          tpu.enqueue_indirect_dma source(%dma_start3A_111 : memref<128x128xf32, #tpu.memory_space<vmem>>) target(%dma_start3A_117 : memref<10240x128xf32, #tpu.memory_space<vmem_shared>>) offsets(%dma_start3A_114 : memref<128xi32, #tpu.memory_space<vmem>>) semaphore(%run_scoped3A_107 : memref<!tpu.dma_semaphore, #tpu.memory_space<semaphore_mem>>) {add = true}
          %dma_wait3A_118 = arith.constant 0 : i32
          %dma_wait3A_119 = arith.constant 0 : i32
          %dma_wait3A_120 = tpu.memref_slice %arg9[%run_scoped3A, %dma_wait3A_118, %dma_wait3A_119] : memref<2x128x128xf32, #tpu.memory_space<vmem>> -> memref<1x128x128xf32, #tpu.memory_space<vmem>>
          %dma_wait3A_121 = tpu.memref_squeeze %dma_wait3A_120 : memref<1x128x128xf32, #tpu.memory_space<vmem>> -> memref<128x128xf32, #tpu.memory_space<vmem>>
          %dma_wait3A_122 = arith.constant 0 : i32
          %dma_wait3A_123 = tpu.memref_slice %arg8[%add3A_90, %dma_wait3A_122] : memref<40x128xi32, #tpu.memory_space<vmem>> -> memref<1x128xi32, #tpu.memory_space<vmem>>
          %dma_wait3A_124 = tpu.memref_squeeze %dma_wait3A_123 : memref<1x128xi32, #tpu.memory_space<vmem>> -> memref<128xi32, #tpu.memory_space<vmem>>
          %dma_wait3A_125 = arith.constant 0 : i32
          %dma_wait3A_126 = arith.constant 0 : i32
          %dma_wait3A_127 = tpu.memref_slice %arg10[%dma_wait3A_125, %dma_wait3A_126] : memref<10240x128xf32, #tpu.memory_space<vmem_shared>> -> memref<10240x128xf32, #tpu.memory_space<vmem_shared>>
          tpu.wait_indirect_dma semaphore(%run_scoped3A_107 : memref<!tpu.dma_semaphore, #tpu.memory_space<semaphore_mem>>) src(%dma_wait3A_121 : memref<128x128xf32, #tpu.memory_space<vmem>>) dst(%dma_wait3A_127 : memref<10240x128xf32, #tpu.memory_space<vmem_shared>>)
          tpu.yield
        }) : () -> ()
        %dma_wait3A_91 = arith.constant 1 : i32
        %dma_wait3A_92 = arith.constant 0 : i32
        %dma_wait3A_93 = arith.constant 0 : i32
        %dma_wait3A_94 = tpu.memref_slice %arg9[%dma_wait3A_91, %dma_wait3A_92, %dma_wait3A_93] : memref<2x128x128xf32, #tpu.memory_space<vmem>> -> memref<1x128x128xf32, #tpu.memory_space<vmem>>
        %dma_wait3A_95 = tpu.memref_squeeze %dma_wait3A_94 : memref<1x128x128xf32, #tpu.memory_space<vmem>> -> memref<128x128xf32, #tpu.memory_space<vmem>>
        %dma_wait3A_96 = arith.constant 0 : i32
        %dma_wait3A_97 = tpu.memref_slice %arg7[%add3A_65, %dma_wait3A_96] : memref<40x128xi32, #tpu.memory_space<vmem>> -> memref<1x128xi32, #tpu.memory_space<vmem>>
        %dma_wait3A_98 = tpu.memref_squeeze %dma_wait3A_97 : memref<1x128xi32, #tpu.memory_space<vmem>> -> memref<128xi32, #tpu.memory_space<vmem>>
        %dma_wait3A_99 = arith.constant 0 : i32
        %dma_wait3A_100 = arith.constant 0 : i32
        %dma_wait3A_101 = tpu.memref_slice %arg2[%dma_wait3A_99, %dma_wait3A_100] : memref<10240x128xf32, #tpu.memory_space<hbm>> -> memref<10240x128xf32, #tpu.memory_space<hbm>>
        tpu.wait_indirect_dma semaphore(%arg12 : memref<!tpu.dma_semaphore, #tpu.memory_space<semaphore_mem>>) src(%dma_wait3A_101 : memref<10240x128xf32, #tpu.memory_space<hbm>>) dst(%dma_wait3A_95 : memref<128x128xf32, #tpu.memory_space<vmem>>)
        %mul3A_102 = arith.constant 2 : i32
        %mul3A_103 = arith.muli %scan3A_47, %mul3A_102 : i32
        %add3A_104 = arith.constant 1 : i32
        %add3A_105 = arith.addi %mul3A_103, %add3A_104 : i32
        %run_scoped3A_106 = arith.constant 1 : i32
        "tpu.region"() ({
          %run_scoped3A_107 = tpu.sem_alloc : memref<!tpu.dma_semaphore, #tpu.memory_space<semaphore_mem>>
          %dma_start3A_108 = arith.constant 0 : i32
          %dma_start3A_109 = arith.constant 0 : i32
          %dma_start3A_110 = tpu.memref_slice %arg9[%run_scoped3A_106, %dma_start3A_108, %dma_start3A_109] : memref<2x128x128xf32, #tpu.memory_space<vmem>> -> memref<1x128x128xf32, #tpu.memory_space<vmem>>
          %dma_start3A_111 = tpu.memref_squeeze %dma_start3A_110 : memref<1x128x128xf32, #tpu.memory_space<vmem>> -> memref<128x128xf32, #tpu.memory_space<vmem>>
          %dma_start3A_112 = arith.constant 0 : i32
          %dma_start3A_113 = tpu.memref_slice %arg8[%add3A_105, %dma_start3A_112] : memref<40x128xi32, #tpu.memory_space<vmem>> -> memref<1x128xi32, #tpu.memory_space<vmem>>
          %dma_start3A_114 = tpu.memref_squeeze %dma_start3A_113 : memref<1x128xi32, #tpu.memory_space<vmem>> -> memref<128xi32, #tpu.memory_space<vmem>>
          %dma_start3A_115 = arith.constant 0 : i32
          %dma_start3A_116 = arith.constant 0 : i32
          %dma_start3A_117 = tpu.memref_slice %arg10[%dma_start3A_115, %dma_start3A_116] : memref<10240x128xf32, #tpu.memory_space<vmem_shared>> -> memref<10240x128xf32, #tpu.memory_space<vmem_shared>>
          tpu.enqueue_indirect_dma source(%dma_start3A_111 : memref<128x128xf32, #tpu.memory_space<vmem>>) target(%dma_start3A_117 : memref<10240x128xf32, #tpu.memory_space<vmem_shared>>) offsets(%dma_start3A_114 : memref<128xi32, #tpu.memory_space<vmem>>) semaphore(%run_scoped3A_107 : memref<!tpu.dma_semaphore, #tpu.memory_space<semaphore_mem>>) {add = true}
          %dma_wait3A_118 = arith.constant 0 : i32
          %dma_wait3A_119 = arith.constant 0 : i32
          %dma_wait3A_120 = tpu.memref_slice %arg9[%run_scoped3A_106, %dma_wait3A_118, %dma_wait3A_119] : memref<2x128x128xf32, #tpu.memory_space<vmem>> -> memref<1x128x128xf32, #tpu.memory_space<vmem>>
          %dma_wait3A_121 = tpu.memref_squeeze %dma_wait3A_120 : memref<1x128x128xf32, #tpu.memory_space<vmem>> -> memref<128x128xf32, #tpu.memory_space<vmem>>
          %dma_wait3A_122 = arith.constant 0 : i32
          %dma_wait3A_123 = tpu.memref_slice %arg8[%add3A_105, %dma_wait3A_122] : memref<40x128xi32, #tpu.memory_space<vmem>> -> memref<1x128xi32, #tpu.memory_space<vmem>>
          %dma_wait3A_124 = tpu.memref_squeeze %dma_wait3A_123 : memref<1x128xi32, #tpu.memory_space<vmem>> -> memref<128xi32, #tpu.memory_space<vmem>>
          %dma_wait3A_125 = arith.constant 0 : i32
          %dma_wait3A_126 = arith.constant 0 : i32
          %dma_wait3A_127 = tpu.memref_slice %arg10[%dma_wait3A_125, %dma_wait3A_126] : memref<10240x128xf32, #tpu.memory_space<vmem_shared>> -> memref<10240x128xf32, #tpu.memory_space<vmem_shared>>
          tpu.wait_indirect_dma semaphore(%run_scoped3A_107 : memref<!tpu.dma_semaphore, #tpu.memory_space<semaphore_mem>>) src(%dma_wait3A_121 : memref<128x128xf32, #tpu.memory_space<vmem>>) dst(%dma_wait3A_127 : memref<10240x128xf32, #tpu.memory_space<vmem_shared>>)
          tpu.yield
        }) : () -> ()
      }
      %scan3A_26 = arith.constant 20 : i32
      %add3A_27 = arith.constant 40 : i32
      %add3A_28 = arith.addi %add3A_17, %add3A_27 : i32
      "tpu.region"() ({
        %run_scoped3A = tpu.sem_alloc : memref<!tpu.dma_semaphore, #tpu.memory_space<semaphore_mem>>
        %dma_start3A = arith.constant 0 : i32
        %dma_start3A_47 = tpu.memref_slice %arg3[%add3A_28, %dma_start3A] : memref<2560x128xi32, #tpu.memory_space<hbm>> -> memref<40x128xi32, #tpu.memory_space<hbm>>
        %dma_start3A_48 = arith.constant 0 : i32
        %dma_start3A_49 = tpu.memref_slice %arg3[%add3A_28, %dma_start3A_48] : memref<2560x128xi32, #tpu.memory_space<hbm>> -> memref<40x128xi32, #tpu.memory_space<hbm>>
        tpu.enqueue_dma source(%dma_start3A_49 : memref<40x128xi32, #tpu.memory_space<hbm>>) target(%arg7 : memref<40x128xi32, #tpu.memory_space<vmem>>) target_semaphore(%run_scoped3A : memref<!tpu.dma_semaphore, #tpu.memory_space<semaphore_mem>>)
        %dma_wait3A = arith.constant 0 : i32
        %dma_wait3A_50 = tpu.memref_slice %arg3[%add3A_28, %dma_wait3A] : memref<2560x128xi32, #tpu.memory_space<hbm>> -> memref<40x128xi32, #tpu.memory_space<hbm>>
        %dma_wait3A_51 = arith.constant 0 : i32
        %dma_wait3A_52 = tpu.memref_slice %arg3[%add3A_28, %dma_wait3A_51] : memref<2560x128xi32, #tpu.memory_space<hbm>> -> memref<40x128xi32, #tpu.memory_space<hbm>>
        tpu.wait_dma2 semaphore(%run_scoped3A : memref<!tpu.dma_semaphore, #tpu.memory_space<semaphore_mem>>) src(%dma_wait3A_52 : memref<40x128xi32, #tpu.memory_space<hbm>>) dst(%arg7 : memref<40x128xi32, #tpu.memory_space<vmem>>)
        tpu.yield
      }) : () -> ()
      %add3A_29 = arith.constant 40 : i32
      %add3A_30 = arith.addi %add3A_17, %add3A_29 : i32
      "tpu.region"() ({
        %run_scoped3A = tpu.sem_alloc : memref<!tpu.dma_semaphore, #tpu.memory_space<semaphore_mem>>
        %dma_start3A = arith.constant 0 : i32
        %dma_start3A_47 = tpu.memref_slice %arg4[%add3A_30, %dma_start3A] : memref<2560x128xi32, #tpu.memory_space<hbm>> -> memref<40x128xi32, #tpu.memory_space<hbm>>
        %dma_start3A_48 = arith.constant 0 : i32
        %dma_start3A_49 = tpu.memref_slice %arg4[%add3A_30, %dma_start3A_48] : memref<2560x128xi32, #tpu.memory_space<hbm>> -> memref<40x128xi32, #tpu.memory_space<hbm>>
        tpu.enqueue_dma source(%dma_start3A_49 : memref<40x128xi32, #tpu.memory_space<hbm>>) target(%arg8 : memref<40x128xi32, #tpu.memory_space<vmem>>) target_semaphore(%run_scoped3A : memref<!tpu.dma_semaphore, #tpu.memory_space<semaphore_mem>>)
        %dma_wait3A = arith.constant 0 : i32
        %dma_wait3A_50 = tpu.memref_slice %arg4[%add3A_30, %dma_wait3A] : memref<2560x128xi32, #tpu.memory_space<hbm>> -> memref<40x128xi32, #tpu.memory_space<hbm>>
        %dma_wait3A_51 = arith.constant 0 : i32
        %dma_wait3A_52 = tpu.memref_slice %arg4[%add3A_30, %dma_wait3A_51] : memref<2560x128xi32, #tpu.memory_space<hbm>> -> memref<40x128xi32, #tpu.memory_space<hbm>>
        tpu.wait_dma2 semaphore(%run_scoped3A : memref<!tpu.dma_semaphore, #tpu.memory_space<semaphore_mem>>) src(%dma_wait3A_52 : memref<40x128xi32, #tpu.memory_space<hbm>>) dst(%arg8 : memref<40x128xi32, #tpu.memory_space<vmem>>)
        tpu.yield
      }) : () -> ()
      %scan3A_31 = arith.constant 0 : i32
      %scan3A_32 = arith.constant 0 : i32
      %scan3A_33 = arith.constant 20 : i32
      %scan3A_34 = arith.addi %scan3A_32, %scan3A_33 : i32
      %scan3A_35 = arith.constant 1 : i32
      scf.for %scan3A_47 = %scan3A_32 to %scan3A_34 step %scan3A_35  : i32 {
        %mul3A_48 = arith.constant 2 : i32
        %mul3A_49 = arith.muli %scan3A_47, %mul3A_48 : i32
        %add3A_50 = arith.constant 0 : i32
        %add3A_51 = arith.addi %mul3A_49, %add3A_50 : i32
        %dma_start3A = arith.constant 0 : i32
        %dma_start3A_52 = arith.constant 0 : i32
        %dma_start3A_53 = arith.constant 0 : i32
        %dma_start3A_54 = tpu.memref_slice %arg9[%dma_start3A, %dma_start3A_52, %dma_start3A_53] : memref<2x128x128xf32, #tpu.memory_space<vmem>> -> memref<1x128x128xf32, #tpu.memory_space<vmem>>
        %dma_start3A_55 = tpu.memref_squeeze %dma_start3A_54 : memref<1x128x128xf32, #tpu.memory_space<vmem>> -> memref<128x128xf32, #tpu.memory_space<vmem>>
        %dma_start3A_56 = arith.constant 0 : i32
        %dma_start3A_57 = tpu.memref_slice %arg7[%add3A_51, %dma_start3A_56] : memref<40x128xi32, #tpu.memory_space<vmem>> -> memref<1x128xi32, #tpu.memory_space<vmem>>
        %dma_start3A_58 = tpu.memref_squeeze %dma_start3A_57 : memref<1x128xi32, #tpu.memory_space<vmem>> -> memref<128xi32, #tpu.memory_space<vmem>>
        %dma_start3A_59 = arith.constant 0 : i32
        %dma_start3A_60 = arith.constant 0 : i32
        %dma_start3A_61 = tpu.memref_slice %arg2[%dma_start3A_59, %dma_start3A_60] : memref<10240x128xf32, #tpu.memory_space<hbm>> -> memref<10240x128xf32, #tpu.memory_space<hbm>>
        tpu.enqueue_indirect_dma source(%dma_start3A_61 : memref<10240x128xf32, #tpu.memory_space<hbm>>) target(%dma_start3A_55 : memref<128x128xf32, #tpu.memory_space<vmem>>) offsets(%dma_start3A_58 : memref<128xi32, #tpu.memory_space<vmem>>) semaphore(%arg11 : memref<!tpu.dma_semaphore, #tpu.memory_space<semaphore_mem>>)
        %mul3A_62 = arith.constant 2 : i32
        %mul3A_63 = arith.muli %scan3A_47, %mul3A_62 : i32
        %add3A_64 = arith.constant 1 : i32
        %add3A_65 = arith.addi %mul3A_63, %add3A_64 : i32
        %dma_start3A_66 = arith.constant 1 : i32
        %dma_start3A_67 = arith.constant 0 : i32
        %dma_start3A_68 = arith.constant 0 : i32
        %dma_start3A_69 = tpu.memref_slice %arg9[%dma_start3A_66, %dma_start3A_67, %dma_start3A_68] : memref<2x128x128xf32, #tpu.memory_space<vmem>> -> memref<1x128x128xf32, #tpu.memory_space<vmem>>
        %dma_start3A_70 = tpu.memref_squeeze %dma_start3A_69 : memref<1x128x128xf32, #tpu.memory_space<vmem>> -> memref<128x128xf32, #tpu.memory_space<vmem>>
        %dma_start3A_71 = arith.constant 0 : i32
        %dma_start3A_72 = tpu.memref_slice %arg7[%add3A_65, %dma_start3A_71] : memref<40x128xi32, #tpu.memory_space<vmem>> -> memref<1x128xi32, #tpu.memory_space<vmem>>
        %dma_start3A_73 = tpu.memref_squeeze %dma_start3A_72 : memref<1x128xi32, #tpu.memory_space<vmem>> -> memref<128xi32, #tpu.memory_space<vmem>>
        %dma_start3A_74 = arith.constant 0 : i32
        %dma_start3A_75 = arith.constant 0 : i32
        %dma_start3A_76 = tpu.memref_slice %arg2[%dma_start3A_74, %dma_start3A_75] : memref<10240x128xf32, #tpu.memory_space<hbm>> -> memref<10240x128xf32, #tpu.memory_space<hbm>>
        tpu.enqueue_indirect_dma source(%dma_start3A_76 : memref<10240x128xf32, #tpu.memory_space<hbm>>) target(%dma_start3A_70 : memref<128x128xf32, #tpu.memory_space<vmem>>) offsets(%dma_start3A_73 : memref<128xi32, #tpu.memory_space<vmem>>) semaphore(%arg12 : memref<!tpu.dma_semaphore, #tpu.memory_space<semaphore_mem>>)
        %dma_wait3A = arith.constant 0 : i32
        %dma_wait3A_77 = arith.constant 0 : i32
        %dma_wait3A_78 = arith.constant 0 : i32
        %dma_wait3A_79 = tpu.memref_slice %arg9[%dma_wait3A, %dma_wait3A_77, %dma_wait3A_78] : memref<2x128x128xf32, #tpu.memory_space<vmem>> -> memref<1x128x128xf32, #tpu.memory_space<vmem>>
        %dma_wait3A_80 = tpu.memref_squeeze %dma_wait3A_79 : memref<1x128x128xf32, #tpu.memory_space<vmem>> -> memref<128x128xf32, #tpu.memory_space<vmem>>
        %dma_wait3A_81 = arith.constant 0 : i32
        %dma_wait3A_82 = tpu.memref_slice %arg7[%add3A_51, %dma_wait3A_81] : memref<40x128xi32, #tpu.memory_space<vmem>> -> memref<1x128xi32, #tpu.memory_space<vmem>>
        %dma_wait3A_83 = tpu.memref_squeeze %dma_wait3A_82 : memref<1x128xi32, #tpu.memory_space<vmem>> -> memref<128xi32, #tpu.memory_space<vmem>>
        %dma_wait3A_84 = arith.constant 0 : i32
        %dma_wait3A_85 = arith.constant 0 : i32
        %dma_wait3A_86 = tpu.memref_slice %arg2[%dma_wait3A_84, %dma_wait3A_85] : memref<10240x128xf32, #tpu.memory_space<hbm>> -> memref<10240x128xf32, #tpu.memory_space<hbm>>
        tpu.wait_indirect_dma semaphore(%arg11 : memref<!tpu.dma_semaphore, #tpu.memory_space<semaphore_mem>>) src(%dma_wait3A_86 : memref<10240x128xf32, #tpu.memory_space<hbm>>) dst(%dma_wait3A_80 : memref<128x128xf32, #tpu.memory_space<vmem>>)
        %mul3A_87 = arith.constant 2 : i32
        %mul3A_88 = arith.muli %scan3A_47, %mul3A_87 : i32
        %add3A_89 = arith.constant 0 : i32
        %add3A_90 = arith.addi %mul3A_88, %add3A_89 : i32
        %run_scoped3A = arith.constant 0 : i32
        "tpu.region"() ({
          %run_scoped3A_107 = tpu.sem_alloc : memref<!tpu.dma_semaphore, #tpu.memory_space<semaphore_mem>>
          %dma_start3A_108 = arith.constant 0 : i32
          %dma_start3A_109 = arith.constant 0 : i32
          %dma_start3A_110 = tpu.memref_slice %arg9[%run_scoped3A, %dma_start3A_108, %dma_start3A_109] : memref<2x128x128xf32, #tpu.memory_space<vmem>> -> memref<1x128x128xf32, #tpu.memory_space<vmem>>
          %dma_start3A_111 = tpu.memref_squeeze %dma_start3A_110 : memref<1x128x128xf32, #tpu.memory_space<vmem>> -> memref<128x128xf32, #tpu.memory_space<vmem>>
          %dma_start3A_112 = arith.constant 0 : i32
          %dma_start3A_113 = tpu.memref_slice %arg8[%add3A_90, %dma_start3A_112] : memref<40x128xi32, #tpu.memory_space<vmem>> -> memref<1x128xi32, #tpu.memory_space<vmem>>
          %dma_start3A_114 = tpu.memref_squeeze %dma_start3A_113 : memref<1x128xi32, #tpu.memory_space<vmem>> -> memref<128xi32, #tpu.memory_space<vmem>>
          %dma_start3A_115 = arith.constant 0 : i32
          %dma_start3A_116 = arith.constant 0 : i32
          %dma_start3A_117 = tpu.memref_slice %arg10[%dma_start3A_115, %dma_start3A_116] : memref<10240x128xf32, #tpu.memory_space<vmem_shared>> -> memref<10240x128xf32, #tpu.memory_space<vmem_shared>>
          tpu.enqueue_indirect_dma source(%dma_start3A_111 : memref<128x128xf32, #tpu.memory_space<vmem>>) target(%dma_start3A_117 : memref<10240x128xf32, #tpu.memory_space<vmem_shared>>) offsets(%dma_start3A_114 : memref<128xi32, #tpu.memory_space<vmem>>) semaphore(%run_scoped3A_107 : memref<!tpu.dma_semaphore, #tpu.memory_space<semaphore_mem>>) {add = true}
          %dma_wait3A_118 = arith.constant 0 : i32
          %dma_wait3A_119 = arith.constant 0 : i32
          %dma_wait3A_120 = tpu.memref_slice %arg9[%run_scoped3A, %dma_wait3A_118, %dma_wait3A_119] : memref<2x128x128xf32, #tpu.memory_space<vmem>> -> memref<1x128x128xf32, #tpu.memory_space<vmem>>
          %dma_wait3A_121 = tpu.memref_squeeze %dma_wait3A_120 : memref<1x128x128xf32, #tpu.memory_space<vmem>> -> memref<128x128xf32, #tpu.memory_space<vmem>>
          %dma_wait3A_122 = arith.constant 0 : i32
          %dma_wait3A_123 = tpu.memref_slice %arg8[%add3A_90, %dma_wait3A_122] : memref<40x128xi32, #tpu.memory_space<vmem>> -> memref<1x128xi32, #tpu.memory_space<vmem>>
          %dma_wait3A_124 = tpu.memref_squeeze %dma_wait3A_123 : memref<1x128xi32, #tpu.memory_space<vmem>> -> memref<128xi32, #tpu.memory_space<vmem>>
          %dma_wait3A_125 = arith.constant 0 : i32
          %dma_wait3A_126 = arith.constant 0 : i32
          %dma_wait3A_127 = tpu.memref_slice %arg10[%dma_wait3A_125, %dma_wait3A_126] : memref<10240x128xf32, #tpu.memory_space<vmem_shared>> -> memref<10240x128xf32, #tpu.memory_space<vmem_shared>>
          tpu.wait_indirect_dma semaphore(%run_scoped3A_107 : memref<!tpu.dma_semaphore, #tpu.memory_space<semaphore_mem>>) src(%dma_wait3A_121 : memref<128x128xf32, #tpu.memory_space<vmem>>) dst(%dma_wait3A_127 : memref<10240x128xf32, #tpu.memory_space<vmem_shared>>)
          tpu.yield
        }) : () -> ()
        %dma_wait3A_91 = arith.constant 1 : i32
        %dma_wait3A_92 = arith.constant 0 : i32
        %dma_wait3A_93 = arith.constant 0 : i32
        %dma_wait3A_94 = tpu.memref_slice %arg9[%dma_wait3A_91, %dma_wait3A_92, %dma_wait3A_93] : memref<2x128x128xf32, #tpu.memory_space<vmem>> -> memref<1x128x128xf32, #tpu.memory_space<vmem>>
        %dma_wait3A_95 = tpu.memref_squeeze %dma_wait3A_94 : memref<1x128x128xf32, #tpu.memory_space<vmem>> -> memref<128x128xf32, #tpu.memory_space<vmem>>
        %dma_wait3A_96 = arith.constant 0 : i32
        %dma_wait3A_97 = tpu.memref_slice %arg7[%add3A_65, %dma_wait3A_96] : memref<40x128xi32, #tpu.memory_space<vmem>> -> memref<1x128xi32, #tpu.memory_space<vmem>>
        %dma_wait3A_98 = tpu.memref_squeeze %dma_wait3A_97 : memref<1x128xi32, #tpu.memory_space<vmem>> -> memref<128xi32, #tpu.memory_space<vmem>>
        %dma_wait3A_99 = arith.constant 0 : i32
        %dma_wait3A_100 = arith.constant 0 : i32
        %dma_wait3A_101 = tpu.memref_slice %arg2[%dma_wait3A_99, %dma_wait3A_100] : memref<10240x128xf32, #tpu.memory_space<hbm>> -> memref<10240x128xf32, #tpu.memory_space<hbm>>
        tpu.wait_indirect_dma semaphore(%arg12 : memref<!tpu.dma_semaphore, #tpu.memory_space<semaphore_mem>>) src(%dma_wait3A_101 : memref<10240x128xf32, #tpu.memory_space<hbm>>) dst(%dma_wait3A_95 : memref<128x128xf32, #tpu.memory_space<vmem>>)
        %mul3A_102 = arith.constant 2 : i32
        %mul3A_103 = arith.muli %scan3A_47, %mul3A_102 : i32
        %add3A_104 = arith.constant 1 : i32
        %add3A_105 = arith.addi %mul3A_103, %add3A_104 : i32
        %run_scoped3A_106 = arith.constant 1 : i32
        "tpu.region"() ({
          %run_scoped3A_107 = tpu.sem_alloc : memref<!tpu.dma_semaphore, #tpu.memory_space<semaphore_mem>>
          %dma_start3A_108 = arith.constant 0 : i32
          %dma_start3A_109 = arith.constant 0 : i32
          %dma_start3A_110 = tpu.memref_slice %arg9[%run_scoped3A_106, %dma_start3A_108, %dma_start3A_109] : memref<2x128x128xf32, #tpu.memory_space<vmem>> -> memref<1x128x128xf32, #tpu.memory_space<vmem>>
          %dma_start3A_111 = tpu.memref_squeeze %dma_start3A_110 : memref<1x128x128xf32, #tpu.memory_space<vmem>> -> memref<128x128xf32, #tpu.memory_space<vmem>>
          %dma_start3A_112 = arith.constant 0 : i32
          %dma_start3A_113 = tpu.memref_slice %arg8[%add3A_105, %dma_start3A_112] : memref<40x128xi32, #tpu.memory_space<vmem>> -> memref<1x128xi32, #tpu.memory_space<vmem>>
          %dma_start3A_114 = tpu.memref_squeeze %dma_start3A_113 : memref<1x128xi32, #tpu.memory_space<vmem>> -> memref<128xi32, #tpu.memory_space<vmem>>
          %dma_start3A_115 = arith.constant 0 : i32
          %dma_start3A_116 = arith.constant 0 : i32
          %dma_start3A_117 = tpu.memref_slice %arg10[%dma_start3A_115, %dma_start3A_116] : memref<10240x128xf32, #tpu.memory_space<vmem_shared>> -> memref<10240x128xf32, #tpu.memory_space<vmem_shared>>
          tpu.enqueue_indirect_dma source(%dma_start3A_111 : memref<128x128xf32, #tpu.memory_space<vmem>>) target(%dma_start3A_117 : memref<10240x128xf32, #tpu.memory_space<vmem_shared>>) offsets(%dma_start3A_114 : memref<128xi32, #tpu.memory_space<vmem>>) semaphore(%run_scoped3A_107 : memref<!tpu.dma_semaphore, #tpu.memory_space<semaphore_mem>>) {add = true}
          %dma_wait3A_118 = arith.constant 0 : i32
          %dma_wait3A_119 = arith.constant 0 : i32
          %dma_wait3A_120 = tpu.memref_slice %arg9[%run_scoped3A_106, %dma_wait3A_118, %dma_wait3A_119] : memref<2x128x128xf32, #tpu.memory_space<vmem>> -> memref<1x128x128xf32, #tpu.memory_space<vmem>>
          %dma_wait3A_121 = tpu.memref_squeeze %dma_wait3A_120 : memref<1x128x128xf32, #tpu.memory_space<vmem>> -> memref<128x128xf32, #tpu.memory_space<vmem>>
          %dma_wait3A_122 = arith.constant 0 : i32
          %dma_wait3A_123 = tpu.memref_slice %arg8[%add3A_105, %dma_wait3A_122] : memref<40x128xi32, #tpu.memory_space<vmem>> -> memref<1x128xi32, #tpu.memory_space<vmem>>
          %dma_wait3A_124 = tpu.memref_squeeze %dma_wait3A_123 : memref<1x128xi32, #tpu.memory_space<vmem>> -> memref<128xi32, #tpu.memory_space<vmem>>
          %dma_wait3A_125 = arith.constant 0 : i32
          %dma_wait3A_126 = arith.constant 0 : i32
          %dma_wait3A_127 = tpu.memref_slice %arg10[%dma_wait3A_125, %dma_wait3A_126] : memref<10240x128xf32, #tpu.memory_space<vmem_shared>> -> memref<10240x128xf32, #tpu.memory_space<vmem_shared>>
          tpu.wait_indirect_dma semaphore(%run_scoped3A_107 : memref<!tpu.dma_semaphore, #tpu.memory_space<semaphore_mem>>) src(%dma_wait3A_121 : memref<128x128xf32, #tpu.memory_space<vmem>>) dst(%dma_wait3A_127 : memref<10240x128xf32, #tpu.memory_space<vmem_shared>>)
          tpu.yield
        }) : () -> ()
      }
      %scan3A_36 = arith.constant 20 : i32
      %add3A_37 = arith.constant 80 : i32
      %add3A_38 = arith.addi %add3A_17, %add3A_37 : i32
      "tpu.region"() ({
        %run_scoped3A = tpu.sem_alloc : memref<!tpu.dma_semaphore, #tpu.memory_space<semaphore_mem>>
        %dma_start3A = arith.constant 0 : i32
        %dma_start3A_47 = tpu.memref_slice %arg3[%add3A_38, %dma_start3A] : memref<2560x128xi32, #tpu.memory_space<hbm>> -> memref<40x128xi32, #tpu.memory_space<hbm>>
        %dma_start3A_48 = arith.constant 0 : i32
        %dma_start3A_49 = tpu.memref_slice %arg3[%add3A_38, %dma_start3A_48] : memref<2560x128xi32, #tpu.memory_space<hbm>> -> memref<40x128xi32, #tpu.memory_space<hbm>>
        tpu.enqueue_dma source(%dma_start3A_49 : memref<40x128xi32, #tpu.memory_space<hbm>>) target(%arg7 : memref<40x128xi32, #tpu.memory_space<vmem>>) target_semaphore(%run_scoped3A : memref<!tpu.dma_semaphore, #tpu.memory_space<semaphore_mem>>)
        %dma_wait3A = arith.constant 0 : i32
        %dma_wait3A_50 = tpu.memref_slice %arg3[%add3A_38, %dma_wait3A] : memref<2560x128xi32, #tpu.memory_space<hbm>> -> memref<40x128xi32, #tpu.memory_space<hbm>>
        %dma_wait3A_51 = arith.constant 0 : i32
        %dma_wait3A_52 = tpu.memref_slice %arg3[%add3A_38, %dma_wait3A_51] : memref<2560x128xi32, #tpu.memory_space<hbm>> -> memref<40x128xi32, #tpu.memory_space<hbm>>
        tpu.wait_dma2 semaphore(%run_scoped3A : memref<!tpu.dma_semaphore, #tpu.memory_space<semaphore_mem>>) src(%dma_wait3A_52 : memref<40x128xi32, #tpu.memory_space<hbm>>) dst(%arg7 : memref<40x128xi32, #tpu.memory_space<vmem>>)
        tpu.yield
      }) : () -> ()
      %add3A_39 = arith.constant 80 : i32
      %add3A_40 = arith.addi %add3A_17, %add3A_39 : i32
      "tpu.region"() ({
        %run_scoped3A = tpu.sem_alloc : memref<!tpu.dma_semaphore, #tpu.memory_space<semaphore_mem>>
        %dma_start3A = arith.constant 0 : i32
        %dma_start3A_47 = tpu.memref_slice %arg4[%add3A_40, %dma_start3A] : memref<2560x128xi32, #tpu.memory_space<hbm>> -> memref<40x128xi32, #tpu.memory_space<hbm>>
        %dma_start3A_48 = arith.constant 0 : i32
        %dma_start3A_49 = tpu.memref_slice %arg4[%add3A_40, %dma_start3A_48] : memref<2560x128xi32, #tpu.memory_space<hbm>> -> memref<40x128xi32, #tpu.memory_space<hbm>>
        tpu.enqueue_dma source(%dma_start3A_49 : memref<40x128xi32, #tpu.memory_space<hbm>>) target(%arg8 : memref<40x128xi32, #tpu.memory_space<vmem>>) target_semaphore(%run_scoped3A : memref<!tpu.dma_semaphore, #tpu.memory_space<semaphore_mem>>)
        %dma_wait3A = arith.constant 0 : i32
        %dma_wait3A_50 = tpu.memref_slice %arg4[%add3A_40, %dma_wait3A] : memref<2560x128xi32, #tpu.memory_space<hbm>> -> memref<40x128xi32, #tpu.memory_space<hbm>>
        %dma_wait3A_51 = arith.constant 0 : i32
        %dma_wait3A_52 = tpu.memref_slice %arg4[%add3A_40, %dma_wait3A_51] : memref<2560x128xi32, #tpu.memory_space<hbm>> -> memref<40x128xi32, #tpu.memory_space<hbm>>
        tpu.wait_dma2 semaphore(%run_scoped3A : memref<!tpu.dma_semaphore, #tpu.memory_space<semaphore_mem>>) src(%dma_wait3A_52 : memref<40x128xi32, #tpu.memory_space<hbm>>) dst(%arg8 : memref<40x128xi32, #tpu.memory_space<vmem>>)
        tpu.yield
      }) : () -> ()
      %scan3A_41 = arith.constant 0 : i32
      %scan3A_42 = arith.constant 0 : i32
      %scan3A_43 = arith.constant 20 : i32
      %scan3A_44 = arith.addi %scan3A_42, %scan3A_43 : i32
      %scan3A_45 = arith.constant 1 : i32
      scf.for %scan3A_47 = %scan3A_42 to %scan3A_44 step %scan3A_45  : i32 {
        %mul3A_48 = arith.constant 2 : i32
        %mul3A_49 = arith.muli %scan3A_47, %mul3A_48 : i32
        %add3A_50 = arith.constant 0 : i32
        %add3A_51 = arith.addi %mul3A_49, %add3A_50 : i32
        %dma_start3A = arith.constant 0 : i32
        %dma_start3A_52 = arith.constant 0 : i32
        %dma_start3A_53 = arith.constant 0 : i32
        %dma_start3A_54 = tpu.memref_slice %arg9[%dma_start3A, %dma_start3A_52, %dma_start3A_53] : memref<2x128x128xf32, #tpu.memory_space<vmem>> -> memref<1x128x128xf32, #tpu.memory_space<vmem>>
        %dma_start3A_55 = tpu.memref_squeeze %dma_start3A_54 : memref<1x128x128xf32, #tpu.memory_space<vmem>> -> memref<128x128xf32, #tpu.memory_space<vmem>>
        %dma_start3A_56 = arith.constant 0 : i32
        %dma_start3A_57 = tpu.memref_slice %arg7[%add3A_51, %dma_start3A_56] : memref<40x128xi32, #tpu.memory_space<vmem>> -> memref<1x128xi32, #tpu.memory_space<vmem>>
        %dma_start3A_58 = tpu.memref_squeeze %dma_start3A_57 : memref<1x128xi32, #tpu.memory_space<vmem>> -> memref<128xi32, #tpu.memory_space<vmem>>
        %dma_start3A_59 = arith.constant 0 : i32
        %dma_start3A_60 = arith.constant 0 : i32
        %dma_start3A_61 = tpu.memref_slice %arg2[%dma_start3A_59, %dma_start3A_60] : memref<10240x128xf32, #tpu.memory_space<hbm>> -> memref<10240x128xf32, #tpu.memory_space<hbm>>
        tpu.enqueue_indirect_dma source(%dma_start3A_61 : memref<10240x128xf32, #tpu.memory_space<hbm>>) target(%dma_start3A_55 : memref<128x128xf32, #tpu.memory_space<vmem>>) offsets(%dma_start3A_58 : memref<128xi32, #tpu.memory_space<vmem>>) semaphore(%arg11 : memref<!tpu.dma_semaphore, #tpu.memory_space<semaphore_mem>>)
        %mul3A_62 = arith.constant 2 : i32
        %mul3A_63 = arith.muli %scan3A_47, %mul3A_62 : i32
        %add3A_64 = arith.constant 1 : i32
        %add3A_65 = arith.addi %mul3A_63, %add3A_64 : i32
        %dma_start3A_66 = arith.constant 1 : i32
        %dma_start3A_67 = arith.constant 0 : i32
        %dma_start3A_68 = arith.constant 0 : i32
        %dma_start3A_69 = tpu.memref_slice %arg9[%dma_start3A_66, %dma_start3A_67, %dma_start3A_68] : memref<2x128x128xf32, #tpu.memory_space<vmem>> -> memref<1x128x128xf32, #tpu.memory_space<vmem>>
        %dma_start3A_70 = tpu.memref_squeeze %dma_start3A_69 : memref<1x128x128xf32, #tpu.memory_space<vmem>> -> memref<128x128xf32, #tpu.memory_space<vmem>>
        %dma_start3A_71 = arith.constant 0 : i32
        %dma_start3A_72 = tpu.memref_slice %arg7[%add3A_65, %dma_start3A_71] : memref<40x128xi32, #tpu.memory_space<vmem>> -> memref<1x128xi32, #tpu.memory_space<vmem>>
        %dma_start3A_73 = tpu.memref_squeeze %dma_start3A_72 : memref<1x128xi32, #tpu.memory_space<vmem>> -> memref<128xi32, #tpu.memory_space<vmem>>
        %dma_start3A_74 = arith.constant 0 : i32
        %dma_start3A_75 = arith.constant 0 : i32
        %dma_start3A_76 = tpu.memref_slice %arg2[%dma_start3A_74, %dma_start3A_75] : memref<10240x128xf32, #tpu.memory_space<hbm>> -> memref<10240x128xf32, #tpu.memory_space<hbm>>
        tpu.enqueue_indirect_dma source(%dma_start3A_76 : memref<10240x128xf32, #tpu.memory_space<hbm>>) target(%dma_start3A_70 : memref<128x128xf32, #tpu.memory_space<vmem>>) offsets(%dma_start3A_73 : memref<128xi32, #tpu.memory_space<vmem>>) semaphore(%arg12 : memref<!tpu.dma_semaphore, #tpu.memory_space<semaphore_mem>>)
        %dma_wait3A = arith.constant 0 : i32
        %dma_wait3A_77 = arith.constant 0 : i32
        %dma_wait3A_78 = arith.constant 0 : i32
        %dma_wait3A_79 = tpu.memref_slice %arg9[%dma_wait3A, %dma_wait3A_77, %dma_wait3A_78] : memref<2x128x128xf32, #tpu.memory_space<vmem>> -> memref<1x128x128xf32, #tpu.memory_space<vmem>>
        %dma_wait3A_80 = tpu.memref_squeeze %dma_wait3A_79 : memref<1x128x128xf32, #tpu.memory_space<vmem>> -> memref<128x128xf32, #tpu.memory_space<vmem>>
        %dma_wait3A_81 = arith.constant 0 : i32
        %dma_wait3A_82 = tpu.memref_slice %arg7[%add3A_51, %dma_wait3A_81] : memref<40x128xi32, #tpu.memory_space<vmem>> -> memref<1x128xi32, #tpu.memory_space<vmem>>
        %dma_wait3A_83 = tpu.memref_squeeze %dma_wait3A_82 : memref<1x128xi32, #tpu.memory_space<vmem>> -> memref<128xi32, #tpu.memory_space<vmem>>
        %dma_wait3A_84 = arith.constant 0 : i32
        %dma_wait3A_85 = arith.constant 0 : i32
        %dma_wait3A_86 = tpu.memref_slice %arg2[%dma_wait3A_84, %dma_wait3A_85] : memref<10240x128xf32, #tpu.memory_space<hbm>> -> memref<10240x128xf32, #tpu.memory_space<hbm>>
        tpu.wait_indirect_dma semaphore(%arg11 : memref<!tpu.dma_semaphore, #tpu.memory_space<semaphore_mem>>) src(%dma_wait3A_86 : memref<10240x128xf32, #tpu.memory_space<hbm>>) dst(%dma_wait3A_80 : memref<128x128xf32, #tpu.memory_space<vmem>>)
        %mul3A_87 = arith.constant 2 : i32
        %mul3A_88 = arith.muli %scan3A_47, %mul3A_87 : i32
        %add3A_89 = arith.constant 0 : i32
        %add3A_90 = arith.addi %mul3A_88, %add3A_89 : i32
        %run_scoped3A = arith.constant 0 : i32
        "tpu.region"() ({
          %run_scoped3A_107 = tpu.sem_alloc : memref<!tpu.dma_semaphore, #tpu.memory_space<semaphore_mem>>
          %dma_start3A_108 = arith.constant 0 : i32
          %dma_start3A_109 = arith.constant 0 : i32
          %dma_start3A_110 = tpu.memref_slice %arg9[%run_scoped3A, %dma_start3A_108, %dma_start3A_109] : memref<2x128x128xf32, #tpu.memory_space<vmem>> -> memref<1x128x128xf32, #tpu.memory_space<vmem>>
          %dma_start3A_111 = tpu.memref_squeeze %dma_start3A_110 : memref<1x128x128xf32, #tpu.memory_space<vmem>> -> memref<128x128xf32, #tpu.memory_space<vmem>>
          %dma_start3A_112 = arith.constant 0 : i32
          %dma_start3A_113 = tpu.memref_slice %arg8[%add3A_90, %dma_start3A_112] : memref<40x128xi32, #tpu.memory_space<vmem>> -> memref<1x128xi32, #tpu.memory_space<vmem>>
          %dma_start3A_114 = tpu.memref_squeeze %dma_start3A_113 : memref<1x128xi32, #tpu.memory_space<vmem>> -> memref<128xi32, #tpu.memory_space<vmem>>
          %dma_start3A_115 = arith.constant 0 : i32
          %dma_start3A_116 = arith.constant 0 : i32
          %dma_start3A_117 = tpu.memref_slice %arg10[%dma_start3A_115, %dma_start3A_116] : memref<10240x128xf32, #tpu.memory_space<vmem_shared>> -> memref<10240x128xf32, #tpu.memory_space<vmem_shared>>
          tpu.enqueue_indirect_dma source(%dma_start3A_111 : memref<128x128xf32, #tpu.memory_space<vmem>>) target(%dma_start3A_117 : memref<10240x128xf32, #tpu.memory_space<vmem_shared>>) offsets(%dma_start3A_114 : memref<128xi32, #tpu.memory_space<vmem>>) semaphore(%run_scoped3A_107 : memref<!tpu.dma_semaphore, #tpu.memory_space<semaphore_mem>>) {add = true}
          %dma_wait3A_118 = arith.constant 0 : i32
          %dma_wait3A_119 = arith.constant 0 : i32
          %dma_wait3A_120 = tpu.memref_slice %arg9[%run_scoped3A, %dma_wait3A_118, %dma_wait3A_119] : memref<2x128x128xf32, #tpu.memory_space<vmem>> -> memref<1x128x128xf32, #tpu.memory_space<vmem>>
          %dma_wait3A_121 = tpu.memref_squeeze %dma_wait3A_120 : memref<1x128x128xf32, #tpu.memory_space<vmem>> -> memref<128x128xf32, #tpu.memory_space<vmem>>
          %dma_wait3A_122 = arith.constant 0 : i32
          %dma_wait3A_123 = tpu.memref_slice %arg8[%add3A_90, %dma_wait3A_122] : memref<40x128xi32, #tpu.memory_space<vmem>> -> memref<1x128xi32, #tpu.memory_space<vmem>>
          %dma_wait3A_124 = tpu.memref_squeeze %dma_wait3A_123 : memref<1x128xi32, #tpu.memory_space<vmem>> -> memref<128xi32, #tpu.memory_space<vmem>>
          %dma_wait3A_125 = arith.constant 0 : i32
          %dma_wait3A_126 = arith.constant 0 : i32
          %dma_wait3A_127 = tpu.memref_slice %arg10[%dma_wait3A_125, %dma_wait3A_126] : memref<10240x128xf32, #tpu.memory_space<vmem_shared>> -> memref<10240x128xf32, #tpu.memory_space<vmem_shared>>
          tpu.wait_indirect_dma semaphore(%run_scoped3A_107 : memref<!tpu.dma_semaphore, #tpu.memory_space<semaphore_mem>>) src(%dma_wait3A_121 : memref<128x128xf32, #tpu.memory_space<vmem>>) dst(%dma_wait3A_127 : memref<10240x128xf32, #tpu.memory_space<vmem_shared>>)
          tpu.yield
        }) : () -> ()
        %dma_wait3A_91 = arith.constant 1 : i32
        %dma_wait3A_92 = arith.constant 0 : i32
        %dma_wait3A_93 = arith.constant 0 : i32
        %dma_wait3A_94 = tpu.memref_slice %arg9[%dma_wait3A_91, %dma_wait3A_92, %dma_wait3A_93] : memref<2x128x128xf32, #tpu.memory_space<vmem>> -> memref<1x128x128xf32, #tpu.memory_space<vmem>>
        %dma_wait3A_95 = tpu.memref_squeeze %dma_wait3A_94 : memref<1x128x128xf32, #tpu.memory_space<vmem>> -> memref<128x128xf32, #tpu.memory_space<vmem>>
        %dma_wait3A_96 = arith.constant 0 : i32
        %dma_wait3A_97 = tpu.memref_slice %arg7[%add3A_65, %dma_wait3A_96] : memref<40x128xi32, #tpu.memory_space<vmem>> -> memref<1x128xi32, #tpu.memory_space<vmem>>
        %dma_wait3A_98 = tpu.memref_squeeze %dma_wait3A_97 : memref<1x128xi32, #tpu.memory_space<vmem>> -> memref<128xi32, #tpu.memory_space<vmem>>
        %dma_wait3A_99 = arith.constant 0 : i32
        %dma_wait3A_100 = arith.constant 0 : i32
        %dma_wait3A_101 = tpu.memref_slice %arg2[%dma_wait3A_99, %dma_wait3A_100] : memref<10240x128xf32, #tpu.memory_space<hbm>> -> memref<10240x128xf32, #tpu.memory_space<hbm>>
        tpu.wait_indirect_dma semaphore(%arg12 : memref<!tpu.dma_semaphore, #tpu.memory_space<semaphore_mem>>) src(%dma_wait3A_101 : memref<10240x128xf32, #tpu.memory_space<hbm>>) dst(%dma_wait3A_95 : memref<128x128xf32, #tpu.memory_space<vmem>>)
        %mul3A_102 = arith.constant 2 : i32
        %mul3A_103 = arith.muli %scan3A_47, %mul3A_102 : i32
        %add3A_104 = arith.constant 1 : i32
        %add3A_105 = arith.addi %mul3A_103, %add3A_104 : i32
        %run_scoped3A_106 = arith.constant 1 : i32
        "tpu.region"() ({
          %run_scoped3A_107 = tpu.sem_alloc : memref<!tpu.dma_semaphore, #tpu.memory_space<semaphore_mem>>
          %dma_start3A_108 = arith.constant 0 : i32
          %dma_start3A_109 = arith.constant 0 : i32
          %dma_start3A_110 = tpu.memref_slice %arg9[%run_scoped3A_106, %dma_start3A_108, %dma_start3A_109] : memref<2x128x128xf32, #tpu.memory_space<vmem>> -> memref<1x128x128xf32, #tpu.memory_space<vmem>>
          %dma_start3A_111 = tpu.memref_squeeze %dma_start3A_110 : memref<1x128x128xf32, #tpu.memory_space<vmem>> -> memref<128x128xf32, #tpu.memory_space<vmem>>
          %dma_start3A_112 = arith.constant 0 : i32
          %dma_start3A_113 = tpu.memref_slice %arg8[%add3A_105, %dma_start3A_112] : memref<40x128xi32, #tpu.memory_space<vmem>> -> memref<1x128xi32, #tpu.memory_space<vmem>>
          %dma_start3A_114 = tpu.memref_squeeze %dma_start3A_113 : memref<1x128xi32, #tpu.memory_space<vmem>> -> memref<128xi32, #tpu.memory_space<vmem>>
          %dma_start3A_115 = arith.constant 0 : i32
          %dma_start3A_116 = arith.constant 0 : i32
          %dma_start3A_117 = tpu.memref_slice %arg10[%dma_start3A_115, %dma_start3A_116] : memref<10240x128xf32, #tpu.memory_space<vmem_shared>> -> memref<10240x128xf32, #tpu.memory_space<vmem_shared>>
          tpu.enqueue_indirect_dma source(%dma_start3A_111 : memref<128x128xf32, #tpu.memory_space<vmem>>) target(%dma_start3A_117 : memref<10240x128xf32, #tpu.memory_space<vmem_shared>>) offsets(%dma_start3A_114 : memref<128xi32, #tpu.memory_space<vmem>>) semaphore(%run_scoped3A_107 : memref<!tpu.dma_semaphore, #tpu.memory_space<semaphore_mem>>) {add = true}
          %dma_wait3A_118 = arith.constant 0 : i32
          %dma_wait3A_119 = arith.constant 0 : i32
          %dma_wait3A_120 = tpu.memref_slice %arg9[%run_scoped3A_106, %dma_wait3A_118, %dma_wait3A_119] : memref<2x128x128xf32, #tpu.memory_space<vmem>> -> memref<1x128x128xf32, #tpu.memory_space<vmem>>
          %dma_wait3A_121 = tpu.memref_squeeze %dma_wait3A_120 : memref<1x128x128xf32, #tpu.memory_space<vmem>> -> memref<128x128xf32, #tpu.memory_space<vmem>>
          %dma_wait3A_122 = arith.constant 0 : i32
          %dma_wait3A_123 = tpu.memref_slice %arg8[%add3A_105, %dma_wait3A_122] : memref<40x128xi32, #tpu.memory_space<vmem>> -> memref<1x128xi32, #tpu.memory_space<vmem>>
          %dma_wait3A_124 = tpu.memref_squeeze %dma_wait3A_123 : memref<1x128xi32, #tpu.memory_space<vmem>> -> memref<128xi32, #tpu.memory_space<vmem>>
          %dma_wait3A_125 = arith.constant 0 : i32
          %dma_wait3A_126 = arith.constant 0 : i32
          %dma_wait3A_127 = tpu.memref_slice %arg10[%dma_wait3A_125, %dma_wait3A_126] : memref<10240x128xf32, #tpu.memory_space<vmem_shared>> -> memref<10240x128xf32, #tpu.memory_space<vmem_shared>>
          tpu.wait_indirect_dma semaphore(%run_scoped3A_107 : memref<!tpu.dma_semaphore, #tpu.memory_space<semaphore_mem>>) src(%dma_wait3A_121 : memref<128x128xf32, #tpu.memory_space<vmem>>) dst(%dma_wait3A_127 : memref<10240x128xf32, #tpu.memory_space<vmem_shared>>)
          tpu.yield
        }) : () -> ()
      }
      %scan3A_46 = arith.constant 20 : i32
    } else {
    }
    %eq3A_5 = arith.constant 1 : i32
    %eq3A_6 = arith.cmpi eq, %arg0, %eq3A_5 : i32
    %convert_element_type3A_7 = arith.extui %eq3A_6 : i1 to i32
    %cond3A_8 = arith.constant 0 : i32
    %cond3A_9 = arith.cmpi ne, %convert_element_type3A_7, %cond3A_8 : i32
    scf.if %cond3A_9 {
      %mul3A_15 = arith.constant 40 : i32
      %mul3A_16 = arith.muli %arg1, %mul3A_15 : i32
      %add3A = arith.constant 1920 : i32
      %add3A_17 = arith.addi %add3A, %mul3A_16 : i32
      %add3A_18 = arith.constant 0 : i32
      %add3A_19 = arith.addi %add3A_17, %add3A_18 : i32
      "tpu.region"() ({
        %run_scoped3A = tpu.sem_alloc : memref<!tpu.dma_semaphore, #tpu.memory_space<semaphore_mem>>
        %dma_start3A = arith.constant 0 : i32
        %dma_start3A_27 = tpu.memref_slice %arg3[%add3A_19, %dma_start3A] : memref<2560x128xi32, #tpu.memory_space<hbm>> -> memref<40x128xi32, #tpu.memory_space<hbm>>
        %dma_start3A_28 = arith.constant 0 : i32
        %dma_start3A_29 = tpu.memref_slice %arg3[%add3A_19, %dma_start3A_28] : memref<2560x128xi32, #tpu.memory_space<hbm>> -> memref<40x128xi32, #tpu.memory_space<hbm>>
        tpu.enqueue_dma source(%dma_start3A_29 : memref<40x128xi32, #tpu.memory_space<hbm>>) target(%arg7 : memref<40x128xi32, #tpu.memory_space<vmem>>) target_semaphore(%run_scoped3A : memref<!tpu.dma_semaphore, #tpu.memory_space<semaphore_mem>>)
        %dma_wait3A = arith.constant 0 : i32
        %dma_wait3A_30 = tpu.memref_slice %arg3[%add3A_19, %dma_wait3A] : memref<2560x128xi32, #tpu.memory_space<hbm>> -> memref<40x128xi32, #tpu.memory_space<hbm>>
        %dma_wait3A_31 = arith.constant 0 : i32
        %dma_wait3A_32 = tpu.memref_slice %arg3[%add3A_19, %dma_wait3A_31] : memref<2560x128xi32, #tpu.memory_space<hbm>> -> memref<40x128xi32, #tpu.memory_space<hbm>>
        tpu.wait_dma2 semaphore(%run_scoped3A : memref<!tpu.dma_semaphore, #tpu.memory_space<semaphore_mem>>) src(%dma_wait3A_32 : memref<40x128xi32, #tpu.memory_space<hbm>>) dst(%arg7 : memref<40x128xi32, #tpu.memory_space<vmem>>)
        tpu.yield
      }) : () -> ()
      %add3A_20 = arith.constant 0 : i32
      %add3A_21 = arith.addi %add3A_17, %add3A_20 : i32
      "tpu.region"() ({
        %run_scoped3A = tpu.sem_alloc : memref<!tpu.dma_semaphore, #tpu.memory_space<semaphore_mem>>
        %dma_start3A = arith.constant 0 : i32
        %dma_start3A_27 = tpu.memref_slice %arg4[%add3A_21, %dma_start3A] : memref<2560x128xi32, #tpu.memory_space<hbm>> -> memref<40x128xi32, #tpu.memory_space<hbm>>
        %dma_start3A_28 = arith.constant 0 : i32
        %dma_start3A_29 = tpu.memref_slice %arg4[%add3A_21, %dma_start3A_28] : memref<2560x128xi32, #tpu.memory_space<hbm>> -> memref<40x128xi32, #tpu.memory_space<hbm>>
        tpu.enqueue_dma source(%dma_start3A_29 : memref<40x128xi32, #tpu.memory_space<hbm>>) target(%arg8 : memref<40x128xi32, #tpu.memory_space<vmem>>) target_semaphore(%run_scoped3A : memref<!tpu.dma_semaphore, #tpu.memory_space<semaphore_mem>>)
        %dma_wait3A = arith.constant 0 : i32
        %dma_wait3A_30 = tpu.memref_slice %arg4[%add3A_21, %dma_wait3A] : memref<2560x128xi32, #tpu.memory_space<hbm>> -> memref<40x128xi32, #tpu.memory_space<hbm>>
        %dma_wait3A_31 = arith.constant 0 : i32
        %dma_wait3A_32 = tpu.memref_slice %arg4[%add3A_21, %dma_wait3A_31] : memref<2560x128xi32, #tpu.memory_space<hbm>> -> memref<40x128xi32, #tpu.memory_space<hbm>>
        tpu.wait_dma2 semaphore(%run_scoped3A : memref<!tpu.dma_semaphore, #tpu.memory_space<semaphore_mem>>) src(%dma_wait3A_32 : memref<40x128xi32, #tpu.memory_space<hbm>>) dst(%arg8 : memref<40x128xi32, #tpu.memory_space<vmem>>)
        tpu.yield
      }) : () -> ()
      %scan3A = arith.constant 0 : i32
      %scan3A_22 = arith.constant 0 : i32
      %scan3A_23 = arith.constant 20 : i32
      %scan3A_24 = arith.addi %scan3A_22, %scan3A_23 : i32
      %scan3A_25 = arith.constant 1 : i32
      scf.for %scan3A_27 = %scan3A_22 to %scan3A_24 step %scan3A_25  : i32 {
        %mul3A_28 = arith.constant 2 : i32
        %mul3A_29 = arith.muli %scan3A_27, %mul3A_28 : i32
        %add3A_30 = arith.constant 0 : i32
        %add3A_31 = arith.addi %mul3A_29, %add3A_30 : i32
        %dma_start3A = arith.constant 0 : i32
        %dma_start3A_32 = arith.constant 0 : i32
        %dma_start3A_33 = arith.constant 0 : i32
        %dma_start3A_34 = tpu.memref_slice %arg9[%dma_start3A, %dma_start3A_32, %dma_start3A_33] : memref<2x128x128xf32, #tpu.memory_space<vmem>> -> memref<1x128x128xf32, #tpu.memory_space<vmem>>
        %dma_start3A_35 = tpu.memref_squeeze %dma_start3A_34 : memref<1x128x128xf32, #tpu.memory_space<vmem>> -> memref<128x128xf32, #tpu.memory_space<vmem>>
        %dma_start3A_36 = arith.constant 0 : i32
        %dma_start3A_37 = tpu.memref_slice %arg7[%add3A_31, %dma_start3A_36] : memref<40x128xi32, #tpu.memory_space<vmem>> -> memref<1x128xi32, #tpu.memory_space<vmem>>
        %dma_start3A_38 = tpu.memref_squeeze %dma_start3A_37 : memref<1x128xi32, #tpu.memory_space<vmem>> -> memref<128xi32, #tpu.memory_space<vmem>>
        %dma_start3A_39 = arith.constant 0 : i32
        %dma_start3A_40 = arith.constant 0 : i32
        %dma_start3A_41 = tpu.memref_slice %arg2[%dma_start3A_39, %dma_start3A_40] : memref<10240x128xf32, #tpu.memory_space<hbm>> -> memref<10240x128xf32, #tpu.memory_space<hbm>>
        tpu.enqueue_indirect_dma source(%dma_start3A_41 : memref<10240x128xf32, #tpu.memory_space<hbm>>) target(%dma_start3A_35 : memref<128x128xf32, #tpu.memory_space<vmem>>) offsets(%dma_start3A_38 : memref<128xi32, #tpu.memory_space<vmem>>) semaphore(%arg11 : memref<!tpu.dma_semaphore, #tpu.memory_space<semaphore_mem>>)
        %mul3A_42 = arith.constant 2 : i32
        %mul3A_43 = arith.muli %scan3A_27, %mul3A_42 : i32
        %add3A_44 = arith.constant 1 : i32
        %add3A_45 = arith.addi %mul3A_43, %add3A_44 : i32
        %dma_start3A_46 = arith.constant 1 : i32
        %dma_start3A_47 = arith.constant 0 : i32
        %dma_start3A_48 = arith.constant 0 : i32
        %dma_start3A_49 = tpu.memref_slice %arg9[%dma_start3A_46, %dma_start3A_47, %dma_start3A_48] : memref<2x128x128xf32, #tpu.memory_space<vmem>> -> memref<1x128x128xf32, #tpu.memory_space<vmem>>
        %dma_start3A_50 = tpu.memref_squeeze %dma_start3A_49 : memref<1x128x128xf32, #tpu.memory_space<vmem>> -> memref<128x128xf32, #tpu.memory_space<vmem>>
        %dma_start3A_51 = arith.constant 0 : i32
        %dma_start3A_52 = tpu.memref_slice %arg7[%add3A_45, %dma_start3A_51] : memref<40x128xi32, #tpu.memory_space<vmem>> -> memref<1x128xi32, #tpu.memory_space<vmem>>
        %dma_start3A_53 = tpu.memref_squeeze %dma_start3A_52 : memref<1x128xi32, #tpu.memory_space<vmem>> -> memref<128xi32, #tpu.memory_space<vmem>>
        %dma_start3A_54 = arith.constant 0 : i32
        %dma_start3A_55 = arith.constant 0 : i32
        %dma_start3A_56 = tpu.memref_slice %arg2[%dma_start3A_54, %dma_start3A_55] : memref<10240x128xf32, #tpu.memory_space<hbm>> -> memref<10240x128xf32, #tpu.memory_space<hbm>>
        tpu.enqueue_indirect_dma source(%dma_start3A_56 : memref<10240x128xf32, #tpu.memory_space<hbm>>) target(%dma_start3A_50 : memref<128x128xf32, #tpu.memory_space<vmem>>) offsets(%dma_start3A_53 : memref<128xi32, #tpu.memory_space<vmem>>) semaphore(%arg12 : memref<!tpu.dma_semaphore, #tpu.memory_space<semaphore_mem>>)
        %dma_wait3A = arith.constant 0 : i32
        %dma_wait3A_57 = arith.constant 0 : i32
        %dma_wait3A_58 = arith.constant 0 : i32
        %dma_wait3A_59 = tpu.memref_slice %arg9[%dma_wait3A, %dma_wait3A_57, %dma_wait3A_58] : memref<2x128x128xf32, #tpu.memory_space<vmem>> -> memref<1x128x128xf32, #tpu.memory_space<vmem>>
        %dma_wait3A_60 = tpu.memref_squeeze %dma_wait3A_59 : memref<1x128x128xf32, #tpu.memory_space<vmem>> -> memref<128x128xf32, #tpu.memory_space<vmem>>
        %dma_wait3A_61 = arith.constant 0 : i32
        %dma_wait3A_62 = tpu.memref_slice %arg7[%add3A_31, %dma_wait3A_61] : memref<40x128xi32, #tpu.memory_space<vmem>> -> memref<1x128xi32, #tpu.memory_space<vmem>>
        %dma_wait3A_63 = tpu.memref_squeeze %dma_wait3A_62 : memref<1x128xi32, #tpu.memory_space<vmem>> -> memref<128xi32, #tpu.memory_space<vmem>>
        %dma_wait3A_64 = arith.constant 0 : i32
        %dma_wait3A_65 = arith.constant 0 : i32
        %dma_wait3A_66 = tpu.memref_slice %arg2[%dma_wait3A_64, %dma_wait3A_65] : memref<10240x128xf32, #tpu.memory_space<hbm>> -> memref<10240x128xf32, #tpu.memory_space<hbm>>
        tpu.wait_indirect_dma semaphore(%arg11 : memref<!tpu.dma_semaphore, #tpu.memory_space<semaphore_mem>>) src(%dma_wait3A_66 : memref<10240x128xf32, #tpu.memory_space<hbm>>) dst(%dma_wait3A_60 : memref<128x128xf32, #tpu.memory_space<vmem>>)
        %mul3A_67 = arith.constant 2 : i32
        %mul3A_68 = arith.muli %scan3A_27, %mul3A_67 : i32
        %add3A_69 = arith.constant 0 : i32
        %add3A_70 = arith.addi %mul3A_68, %add3A_69 : i32
        %run_scoped3A = arith.constant 0 : i32
        "tpu.region"() ({
          %run_scoped3A_87 = tpu.sem_alloc : memref<!tpu.dma_semaphore, #tpu.memory_space<semaphore_mem>>
          %dma_start3A_88 = arith.constant 0 : i32
          %dma_start3A_89 = arith.constant 0 : i32
          %dma_start3A_90 = tpu.memref_slice %arg9[%run_scoped3A, %dma_start3A_88, %dma_start3A_89] : memref<2x128x128xf32, #tpu.memory_space<vmem>> -> memref<1x128x128xf32, #tpu.memory_space<vmem>>
          %dma_start3A_91 = tpu.memref_squeeze %dma_start3A_90 : memref<1x128x128xf32, #tpu.memory_space<vmem>> -> memref<128x128xf32, #tpu.memory_space<vmem>>
          %dma_start3A_92 = arith.constant 0 : i32
          %dma_start3A_93 = tpu.memref_slice %arg8[%add3A_70, %dma_start3A_92] : memref<40x128xi32, #tpu.memory_space<vmem>> -> memref<1x128xi32, #tpu.memory_space<vmem>>
          %dma_start3A_94 = tpu.memref_squeeze %dma_start3A_93 : memref<1x128xi32, #tpu.memory_space<vmem>> -> memref<128xi32, #tpu.memory_space<vmem>>
          %dma_start3A_95 = arith.constant 0 : i32
          %dma_start3A_96 = arith.constant 0 : i32
          %dma_start3A_97 = tpu.memref_slice %arg10[%dma_start3A_95, %dma_start3A_96] : memref<10240x128xf32, #tpu.memory_space<vmem_shared>> -> memref<10240x128xf32, #tpu.memory_space<vmem_shared>>
          tpu.enqueue_indirect_dma source(%dma_start3A_91 : memref<128x128xf32, #tpu.memory_space<vmem>>) target(%dma_start3A_97 : memref<10240x128xf32, #tpu.memory_space<vmem_shared>>) offsets(%dma_start3A_94 : memref<128xi32, #tpu.memory_space<vmem>>) semaphore(%run_scoped3A_87 : memref<!tpu.dma_semaphore, #tpu.memory_space<semaphore_mem>>) {add = true}
          %dma_wait3A_98 = arith.constant 0 : i32
          %dma_wait3A_99 = arith.constant 0 : i32
          %dma_wait3A_100 = tpu.memref_slice %arg9[%run_scoped3A, %dma_wait3A_98, %dma_wait3A_99] : memref<2x128x128xf32, #tpu.memory_space<vmem>> -> memref<1x128x128xf32, #tpu.memory_space<vmem>>
          %dma_wait3A_101 = tpu.memref_squeeze %dma_wait3A_100 : memref<1x128x128xf32, #tpu.memory_space<vmem>> -> memref<128x128xf32, #tpu.memory_space<vmem>>
          %dma_wait3A_102 = arith.constant 0 : i32
          %dma_wait3A_103 = tpu.memref_slice %arg8[%add3A_70, %dma_wait3A_102] : memref<40x128xi32, #tpu.memory_space<vmem>> -> memref<1x128xi32, #tpu.memory_space<vmem>>
          %dma_wait3A_104 = tpu.memref_squeeze %dma_wait3A_103 : memref<1x128xi32, #tpu.memory_space<vmem>> -> memref<128xi32, #tpu.memory_space<vmem>>
          %dma_wait3A_105 = arith.constant 0 : i32
          %dma_wait3A_106 = arith.constant 0 : i32
          %dma_wait3A_107 = tpu.memref_slice %arg10[%dma_wait3A_105, %dma_wait3A_106] : memref<10240x128xf32, #tpu.memory_space<vmem_shared>> -> memref<10240x128xf32, #tpu.memory_space<vmem_shared>>
          tpu.wait_indirect_dma semaphore(%run_scoped3A_87 : memref<!tpu.dma_semaphore, #tpu.memory_space<semaphore_mem>>) src(%dma_wait3A_101 : memref<128x128xf32, #tpu.memory_space<vmem>>) dst(%dma_wait3A_107 : memref<10240x128xf32, #tpu.memory_space<vmem_shared>>)
          tpu.yield
        }) : () -> ()
        %dma_wait3A_71 = arith.constant 1 : i32
        %dma_wait3A_72 = arith.constant 0 : i32
        %dma_wait3A_73 = arith.constant 0 : i32
        %dma_wait3A_74 = tpu.memref_slice %arg9[%dma_wait3A_71, %dma_wait3A_72, %dma_wait3A_73] : memref<2x128x128xf32, #tpu.memory_space<vmem>> -> memref<1x128x128xf32, #tpu.memory_space<vmem>>
        %dma_wait3A_75 = tpu.memref_squeeze %dma_wait3A_74 : memref<1x128x128xf32, #tpu.memory_space<vmem>> -> memref<128x128xf32, #tpu.memory_space<vmem>>
        %dma_wait3A_76 = arith.constant 0 : i32
        %dma_wait3A_77 = tpu.memref_slice %arg7[%add3A_45, %dma_wait3A_76] : memref<40x128xi32, #tpu.memory_space<vmem>> -> memref<1x128xi32, #tpu.memory_space<vmem>>
        %dma_wait3A_78 = tpu.memref_squeeze %dma_wait3A_77 : memref<1x128xi32, #tpu.memory_space<vmem>> -> memref<128xi32, #tpu.memory_space<vmem>>
        %dma_wait3A_79 = arith.constant 0 : i32
        %dma_wait3A_80 = arith.constant 0 : i32
        %dma_wait3A_81 = tpu.memref_slice %arg2[%dma_wait3A_79, %dma_wait3A_80] : memref<10240x128xf32, #tpu.memory_space<hbm>> -> memref<10240x128xf32, #tpu.memory_space<hbm>>
        tpu.wait_indirect_dma semaphore(%arg12 : memref<!tpu.dma_semaphore, #tpu.memory_space<semaphore_mem>>) src(%dma_wait3A_81 : memref<10240x128xf32, #tpu.memory_space<hbm>>) dst(%dma_wait3A_75 : memref<128x128xf32, #tpu.memory_space<vmem>>)
        %mul3A_82 = arith.constant 2 : i32
        %mul3A_83 = arith.muli %scan3A_27, %mul3A_82 : i32
        %add3A_84 = arith.constant 1 : i32
        %add3A_85 = arith.addi %mul3A_83, %add3A_84 : i32
        %run_scoped3A_86 = arith.constant 1 : i32
        "tpu.region"() ({
          %run_scoped3A_87 = tpu.sem_alloc : memref<!tpu.dma_semaphore, #tpu.memory_space<semaphore_mem>>
          %dma_start3A_88 = arith.constant 0 : i32
          %dma_start3A_89 = arith.constant 0 : i32
          %dma_start3A_90 = tpu.memref_slice %arg9[%run_scoped3A_86, %dma_start3A_88, %dma_start3A_89] : memref<2x128x128xf32, #tpu.memory_space<vmem>> -> memref<1x128x128xf32, #tpu.memory_space<vmem>>
          %dma_start3A_91 = tpu.memref_squeeze %dma_start3A_90 : memref<1x128x128xf32, #tpu.memory_space<vmem>> -> memref<128x128xf32, #tpu.memory_space<vmem>>
          %dma_start3A_92 = arith.constant 0 : i32
          %dma_start3A_93 = tpu.memref_slice %arg8[%add3A_85, %dma_start3A_92] : memref<40x128xi32, #tpu.memory_space<vmem>> -> memref<1x128xi32, #tpu.memory_space<vmem>>
          %dma_start3A_94 = tpu.memref_squeeze %dma_start3A_93 : memref<1x128xi32, #tpu.memory_space<vmem>> -> memref<128xi32, #tpu.memory_space<vmem>>
          %dma_start3A_95 = arith.constant 0 : i32
          %dma_start3A_96 = arith.constant 0 : i32
          %dma_start3A_97 = tpu.memref_slice %arg10[%dma_start3A_95, %dma_start3A_96] : memref<10240x128xf32, #tpu.memory_space<vmem_shared>> -> memref<10240x128xf32, #tpu.memory_space<vmem_shared>>
          tpu.enqueue_indirect_dma source(%dma_start3A_91 : memref<128x128xf32, #tpu.memory_space<vmem>>) target(%dma_start3A_97 : memref<10240x128xf32, #tpu.memory_space<vmem_shared>>) offsets(%dma_start3A_94 : memref<128xi32, #tpu.memory_space<vmem>>) semaphore(%run_scoped3A_87 : memref<!tpu.dma_semaphore, #tpu.memory_space<semaphore_mem>>) {add = true}
          %dma_wait3A_98 = arith.constant 0 : i32
          %dma_wait3A_99 = arith.constant 0 : i32
          %dma_wait3A_100 = tpu.memref_slice %arg9[%run_scoped3A_86, %dma_wait3A_98, %dma_wait3A_99] : memref<2x128x128xf32, #tpu.memory_space<vmem>> -> memref<1x128x128xf32, #tpu.memory_space<vmem>>
          %dma_wait3A_101 = tpu.memref_squeeze %dma_wait3A_100 : memref<1x128x128xf32, #tpu.memory_space<vmem>> -> memref<128x128xf32, #tpu.memory_space<vmem>>
          %dma_wait3A_102 = arith.constant 0 : i32
          %dma_wait3A_103 = tpu.memref_slice %arg8[%add3A_85, %dma_wait3A_102] : memref<40x128xi32, #tpu.memory_space<vmem>> -> memref<1x128xi32, #tpu.memory_space<vmem>>
          %dma_wait3A_104 = tpu.memref_squeeze %dma_wait3A_103 : memref<1x128xi32, #tpu.memory_space<vmem>> -> memref<128xi32, #tpu.memory_space<vmem>>
          %dma_wait3A_105 = arith.constant 0 : i32
          %dma_wait3A_106 = arith.constant 0 : i32
          %dma_wait3A_107 = tpu.memref_slice %arg10[%dma_wait3A_105, %dma_wait3A_106] : memref<10240x128xf32, #tpu.memory_space<vmem_shared>> -> memref<10240x128xf32, #tpu.memory_space<vmem_shared>>
          tpu.wait_indirect_dma semaphore(%run_scoped3A_87 : memref<!tpu.dma_semaphore, #tpu.memory_space<semaphore_mem>>) src(%dma_wait3A_101 : memref<128x128xf32, #tpu.memory_space<vmem>>) dst(%dma_wait3A_107 : memref<10240x128xf32, #tpu.memory_space<vmem_shared>>)
          tpu.yield
        }) : () -> ()
      }
      %scan3A_26 = arith.constant 20 : i32
    } else {
    }
    %barrier3A_10 = arith.constant 0 : index
    tpu.barrier barrier_id(%barrier3A_10)
    %mul3A_11 = arith.constant 640 : i32
    %mul3A_12 = arith.muli %arg1, %mul3A_11 : i32
    %mul3A_13 = arith.constant 640 : i32
    %mul3A_14 = arith.muli %arg1, %mul3A_13 : i32
    "tpu.region"() ({
      %run_scoped3A = tpu.sem_alloc : memref<!tpu.dma_semaphore, #tpu.memory_space<semaphore_mem>>
      %dma_start3A = arith.constant 0 : i32
      %dma_start3A_15 = arith.constant 0 : i32
      %dma_start3A_16 = tpu.memref_slice %arg6[%arg0, %dma_start3A, %dma_start3A_15] : memref<2x10240x128xf32, #tpu.memory_space<hbm>> -> memref<1x10240x128xf32, #tpu.memory_space<hbm>>
      %dma_start3A_17 = tpu.memref_squeeze %dma_start3A_16 : memref<1x10240x128xf32, #tpu.memory_space<hbm>> -> memref<10240x128xf32, #tpu.memory_space<hbm>>
      %dma_start3A_18 = arith.constant 0 : i32
      %dma_start3A_19 = tpu.memref_slice %dma_start3A_17[%mul3A_14, %dma_start3A_18] : memref<10240x128xf32, #tpu.memory_space<hbm>> -> memref<640x128xf32, #tpu.memory_space<hbm>>
      %dma_start3A_20 = arith.constant 0 : i32
      %dma_start3A_21 = tpu.memref_slice %arg10[%mul3A_12, %dma_start3A_20] : memref<10240x128xf32, #tpu.memory_space<vmem_shared>> -> memref<640x128xf32, #tpu.memory_space<vmem_shared>>
      tpu.enqueue_dma source(%dma_start3A_21 : memref<640x128xf32, #tpu.memory_space<vmem_shared>>) target(%dma_start3A_19 : memref<640x128xf32, #tpu.memory_space<hbm>>) target_semaphore(%run_scoped3A : memref<!tpu.dma_semaphore, #tpu.memory_space<semaphore_mem>>)
      %dma_wait3A = arith.constant 0 : i32
      %dma_wait3A_22 = arith.constant 0 : i32
      %dma_wait3A_23 = tpu.memref_slice %arg6[%arg0, %dma_wait3A, %dma_wait3A_22] : memref<2x10240x128xf32, #tpu.memory_space<hbm>> -> memref<1x10240x128xf32, #tpu.memory_space<hbm>>
      %dma_wait3A_24 = tpu.memref_squeeze %dma_wait3A_23 : memref<1x10240x128xf32, #tpu.memory_space<hbm>> -> memref<10240x128xf32, #tpu.memory_space<hbm>>
      %dma_wait3A_25 = arith.constant 0 : i32
      %dma_wait3A_26 = tpu.memref_slice %dma_wait3A_24[%mul3A_14, %dma_wait3A_25] : memref<10240x128xf32, #tpu.memory_space<hbm>> -> memref<640x128xf32, #tpu.memory_space<hbm>>
      %dma_wait3A_27 = arith.constant 0 : i32
      %dma_wait3A_28 = tpu.memref_slice %arg10[%mul3A_12, %dma_wait3A_27] : memref<10240x128xf32, #tpu.memory_space<vmem_shared>> -> memref<640x128xf32, #tpu.memory_space<vmem_shared>>
      tpu.wait_dma2 semaphore(%run_scoped3A : memref<!tpu.dma_semaphore, #tpu.memory_space<semaphore_mem>>) src(%dma_wait3A_28 : memref<640x128xf32, #tpu.memory_space<vmem_shared>>) dst(%dma_wait3A_26 : memref<640x128xf32, #tpu.memory_space<hbm>>)
      tpu.yield
    }) : () -> ()
    return
  }
}

module attributes {stable_mosaic.version = 14 : i64} {
  func.func @_ab_body(%arg0: i32, %arg1: memref<1024x128xf32, #tpu.memory_space<vmem>>, %arg2: memref<128x128xf32, #tpu.memory_space<vmem>>, %arg3: memref<2x1024x128xf32, #tpu.memory_space<vmem>>, %arg4: memref<1024x128xf32, #tpu.memory_space<vmem>>, %arg5: memref<1024x1xf32, #tpu.memory_space<vmem>>) attributes {dimension_semantics = [#tpu.dimension_semantics<arbitrary>], iteration_bounds = array<i64: 10>, scalar_prefetch = 0 : i64, scratch_operands = 0 : i64, tpu.core_type = #tpu.core_type<tc>, window_params = [{transform_indices = @transform_0, window_bounds = array<i64: 1024, 128>}, {pipeline_mode = #tpu.pipeline_mode<synchronous>, transform_indices = @transform_1, window_bounds = array<i64: 128, 128>}, {transform_indices = @transform_2, window_bounds = array<i64: 2, 1024, 128>}, {transform_indices = @transform_3, window_bounds = array<i64: 1024, 128>}, {transform_indices = @transform_4, window_bounds = array<i64: 1024, 1>}]} {
    %get3A = arith.constant 0 : index
    %get3A_0 = arith.constant 0 : index
    %get3A_1 = vector.load %arg1[%get3A, %get3A_0] : memref<1024x128xf32, #tpu.memory_space<vmem>>, vector<1024x128xf32>
    %get3A_2 = arith.constant 0 : index
    %get3A_3 = arith.constant 0 : index
    %get3A_4 = vector.load %arg2[%get3A_2, %get3A_3] : memref<128x128xf32, #tpu.memory_space<vmem>>, vector<128x128xf32>
    %dot_general3A = arith.constant dense<0.000000e+00> : vector<1024x128xf32>
    %dot_general3A_5 = tpu.matmul %get3A_1, %get3A_4, %dot_general3A {dimension_numbers = #tpu.dot_dimension_numbers<[1], [0], [0], [1], [0, 0, 1, 1], [], []>, transpose_lhs_hint = false} : vector<1024x128xf32>, vector<128x128xf32>, vector<1024x128xf32> -> vector<1024x128xf32>
    %get3A_6 = arith.constant 0 : index
    %get3A_7 = arith.constant 0 : index
    %get3A_8 = arith.constant 0 : index
    %get3A_9 = vector.load %arg3[%get3A_6, %get3A_7, %get3A_8] : memref<2x1024x128xf32, #tpu.memory_space<vmem>>, vector<1x1024x1xf32>
    %get3A_10 = vector.shape_cast %get3A_9 : vector<1x1024x1xf32> to vector<1024xf32>
    %get3A_11 = arith.constant 1 : index
    %get3A_12 = arith.constant 0 : index
    %get3A_13 = arith.constant 0 : index
    %get3A_14 = vector.load %arg3[%get3A_11, %get3A_12, %get3A_13] : memref<2x1024x128xf32, #tpu.memory_space<vmem>>, vector<1x1024x1xf32>
    %get3A_15 = vector.shape_cast %get3A_14 : vector<1x1024x1xf32> to vector<1024xf32>
    %add3A = arith.addf %get3A_10, %get3A_15 : vector<1024xf32>
    %add3A_16 = arith.constant 1.000000e+00 : f32
    %add3A_17 = vector.broadcast %add3A_16 : f32 to vector<1024xf32>
    %add3A_18 = arith.addf %add3A, %add3A_17 : vector<1024xf32>
    %rsqrt3A = math.rsqrt %add3A_18 : vector<1024xf32>
    %broadcast_in_dim3A = vector.shape_cast %rsqrt3A : vector<1024xf32> to vector<1024x1xf32>
    %swap3A = arith.constant 0 : index
    %swap3A_19 = arith.constant 0 : index
    %swap3A_20 = vector.load %arg5[%swap3A, %swap3A_19] : memref<1024x1xf32, #tpu.memory_space<vmem>>, vector<1024x1xf32>
    tpu.vector_store %arg5[%swap3A, %swap3A_19], %broadcast_in_dim3A {strides = array<i32>} : memref<1024x1xf32, #tpu.memory_space<vmem>>, vector<1024x1xf32>,
    %mul3A = vector.broadcast %broadcast_in_dim3A : vector<1024x1xf32> to vector<1024x128xf32>
    %mul3A_21 = arith.mulf %dot_general3A_5, %mul3A : vector<1024x128xf32>
    %swap3A_22 = arith.constant 0 : index
    %swap3A_23 = arith.constant 0 : index
    %swap3A_24 = vector.load %arg4[%swap3A_22, %swap3A_23] : memref<1024x128xf32, #tpu.memory_space<vmem>>, vector<1024x128xf32>
    tpu.vector_store %arg4[%swap3A_22, %swap3A_23], %mul3A_21 {strides = array<i32>} : memref<1024x128xf32, #tpu.memory_space<vmem>>, vector<1024x128xf32>,
    return
  }
  func.func @transform_0(%arg0: i32) -> (i32, i32) {
    %c0_i32 = arith.constant 0 : i32
    %c0_i32_0 = arith.constant 0 : i32
    return %arg0, %c0_i32 : i32, i32
  }
  func.func @transform_1(%arg0: i32) -> (i32, i32) {
    %c0_i32 = arith.constant 0 : i32
    %c0_i32_0 = arith.constant 0 : i32
    %c0_i32_1 = arith.constant 0 : i32
    return %c0_i32, %c0_i32_0 : i32, i32
  }
  func.func @transform_2(%arg0: i32) -> (i32, i32, i32) {
    %c0_i32 = arith.constant 0 : i32
    %c0_i32_0 = arith.constant 0 : i32
    %c0_i32_1 = arith.constant 0 : i32
    return %c0_i32, %arg0, %c0_i32_0 : i32, i32, i32
  }
  func.func @transform_3(%arg0: i32) -> (i32, i32) {
    %c0_i32 = arith.constant 0 : i32
    %c0_i32_0 = arith.constant 0 : i32
    return %arg0, %c0_i32 : i32, i32
  }
  func.func @transform_4(%arg0: i32) -> (i32, i32) {
    %c0_i32 = arith.constant 0 : i32
    %c0_i32_0 = arith.constant 0 : i32
    return %arg0, %c0_i32 : i32, i32
  }
}

module attributes {stable_mosaic.version = 14 : i64} {
  func.func @_c_body(%arg0: i32, %arg1: memref<2x1024x128xf32, #tpu.memory_space<vmem>>, %arg2: memref<1024x128xf32, #tpu.memory_space<vmem>>, %arg3: memref<1024x1xf32, #tpu.memory_space<vmem>>, %arg4: memref<1x128xf32, #tpu.memory_space<vmem>>, %arg5: memref<128x128xf32, #tpu.memory_space<vmem>>, %arg6: memref<1024x128xf32, #tpu.memory_space<vmem>>) attributes {dimension_semantics = [#tpu.dimension_semantics<arbitrary>], iteration_bounds = array<i64: 10>, scalar_prefetch = 0 : i64, scratch_operands = 0 : i64, tpu.core_type = #tpu.core_type<tc>, window_params = [{transform_indices = @transform_0, window_bounds = array<i64: 2, 1024, 128>}, {transform_indices = @transform_1, window_bounds = array<i64: 1024, 128>}, {transform_indices = @transform_2, window_bounds = array<i64: 1024, 1>}, {pipeline_mode = #tpu.pipeline_mode<synchronous>, transform_indices = @transform_3, window_bounds = array<i64: 1, 128>}, {pipeline_mode = #tpu.pipeline_mode<synchronous>, transform_indices = @transform_4, window_bounds = array<i64: 128, 128>}, {transform_indices = @transform_5, window_bounds = array<i64: 1024, 128>}]} {
    %get3A = arith.constant 0 : index
    %get3A_0 = arith.constant 0 : index
    %get3A_1 = vector.load %arg3[%get3A, %get3A_0] : memref<1024x1xf32, #tpu.memory_space<vmem>>, vector<1024x1xf32>
    %get3A_2 = arith.constant 0 : index
    %get3A_3 = arith.constant 0 : index
    %get3A_4 = arith.constant 0 : index
    %get3A_5 = vector.load %arg1[%get3A_2, %get3A_3, %get3A_4] : memref<2x1024x128xf32, #tpu.memory_space<vmem>>, vector<1x1024x128xf32>
    %get3A_6 = vector.shape_cast %get3A_5 : vector<1x1024x128xf32> to vector<1024x128xf32>
    %get3A_7 = arith.constant 1 : index
    %get3A_8 = arith.constant 0 : index
    %get3A_9 = arith.constant 0 : index
    %get3A_10 = vector.load %arg1[%get3A_7, %get3A_8, %get3A_9] : memref<2x1024x128xf32, #tpu.memory_space<vmem>>, vector<1x1024x128xf32>
    %get3A_11 = vector.shape_cast %get3A_10 : vector<1x1024x128xf32> to vector<1024x128xf32>
    %add3A = arith.addf %get3A_6, %get3A_11 : vector<1024x128xf32>
    %get3A_12 = arith.constant 0 : index
    %get3A_13 = arith.constant 0 : index
    %get3A_14 = vector.load %arg2[%get3A_12, %get3A_13] : memref<1024x128xf32, #tpu.memory_space<vmem>>, vector<1024x128xf32>
    %add3A_15 = arith.addf %add3A, %get3A_14 : vector<1024x128xf32>
    %mul3A = vector.broadcast %get3A_1 : vector<1024x1xf32> to vector<1024x128xf32>
    %mul3A_16 = arith.mulf %add3A_15, %mul3A : vector<1024x128xf32>
    %get3A_17 = arith.constant 0 : index
    %get3A_18 = arith.constant 0 : index
    %get3A_19 = vector.load %arg4[%get3A_17, %get3A_18] : memref<1x128xf32, #tpu.memory_space<vmem>>, vector<1x128xf32>
    %add3A_20 = vector.broadcast %get3A_19 : vector<1x128xf32> to vector<1024x128xf32>
    %add3A_21 = arith.addf %mul3A_16, %add3A_20 : vector<1024x128xf32>
    %max3A = arith.constant 0.000000e+00 : f32
    %max3A_22 = vector.broadcast %max3A : f32 to vector<1024x128xf32>
    %max3A_23 = arith.maximumf %add3A_21, %max3A_22 : vector<1024x128xf32>
    %get3A_24 = arith.constant 0 : index
    %get3A_25 = arith.constant 0 : index
    %get3A_26 = vector.load %arg5[%get3A_24, %get3A_25] : memref<128x128xf32, #tpu.memory_space<vmem>>, vector<128x128xf32>
    %dot_general3A = arith.constant dense<0.000000e+00> : vector<1024x128xf32>
    %dot_general3A_27 = tpu.matmul %max3A_23, %get3A_26, %dot_general3A {dimension_numbers = #tpu.dot_dimension_numbers<[1], [0], [0], [1], [0, 0, 1, 1], [], []>, transpose_lhs_hint = false} : vector<1024x128xf32>, vector<128x128xf32>, vector<1024x128xf32> -> vector<1024x128xf32>
    %mul3A_28 = vector.broadcast %get3A_1 : vector<1024x1xf32> to vector<1024x128xf32>
    %mul3A_29 = arith.mulf %dot_general3A_27, %mul3A_28 : vector<1024x128xf32>
    %swap3A = arith.constant 0 : index
    %swap3A_30 = arith.constant 0 : index
    %swap3A_31 = vector.load %arg6[%swap3A, %swap3A_30] : memref<1024x128xf32, #tpu.memory_space<vmem>>, vector<1024x128xf32>
    tpu.vector_store %arg6[%swap3A, %swap3A_30], %mul3A_29 {strides = array<i32>} : memref<1024x128xf32, #tpu.memory_space<vmem>>, vector<1024x128xf32>,
    return
  }
  func.func @transform_0(%arg0: i32) -> (i32, i32, i32) {
    %c0_i32 = arith.constant 0 : i32
    %c0_i32_0 = arith.constant 0 : i32
    %c0_i32_1 = arith.constant 0 : i32
    return %c0_i32, %arg0, %c0_i32_0 : i32, i32, i32
  }
  func.func @transform_1(%arg0: i32) -> (i32, i32) {
    %c0_i32 = arith.constant 0 : i32
    %c0_i32_0 = arith.constant 0 : i32
    return %arg0, %c0_i32 : i32, i32
  }
  func.func @transform_2(%arg0: i32) -> (i32, i32) {
    %c0_i32 = arith.constant 0 : i32
    %c0_i32_0 = arith.constant 0 : i32
    return %arg0, %c0_i32 : i32, i32
  }
  func.func @transform_3(%arg0: i32) -> (i32, i32) {
    %c0_i32 = arith.constant 0 : i32
    %c0_i32_0 = arith.constant 0 : i32
    %c0_i32_1 = arith.constant 0 : i32
    return %c0_i32, %c0_i32_0 : i32, i32
  }
  func.func @transform_4(%arg0: i32) -> (i32, i32) {
    %c0_i32 = arith.constant 0 : i32
    %c0_i32_0 = arith.constant 0 : i32
    %c0_i32_1 = arith.constant 0 : i32
    return %c0_i32, %c0_i32_0 : i32, i32
  }
  func.func @transform_5(%arg0: i32) -> (i32, i32) {
    %c0_i32 = arith.constant 0 : i32
    %c0_i32_0 = arith.constant 0 : i32
    return %arg0, %c0_i32 : i32, i32
  }
}

module attributes {stable_mosaic.version = 14 : i64} {
  func.func @_d_body(%arg0: i32, %arg1: memref<2x1024x128xf32, #tpu.memory_space<vmem>>, %arg2: memref<1024x128xf32, #tpu.memory_space<vmem>>, %arg3: memref<1024x1xf32, #tpu.memory_space<vmem>>, %arg4: memref<1x128xf32, #tpu.memory_space<vmem>>, %arg5: memref<1024x128xf32, #tpu.memory_space<vmem>>) attributes {dimension_semantics = [#tpu.dimension_semantics<arbitrary>], iteration_bounds = array<i64: 10>, scalar_prefetch = 0 : i64, scratch_operands = 0 : i64, tpu.core_type = #tpu.core_type<tc>, window_params = [{transform_indices = @transform_0, window_bounds = array<i64: 2, 1024, 128>}, {transform_indices = @transform_1, window_bounds = array<i64: 1024, 128>}, {transform_indices = @transform_2, window_bounds = array<i64: 1024, 1>}, {pipeline_mode = #tpu.pipeline_mode<synchronous>, transform_indices = @transform_3, window_bounds = array<i64: 1, 128>}, {transform_indices = @transform_4, window_bounds = array<i64: 1024, 128>}]} {
    %get3A = arith.constant 0 : index
    %get3A_0 = arith.constant 0 : index
    %get3A_1 = arith.constant 0 : index
    %get3A_2 = vector.load %arg1[%get3A, %get3A_0, %get3A_1] : memref<2x1024x128xf32, #tpu.memory_space<vmem>>, vector<1x1024x128xf32>
    %get3A_3 = vector.shape_cast %get3A_2 : vector<1x1024x128xf32> to vector<1024x128xf32>
    %get3A_4 = arith.constant 1 : index
    %get3A_5 = arith.constant 0 : index
    %get3A_6 = arith.constant 0 : index
    %get3A_7 = vector.load %arg1[%get3A_4, %get3A_5, %get3A_6] : memref<2x1024x128xf32, #tpu.memory_space<vmem>>, vector<1x1024x128xf32>
    %get3A_8 = vector.shape_cast %get3A_7 : vector<1x1024x128xf32> to vector<1024x128xf32>
    %add3A = arith.addf %get3A_3, %get3A_8 : vector<1024x128xf32>
    %get3A_9 = arith.constant 0 : index
    %get3A_10 = arith.constant 0 : index
    %get3A_11 = vector.load %arg2[%get3A_9, %get3A_10] : memref<1024x128xf32, #tpu.memory_space<vmem>>, vector<1024x128xf32>
    %add3A_12 = arith.addf %add3A, %get3A_11 : vector<1024x128xf32>
    %get3A_13 = arith.constant 0 : index
    %get3A_14 = arith.constant 0 : index
    %get3A_15 = vector.load %arg3[%get3A_13, %get3A_14] : memref<1024x1xf32, #tpu.memory_space<vmem>>, vector<1024x1xf32>
    %mul3A = vector.broadcast %get3A_15 : vector<1024x1xf32> to vector<1024x128xf32>
    %mul3A_16 = arith.mulf %add3A_12, %mul3A : vector<1024x128xf32>
    %get3A_17 = arith.constant 0 : index
    %get3A_18 = arith.constant 0 : index
    %get3A_19 = vector.load %arg4[%get3A_17, %get3A_18] : memref<1x128xf32, #tpu.memory_space<vmem>>, vector<1x128xf32>
    %add3A_20 = vector.broadcast %get3A_19 : vector<1x128xf32> to vector<1024x128xf32>
    %add3A_21 = arith.addf %mul3A_16, %add3A_20 : vector<1024x128xf32>
    %swap3A = arith.constant 0 : index
    %swap3A_22 = arith.constant 0 : index
    %swap3A_23 = vector.load %arg5[%swap3A, %swap3A_22] : memref<1024x128xf32, #tpu.memory_space<vmem>>, vector<1024x128xf32>
    tpu.vector_store %arg5[%swap3A, %swap3A_22], %add3A_21 {strides = array<i32>} : memref<1024x128xf32, #tpu.memory_space<vmem>>, vector<1024x128xf32>,
    return
  }
  func.func @transform_0(%arg0: i32) -> (i32, i32, i32) {
    %c0_i32 = arith.constant 0 : i32
    %c0_i32_0 = arith.constant 0 : i32
    %c0_i32_1 = arith.constant 0 : i32
    return %c0_i32, %arg0, %c0_i32_0 : i32, i32, i32
  }
  func.func @transform_1(%arg0: i32) -> (i32, i32) {
    %c0_i32 = arith.constant 0 : i32
    %c0_i32_0 = arith.constant 0 : i32
    return %arg0, %c0_i32 : i32, i32
  }
  func.func @transform_2(%arg0: i32) -> (i32, i32) {
    %c0_i32 = arith.constant 0 : i32
    %c0_i32_0 = arith.constant 0 : i32
    return %arg0, %c0_i32 : i32, i32
  }
  func.func @transform_3(%arg0: i32) -> (i32, i32) {
    %c0_i32 = arith.constant 0 : i32
    %c0_i32_0 = arith.constant 0 : i32
    %c0_i32_1 = arith.constant 0 : i32
    return %c0_i32, %c0_i32_0 : i32, i32
  }
  func.func @transform_4(%arg0: i32) -> (i32, i32) {
    %c0_i32 = arith.constant 0 : i32
    %c0_i32_0 = arith.constant 0 : i32
    return %arg0, %c0_i32 : i32, i32
  }
}

module attributes {stable_mosaic.version = 14 : i64} {
  func.func @_head_body(%arg0: i32, %arg1: memref<2048x128xf32, #tpu.memory_space<vmem>>, %arg2: memref<2048x128xf32, #tpu.memory_space<vmem>>, %arg3: memref<128x128xf32, #tpu.memory_space<vmem>>, %arg4: memref<128x128xf32, #tpu.memory_space<vmem>>, %arg5: memref<1x128xf32, #tpu.memory_space<vmem>>, %arg6: memref<128x128xf32, #tpu.memory_space<vmem>>, %arg7: memref<1x128xf32, #tpu.memory_space<vmem>>, %arg8: memref<2048x128xf32, #tpu.memory_space<vmem>>) attributes {dimension_semantics = [#tpu.dimension_semantics<arbitrary>], iteration_bounds = array<i64: 8>, scalar_prefetch = 0 : i64, scratch_operands = 0 : i64, tpu.core_type = #tpu.core_type<tc>, window_params = [{transform_indices = @transform_0, window_bounds = array<i64: 2048, 128>}, {transform_indices = @transform_1, window_bounds = array<i64: 2048, 128>}, {pipeline_mode = #tpu.pipeline_mode<synchronous>, transform_indices = @transform_2, window_bounds = array<i64: 128, 128>}, {pipeline_mode = #tpu.pipeline_mode<synchronous>, transform_indices = @transform_3, window_bounds = array<i64: 128, 128>}, {pipeline_mode = #tpu.pipeline_mode<synchronous>, transform_indices = @transform_4, window_bounds = array<i64: 1, 128>}, {pipeline_mode = #tpu.pipeline_mode<synchronous>, transform_indices = @transform_5, window_bounds = array<i64: 128, 128>}, {pipeline_mode = #tpu.pipeline_mode<synchronous>, transform_indices = @transform_6, window_bounds = array<i64: 1, 128>}, {transform_indices = @transform_7, window_bounds = array<i64: 2048, 128>}]} {
    %get3A = arith.constant 0 : index
    %get3A_0 = arith.constant 0 : index
    %get3A_1 = vector.load %arg1[%get3A, %get3A_0] : memref<2048x128xf32, #tpu.memory_space<vmem>>, vector<2048x128xf32>
    %get3A_2 = arith.constant 0 : index
    %get3A_3 = arith.constant 0 : index
    %get3A_4 = vector.load %arg3[%get3A_2, %get3A_3] : memref<128x128xf32, #tpu.memory_space<vmem>>, vector<128x128xf32>
    %dot_general3A = arith.constant dense<0.000000e+00> : vector<2048x128xf32>
    %dot_general3A_5 = tpu.matmul %get3A_1, %get3A_4, %dot_general3A {dimension_numbers = #tpu.dot_dimension_numbers<[1], [0], [0], [1], [0, 0, 1, 1], [], []>, transpose_lhs_hint = false} : vector<2048x128xf32>, vector<128x128xf32>, vector<2048x128xf32> -> vector<2048x128xf32>
    %get3A_6 = arith.constant 0 : index
    %get3A_7 = arith.constant 0 : index
    %get3A_8 = vector.load %arg2[%get3A_6, %get3A_7] : memref<2048x128xf32, #tpu.memory_space<vmem>>, vector<2048x128xf32>
    %get3A_9 = arith.constant 0 : index
    %get3A_10 = arith.constant 0 : index
    %get3A_11 = vector.load %arg4[%get3A_9, %get3A_10] : memref<128x128xf32, #tpu.memory_space<vmem>>, vector<128x128xf32>
    %dot_general3A_12 = arith.constant dense<0.000000e+00> : vector<2048x128xf32>
    %dot_general3A_13 = tpu.matmul %get3A_8, %get3A_11, %dot_general3A_12 {dimension_numbers = #tpu.dot_dimension_numbers<[1], [0], [0], [1], [0, 0, 1, 1], [], []>, transpose_lhs_hint = false} : vector<2048x128xf32>, vector<128x128xf32>, vector<2048x128xf32> -> vector<2048x128xf32>
    %add3A = arith.addf %dot_general3A_5, %dot_general3A_13 : vector<2048x128xf32>
    %get3A_14 = arith.constant 0 : index
    %get3A_15 = arith.constant 0 : index
    %get3A_16 = vector.load %arg5[%get3A_14, %get3A_15] : memref<1x128xf32, #tpu.memory_space<vmem>>, vector<1x128xf32>
    %add3A_17 = vector.broadcast %get3A_16 : vector<1x128xf32> to vector<2048x128xf32>
    %add3A_18 = arith.addf %add3A, %add3A_17 : vector<2048x128xf32>
    %mul3A = arith.constant 5.000000e-01 : f32
    %mul3A_19 = vector.broadcast %mul3A : f32 to vector<2048x128xf32>
    %mul3A_20 = arith.mulf %mul3A_19, %add3A_18 : vector<2048x128xf32>
    %mul3A_21 = arith.constant 0.707106769 : f32
    %mul3A_22 = vector.broadcast %mul3A_21 : f32 to vector<2048x128xf32>
    %mul3A_23 = arith.mulf %add3A_18, %mul3A_22 : vector<2048x128xf32>
    %erf3A = math.erf %mul3A_23 : vector<2048x128xf32>
    %add3A_24 = arith.constant 1.000000e+00 : f32
    %add3A_25 = vector.broadcast %add3A_24 : f32 to vector<2048x128xf32>
    %add3A_26 = arith.addf %add3A_25, %erf3A : vector<2048x128xf32>
    %mul3A_27 = arith.mulf %mul3A_20, %add3A_26 : vector<2048x128xf32>
    %get3A_28 = arith.constant 0 : index
    %get3A_29 = arith.constant 0 : index
    %get3A_30 = vector.load %arg6[%get3A_28, %get3A_29] : memref<128x128xf32, #tpu.memory_space<vmem>>, vector<128x128xf32>
    %dot_general3A_31 = arith.constant dense<0.000000e+00> : vector<2048x128xf32>
    %dot_general3A_32 = tpu.matmul %mul3A_27, %get3A_30, %dot_general3A_31 {dimension_numbers = #tpu.dot_dimension_numbers<[1], [0], [0], [1], [0, 0, 1, 1], [], []>, transpose_lhs_hint = false} : vector<2048x128xf32>, vector<128x128xf32>, vector<2048x128xf32> -> vector<2048x128xf32>
    %get3A_33 = arith.constant 0 : index
    %get3A_34 = arith.constant 0 : index
    %get3A_35 = vector.load %arg7[%get3A_33, %get3A_34] : memref<1x128xf32, #tpu.memory_space<vmem>>, vector<1x128xf32>
    %add3A_36 = vector.broadcast %get3A_35 : vector<1x128xf32> to vector<2048x128xf32>
    %add3A_37 = arith.addf %dot_general3A_32, %add3A_36 : vector<2048x128xf32>
    %swap3A = arith.constant 0 : index
    %swap3A_38 = arith.constant 0 : index
    %swap3A_39 = vector.load %arg8[%swap3A, %swap3A_38] : memref<2048x128xf32, #tpu.memory_space<vmem>>, vector<2048x128xf32>
    tpu.vector_store %arg8[%swap3A, %swap3A_38], %add3A_37 {strides = array<i32>} : memref<2048x128xf32, #tpu.memory_space<vmem>>, vector<2048x128xf32>,
    return
  }
  func.func @transform_0(%arg0: i32) -> (i32, i32) {
    %c0_i32 = arith.constant 0 : i32
    %c0_i32_0 = arith.constant 0 : i32
    return %arg0, %c0_i32 : i32, i32
  }
  func.func @transform_1(%arg0: i32) -> (i32, i32) {
    %c0_i32 = arith.constant 0 : i32
    %c0_i32_0 = arith.constant 0 : i32
    return %arg0, %c0_i32 : i32, i32
  }
  func.func @transform_2(%arg0: i32) -> (i32, i32) {
    %c0_i32 = arith.constant 0 : i32
    %c0_i32_0 = arith.constant 0 : i32
    %c0_i32_1 = arith.constant 0 : i32
    return %c0_i32, %c0_i32_0 : i32, i32
  }
  func.func @transform_3(%arg0: i32) -> (i32, i32) {
    %c0_i32 = arith.constant 0 : i32
    %c0_i32_0 = arith.constant 0 : i32
    %c0_i32_1 = arith.constant 0 : i32
    return %c0_i32, %c0_i32_0 : i32, i32
  }
  func.func @transform_4(%arg0: i32) -> (i32, i32) {
    %c0_i32 = arith.constant 0 : i32
    %c0_i32_0 = arith.constant 0 : i32
    %c0_i32_1 = arith.constant 0 : i32
    return %c0_i32, %c0_i32_0 : i32, i32
  }
  func.func @transform_5(%arg0: i32) -> (i32, i32) {
    %c0_i32 = arith.constant 0 : i32
    %c0_i32_0 = arith.constant 0 : i32
    %c0_i32_1 = arith.constant 0 : i32
    return %c0_i32, %c0_i32_0 : i32, i32
  }
  func.func @transform_6(%arg0: i32) -> (i32, i32) {
    %c0_i32 = arith.constant 0 : i32
    %c0_i32_0 = arith.constant 0 : i32
    %c0_i32_1 = arith.constant 0 : i32
    return %c0_i32, %c0_i32_0 : i32, i32
  }
  func.func @transform_7(%arg0: i32) -> (i32, i32) {
    %c0_i32 = arith.constant 0 : i32
    %c0_i32_0 = arith.constant 0 : i32
    return %arg0, %c0_i32 : i32, i32
  }
}

</mosaic_0001>

<sc_bundles>
// kernel: kernel.10.cloned.1.call-start
scs
__scs_entry_jumppad:
0x0: {  	(pc) =	sbr.rel $0x88, $3  }
0x1: {  	(tag) =	ssettag $0x0;
	lr =	simm.s32 $0x1  }
0x2: {  	[smem:$0x3F95] =	sst lr;
	_ =	strace $0xD0000000  }
0x3: {  	_ = 	snop  }
0x4: {  	_ = 	snop  }
0x5: {  	_ = 	snop  }
0x6: {  	_ = 	snop  }
0x7: {  	_ = 	snop  }
__scs_overlays_trampoline_lowered:
0x8: {  	[smem:$0x3FA4] =	sst s0  }
0x9: {  	[smem:$0x3FA5] =	sst s1  }
0xa: {  	[smem:$0x3FA6] =	sst s2  }
0xb: {  	[smem:$0x3FA7] =	sst s3  }
0xc: {  	[smem:$0x3FA8] =	sst s4  }
0xd: {  	[smem:$0x3FA9] =	sst s5  }
0xe: {  	[smem:$0x3FAA] =	sst s6  }
0xf: {  	[smem:$0x3FAB] =	sst s7  }
0x10: {  	[smem:$0x3FAC] =	sst s8  }
0x11: {  	[smem:$0x3FAD] =	sst s9;
	s0 =	simm.s32 @!p0 $0x0  }
0x12: {  	s1 =	sld [smem:$0x3F93];
	s0 =	simm.s32 @p0 $0x1  }
0x13: {  	[smem:$0x3FAE] =	sst s0;
	s0 =	simm.s32 @!p1 $0x0  }
0x14: {  	s2 =	sld [smem:$0x3F92];
	s0 =	simm.s32 @p1 $0x1  }
0x15: {  	[smem:$0x3FAF] =	sst s0;
	s0 =	simm.s32 @!p2 $0x0  }
0x16: {  	s3 =	sld [smem:$0x3FDB];
	s0 =	simm.s32 @p2 $0x1  }
0x17: {  	s4 =	simm.s32 $0x1BF5;
	[smem:$0x3FB1] =	sst s0  }
0x18: {  	s0 =	sld [smem:$0x3F94];
	_ =	swait.ge [sflag:s4], $0x0  }
0x19: {  	s7 =	sld [smem:$0x3F95]  }
0x1a: {  	s8 =	sadd.s32 $0xFFFFE003, lr  }
0x1b: {  	s9 =	sadd.s32 $0xFFFFFEF7, lr;
	s5 =	simm.s32 $0xFFFFFFFF;
	p2 =	slt.u32 s8, $0xFFFFF086  }
0x1c: {  	p1 =	slt.u32 s9, $0xF7A;
	s5 =	simm.s32 @!p2 $0x0  }
0x1d: {  	s5 =	simm.s32 @p1 $0x1;
	p0 =	seq.s32 s7, s2  }
0x1e: {  	s7 =	smul.u32 @!p0 $0xF7A, s2;
	p2 =	seq.s32 @!p0 s5, $0x0  }
0x1f: {  	s9 =	smul.u32 $0xF7A, s1;
	s8 =	simm.s32 @!p0 $0x1BF5;
	p2 =	por !p2, p0  }
0x20: {  	[sflag:s8] =	ssyncset.s32 @!p0 $0xFFFFF086;
	s6 =	sadd.s32 @!p0 s3, s7;
	s7 =	simm.s32 @!p0 $0x108  }
0x21: {  	s3 =	sadd.s32 s3, s9;
	s6 =	sadd.s32 @!p0 $0x88, s6;
	s7 =	simm.s32 @p2 $0x1082  }
0x22: {  	[simem:s7], [sflag:s8] =	dma.local @!p0 [hbm:s6], $0xF7A  }
0x23: {  	s9 =	sor.u32 $0xD0000000, s2;
	s6 =	simm.s32 $0x108;
	_ =	swait.ge @!p0 [sflag:s8], $0x0  }
0x24: {  	s3 =	sadd.s32 $0x88, s3;
	s6 =	simm.s32 @!p1 $0x1082;
	[sflag:s4] =	ssyncset.s32 $0xFFFFF086  }
0x25: {  	[simem:s6], [sflag:s4] =	dma.local [hbm:s3], $0xF7A  }
0x26: {  	[smem:$0x3F95] =	sst s1;
	(tag) =	ssettag s2;
	_ =	strace s9  }
0x27: {  	s1 =	sld [smem:$0x3FA5]  }
0x28: {  	s2 =	sld [smem:$0x3FA6]  }
0x29: {  	s4 =	sld [smem:$0x3FA8]  }
0x2a: {  	p0 =	seq.s32 s5, $0x0;
	s5 =	sld [smem:$0x3FA9]  }
0x2b: {  	s6 =	sld [smem:$0x3FAA]  }
0x2c: {  	s7 =	sld [smem:$0x3FAB]  }
0x2d: {  	s3 =	simm.s32 $0x108;
	s8 =	sld [smem:$0x3FAC]  }
0x2e: {  	s3 =	simm.s32 @!p0 $0x1082;
	s9 =	sld [smem:$0x3FAD]  }
0x2f: {  	lr =	sadd.s32 s0, s3;
	s0 =	sld [smem:$0x3FA4]  }
0x30: {  	s3 =	sld [smem:$0x3FA7]  }
0x31: {  	[smem:$0x3FB0] =	sst s10  }
0x32: {  	s10 =	sld [smem:$0x3FAE];
	_ =	sdelay $0x3  }
0x33: {  	p0 =	seq.s32 s10, $0x1;
	s10 =	sld [smem:$0x3FB0];
	_ =	sdelay $0x3  }
0x34: {  	[smem:$0x3FB0] =	sst s10  }
0x35: {  	s10 =	sld [smem:$0x3FAF];
	_ =	sdelay $0x3  }
0x36: {  	p1 =	seq.s32 s10, $0x1;
	s10 =	sld [smem:$0x3FB0];
	_ =	sdelay $0x3  }
0x37: {  	[smem:$0x3FB0] =	sst s10  }
0x38: {  	s10 =	sld [smem:$0x3FB1]  }
0x39: {  	_ = 	snop;
	(pc) =	sbr.ind lr, $3  }
0x3a: {  	_ = 	snop  }
0x3b: {  	_ = 	snop  }
0x3c: {  	p2 =	seq.s32 s10, $0x1;
	s10 =	sld [smem:$0x3FB0]  }
0x3d: {  	_ =	shalt  }
0x3e: {  	_ =	shalt  }
0x3f: {  	_ =	shalt  }
0x40: {  	_ =	shalt  }
0x41: {  	_ =	shalt  }
0x42: {  	_ =	shalt  }
0x43: {  	_ =	shalt  }
0x44: {  	_ =	shalt  }
0x45: {  	_ =	shalt  }
0x46: {  	_ =	shalt  }
0x47: {  	_ =	shalt  }
0x48: {  	_ =	shalt  }
0x49: {  	_ =	shalt  }
0x4a: {  	_ =	shalt  }
0x4b: {  	_ =	shalt  }
0x4c: {  	_ =	shalt  }
0x4d: {  	_ =	shalt  }
0x4e: {  	_ =	shalt  }
0x4f: {  	_ =	shalt  }
0x50: {  	_ =	shalt  }
0x51: {  	_ =	shalt  }
0x52: {  	_ =	shalt  }
0x53: {  	_ =	shalt  }
0x54: {  	_ =	shalt  }
0x55: {  	_ =	shalt  }
0x56: {  	_ =	shalt  }
0x57: {  	_ =	shalt  }
0x58: {  	_ =	shalt  }
0x59: {  	_ =	shalt  }
0x5a: {  	_ =	shalt  }
0x5b: {  	_ =	shalt  }
0x5c: {  	_ =	shalt  }
0x5d: {  	_ =	shalt  }
0x5e: {  	_ =	shalt  }
0x5f: {  	_ =	shalt  }
0x60: {  	_ =	shalt  }
0x61: {  	_ =	shalt  }
0x62: {  	_ =	shalt  }
0x63: {  	_ =	shalt  }
0x64: {  	_ =	shalt  }
0x65: {  	_ =	shalt  }
0x66: {  	_ =	shalt  }
0x67: {  	_ =	shalt  }
0x68: {  	_ =	shalt  }
0x69: {  	_ =	shalt  }
0x6a: {  	_ =	shalt  }
0x6b: {  	_ =	shalt  }
0x6c: {  	_ =	shalt  }
0x6d: {  	_ =	shalt  }
0x6e: {  	_ =	shalt  }
0x6f: {  	_ =	shalt  }
0x70: {  	_ =	shalt  }
0x71: {  	_ =	shalt  }
0x72: {  	_ =	shalt  }
0x73: {  	_ =	shalt  }
0x74: {  	_ =	shalt  }
0x75: {  	_ =	shalt  }
0x76: {  	_ =	shalt  }
0x77: {  	_ =	shalt  }
0x78: {  	_ =	shalt  }
0x79: {  	_ =	shalt  }
0x7a: {  	_ =	shalt  }
0x7b: {  	_ =	shalt  }
0x7c: {  	_ =	shalt  }
0x7d: {  	_ =	shalt  }
0x7e: {  	_ =	shalt  }
0x7f: {  	_ =	shalt  }
0x80: {  	_ =	shalt  }
0x81: {  	_ =	shalt  }
0x82: {  	_ =	shalt  }
0x83: {  	_ =	shalt  }
0x84: {  	_ =	shalt  }
0x85: {  	_ =	shalt  }
0x86: {  	_ =	shalt  }
0x87: {  	_ =	shalt  }
.Lfunc_end0:
.L_simem_size_0:
called_computation_lowered:
.L_overlay_start_0:
0x88: {  	s2 =	sld [smem:$0x3FD9]  }
0x89: {  	s3 =	sld [smem:$0x3FFE];
	_ =	sdelay $0x1  }
0x8a: {  	s1 =	srdreg.scid  }
0x8b: {  	s0 =	sand.u32 $0x1, s1  }
0x8c: {  	s17 =	sshll.u32 s0, $0xA;
	s2 =	sadd.s32 s3, s2  }
0x8d: {  	s2 =	sadd.s32 s2, s17  }
0x8e: {  	[smem:$0x3FBC] =	sst s2  }
0x8f: {  	_ = 	snop  }
0x90: {  	s2 =	sld [smem:$0x3FD0];
	(tm) =	ssettm $0x1  }
0x91: {  	s18 =	sld [smem:$0x3FFB];
	_ =	sdelay $0x3  }
0x92: {  	_ =	strace s18  }
0x93: {  	s3 =	sld [smem:$0x3FFC];
	_ =	sdelay $0x3  }
0x94: {  	_ =	strace s3  }
0x95: {  	s3 =	sld [smem:$0x3FFD];
	_ =	sdelay $0x3  }
0x96: {  	_ =	strace s3  }
0x97: {  	_ =	strace $0x8FFFFFFF  }
0x98: {  	s19 =	sld [smem:$0x3FDB];
	_ =	sdelay $0x1  }
0x99: {  	s4 =	simm.s32 $_scs_section_size  }
0x9a: {  	s5 =	simm.s32 $_size__tile_overlayer_lowered;
	s6 =	simm.s32 $_tile_overlayer_lowered  }
0x9b: {  	s22 =	simm.s32 $0x1BFF;
	s21 =	sshll.u32 s6, $0x1;
	s3 =	sadd.s32 s4, s19  }
0x9c: {  	s7 =	simm.s32 $0x0;
	s20 =	sshll.u32 s5, $0x1;
	s5 =	sadd.s32 s21, s3  }
0x9d: {  	[timem:s7], [sflag:s22] =	dma.local [hbm:s5], s20  }
0x9e: {  	_ =	swait.ge [sflag:s22], s20  }
0x9f: {  	s4 =	ssub.s32 $0x0, s20;
	[sflag:s22] =	ssyncset.done $0x0  }
0xa0: {  	[sflag:s22] =	ssyncadd.s32 s4;
	_ =	sdelay $0x1  }
0xa1: {  	s23 =	simm.s32 $0x1B8B  }
0xa2: {  	_ =	swait.ge [sflag:s23], $0x1  }
0xa3: {  	[sflag:s23] =	ssyncset.done $0x0  }
0xa4: {  	s25 =	simm.s32 $0x1B8E;
	s24 =	sld [smem:$0x3FFE];
	[sflag:s23] =	ssyncadd.s32 $0xFFFFFFFF  }
0xa5: {  	s26 =	simm.s32 $execute0_lowered;
	[smem:$0x3FD2] =	sst s25  }
0xa6: {  	s5 =	sshll.u32 s26, $0x1;
	_ =	strace $0x80000046;
	[dreg:$0x1] =	wrdreg $0xFFFFFFFF  }
0xa7: {  	s28 =	simm.s32 $_size_execute0_lowered;
	s3 =	sadd.s32 s3, s5;
	[dreg:$0x0] =	wrdreg $0x0  }
0xa8: {  	s5 =	sshll.u32 s28, $0x1;
	[dreg:$0x2] =	wrdreg s3  }
0xa9: {  	[dreg:$0x3] =	wrdreg s5  }
0xaa: {  	[dreg:$0x4] =	wrdreg $0xC0  }
0xab: {  	_ =	task [dreg:s7], $0x5FFFF  }
0xac: {  	[dreg:$0x1] =	wrdreg $0xFFFFFFFF  }
0xad: {  	[dreg:$0x0] =	wrdreg $0x60  }
0xae: {  	[dreg:$0x2] =	wrdreg s24  }
0xaf: {  	[dreg:$0x3] =	wrdreg s2  }
0xb0: {  	[dreg:$0x4] =	wrdreg $0x68000  }
0xb1: {  	[dreg:$0x5] =	wrdreg $0x9  }
0xb2: {  	_ =	task.clear_ibuf [dreg:s7], $0x6FFFF;
	_ =	strace $0x90000046  }
0xb3: {  	s29 =	simm.s32 $0x9;
	_ =	strace $0x80000048  }
0xb4: {  	_ =	swait.ge [sflag:s29], $0x1  }
0xb5: {  	[sflag:s29] =	ssyncadd.s32 $0xFFFFFFFF  }
0xb6: {  	_ =	strace $0x90000048  }
0xb7: {  	_ =	sfence  }
0xb8: {  	s30 =	sld [smem:$0x0];
	_ =	sdelay $0x2  }
0xb9: {  	s31 =	sshll.u32 s1, $0xD;
	s1 =	sshrl.u32 s1, $0x2  }
0xba: {  	s3 =	sand.u32 $0x4000, s31;
	s1 =	sadd.s32 s1, s30  }
0xbb: {  	s0 =	sor.u32 s3, s0;
	s1 =	sshll.u32 s1, $0x11  }
0xbc: {  	s0 =	sor.u32 s1, s0  }
0xbd: {  	s0 =	sadd.s32 $0x8F2B, s0  }
0xbe: {  	[sflag:s0] =	ssyncadd.remote.s32 $0x1  }
0xbf: {  	_ =	sfence.sel $0xFFFF  }
0xc0: {  	[dreg:$0x0] =	wrdreg $0xFFFFFFFF;
	(pc) =	sbr.abs _section_cstart, $3  }
0xc1: {  	[dreg:$0x1] =	wrdreg $0xFFFFFFFF  }
0xc2: {  	_ =	task.clear_ibuf [dreg:s7], $0x2FFFF;
	_ =	strace $0x9FFFFFFF  }
0xc3: {  	(tm) =	ssettm $0x7FFFFFFF  }
tec
execute0_lowered:
.L_overlay_start_1:
0x0: {  	(tag) =	ssettag $0x1  }
0x1: {  	s5 =	rddreg [dreg:$0x0]  }
0x2: {  	s0 =	srdreg.scid;
	s2 =	rddreg [dreg:$0x1]  }
0x3: {  	s3 =	rddreg [dreg:$0x2];
	s6 =	sand.u32 $0x1, s0  }
0x4: {  	s0 =	stileid.u32;
	s7 =	smul.u32 $0x5000, s6  }
0x5: {  	s1 =	rddreg [dreg:$0x3];
	s4 =	simm.s32 $0x0;
	s8 =	smul.u32 $0x500, s0  }
0x6: {  	s13 =	simm.s32 $0x1;
	[smem:$0x7FF] =	sst s4;
	s14 =	smul.u32 $0x2800, s0  }
0x7: {  	s9 =	smul.u32 $0x28000, s6;
	_ =	strace $0x80000047;
	s6 =	ssub.s32 $0x2, s6  }
0x8: {  	s29 =	smul.u32 $0x50000, s0;
	s31 =	sshll.u32 s0, $0x6;
	s30 =	sshrl.u32 s6, $0x1  }
0x9: {  	s7 =	sadd.s32 s8, s7;
	s10 =	sadd.s32 s14, s5;
	s9 =	sadd.s32 s9, s5  }
0xa: {  	s8 =	sshrl.u32 s29, $0x2;
	s11 =	ssub.s32 s6, s30;
	s7 =	sadd.s32 s7, s5  }
0xb: {  	s12 =	sadd.s32 s8, s3;
	s5 =	sadd.s32 $0x17000, s10;
	s15 =	sadd.s32 $0x3F000, s9  }
0xc: {  	s8 =	simm.s32 $0x2800;
	s9 =	simm.s32 $0x2;
	s10 =	sor.u32 $0x1C02, s31  }
0xd: {  	s6 =	sadd.s32 $0xD000, s7;
	s7 =	smax.u32 s11, $0x1;
	s11 =	sshrl.u32 s12, $0x3  }
0xe: {  	s12 =	simm.s32 $0x80;
	s14 =	sadd.s32 s14, s15;
	s15 =	simm.s32 $0x0  }
.LBB2_1:
0xf: {  	[tilespmem:s8], [sflag:$0x2] =	stream.linear.gather [hbm4b:s2+s4], $0x4000, $0x38;
	[tilespmem:$0x1A800] =	vst v63  }
0x10: {  	_ =	swait.ge [sflag:s9], $0x4000  }
0x11: {  	[sflag:s9] =	ssyncset.done $0x0  }
0x12: {  	[sflag:s9] =	ssyncadd.s32 $0xFFFFC000  }
0x13: {  	[spmem:s11], [sflag:s10] =	dma.local [hbm:s5], $0x2800  }
0x14: {  	_ =	swait.ge [sflag:s9], $0x2800  }
0x15: {  	[sflag:s9] =	ssyncset.done $0x0  }
0x16: {  	[sflag:s9] =	ssyncadd.s32 $0xFFFFD800  }
0x17: {  	[tilespmem:s4], [sflag:$0x2] =	stream.linear.gather [hbm4b:s6+s4], $0x2800, $0x38;
	[tilespmem:$0x1A800] =	vst v63  }
0x18: {  	_ =	swait.ge [sflag:s9], $0x2800  }
0x19: {  	[sflag:s9] =	ssyncset.done $0x0  }
0x1a: {  	[sflag:s9] =	ssyncadd.s32 $0xFFFFD800  }
0x1b: {  	s16 =	simm.s32 $0x0;
	[bflag:$0x0] =	sbarrier.arrive $0xFFFF  }
0x1c: {  	[spmem:s3] =	stream.indirect.scatter.add.f32 [tilespmem:s8], [sflag:$0x1], $0x80, s16, s12, $0xb8;
	[tilespmem:$0x1A800] =	vst v63  }
0x1d: {  	s24 =	simm.s32 $0x80  }
0x1e: {  	[spmem:s3] =	stream.indirect.scatter.add.f32 [tilespmem:s8], [sflag:$0x1], $0x80, s24, s12, $0xb8;
	[tilespmem:$0x1A800] =	vst v63  }
0x1f: {  	s25 =	simm.s32 $0x100  }
0x20: {  	[spmem:s3] =	stream.indirect.scatter.add.f32 [tilespmem:s8], [sflag:$0x1], $0x80, s25, s12, $0xb8;
	[tilespmem:$0x1A800] =	vst v63  }
0x21: {  	s26 =	simm.s32 $0x180  }
0x22: {  	[spmem:s3] =	stream.indirect.scatter.add.f32 [tilespmem:s8], [sflag:$0x1], $0x80, s26, s12, $0xb8;
	[tilespmem:$0x1A800] =	vst v63  }
0x23: {  	s28 =	simm.s32 $0x200  }
0x24: {  	[spmem:s3] =	stream.indirect.scatter.add.f32 [tilespmem:s8], [sflag:$0x1], $0x80, s28, s12, $0xb8;
	[tilespmem:$0x1A800] =	vst v63  }
0x25: {  	s29 =	simm.s32 $0x280  }
0x26: {  	[spmem:s3] =	stream.indirect.scatter.add.f32 [tilespmem:s8], [sflag:$0x1], $0x80, s29, s12, $0xb8;
	[tilespmem:$0x1A800] =	vst v63  }
0x27: {  	s30 =	simm.s32 $0x300  }
0x28: {  	[spmem:s3] =	stream.indirect.scatter.add.f32 [tilespmem:s8], [sflag:$0x1], $0x80, s30, s12, $0xb8;
	[tilespmem:$0x1A800] =	vst v63  }
0x29: {  	s31 =	simm.s32 $0x380  }
0x2a: {  	[spmem:s3] =	stream.indirect.scatter.add.f32 [tilespmem:s8], [sflag:$0x1], $0x80, s31, s12, $0xb8;
	[tilespmem:$0x1A800] =	vst v63  }
0x2b: {  	_ =	swait.ge [sflag:s13], $0x4000  }
0x2c: {  	[sflag:s13] =	ssyncset.done $0x0  }
0x2d: {  	[sflag:s13] =	ssyncadd.s32 $0xFFFFC000  }
0x2e: {  	_ =	swait.ge [sflag:s13], $0x4000  }
0x2f: {  	[sflag:s13] =	ssyncset.done $0x0  }
0x30: {  	[sflag:s13] =	ssyncadd.s32 $0xFFFFC000  }
0x31: {  	_ =	swait.ge [sflag:s13], $0x4000  }
0x32: {  	[sflag:s13] =	ssyncset.done $0x0  }
0x33: {  	[sflag:s13] =	ssyncadd.s32 $0xFFFFC000  }
0x34: {  	_ =	swait.ge [sflag:s13], $0x4000  }
0x35: {  	[sflag:s13] =	ssyncset.done $0x0  }
0x36: {  	[sflag:s13] =	ssyncadd.s32 $0xFFFFC000  }
0x37: {  	_ =	swait.ge [sflag:s13], $0x4000  }
0x38: {  	[sflag:s13] =	ssyncset.done $0x0  }
0x39: {  	[sflag:s13] =	ssyncadd.s32 $0xFFFFC000  }
0x3a: {  	_ =	swait.ge [sflag:s13], $0x4000  }
0x3b: {  	[sflag:s13] =	ssyncset.done $0x0  }
0x3c: {  	[sflag:s13] =	ssyncadd.s32 $0xFFFFC000  }
0x3d: {  	_ =	swait.ge [sflag:s13], $0x4000  }
0x3e: {  	[sflag:s13] =	ssyncset.done $0x0  }
0x3f: {  	[sflag:s13] =	ssyncadd.s32 $0xFFFFC000  }
0x40: {  	_ =	swait.ge [sflag:s13], $0x4000  }
0x41: {  	s18 =	simm.s32 $0x2000;
	s16 =	simm.s32 $0x1000;
	[sflag:s13] =	ssyncset.done $0x0  }
.LBB2_2:
0x42: {  	s19 =	sshra.s32 s16, $0x2  }
0x43: {  	[sflag:s13] =	ssyncadd.s32 $0xFFFFC000;
	s16 =	smov.u32 s18;
	s17 =	sadd.s32 $0x1000, s18  }
0x44: {  	[spmem:s3] =	stream.indirect.scatter.add.f32 [tilespmem:s8], [sflag:$0x1], $0x80, s19, s12, $0xb8;
	[tilespmem:$0x1A800] =	vst v63  }
0x45: {  	p0 =	sne.s32 s18, $0x9000;
	s18 =	sadd.s32 $0x80, s19  }
0x46: {  	[spmem:s3] =	stream.indirect.scatter.add.f32 [tilespmem:s8], [sflag:$0x1], $0x80, s18, s12, $0xb8;
	[tilespmem:$0x1A800] =	vst v63  }
0x47: {  	s18 =	sadd.s32 $0x100, s19  }
0x48: {  	[spmem:s3] =	stream.indirect.scatter.add.f32 [tilespmem:s8], [sflag:$0x1], $0x80, s18, s12, $0xb8;
	[tilespmem:$0x1A800] =	vst v63  }
0x49: {  	s18 =	sadd.s32 $0x180, s19  }
0x4a: {  	[spmem:s3] =	stream.indirect.scatter.add.f32 [tilespmem:s8], [sflag:$0x1], $0x80, s18, s12, $0xb8;
	[tilespmem:$0x1A800] =	vst v63  }
0x4b: {  	s18 =	sadd.s32 $0x200, s19  }
0x4c: {  	[spmem:s3] =	stream.indirect.scatter.add.f32 [tilespmem:s8], [sflag:$0x1], $0x80, s18, s12, $0xb8;
	[tilespmem:$0x1A800] =	vst v63  }
0x4d: {  	s18 =	sadd.s32 $0x280, s19  }
0x4e: {  	[spmem:s3] =	stream.indirect.scatter.add.f32 [tilespmem:s8], [sflag:$0x1], $0x80, s18, s12, $0xb8;
	[tilespmem:$0x1A800] =	vst v63  }
0x4f: {  	s18 =	sadd.s32 $0x300, s19  }
0x50: {  	[spmem:s3] =	stream.indirect.scatter.add.f32 [tilespmem:s8], [sflag:$0x1], $0x80, s18, s12, $0xb8;
	[tilespmem:$0x1A800] =	vst v63  }
0x51: {  	s18 =	sadd.s32 $0x380, s19  }
0x52: {  	[spmem:s3] =	stream.indirect.scatter.add.f32 [tilespmem:s8], [sflag:$0x1], $0x80, s18, s12, $0xb8;
	[tilespmem:$0x1A800] =	vst v63  }
0x53: {  	_ =	swait.ge [sflag:s13], $0x4000  }
0x54: {  	[sflag:s13] =	ssyncset.done $0x0  }
0x55: {  	[sflag:s13] =	ssyncadd.s32 $0xFFFFC000  }
0x56: {  	_ =	swait.ge [sflag:s13], $0x4000  }
0x57: {  	[sflag:s13] =	ssyncset.done $0x0  }
0x58: {  	[sflag:s13] =	ssyncadd.s32 $0xFFFFC000  }
0x59: {  	_ =	swait.ge [sflag:s13], $0x4000  }
0x5a: {  	[sflag:s13] =	ssyncset.done $0x0  }
0x5b: {  	[sflag:s13] =	ssyncadd.s32 $0xFFFFC000  }
0x5c: {  	_ =	swait.ge [sflag:s13], $0x4000  }
0x5d: {  	[sflag:s13] =	ssyncset.done $0x0  }
0x5e: {  	[sflag:s13] =	ssyncadd.s32 $0xFFFFC000  }
0x5f: {  	_ =	swait.ge [sflag:s13], $0x4000  }
0x60: {  	[sflag:s13] =	ssyncset.done $0x0  }
0x61: {  	[sflag:s13] =	ssyncadd.s32 $0xFFFFC000  }
0x62: {  	_ =	swait.ge [sflag:s13], $0x4000  }
0x63: {  	[sflag:s13] =	ssyncset.done $0x0  }
0x64: {  	[sflag:s13] =	ssyncadd.s32 $0xFFFFC000  }
.Ltmp0:
0x65: {  	_ =	swait.ge [sflag:s13], $0x4000;
	(pc) =	sbr.rel @p0 .LBB2_2-.Ltmp0, $4  }
0x66: {  	[sflag:s13] =	ssyncset.done $0x0  }
0x67: {  	[sflag:s13] =	ssyncadd.s32 $0xFFFFC000  }
0x68: {  	_ =	swait.ge [sflag:s13], $0x4000  }
0x69: {  	s18 =	smov.u32 s17;
	[sflag:s13] =	ssyncset.done $0x0  }
0x6a: {  	s16 =	sshra.s32 s16, $0x2;
	[sflag:s13] =	ssyncadd.s32 $0xFFFFC000  }
0x6b: {  	[spmem:s3] =	stream.indirect.scatter.add.f32 [tilespmem:s8], [sflag:$0x1], $0x80, s16, s12, $0xb8;
	[tilespmem:$0x1A800] =	vst v63  }
0x6c: {  	s17 =	sadd.s32 $0x80, s16  }
0x6d: {  	[spmem:s3] =	stream.indirect.scatter.add.f32 [tilespmem:s8], [sflag:$0x1], $0x80, s17, s12, $0xb8;
	[tilespmem:$0x1A800] =	vst v63  }
0x6e: {  	s26 =	sadd.s32 $0x100, s16  }
0x6f: {  	[spmem:s3] =	stream.indirect.scatter.add.f32 [tilespmem:s8], [sflag:$0x1], $0x80, s26, s12, $0xb8;
	[tilespmem:$0x1A800] =	vst v63  }
0x70: {  	s28 =	sadd.s32 $0x180, s16  }
0x71: {  	[spmem:s3] =	stream.indirect.scatter.add.f32 [tilespmem:s8], [sflag:$0x1], $0x80, s28, s12, $0xb8;
	[tilespmem:$0x1A800] =	vst v63  }
0x72: {  	s29 =	sadd.s32 $0x200, s16  }
0x73: {  	[spmem:s3] =	stream.indirect.scatter.add.f32 [tilespmem:s8], [sflag:$0x1], $0x80, s29, s12, $0xb8;
	[tilespmem:$0x1A800] =	vst v63  }
0x74: {  	s30 =	sadd.s32 $0x280, s16  }
0x75: {  	[spmem:s3] =	stream.indirect.scatter.add.f32 [tilespmem:s8], [sflag:$0x1], $0x80, s30, s12, $0xb8;
	[tilespmem:$0x1A800] =	vst v63  }
0x76: {  	s31 =	sadd.s32 $0x300, s16  }
0x77: {  	[spmem:s3] =	stream.indirect.scatter.add.f32 [tilespmem:s8], [sflag:$0x1], $0x80, s31, s12, $0xb8;
	[tilespmem:$0x1A800] =	vst v63  }
0x78: {  	s16 =	sadd.s32 $0x380, s16  }
0x79: {  	[spmem:s3] =	stream.indirect.scatter.add.f32 [tilespmem:s8], [sflag:$0x1], $0x80, s16, s12, $0xb8;
	[tilespmem:$0x1A800] =	vst v63  }
0x7a: {  	_ =	swait.ge [sflag:s13], $0x4000  }
0x7b: {  	[sflag:s13] =	ssyncset.done $0x0  }
0x7c: {  	[sflag:s13] =	ssyncadd.s32 $0xFFFFC000  }
0x7d: {  	_ =	swait.ge [sflag:s13], $0x4000  }
0x7e: {  	[sflag:s13] =	ssyncset.done $0x0  }
0x7f: {  	[sflag:s13] =	ssyncadd.s32 $0xFFFFC000  }
0x80: {  	_ =	swait.ge [sflag:s13], $0x4000  }
0x81: {  	[sflag:s13] =	ssyncset.done $0x0  }
0x82: {  	[sflag:s13] =	ssyncadd.s32 $0xFFFFC000  }
0x83: {  	_ =	swait.ge [sflag:s13], $0x4000  }
0x84: {  	[sflag:s13] =	ssyncset.done $0x0  }
0x85: {  	[sflag:s13] =	ssyncadd.s32 $0xFFFFC000  }
0x86: {  	_ =	swait.ge [sflag:s13], $0x4000  }
0x87: {  	[sflag:s13] =	ssyncset.done $0x0  }
0x88: {  	[sflag:s13] =	ssyncadd.s32 $0xFFFFC000  }
0x89: {  	_ =	swait.ge [sflag:s13], $0x4000  }
0x8a: {  	[sflag:s13] =	ssyncset.done $0x0  }
0x8b: {  	[sflag:s13] =	ssyncadd.s32 $0xFFFFC000  }
0x8c: {  	_ =	swait.ge [sflag:s13], $0x4000  }
0x8d: {  	[sflag:s13] =	ssyncset.done $0x0  }
0x8e: {  	[sflag:s13] =	ssyncadd.s32 $0xFFFFC000  }
0x8f: {  	_ =	swait.ge [sflag:s13], $0x4000  }
0x90: {  	s15 =	sadd.s32 $0x1, s15;
	[sflag:s13] =	ssyncset.done $0x0  }
0x91: {  	p0 =	sne.s32 s15, s7;
	[sflag:s13] =	ssyncadd.s32 $0xFFFFC000  }
.Ltmp1:
0x92: {  	[bflag:$0x0] =	sbarrier.arrive $0xFFFF;
	(pc) =	sbr.rel @p0 .LBB2_1-.Ltmp1, $4  }
0x93: {  	[hbm:s14], [sflag:s10] =	dma.local [spmem:s11], $0x2800  }
0x94: {  	_ =	swait.ge [sflag:s9], $0x2800  }
0x95: {  	[sflag:s9] =	ssyncset.done $0x0  }
0x96: {  	[sflag:s9] =	ssyncadd.s32 $0xFFFFD800  }
0x97: {  	_ =	sfence.sel $0x180000  }
0x98: {  	[bflag:$0x0] =	sbarrier.arrive $0xFFFF  }
0x99: {  	p0 =	sne.s32 s0, $0x0;
	_ =	strace $0x90000047  }
0x9a: {  	s0 =	sadd.s32 @!p0 $0x100000, s1;
	[bflag:$0x2] =	sbarrier.arrive $0xFFFF  }
0x9b: {  	[sflag:s0] =	ssyncadd.tile.s32 @!p0 $0x1;
	_ =	shalt  }
.Lfunc_end2:
_tile_overlayer_lowered:
.L_overlay_start_2:
0x9c: {  	(tag) =	ssettag $0x2  }
0x9d: {  	s0 =	rddreg [dreg:$0x0];
	s2 =	stileid.u32  }
0x9e: {  	s1 =	rddreg [dreg:$0x1];
	p0 =	sne.s32 s2, $0x0  }
0x9f: {  	s3 =	rddreg [dreg:$0x2];
	[bflag:$0x3] =	sbarrier.arrive $0xFFFF;
	s2 =	simm.s32 @!p0 $0x1C02  }
0xa0: {  	[timem:s3], [sflag:s2] =	dma.local @!p0 [hbm:s0], s1  }
0xa1: {  	s0 =	simm.s32 @!p0 $0x2  }
0xa2: {  	_ =	swait.ge @!p0 [sflag:s0], s1  }
0xa3: {  	s1 =	ssub.s32 @!p0 $0x0, s1;
	[sflag:s0] =	ssyncset.done @!p0 $0x0  }
0xa4: {  	[sflag:s0] =	ssyncadd.s32 @!p0 s1  }
0xa5: {  	[bflag:$0x3] =	sbarrier.arrive $0xFFFF  }
0xa6: {  	_ =	shalt  }

// kernel: kernel.13.cloned.1.call-start
scs
__scs_entry_jumppad:
0x0: {  	(pc) =	sbr.rel $0x88, $3  }
0x1: {  	(tag) =	ssettag $0x0;
	lr =	simm.s32 $0x1  }
0x2: {  	[smem:$0x3F95] =	sst lr;
	_ =	strace $0xD0000000  }
0x3: {  	_ = 	snop  }
0x4: {  	_ = 	snop  }
0x5: {  	_ = 	snop  }
0x6: {  	_ = 	snop  }
0x7: {  	_ = 	snop  }
__scs_overlays_trampoline_lowered:
0x8: {  	[smem:$0x3FA4] =	sst s0  }
0x9: {  	[smem:$0x3FA5] =	sst s1  }
0xa: {  	[smem:$0x3FA6] =	sst s2  }
0xb: {  	[smem:$0x3FA7] =	sst s3  }
0xc: {  	[smem:$0x3FA8] =	sst s4  }
0xd: {  	[smem:$0x3FA9] =	sst s5  }
0xe: {  	[smem:$0x3FAA] =	sst s6  }
0xf: {  	[smem:$0x3FAB] =	sst s7  }
0x10: {  	[smem:$0x3FAC] =	sst s8  }
0x11: {  	[smem:$0x3FAD] =	sst s9;
	s0 =	simm.s32 @!p0 $0x0  }
0x12: {  	s1 =	sld [smem:$0x3F93];
	s0 =	simm.s32 @p0 $0x1  }
0x13: {  	[smem:$0x3FAE] =	sst s0;
	s0 =	simm.s32 @!p1 $0x0  }
0x14: {  	s2 =	sld [smem:$0x3F92];
	s0 =	simm.s32 @p1 $0x1  }
0x15: {  	[smem:$0x3FAF] =	sst s0;
	s0 =	simm.s32 @!p2 $0x0  }
0x16: {  	s3 =	sld [smem:$0x3FDB];
	s0 =	simm.s32 @p2 $0x1  }
0x17: {  	s4 =	simm.s32 $0x1BF5;
	[smem:$0x3FB1] =	sst s0  }
0x18: {  	s0 =	sld [smem:$0x3F94];
	_ =	swait.ge [sflag:s4], $0x0  }
0x19: {  	s7 =	sld [smem:$0x3F95]  }
0x1a: {  	s8 =	sadd.s32 $0xFFFFE003, lr  }
0x1b: {  	s9 =	sadd.s32 $0xFFFFFEF7, lr;
	s5 =	simm.s32 $0xFFFFFFFF;
	p2 =	slt.u32 s8, $0xFFFFF086  }
0x1c: {  	p1 =	slt.u32 s9, $0xF7A;
	s5 =	simm.s32 @!p2 $0x0  }
0x1d: {  	s5 =	simm.s32 @p1 $0x1;
	p0 =	seq.s32 s7, s2  }
0x1e: {  	s7 =	smul.u32 @!p0 $0xF7A, s2;
	p2 =	seq.s32 @!p0 s5, $0x0  }
0x1f: {  	s9 =	smul.u32 $0xF7A, s1;
	s8 =	simm.s32 @!p0 $0x1BF5;
	p2 =	por !p2, p0  }
0x20: {  	[sflag:s8] =	ssyncset.s32 @!p0 $0xFFFFF086;
	s6 =	sadd.s32 @!p0 s3, s7;
	s7 =	simm.s32 @!p0 $0x108  }
0x21: {  	s3 =	sadd.s32 s3, s9;
	s6 =	sadd.s32 @!p0 $0x88, s6;
	s7 =	simm.s32 @p2 $0x1082  }
0x22: {  	[simem:s7], [sflag:s8] =	dma.local @!p0 [hbm:s6], $0xF7A  }
0x23: {  	s9 =	sor.u32 $0xD0000000, s2;
	s6 =	simm.s32 $0x108;
	_ =	swait.ge @!p0 [sflag:s8], $0x0  }
0x24: {  	s3 =	sadd.s32 $0x88, s3;
	s6 =	simm.s32 @!p1 $0x1082;
	[sflag:s4] =	ssyncset.s32 $0xFFFFF086  }
0x25: {  	[simem:s6], [sflag:s4] =	dma.local [hbm:s3], $0xF7A  }
0x26: {  	[smem:$0x3F95] =	sst s1;
	(tag) =	ssettag s2;
	_ =	strace s9  }
0x27: {  	s1 =	sld [smem:$0x3FA5]  }
0x28: {  	s2 =	sld [smem:$0x3FA6]  }
0x29: {  	s4 =	sld [smem:$0x3FA8]  }
0x2a: {  	p0 =	seq.s32 s5, $0x0;
	s5 =	sld [smem:$0x3FA9]  }
0x2b: {  	s6 =	sld [smem:$0x3FAA]  }
0x2c: {  	s7 =	sld [smem:$0x3FAB]  }
0x2d: {  	s3 =	simm.s32 $0x108;
	s8 =	sld [smem:$0x3FAC]  }
0x2e: {  	s3 =	simm.s32 @!p0 $0x1082;
	s9 =	sld [smem:$0x3FAD]  }
0x2f: {  	lr =	sadd.s32 s0, s3;
	s0 =	sld [smem:$0x3FA4]  }
0x30: {  	s3 =	sld [smem:$0x3FA7]  }
0x31: {  	[smem:$0x3FB0] =	sst s10  }
0x32: {  	s10 =	sld [smem:$0x3FAE];
	_ =	sdelay $0x3  }
0x33: {  	p0 =	seq.s32 s10, $0x1;
	s10 =	sld [smem:$0x3FB0];
	_ =	sdelay $0x3  }
0x34: {  	[smem:$0x3FB0] =	sst s10  }
0x35: {  	s10 =	sld [smem:$0x3FAF];
	_ =	sdelay $0x3  }
0x36: {  	p1 =	seq.s32 s10, $0x1;
	s10 =	sld [smem:$0x3FB0];
	_ =	sdelay $0x3  }
0x37: {  	[smem:$0x3FB0] =	sst s10  }
0x38: {  	s10 =	sld [smem:$0x3FB1]  }
0x39: {  	_ = 	snop;
	(pc) =	sbr.ind lr, $3  }
0x3a: {  	_ = 	snop  }
0x3b: {  	_ = 	snop  }
0x3c: {  	p2 =	seq.s32 s10, $0x1;
	s10 =	sld [smem:$0x3FB0]  }
0x3d: {  	_ =	shalt  }
0x3e: {  	_ =	shalt  }
0x3f: {  	_ =	shalt  }
0x40: {  	_ =	shalt  }
0x41: {  	_ =	shalt  }
0x42: {  	_ =	shalt  }
0x43: {  	_ =	shalt  }
0x44: {  	_ =	shalt  }
0x45: {  	_ =	shalt  }
0x46: {  	_ =	shalt  }
0x47: {  	_ =	shalt  }
0x48: {  	_ =	shalt  }
0x49: {  	_ =	shalt  }
0x4a: {  	_ =	shalt  }
0x4b: {  	_ =	shalt  }
0x4c: {  	_ =	shalt  }
0x4d: {  	_ =	shalt  }
0x4e: {  	_ =	shalt  }
0x4f: {  	_ =	shalt  }
0x50: {  	_ =	shalt  }
0x51: {  	_ =	shalt  }
0x52: {  	_ =	shalt  }
0x53: {  	_ =	shalt  }
0x54: {  	_ =	shalt  }
0x55: {  	_ =	shalt  }
0x56: {  	_ =	shalt  }
0x57: {  	_ =	shalt  }
0x58: {  	_ =	shalt  }
0x59: {  	_ =	shalt  }
0x5a: {  	_ =	shalt  }
0x5b: {  	_ =	shalt  }
0x5c: {  	_ =	shalt  }
0x5d: {  	_ =	shalt  }
0x5e: {  	_ =	shalt  }
0x5f: {  	_ =	shalt  }
0x60: {  	_ =	shalt  }
0x61: {  	_ =	shalt  }
0x62: {  	_ =	shalt  }
0x63: {  	_ =	shalt  }
0x64: {  	_ =	shalt  }
0x65: {  	_ =	shalt  }
0x66: {  	_ =	shalt  }
0x67: {  	_ =	shalt  }
0x68: {  	_ =	shalt  }
0x69: {  	_ =	shalt  }
0x6a: {  	_ =	shalt  }
0x6b: {  	_ =	shalt  }
0x6c: {  	_ =	shalt  }
0x6d: {  	_ =	shalt  }
0x6e: {  	_ =	shalt  }
0x6f: {  	_ =	shalt  }
0x70: {  	_ =	shalt  }
0x71: {  	_ =	shalt  }
0x72: {  	_ =	shalt  }
0x73: {  	_ =	shalt  }
0x74: {  	_ =	shalt  }
0x75: {  	_ =	shalt  }
0x76: {  	_ =	shalt  }
0x77: {  	_ =	shalt  }
0x78: {  	_ =	shalt  }
0x79: {  	_ =	shalt  }
0x7a: {  	_ =	shalt  }
0x7b: {  	_ =	shalt  }
0x7c: {  	_ =	shalt  }
0x7d: {  	_ =	shalt  }
0x7e: {  	_ =	shalt  }
0x7f: {  	_ =	shalt  }
0x80: {  	_ =	shalt  }
0x81: {  	_ =	shalt  }
0x82: {  	_ =	shalt  }
0x83: {  	_ =	shalt  }
0x84: {  	_ =	shalt  }
0x85: {  	_ =	shalt  }
0x86: {  	_ =	shalt  }
0x87: {  	_ =	shalt  }
.Lfunc_end0:
.L_simem_size_0:
called_computation.1_lowered:
.L_overlay_start_0:
0x88: {  	s2 =	sld [smem:$0x3FD9]  }
0x89: {  	s3 =	sld [smem:$0x3FFE];
	_ =	sdelay $0x1  }
0x8a: {  	s1 =	srdreg.scid  }
0x8b: {  	s0 =	sand.u32 $0x1, s1  }
0x8c: {  	s16 =	sshll.u32 s0, $0xA;
	s2 =	sadd.s32 s3, s2  }
0x8d: {  	s2 =	sadd.s32 s2, s16  }
0x8e: {  	[smem:$0x3FBC] =	sst s2  }
0x8f: {  	_ = 	snop  }
0x90: {  	(tm) =	ssettm $0x1  }
0x91: {  	s17 =	sld [smem:$0x3FFB];
	_ =	sdelay $0x3  }
0x92: {  	_ =	strace s17  }
0x93: {  	s2 =	sld [smem:$0x3FFC];
	_ =	sdelay $0x3  }
0x94: {  	_ =	strace s2  }
0x95: {  	s2 =	sld [smem:$0x3FFD];
	_ =	sdelay $0x3  }
0x96: {  	_ =	strace s2  }
0x97: {  	_ =	strace $0x8FFFFFFF  }
0x98: {  	s18 =	sld [smem:$0x3FDB];
	_ =	sdelay $0x1  }
0x99: {  	s19 =	simm.s32 $_scs_section_size  }
0x9a: {  	s4 =	simm.s32 $_size__tile_overlayer_lowered;
	s5 =	simm.s32 $_tile_overlayer_lowered  }
0x9b: {  	s22 =	simm.s32 $0x1BFF;
	s21 =	sshll.u32 s5, $0x1;
	s2 =	sadd.s32 s19, s18  }
0x9c: {  	s6 =	simm.s32 $0x0;
	s20 =	sshll.u32 s4, $0x1;
	s4 =	sadd.s32 s21, s2  }
0x9d: {  	[timem:s6], [sflag:s22] =	dma.local [hbm:s4], s20  }
0x9e: {  	_ =	swait.ge [sflag:s22], s20  }
0x9f: {  	s3 =	ssub.s32 $0x0, s20;
	[sflag:s22] =	ssyncset.done $0x0  }
0xa0: {  	[sflag:s22] =	ssyncadd.s32 s3;
	_ =	sdelay $0x1  }
0xa1: {  	s23 =	simm.s32 $0x1B8B  }
0xa2: {  	_ =	swait.ge [sflag:s23], $0x1  }
0xa3: {  	[sflag:s23] =	ssyncset.done $0x0  }
0xa4: {  	s25 =	simm.s32 $0x1B8E;
	s24 =	sld [smem:$0x3FFE];
	[sflag:s23] =	ssyncadd.s32 $0xFFFFFFFF  }
0xa5: {  	s26 =	simm.s32 $execute0_lowered;
	[smem:$0x3FD2] =	sst s25  }
0xa6: {  	s4 =	sshll.u32 s26, $0x1;
	_ =	strace $0x80000049;
	[dreg:$0x1] =	wrdreg $0xFFFFFFFF  }
0xa7: {  	s28 =	simm.s32 $_size_execute0_lowered;
	s2 =	sadd.s32 s2, s4;
	[dreg:$0x0] =	wrdreg $0x0  }
0xa8: {  	s4 =	sshll.u32 s28, $0x1;
	[dreg:$0x2] =	wrdreg s2  }
0xa9: {  	[dreg:$0x3] =	wrdreg s4  }
0xaa: {  	[dreg:$0x4] =	wrdreg $0xC0  }
0xab: {  	_ =	task [dreg:s6], $0x5FFFF  }
0xac: {  	[dreg:$0x1] =	wrdreg $0xFFFFFFFF  }
0xad: {  	[dreg:$0x0] =	wrdreg $0x60  }
0xae: {  	[dreg:$0x2] =	wrdreg s24  }
0xaf: {  	[dreg:$0x3] =	wrdreg $0xA8000  }
0xb0: {  	[dreg:$0x4] =	wrdreg $0x9  }
0xb1: {  	_ =	task.clear_ibuf [dreg:s6], $0x5FFFF;
	_ =	strace $0x90000049  }
0xb2: {  	s29 =	simm.s32 $0x9;
	_ =	strace $0x8000004B  }
0xb3: {  	_ =	swait.ge [sflag:s29], $0x1  }
0xb4: {  	[sflag:s29] =	ssyncadd.s32 $0xFFFFFFFF  }
0xb5: {  	_ =	strace $0x9000004B  }
0xb6: {  	_ =	sfence  }
0xb7: {  	s30 =	sld [smem:$0x0];
	_ =	sdelay $0x2  }
0xb8: {  	s31 =	sshll.u32 s1, $0xD;
	s1 =	sshrl.u32 s1, $0x2  }
0xb9: {  	s3 =	sand.u32 $0x4000, s31;
	s1 =	sadd.s32 s1, s30  }
0xba: {  	s0 =	sor.u32 s3, s0;
	s1 =	sshll.u32 s1, $0x11  }
0xbb: {  	s0 =	sor.u32 s1, s0  }
0xbc: {  	s0 =	sadd.s32 $0x8F2B, s0  }
0xbd: {  	[sflag:s0] =	ssyncadd.remote.s32 $0x1  }
0xbe: {  	_ =	sfence.sel $0xFFFF  }
0xbf: {  	[dreg:$0x0] =	wrdreg $0xFFFFFFFF;
	(pc) =	sbr.abs _section_cstart, $3  }
0xc0: {  	[dreg:$0x1] =	wrdreg $0xFFFFFFFF  }
0xc1: {  	_ =	task.clear_ibuf [dreg:s6], $0x2FFFF;
	_ =	strace $0x9FFFFFFF  }
0xc2: {  	(tm) =	ssettm $0x7FFFFFFF  }
0xc3: {  	_ =	shalt  }
tec
execute0_lowered:
.L_overlay_start_1:
0x0: {  	(tag) =	ssettag $0x1  }
0x1: {  	s5 =	rddreg [dreg:$0x0]  }
0x2: {  	s2 =	rddreg [dreg:$0x1]  }
0x3: {  	s0 =	rddreg [dreg:$0x2]  }
0x4: {  	s3 =	simm.s32 $0x0;
	s1 =	stileid.u32;
	s4 =	srdreg.scid  }
0x5: {  	s19 =	simm.s32 $0x80;
	s20 =	simm.s32 $0x2800;
	s24 =	smul.u32 $0x2800, s1  }
0x6: {  	s21 =	simm.s32 $0x6800;
	s22 =	simm.s32 $0x1;
	s8 =	smul.u32 $0x50000, s1  }
0x7: {  	[smem:$0x7FF] =	sst s3;
	s7 =	sand.u32 $0x1, s4;
	s26 =	smul.u32 $0x3C00, s1  }
0x8: {  	s4 =	sadd.s32 $0x3F000, s5;
	s13 =	sadd.s32 $0x3000, s5;
	s29 =	smul.u32 $0x780, s1  }
0x9: {  	s14 =	sadd.s32 $0xD000, s5;
	s28 =	sshll.u32 s1, $0x6;
	s30 =	smul.u32 $0x1400, s1  }
0xa: {  	_ =	strace $0x8000004A;
	s6 =	smul.u32 $0x28000, s7;
	s10 =	ssub.s32 $0x2, s7  }
0xb: {  	p0 =	seq.s32 s7, $0x1;
	s9 =	sadd.s32 s24, s5;
	s23 =	sshrl.u32 s10, $0x1  }
0xc: {  	s25 =	sshrl.u32 s8, $0x2;
	s11 =	sshrl.u32 s26, $0x3;
	s7 =	sadd.s32 s13, s29  }
0xd: {  	s8 =	sadd.s32 s14, s29;
	s18 =	sshrl.u32 s30, $0x3;
	s15 =	sadd.s32 s6, s5  }
0xe: {  	s16 =	ssub.s32 s10, s23;
	s17 =	sadd.s32 s25, s2;
	s5 =	sadd.s32 $0x17000, s9  }
0xf: {  	s6 =	sor.u32 $0x1C03, s28;
	s12 =	sadd.s32 $0x280, s11;
	s31 =	sadd.s32 $0x500, s11  }
.Ltmp0:
0x10: {  	s18 =	sadd.s32 $0x7800, s18;
	s23 =	simm.s32 $0x2;
	(pc) =	sbr.rel .LBB2_1-.Ltmp0, $4  }
0x11: {  	s9 =	sadd.s32 s13, s12;
	s10 =	sadd.s32 s14, s12;
	s11 =	sadd.s32 s13, s31  }
0x12: {  	s12 =	sadd.s32 s14, s31;
	s13 =	sadd.s32 s13, s18;
	s14 =	sadd.s32 s14, s18  }
0x13: {  	s25 =	sadd.s32 $0x67000, s15;
	s15 =	smax.u32 s16, $0x1;
	s16 =	sshrl.u32 s17, $0x3  }
0x14: {  	s17 =	simm.s32 $0x3;
	s18 =	simm.s32 $0x1400;
	s24 =	sadd.s32 s24, s25  }
.LBB2_11:
0x15: {  	s25 =	sshra.s32 s25, $0x2;
	[sflag:s17] =	ssyncadd.s32 $0xFFFFC000  }
0x16: {  	[tilespmem:s20], [sflag:$0x1] =	stream.indirect.gather [hbm4b:s4+s19], $0x80, s25, s19, $0xb8;
	[tilespmem:$0x1E800] =	vst v63  }
0x17: {  	s26 =	sadd.s32 $0x80, s25  }
0x18: {  	[tilespmem:s21], [sflag:$0x2] =	stream.indirect.gather [hbm4b:s4+s19], $0x80, s26, s19, $0xb8;
	[tilespmem:$0x1E800] =	vst v63  }
0x19: {  	_ =	swait.ge [sflag:s22], $0x4000  }
0x1a: {  	[sflag:s22] =	ssyncset.done $0x0  }
0x1b: {  	s31 =	sadd.s32 $0x1400, s25;
	[sflag:s22] =	ssyncadd.s32 $0xFFFFC000  }
0x1c: {  	[spmem:s2] =	stream.indirect.scatter.add.f32 [tilespmem:s20], [sflag:$0x3], $0x80, s31, s19, $0xb8;
	[tilespmem:$0x1E800] =	vst v63  }
0x1d: {  	_ =	swait.ge [sflag:s17], $0x4000  }
0x1e: {  	[sflag:s17] =	ssyncset.done $0x0  }
0x1f: {  	[sflag:s17] =	ssyncadd.s32 $0xFFFFC000  }
0x20: {  	_ =	swait.ge [sflag:s23], $0x4000  }
0x21: {  	[sflag:s23] =	ssyncset.done $0x0  }
0x22: {  	s25 =	sadd.s32 $0x1480, s25;
	[sflag:s23] =	ssyncadd.s32 $0xFFFFC000  }
0x23: {  	[spmem:s2] =	stream.indirect.scatter.add.f32 [tilespmem:s21], [sflag:$0x3], $0x80, s25, s19, $0xb8;
	[tilespmem:$0x1E800] =	vst v63  }
0x24: {  	_ =	swait.ge [sflag:s17], $0x4000  }
0x25: {  	[sflag:s17] =	ssyncset.done $0x0  }
0x26: {  	[sflag:s17] =	ssyncadd.s32 $0xFFFFC000  }
.LBB2_12:
0x27: {  	s3 =	sadd.s32 $0x1, s3  }
0x28: {  	p1 =	sne.s32 s3, s15  }
.Ltmp1:
0x29: {  	[bflag:$0x0] =	sbarrier.arrive $0xFFFF;
	(pc) =	sbr.rel @!p1 .LBB2_13-.Ltmp1, $4  }
0x2a: {  	[hbm:s24], [sflag:s6] =	dma.local [spmem:s16], $0x2800  }
0x2b: {  	_ =	swait.ge [sflag:s17], $0x2800  }
0x2c: {  	[sflag:s17] =	ssyncset.done $0x0  }
0x2d: {  	[sflag:s17] =	ssyncadd.s32 $0xFFFFD800  }
.LBB2_1:
0x2e: {  	[spmem:s16], [sflag:s6] =	dma.local [hbm:s5], $0x2800  }
.Ltmp2:
0x2f: {  	_ =	swait.ge [sflag:s17], $0x2800;
	(pc) =	sbr.rel @!p0 .LBB2_2-.Ltmp2, $4  }
0x30: {  	[sflag:s17] =	ssyncset.done $0x0  }
0x31: {  	[sflag:s17] =	ssyncadd.s32 $0xFFFFD800  }
0x32: {  	[bflag:$0x0] =	sbarrier.arrive $0xFFFF  }
0x33: {  	s25 =	simm.s32 $0x0  }
0x34: {  	[tilespmem:s25], [sflag:$0x3] =	stream.linear.gather [hbm4b:s13+s25], $0x1400, $0x38;
	[tilespmem:$0x1E800] =	vst v63  }
0x35: {  	_ =	swait.ge [sflag:s17], $0x1400  }
0x36: {  	[sflag:s17] =	ssyncset.done $0x0  }
0x37: {  	[sflag:s17] =	ssyncadd.s32 $0xFFFFEC00  }
0x38: {  	[tilespmem:s18], [sflag:$0x3] =	stream.linear.gather [hbm4b:s14+s25], $0x1400, $0x38;
	[tilespmem:$0x1E800] =	vst v63  }
0x39: {  	_ =	swait.ge [sflag:s17], $0x1400  }
0x3a: {  	[sflag:s17] =	ssyncset.done $0x0  }
0x3b: {  	s28 =	simm.s32 $0x0;
	[sflag:s17] =	ssyncadd.s32 $0xFFFFEC00  }
0x3c: {  	[tilespmem:s20], [sflag:$0x1] =	stream.indirect.gather [hbm4b:s4+s19], $0x80, s28, s19, $0xb8;
	[tilespmem:$0x1E800] =	vst v63  }
0x3d: {  	s29 =	simm.s32 $0x80  }
0x3e: {  	[tilespmem:s21], [sflag:$0x2] =	stream.indirect.gather [hbm4b:s4+s19], $0x80, s29, s19, $0xb8;
	[tilespmem:$0x1E800] =	vst v63  }
0x3f: {  	_ =	swait.ge [sflag:s22], $0x4000  }
0x40: {  	[sflag:s22] =	ssyncset.done $0x0  }
0x41: {  	s30 =	simm.s32 $0x1400;
	[sflag:s22] =	ssyncadd.s32 $0xFFFFC000  }
0x42: {  	[spmem:s2] =	stream.indirect.scatter.add.f32 [tilespmem:s20], [sflag:$0x3], $0x80, s30, s19, $0xb8;
	[tilespmem:$0x1E800] =	vst v63  }
0x43: {  	_ =	swait.ge [sflag:s17], $0x4000  }
0x44: {  	[sflag:s17] =	ssyncset.done $0x0  }
0x45: {  	[sflag:s17] =	ssyncadd.s32 $0xFFFFC000  }
0x46: {  	_ =	swait.ge [sflag:s23], $0x4000  }
0x47: {  	[sflag:s23] =	ssyncset.done $0x0  }
0x48: {  	s31 =	simm.s32 $0x1480;
	[sflag:s23] =	ssyncadd.s32 $0xFFFFC000  }
0x49: {  	[spmem:s2] =	stream.indirect.scatter.add.f32 [tilespmem:s21], [sflag:$0x3], $0x80, s31, s19, $0xb8;
	[tilespmem:$0x1E800] =	vst v63  }
0x4a: {  	_ =	swait.ge [sflag:s17], $0x4000  }
0x4b: {  	s26 =	simm.s32 $0x800;
	s25 =	simm.s32 $0x400;
	[sflag:s17] =	ssyncset.done $0x0  }
.LBB2_10:
0x4c: {  	s28 =	sshra.s32 s25, $0x2  }
0x4d: {  	[sflag:s17] =	ssyncadd.s32 $0xFFFFC000;
	s25 =	smov.u32 s26;
	s29 =	sadd.s32 $0x400, s26  }
0x4e: {  	[tilespmem:s20], [sflag:$0x1] =	stream.indirect.gather [hbm4b:s4+s19], $0x80, s28, s19, $0xb8;
	[tilespmem:$0x1E800] =	vst v63  }
0x4f: {  	p1 =	sne.s32 s26, $0x4C00;
	s26 =	sadd.s32 $0x80, s28  }
0x50: {  	[tilespmem:s21], [sflag:$0x2] =	stream.indirect.gather [hbm4b:s4+s19], $0x80, s26, s19, $0xb8;
	[tilespmem:$0x1E800] =	vst v63  }
0x51: {  	_ =	swait.ge [sflag:s22], $0x4000  }
0x52: {  	[sflag:s22] =	ssyncset.done $0x0  }
0x53: {  	s26 =	sadd.s32 $0x1400, s28;
	[sflag:s22] =	ssyncadd.s32 $0xFFFFC000  }
0x54: {  	[spmem:s2] =	stream.indirect.scatter.add.f32 [tilespmem:s20], [sflag:$0x3], $0x80, s26, s19, $0xb8;
	[tilespmem:$0x1E800] =	vst v63  }
0x55: {  	_ =	swait.ge [sflag:s17], $0x4000  }
0x56: {  	[sflag:s17] =	ssyncset.done $0x0  }
0x57: {  	[sflag:s17] =	ssyncadd.s32 $0xFFFFC000  }
0x58: {  	_ =	swait.ge [sflag:s23], $0x4000  }
.Ltmp3:
0x59: {  	[sflag:s23] =	ssyncset.done $0x0;
	(pc) =	sbr.rel @p1 .LBB2_10-.Ltmp3, $4  }
0x5a: {  	s26 =	sadd.s32 $0x1480, s28;
	[sflag:s23] =	ssyncadd.s32 $0xFFFFC000  }
0x5b: {  	[spmem:s2] =	stream.indirect.scatter.add.f32 [tilespmem:s21], [sflag:$0x3], $0x80, s26, s19, $0xb8;
	[tilespmem:$0x1E800] =	vst v63  }
0x5c: {  	_ =	swait.ge [sflag:s17], $0x4000  }
0x5d: {  	s26 =	smov.u32 s29;
	[sflag:s17] =	ssyncset.done $0x0  }
.Ltmp4:
0x5e: {  	_ = 	snop;
	(pc) =	sbr.rel .LBB2_11-.Ltmp4, $1  }
0x5f: {  	_ =	sdelay $0x3  }
.LBB2_2:
0x60: {  	[tilespmem:s25], [sflag:$0x3] =	stream.linear.gather [hbm4b:s7+s25], $0x1400, $0x38;
	[tilespmem:$0x1E800] =	vst v63  }
0x61: {  	_ =	swait.ge [sflag:s17], $0x1400  }
0x62: {  	[sflag:s17] =	ssyncset.done $0x0  }
0x63: {  	[sflag:s17] =	ssyncadd.s32 $0xFFFFEC00  }
0x64: {  	[tilespmem:s18], [sflag:$0x3] =	stream.linear.gather [hbm4b:s8+s25], $0x1400, $0x38;
	[tilespmem:$0x1E800] =	vst v63  }
0x65: {  	_ =	swait.ge [sflag:s17], $0x1400  }
0x66: {  	[sflag:s17] =	ssyncset.done $0x0  }
0x67: {  	s28 =	simm.s32 $0x0;
	[sflag:s17] =	ssyncadd.s32 $0xFFFFEC00  }
0x68: {  	[tilespmem:s20], [sflag:$0x1] =	stream.indirect.gather [hbm4b:s4+s19], $0x80, s28, s19, $0xb8;
	[tilespmem:$0x1E800] =	vst v63  }
0x69: {  	s29 =	simm.s32 $0x80  }
0x6a: {  	[tilespmem:s21], [sflag:$0x2] =	stream.indirect.gather [hbm4b:s4+s19], $0x80, s29, s19, $0xb8;
	[tilespmem:$0x1E800] =	vst v63  }
0x6b: {  	_ =	swait.ge [sflag:s22], $0x4000  }
0x6c: {  	[sflag:s22] =	ssyncset.done $0x0  }
0x6d: {  	s30 =	simm.s32 $0x1400;
	[sflag:s22] =	ssyncadd.s32 $0xFFFFC000  }
0x6e: {  	[spmem:s2] =	stream.indirect.scatter.add.f32 [tilespmem:s20], [sflag:$0x3], $0x80, s30, s19, $0xb8;
	[tilespmem:$0x1E800] =	vst v63  }
0x6f: {  	_ =	swait.ge [sflag:s17], $0x4000  }
0x70: {  	[sflag:s17] =	ssyncset.done $0x0  }
0x71: {  	[sflag:s17] =	ssyncadd.s32 $0xFFFFC000  }
0x72: {  	_ =	swait.ge [sflag:s23], $0x4000  }
0x73: {  	[sflag:s23] =	ssyncset.done $0x0  }
0x74: {  	s31 =	simm.s32 $0x1480;
	[sflag:s23] =	ssyncadd.s32 $0xFFFFC000  }
0x75: {  	[spmem:s2] =	stream.indirect.scatter.add.f32 [tilespmem:s21], [sflag:$0x3], $0x80, s31, s19, $0xb8;
	[tilespmem:$0x1E800] =	vst v63  }
0x76: {  	_ =	swait.ge [sflag:s17], $0x4000  }
0x77: {  	s26 =	simm.s32 $0x800;
	s25 =	simm.s32 $0x400;
	[sflag:s17] =	ssyncset.done $0x0  }
.LBB2_3:
0x78: {  	s28 =	sshra.s32 s25, $0x2  }
0x79: {  	[sflag:s17] =	ssyncadd.s32 $0xFFFFC000;
	s25 =	smov.u32 s26;
	s29 =	sadd.s32 $0x400, s26  }
0x7a: {  	[tilespmem:s20], [sflag:$0x1] =	stream.indirect.gather [hbm4b:s4+s19], $0x80, s28, s19, $0xb8;
	[tilespmem:$0x1E800] =	vst v63  }
0x7b: {  	p1 =	sne.s32 s26, $0x4C00;
	s26 =	sadd.s32 $0x80, s28  }
0x7c: {  	[tilespmem:s21], [sflag:$0x2] =	stream.indirect.gather [hbm4b:s4+s19], $0x80, s26, s19, $0xb8;
	[tilespmem:$0x1E800] =	vst v63  }
0x7d: {  	_ =	swait.ge [sflag:s22], $0x4000  }
0x7e: {  	[sflag:s22] =	ssyncset.done $0x0  }
0x7f: {  	s26 =	sadd.s32 $0x1400, s28;
	[sflag:s22] =	ssyncadd.s32 $0xFFFFC000  }
0x80: {  	[spmem:s2] =	stream.indirect.scatter.add.f32 [tilespmem:s20], [sflag:$0x3], $0x80, s26, s19, $0xb8;
	[tilespmem:$0x1E800] =	vst v63  }
0x81: {  	_ =	swait.ge [sflag:s17], $0x4000  }
0x82: {  	[sflag:s17] =	ssyncset.done $0x0  }
0x83: {  	[sflag:s17] =	ssyncadd.s32 $0xFFFFC000  }
0x84: {  	_ =	swait.ge [sflag:s23], $0x4000  }
.Ltmp5:
0x85: {  	[sflag:s23] =	ssyncset.done $0x0;
	(pc) =	sbr.rel @p1 .LBB2_3-.Ltmp5, $4  }
0x86: {  	s26 =	sadd.s32 $0x1480, s28;
	[sflag:s23] =	ssyncadd.s32 $0xFFFFC000  }
0x87: {  	[spmem:s2] =	stream.indirect.scatter.add.f32 [tilespmem:s21], [sflag:$0x3], $0x80, s26, s19, $0xb8;
	[tilespmem:$0x1E800] =	vst v63  }
0x88: {  	_ =	swait.ge [sflag:s17], $0x4000  }
0x89: {  	s26 =	smov.u32 s29;
	[sflag:s17] =	ssyncset.done $0x0  }
0x8a: {  	s25 =	sshra.s32 s25, $0x2;
	[sflag:s17] =	ssyncadd.s32 $0xFFFFC000  }
0x8b: {  	[tilespmem:s20], [sflag:$0x1] =	stream.indirect.gather [hbm4b:s4+s19], $0x80, s25, s19, $0xb8;
	[tilespmem:$0x1E800] =	vst v63  }
0x8c: {  	s26 =	sadd.s32 $0x80, s25  }
0x8d: {  	[tilespmem:s21], [sflag:$0x2] =	stream.indirect.gather [hbm4b:s4+s19], $0x80, s26, s19, $0xb8;
	[tilespmem:$0x1E800] =	vst v63  }
0x8e: {  	_ =	swait.ge [sflag:s22], $0x4000  }
0x8f: {  	[sflag:s22] =	ssyncset.done $0x0  }
0x90: {  	s31 =	sadd.s32 $0x1400, s25;
	[sflag:s22] =	ssyncadd.s32 $0xFFFFC000  }
0x91: {  	[spmem:s2] =	stream.indirect.scatter.add.f32 [tilespmem:s20], [sflag:$0x3], $0x80, s31, s19, $0xb8;
	[tilespmem:$0x1E800] =	vst v63  }
0x92: {  	_ =	swait.ge [sflag:s17], $0x4000  }
0x93: {  	[sflag:s17] =	ssyncset.done $0x0  }
0x94: {  	[sflag:s17] =	ssyncadd.s32 $0xFFFFC000  }
0x95: {  	_ =	swait.ge [sflag:s23], $0x4000  }
0x96: {  	[sflag:s23] =	ssyncset.done $0x0  }
0x97: {  	s25 =	sadd.s32 $0x1480, s25;
	[sflag:s23] =	ssyncadd.s32 $0xFFFFC000  }
0x98: {  	[spmem:s2] =	stream.indirect.scatter.add.f32 [tilespmem:s21], [sflag:$0x3], $0x80, s25, s19, $0xb8;
	[tilespmem:$0x1E800] =	vst v63  }
0x99: {  	_ =	swait.ge [sflag:s17], $0x4000  }
0x9a: {  	[sflag:s17] =	ssyncset.done $0x0  }
0x9b: {  	s26 =	simm.s32 $0x0;
	[sflag:s17] =	ssyncadd.s32 $0xFFFFC000  }
0x9c: {  	[tilespmem:s26], [sflag:$0x3] =	stream.linear.gather [hbm4b:s9+s26], $0x1400, $0x38;
	[tilespmem:$0x1E800] =	vst v63  }
0x9d: {  	_ =	swait.ge [sflag:s17], $0x1400  }
0x9e: {  	[sflag:s17] =	ssyncset.done $0x0  }
0x9f: {  	[sflag:s17] =	ssyncadd.s32 $0xFFFFEC00  }
0xa0: {  	[tilespmem:s18], [sflag:$0x3] =	stream.linear.gather [hbm4b:s10+s26], $0x1400, $0x38;
	[tilespmem:$0x1E800] =	vst v63  }
0xa1: {  	_ =	swait.ge [sflag:s17], $0x1400  }
0xa2: {  	[sflag:s17] =	ssyncset.done $0x0  }
0xa3: {  	s28 =	simm.s32 $0x0;
	[sflag:s17] =	ssyncadd.s32 $0xFFFFEC00  }
0xa4: {  	[tilespmem:s20], [sflag:$0x1] =	stream.indirect.gather [hbm4b:s4+s19], $0x80, s28, s19, $0xb8;
	[tilespmem:$0x1E800] =	vst v63  }
0xa5: {  	s29 =	simm.s32 $0x80  }
0xa6: {  	[tilespmem:s21], [sflag:$0x2] =	stream.indirect.gather [hbm4b:s4+s19], $0x80, s29, s19, $0xb8;
	[tilespmem:$0x1E800] =	vst v63  }
0xa7: {  	_ =	swait.ge [sflag:s22], $0x4000  }
0xa8: {  	[sflag:s22] =	ssyncset.done $0x0  }
0xa9: {  	s30 =	simm.s32 $0x1400;
	[sflag:s22] =	ssyncadd.s32 $0xFFFFC000  }
0xaa: {  	[spmem:s2] =	stream.indirect.scatter.add.f32 [tilespmem:s20], [sflag:$0x3], $0x80, s30, s19, $0xb8;
	[tilespmem:$0x1E800] =	vst v63  }
0xab: {  	_ =	swait.ge [sflag:s17], $0x4000  }
0xac: {  	[sflag:s17] =	ssyncset.done $0x0  }
0xad: {  	[sflag:s17] =	ssyncadd.s32 $0xFFFFC000  }
0xae: {  	_ =	swait.ge [sflag:s23], $0x4000  }
0xaf: {  	[sflag:s23] =	ssyncset.done $0x0  }
0xb0: {  	s31 =	simm.s32 $0x1480;
	[sflag:s23] =	ssyncadd.s32 $0xFFFFC000  }
0xb1: {  	[spmem:s2] =	stream.indirect.scatter.add.f32 [tilespmem:s21], [sflag:$0x3], $0x80, s31, s19, $0xb8;
	[tilespmem:$0x1E800] =	vst v63  }
0xb2: {  	_ =	swait.ge [sflag:s17], $0x4000  }
0xb3: {  	s25 =	simm.s32 $0x400;
	s26 =	simm.s32 $0x800;
	[sflag:s17] =	ssyncset.done $0x0  }
.LBB2_5:
0xb4: {  	s28 =	sshra.s32 s25, $0x2  }
0xb5: {  	[sflag:s17] =	ssyncadd.s32 $0xFFFFC000;
	s25 =	smov.u32 s26;
	s29 =	sadd.s32 $0x400, s26  }
0xb6: {  	[tilespmem:s20], [sflag:$0x1] =	stream.indirect.gather [hbm4b:s4+s19], $0x80, s28, s19, $0xb8;
	[tilespmem:$0x1E800] =	vst v63  }
0xb7: {  	p1 =	sne.s32 s26, $0x4C00;
	s26 =	sadd.s32 $0x80, s28  }
0xb8: {  	[tilespmem:s21], [sflag:$0x2] =	stream.indirect.gather [hbm4b:s4+s19], $0x80, s26, s19, $0xb8;
	[tilespmem:$0x1E800] =	vst v63  }
0xb9: {  	_ =	swait.ge [sflag:s22], $0x4000  }
0xba: {  	[sflag:s22] =	ssyncset.done $0x0  }
0xbb: {  	s26 =	sadd.s32 $0x1400, s28;
	[sflag:s22] =	ssyncadd.s32 $0xFFFFC000  }
0xbc: {  	[spmem:s2] =	stream.indirect.scatter.add.f32 [tilespmem:s20], [sflag:$0x3], $0x80, s26, s19, $0xb8;
	[tilespmem:$0x1E800] =	vst v63  }
0xbd: {  	_ =	swait.ge [sflag:s17], $0x4000  }
0xbe: {  	[sflag:s17] =	ssyncset.done $0x0  }
0xbf: {  	[sflag:s17] =	ssyncadd.s32 $0xFFFFC000  }
0xc0: {  	_ =	swait.ge [sflag:s23], $0x4000  }
.Ltmp6:
0xc1: {  	[sflag:s23] =	ssyncset.done $0x0;
	(pc) =	sbr.rel @p1 .LBB2_5-.Ltmp6, $4  }
0xc2: {  	s26 =	sadd.s32 $0x1480, s28;
	[sflag:s23] =	ssyncadd.s32 $0xFFFFC000  }
0xc3: {  	[spmem:s2] =	stream.indirect.scatter.add.f32 [tilespmem:s21], [sflag:$0x3], $0x80, s26, s19, $0xb8;
	[tilespmem:$0x1E800] =	vst v63  }
0xc4: {  	_ =	swait.ge [sflag:s17], $0x4000  }
0xc5: {  	s26 =	smov.u32 s29;
	[sflag:s17] =	ssyncset.done $0x0  }
0xc6: {  	s25 =	sshra.s32 s25, $0x2;
	[sflag:s17] =	ssyncadd.s32 $0xFFFFC000  }
0xc7: {  	[tilespmem:s20], [sflag:$0x1] =	stream.indirect.gather [hbm4b:s4+s19], $0x80, s25, s19, $0xb8;
	[tilespmem:$0x1E800] =	vst v63  }
0xc8: {  	s26 =	sadd.s32 $0x80, s25  }
0xc9: {  	[tilespmem:s21], [sflag:$0x2] =	stream.indirect.gather [hbm4b:s4+s19], $0x80, s26, s19, $0xb8;
	[tilespmem:$0x1E800] =	vst v63  }
0xca: {  	_ =	swait.ge [sflag:s22], $0x4000  }
0xcb: {  	[sflag:s22] =	ssyncset.done $0x0  }
0xcc: {  	s31 =	sadd.s32 $0x1400, s25;
	[sflag:s22] =	ssyncadd.s32 $0xFFFFC000  }
0xcd: {  	[spmem:s2] =	stream.indirect.scatter.add.f32 [tilespmem:s20], [sflag:$0x3], $0x80, s31, s19, $0xb8;
	[tilespmem:$0x1E800] =	vst v63  }
0xce: {  	_ =	swait.ge [sflag:s17], $0x4000  }
0xcf: {  	[sflag:s17] =	ssyncset.done $0x0  }
0xd0: {  	[sflag:s17] =	ssyncadd.s32 $0xFFFFC000  }
0xd1: {  	_ =	swait.ge [sflag:s23], $0x4000  }
0xd2: {  	[sflag:s23] =	ssyncset.done $0x0  }
0xd3: {  	s25 =	sadd.s32 $0x1480, s25;
	[sflag:s23] =	ssyncadd.s32 $0xFFFFC000  }
0xd4: {  	[spmem:s2] =	stream.indirect.scatter.add.f32 [tilespmem:s21], [sflag:$0x3], $0x80, s25, s19, $0xb8;
	[tilespmem:$0x1E800] =	vst v63  }
0xd5: {  	_ =	swait.ge [sflag:s17], $0x4000  }
0xd6: {  	[sflag:s17] =	ssyncset.done $0x0  }
0xd7: {  	s26 =	simm.s32 $0x0;
	[sflag:s17] =	ssyncadd.s32 $0xFFFFC000  }
0xd8: {  	[tilespmem:s26], [sflag:$0x3] =	stream.linear.gather [hbm4b:s11+s26], $0x1400, $0x38;
	[tilespmem:$0x1E800] =	vst v63  }
0xd9: {  	_ =	swait.ge [sflag:s17], $0x1400  }
0xda: {  	[sflag:s17] =	ssyncset.done $0x0  }
0xdb: {  	[sflag:s17] =	ssyncadd.s32 $0xFFFFEC00  }
0xdc: {  	[tilespmem:s18], [sflag:$0x3] =	stream.linear.gather [hbm4b:s12+s26], $0x1400, $0x38;
	[tilespmem:$0x1E800] =	vst v63  }
0xdd: {  	_ =	swait.ge [sflag:s17], $0x1400  }
0xde: {  	[sflag:s17] =	ssyncset.done $0x0  }
0xdf: {  	s28 =	simm.s32 $0x0;
	[sflag:s17] =	ssyncadd.s32 $0xFFFFEC00  }
0xe0: {  	[tilespmem:s20], [sflag:$0x1] =	stream.indirect.gather [hbm4b:s4+s19], $0x80, s28, s19, $0xb8;
	[tilespmem:$0x1E800] =	vst v63  }
0xe1: {  	s29 =	simm.s32 $0x80  }
0xe2: {  	[tilespmem:s21], [sflag:$0x2] =	stream.indirect.gather [hbm4b:s4+s19], $0x80, s29, s19, $0xb8;
	[tilespmem:$0x1E800] =	vst v63  }
0xe3: {  	_ =	swait.ge [sflag:s22], $0x4000  }
0xe4: {  	[sflag:s22] =	ssyncset.done $0x0  }
0xe5: {  	s30 =	simm.s32 $0x1400;
	[sflag:s22] =	ssyncadd.s32 $0xFFFFC000  }
0xe6: {  	[spmem:s2] =	stream.indirect.scatter.add.f32 [tilespmem:s20], [sflag:$0x3], $0x80, s30, s19, $0xb8;
	[tilespmem:$0x1E800] =	vst v63  }
0xe7: {  	_ =	swait.ge [sflag:s17], $0x4000  }
0xe8: {  	[sflag:s17] =	ssyncset.done $0x0  }
0xe9: {  	[sflag:s17] =	ssyncadd.s32 $0xFFFFC000  }
0xea: {  	_ =	swait.ge [sflag:s23], $0x4000  }
0xeb: {  	[sflag:s23] =	ssyncset.done $0x0  }
0xec: {  	s31 =	simm.s32 $0x1480;
	[sflag:s23] =	ssyncadd.s32 $0xFFFFC000  }
0xed: {  	[spmem:s2] =	stream.indirect.scatter.add.f32 [tilespmem:s21], [sflag:$0x3], $0x80, s31, s19, $0xb8;
	[tilespmem:$0x1E800] =	vst v63  }
0xee: {  	_ =	swait.ge [sflag:s17], $0x4000  }
0xef: {  	s25 =	simm.s32 $0x400;
	s26 =	simm.s32 $0x800;
	[sflag:s17] =	ssyncset.done $0x0  }
.LBB2_7:
0xf0: {  	s28 =	sshra.s32 s25, $0x2  }
0xf1: {  	[sflag:s17] =	ssyncadd.s32 $0xFFFFC000;
	s25 =	smov.u32 s26;
	s29 =	sadd.s32 $0x400, s26  }
0xf2: {  	[tilespmem:s20], [sflag:$0x1] =	stream.indirect.gather [hbm4b:s4+s19], $0x80, s28, s19, $0xb8;
	[tilespmem:$0x1E800] =	vst v63  }
0xf3: {  	p1 =	seq.s32 s26, $0x4C00;
	s26 =	sadd.s32 $0x80, s28  }
0xf4: {  	[tilespmem:s21], [sflag:$0x2] =	stream.indirect.gather [hbm4b:s4+s19], $0x80, s26, s19, $0xb8;
	[tilespmem:$0x1E800] =	vst v63  }
0xf5: {  	_ =	swait.ge [sflag:s22], $0x4000  }
0xf6: {  	[sflag:s22] =	ssyncset.done $0x0  }
0xf7: {  	s26 =	sadd.s32 $0x1400, s28;
	[sflag:s22] =	ssyncadd.s32 $0xFFFFC000  }
0xf8: {  	[spmem:s2] =	stream.indirect.scatter.add.f32 [tilespmem:s20], [sflag:$0x3], $0x80, s26, s19, $0xb8;
	[tilespmem:$0x1E800] =	vst v63  }
0xf9: {  	_ =	swait.ge [sflag:s17], $0x4000  }
0xfa: {  	[sflag:s17] =	ssyncset.done $0x0  }
0xfb: {  	[sflag:s17] =	ssyncadd.s32 $0xFFFFC000  }
0xfc: {  	_ =	swait.ge [sflag:s23], $0x4000  }
.Ltmp7:
0xfd: {  	[sflag:s23] =	ssyncset.done $0x0;
	(pc) =	sbr.rel @!p1 .LBB2_7-.Ltmp7, $4  }
0xfe: {  	s26 =	sadd.s32 $0x1480, s28;
	[sflag:s23] =	ssyncadd.s32 $0xFFFFC000  }
0xff: {  	[spmem:s2] =	stream.indirect.scatter.add.f32 [tilespmem:s21], [sflag:$0x3], $0x80, s26, s19, $0xb8;
	[tilespmem:$0x1E800] =	vst v63  }
0x100: {  	_ =	swait.ge [sflag:s17], $0x4000  }
0x101: {  	s26 =	smov.u32 s29;
	[sflag:s17] =	ssyncset.done $0x0  }
0x102: {  	s25 =	sshra.s32 s25, $0x2;
	[sflag:s17] =	ssyncadd.s32 $0xFFFFC000  }
0x103: {  	[tilespmem:s20], [sflag:$0x1] =	stream.indirect.gather [hbm4b:s4+s19], $0x80, s25, s19, $0xb8;
	[tilespmem:$0x1E800] =	vst v63  }
0x104: {  	s26 =	sadd.s32 $0x80, s25  }
0x105: {  	[tilespmem:s21], [sflag:$0x2] =	stream.indirect.gather [hbm4b:s4+s19], $0x80, s26, s19, $0xb8;
	[tilespmem:$0x1E800] =	vst v63  }
0x106: {  	_ =	swait.ge [sflag:s22], $0x4000  }
0x107: {  	[sflag:s22] =	ssyncset.done $0x0  }
0x108: {  	s31 =	sadd.s32 $0x1400, s25;
	[sflag:s22] =	ssyncadd.s32 $0xFFFFC000  }
0x109: {  	[spmem:s2] =	stream.indirect.scatter.add.f32 [tilespmem:s20], [sflag:$0x3], $0x80, s31, s19, $0xb8;
	[tilespmem:$0x1E800] =	vst v63  }
0x10a: {  	_ =	swait.ge [sflag:s17], $0x4000  }
0x10b: {  	[sflag:s17] =	ssyncset.done $0x0  }
0x10c: {  	[sflag:s17] =	ssyncadd.s32 $0xFFFFC000  }
0x10d: {  	_ =	swait.ge [sflag:s23], $0x4000  }
0x10e: {  	[sflag:s23] =	ssyncset.done $0x0  }
.Ltmp8:
0x10f: {  	s25 =	sadd.s32 $0x1480, s25;
	[sflag:s23] =	ssyncadd.s32 $0xFFFFC000;
	(pc) =	sbr.rel .LBB2_12-.Ltmp8, $4  }
0x110: {  	[spmem:s2] =	stream.indirect.scatter.add.f32 [tilespmem:s21], [sflag:$0x3], $0x80, s25, s19, $0xb8;
	[tilespmem:$0x1E800] =	vst v63  }
0x111: {  	_ =	swait.ge [sflag:s17], $0x4000  }
0x112: {  	[sflag:s17] =	ssyncset.done $0x0  }
0x113: {  	[sflag:s17] =	ssyncadd.s32 $0xFFFFC000  }
.LBB2_13:
0x114: {  	_ =	sfence.sel $0x180000  }
0x115: {  	[bflag:$0x0] =	sbarrier.arrive $0xFFFF  }
0x116: {  	p0 =	sne.s32 s1, $0x0;
	_ =	strace $0x9000004A  }
0x117: {  	s0 =	sadd.s32 @!p0 $0x100000, s0;
	[bflag:$0x2] =	sbarrier.arrive $0xFFFF  }
0x118: {  	[sflag:s0] =	ssyncadd.tile.s32 @!p0 $0x1;
	_ =	shalt  }
.Lfunc_end2:
_tile_overlayer_lowered:
.L_overlay_start_2:
0x119: {  	(tag) =	ssettag $0x2  }
0x11a: {  	s0 =	rddreg [dreg:$0x0];
	s2 =	stileid.u32  }
0x11b: {  	s1 =	rddreg [dreg:$0x1];
	p0 =	sne.s32 s2, $0x0  }
0x11c: {  	s3 =	rddreg [dreg:$0x2];
	[bflag:$0x3] =	sbarrier.arrive $0xFFFF;
	s2 =	simm.s32 @!p0 $0x1C03  }
0x11d: {  	[timem:s3], [sflag:s2] =	dma.local @!p0 [hbm:s0], s1  }
0x11e: {  	s0 =	simm.s32 @!p0 $0x3  }
0x11f: {  	_ =	swait.ge @!p0 [sflag:s0], s1  }
0x120: {  	s1 =	ssub.s32 @!p0 $0x0, s1;
	[sflag:s0] =	ssyncset.done @!p0 $0x0  }
0x121: {  	[sflag:s0] =	ssyncadd.s32 @!p0 s1  }
0x122: {  	[bflag:$0x3] =	sbarrier.arrive $0xFFFF  }
0x123: {  	_ =	shalt  }

// kernel: kernel.16.cloned.1.call-start
scs
__scs_entry_jumppad:
0x0: {  	(pc) =	sbr.rel $0x88, $3  }
0x1: {  	(tag) =	ssettag $0x0;
	lr =	simm.s32 $0x1  }
0x2: {  	[smem:$0x3F95] =	sst lr;
	_ =	strace $0xD0000000  }
0x3: {  	_ = 	snop  }
0x4: {  	_ = 	snop  }
0x5: {  	_ = 	snop  }
0x6: {  	_ = 	snop  }
0x7: {  	_ = 	snop  }
__scs_overlays_trampoline_lowered:
0x8: {  	[smem:$0x3FA4] =	sst s0  }
0x9: {  	[smem:$0x3FA5] =	sst s1  }
0xa: {  	[smem:$0x3FA6] =	sst s2  }
0xb: {  	[smem:$0x3FA7] =	sst s3  }
0xc: {  	[smem:$0x3FA8] =	sst s4  }
0xd: {  	[smem:$0x3FA9] =	sst s5  }
0xe: {  	[smem:$0x3FAA] =	sst s6  }
0xf: {  	[smem:$0x3FAB] =	sst s7  }
0x10: {  	[smem:$0x3FAC] =	sst s8  }
0x11: {  	[smem:$0x3FAD] =	sst s9;
	s0 =	simm.s32 @!p0 $0x0  }
0x12: {  	s1 =	sld [smem:$0x3F93];
	s0 =	simm.s32 @p0 $0x1  }
0x13: {  	[smem:$0x3FAE] =	sst s0;
	s0 =	simm.s32 @!p1 $0x0  }
0x14: {  	s2 =	sld [smem:$0x3F92];
	s0 =	simm.s32 @p1 $0x1  }
0x15: {  	[smem:$0x3FAF] =	sst s0;
	s0 =	simm.s32 @!p2 $0x0  }
0x16: {  	s3 =	sld [smem:$0x3FDB];
	s0 =	simm.s32 @p2 $0x1  }
0x17: {  	s4 =	simm.s32 $0x1BF5;
	[smem:$0x3FB1] =	sst s0  }
0x18: {  	s0 =	sld [smem:$0x3F94];
	_ =	swait.ge [sflag:s4], $0x0  }
0x19: {  	s7 =	sld [smem:$0x3F95]  }
0x1a: {  	s8 =	sadd.s32 $0xFFFFE003, lr  }
0x1b: {  	s9 =	sadd.s32 $0xFFFFFEF7, lr;
	s5 =	simm.s32 $0xFFFFFFFF;
	p2 =	slt.u32 s8, $0xFFFFF086  }
0x1c: {  	p1 =	slt.u32 s9, $0xF7A;
	s5 =	simm.s32 @!p2 $0x0  }
0x1d: {  	s5 =	simm.s32 @p1 $0x1;
	p0 =	seq.s32 s7, s2  }
0x1e: {  	s7 =	smul.u32 @!p0 $0xF7A, s2;
	p2 =	seq.s32 @!p0 s5, $0x0  }
0x1f: {  	s9 =	smul.u32 $0xF7A, s1;
	s8 =	simm.s32 @!p0 $0x1BF5;
	p2 =	por !p2, p0  }
0x20: {  	[sflag:s8] =	ssyncset.s32 @!p0 $0xFFFFF086;
	s6 =	sadd.s32 @!p0 s3, s7;
	s7 =	simm.s32 @!p0 $0x108  }
0x21: {  	s3 =	sadd.s32 s3, s9;
	s6 =	sadd.s32 @!p0 $0x88, s6;
	s7 =	simm.s32 @p2 $0x1082  }
0x22: {  	[simem:s7], [sflag:s8] =	dma.local @!p0 [hbm:s6], $0xF7A  }
0x23: {  	s9 =	sor.u32 $0xD0000000, s2;
	s6 =	simm.s32 $0x108;
	_ =	swait.ge @!p0 [sflag:s8], $0x0  }
0x24: {  	s3 =	sadd.s32 $0x88, s3;
	s6 =	simm.s32 @!p1 $0x1082;
	[sflag:s4] =	ssyncset.s32 $0xFFFFF086  }
0x25: {  	[simem:s6], [sflag:s4] =	dma.local [hbm:s3], $0xF7A  }
0x26: {  	[smem:$0x3F95] =	sst s1;
	(tag) =	ssettag s2;
	_ =	strace s9  }
0x27: {  	s1 =	sld [smem:$0x3FA5]  }
0x28: {  	s2 =	sld [smem:$0x3FA6]  }
0x29: {  	s4 =	sld [smem:$0x3FA8]  }
0x2a: {  	p0 =	seq.s32 s5, $0x0;
	s5 =	sld [smem:$0x3FA9]  }
0x2b: {  	s6 =	sld [smem:$0x3FAA]  }
0x2c: {  	s7 =	sld [smem:$0x3FAB]  }
0x2d: {  	s3 =	simm.s32 $0x108;
	s8 =	sld [smem:$0x3FAC]  }
0x2e: {  	s3 =	simm.s32 @!p0 $0x1082;
	s9 =	sld [smem:$0x3FAD]  }
0x2f: {  	lr =	sadd.s32 s0, s3;
	s0 =	sld [smem:$0x3FA4]  }
0x30: {  	s3 =	sld [smem:$0x3FA7]  }
0x31: {  	[smem:$0x3FB0] =	sst s10  }
0x32: {  	s10 =	sld [smem:$0x3FAE];
	_ =	sdelay $0x3  }
0x33: {  	p0 =	seq.s32 s10, $0x1;
	s10 =	sld [smem:$0x3FB0];
	_ =	sdelay $0x3  }
0x34: {  	[smem:$0x3FB0] =	sst s10  }
0x35: {  	s10 =	sld [smem:$0x3FAF];
	_ =	sdelay $0x3  }
0x36: {  	p1 =	seq.s32 s10, $0x1;
	s10 =	sld [smem:$0x3FB0];
	_ =	sdelay $0x3  }
0x37: {  	[smem:$0x3FB0] =	sst s10  }
0x38: {  	s10 =	sld [smem:$0x3FB1]  }
0x39: {  	_ = 	snop;
	(pc) =	sbr.ind lr, $3  }
0x3a: {  	_ = 	snop  }
0x3b: {  	_ = 	snop  }
0x3c: {  	p2 =	seq.s32 s10, $0x1;
	s10 =	sld [smem:$0x3FB0]  }
0x3d: {  	_ =	shalt  }
0x3e: {  	_ =	shalt  }
0x3f: {  	_ =	shalt  }
0x40: {  	_ =	shalt  }
0x41: {  	_ =	shalt  }
0x42: {  	_ =	shalt  }
0x43: {  	_ =	shalt  }
0x44: {  	_ =	shalt  }
0x45: {  	_ =	shalt  }
0x46: {  	_ =	shalt  }
0x47: {  	_ =	shalt  }
0x48: {  	_ =	shalt  }
0x49: {  	_ =	shalt  }
0x4a: {  	_ =	shalt  }
0x4b: {  	_ =	shalt  }
0x4c: {  	_ =	shalt  }
0x4d: {  	_ =	shalt  }
0x4e: {  	_ =	shalt  }
0x4f: {  	_ =	shalt  }
0x50: {  	_ =	shalt  }
0x51: {  	_ =	shalt  }
0x52: {  	_ =	shalt  }
0x53: {  	_ =	shalt  }
0x54: {  	_ =	shalt  }
0x55: {  	_ =	shalt  }
0x56: {  	_ =	shalt  }
0x57: {  	_ =	shalt  }
0x58: {  	_ =	shalt  }
0x59: {  	_ =	shalt  }
0x5a: {  	_ =	shalt  }
0x5b: {  	_ =	shalt  }
0x5c: {  	_ =	shalt  }
0x5d: {  	_ =	shalt  }
0x5e: {  	_ =	shalt  }
0x5f: {  	_ =	shalt  }
0x60: {  	_ =	shalt  }
0x61: {  	_ =	shalt  }
0x62: {  	_ =	shalt  }
0x63: {  	_ =	shalt  }
0x64: {  	_ =	shalt  }
0x65: {  	_ =	shalt  }
0x66: {  	_ =	shalt  }
0x67: {  	_ =	shalt  }
0x68: {  	_ =	shalt  }
0x69: {  	_ =	shalt  }
0x6a: {  	_ =	shalt  }
0x6b: {  	_ =	shalt  }
0x6c: {  	_ =	shalt  }
0x6d: {  	_ =	shalt  }
0x6e: {  	_ =	shalt  }
0x6f: {  	_ =	shalt  }
0x70: {  	_ =	shalt  }
0x71: {  	_ =	shalt  }
0x72: {  	_ =	shalt  }
0x73: {  	_ =	shalt  }
0x74: {  	_ =	shalt  }
0x75: {  	_ =	shalt  }
0x76: {  	_ =	shalt  }
0x77: {  	_ =	shalt  }
0x78: {  	_ =	shalt  }
0x79: {  	_ =	shalt  }
0x7a: {  	_ =	shalt  }
0x7b: {  	_ =	shalt  }
0x7c: {  	_ =	shalt  }
0x7d: {  	_ =	shalt  }
0x7e: {  	_ =	shalt  }
0x7f: {  	_ =	shalt  }
0x80: {  	_ =	shalt  }
0x81: {  	_ =	shalt  }
0x82: {  	_ =	shalt  }
0x83: {  	_ =	shalt  }
0x84: {  	_ =	shalt  }
0x85: {  	_ =	shalt  }
0x86: {  	_ =	shalt  }
0x87: {  	_ =	shalt  }
.Lfunc_end0:
.L_simem_size_0:
called_computation.2_lowered:
.L_overlay_start_0:
0x88: {  	s2 =	sld [smem:$0x3FD9]  }
0x89: {  	s3 =	sld [smem:$0x3FFE];
	_ =	sdelay $0x1  }
0x8a: {  	s1 =	srdreg.scid  }
0x8b: {  	s0 =	sand.u32 $0x1, s1  }
0x8c: {  	s16 =	sshll.u32 s0, $0xA;
	s2 =	sadd.s32 s3, s2  }
0x8d: {  	s2 =	sadd.s32 s2, s16  }
0x8e: {  	[smem:$0x3FBC] =	sst s2  }
0x8f: {  	_ = 	snop  }
0x90: {  	(tm) =	ssettm $0x1  }
0x91: {  	s17 =	sld [smem:$0x3FFB];
	_ =	sdelay $0x3  }
0x92: {  	_ =	strace s17  }
0x93: {  	s2 =	sld [smem:$0x3FFC];
	_ =	sdelay $0x3  }
0x94: {  	_ =	strace s2  }
0x95: {  	s2 =	sld [smem:$0x3FFD];
	_ =	sdelay $0x3  }
0x96: {  	_ =	strace s2  }
0x97: {  	_ =	strace $0x8FFFFFFF  }
0x98: {  	s18 =	sld [smem:$0x3FDB];
	_ =	sdelay $0x1  }
0x99: {  	s19 =	simm.s32 $_scs_section_size  }
0x9a: {  	s4 =	simm.s32 $_size__tile_overlayer_lowered;
	s5 =	simm.s32 $_tile_overlayer_lowered  }
0x9b: {  	s22 =	simm.s32 $0x1BFF;
	s21 =	sshll.u32 s5, $0x1;
	s2 =	sadd.s32 s19, s18  }
0x9c: {  	s6 =	simm.s32 $0x0;
	s20 =	sshll.u32 s4, $0x1;
	s4 =	sadd.s32 s21, s2  }
0x9d: {  	[timem:s6], [sflag:s22] =	dma.local [hbm:s4], s20  }
0x9e: {  	_ =	swait.ge [sflag:s22], s20  }
0x9f: {  	s3 =	ssub.s32 $0x0, s20;
	[sflag:s22] =	ssyncset.done $0x0  }
0xa0: {  	[sflag:s22] =	ssyncadd.s32 s3;
	_ =	sdelay $0x1  }
0xa1: {  	s23 =	simm.s32 $0x1B8B  }
0xa2: {  	_ =	swait.ge [sflag:s23], $0x1  }
0xa3: {  	[sflag:s23] =	ssyncset.done $0x0  }
0xa4: {  	s25 =	simm.s32 $0x1B8E;
	s24 =	sld [smem:$0x3FFE];
	[sflag:s23] =	ssyncadd.s32 $0xFFFFFFFF  }
0xa5: {  	s26 =	simm.s32 $execute0_lowered;
	[smem:$0x3FD2] =	sst s25  }
0xa6: {  	s4 =	sshll.u32 s26, $0x1;
	_ =	strace $0x8000004C;
	[dreg:$0x1] =	wrdreg $0xFFFFFFFF  }
0xa7: {  	s28 =	simm.s32 $_size_execute0_lowered;
	s2 =	sadd.s32 s2, s4;
	[dreg:$0x0] =	wrdreg $0x0  }
0xa8: {  	s4 =	sshll.u32 s28, $0x1;
	[dreg:$0x2] =	wrdreg s2  }
0xa9: {  	[dreg:$0x3] =	wrdreg s4  }
0xaa: {  	[dreg:$0x4] =	wrdreg $0xC0  }
0xab: {  	_ =	task [dreg:s6], $0x5FFFF  }
0xac: {  	[dreg:$0x1] =	wrdreg $0xFFFFFFFF  }
0xad: {  	[dreg:$0x0] =	wrdreg $0x60  }
0xae: {  	[dreg:$0x2] =	wrdreg s24  }
0xaf: {  	[dreg:$0x3] =	wrdreg $0xA8000  }
0xb0: {  	[dreg:$0x4] =	wrdreg $0x9  }
0xb1: {  	_ =	task.clear_ibuf [dreg:s6], $0x5FFFF;
	_ =	strace $0x9000004C  }
0xb2: {  	s29 =	simm.s32 $0x9;
	_ =	strace $0x8000004E  }
0xb3: {  	_ =	swait.ge [sflag:s29], $0x1  }
0xb4: {  	[sflag:s29] =	ssyncadd.s32 $0xFFFFFFFF  }
0xb5: {  	_ =	strace $0x9000004E  }
0xb6: {  	_ =	sfence  }
0xb7: {  	s30 =	sld [smem:$0x0];
	_ =	sdelay $0x2  }
0xb8: {  	s31 =	sshll.u32 s1, $0xD;
	s1 =	sshrl.u32 s1, $0x2  }
0xb9: {  	s3 =	sand.u32 $0x4000, s31;
	s1 =	sadd.s32 s1, s30  }
0xba: {  	s0 =	sor.u32 s3, s0;
	s1 =	sshll.u32 s1, $0x11  }
0xbb: {  	s0 =	sor.u32 s1, s0  }
0xbc: {  	s0 =	sadd.s32 $0x8F2B, s0  }
0xbd: {  	[sflag:s0] =	ssyncadd.remote.s32 $0x1  }
0xbe: {  	_ =	sfence.sel $0xFFFF  }
0xbf: {  	[dreg:$0x0] =	wrdreg $0xFFFFFFFF;
	(pc) =	sbr.abs _section_cstart, $3  }
0xc0: {  	[dreg:$0x1] =	wrdreg $0xFFFFFFFF  }
0xc1: {  	_ =	task.clear_ibuf [dreg:s6], $0x2FFFF;
	_ =	strace $0x9FFFFFFF  }
0xc2: {  	(tm) =	ssettm $0x7FFFFFFF  }
0xc3: {  	_ =	shalt  }
tec
execute0_lowered:
.L_overlay_start_1:
0x0: {  	(tag) =	ssettag $0x1  }
0x1: {  	s5 =	rddreg [dreg:$0x0]  }
0x2: {  	s2 =	rddreg [dreg:$0x1]  }
0x3: {  	s0 =	rddreg [dreg:$0x2]  }
0x4: {  	s3 =	simm.s32 $0x0;
	s1 =	stileid.u32;
	s4 =	srdreg.scid  }
0x5: {  	s19 =	simm.s32 $0x80;
	s20 =	simm.s32 $0x2800;
	s24 =	smul.u32 $0x2800, s1  }
0x6: {  	s21 =	simm.s32 $0x6800;
	s22 =	simm.s32 $0x1;
	s8 =	smul.u32 $0x50000, s1  }
0x7: {  	[smem:$0x7FF] =	sst s3;
	s7 =	sand.u32 $0x1, s4;
	s26 =	smul.u32 $0x3C00, s1  }
0x8: {  	s4 =	sadd.s32 $0x3F000, s5;
	s13 =	sadd.s32 $0x3000, s5;
	s29 =	smul.u32 $0x780, s1  }
0x9: {  	s14 =	sadd.s32 $0xD000, s5;
	s28 =	sshll.u32 s1, $0x6;
	s30 =	smul.u32 $0x1400, s1  }
0xa: {  	_ =	strace $0x8000004D;
	s6 =	smul.u32 $0x28000, s7;
	s10 =	ssub.s32 $0x2, s7  }
0xb: {  	p0 =	seq.s32 s7, $0x1;
	s9 =	sadd.s32 s24, s5;
	s23 =	sshrl.u32 s10, $0x1  }
0xc: {  	s25 =	sshrl.u32 s8, $0x2;
	s11 =	sshrl.u32 s26, $0x3;
	s7 =	sadd.s32 s13, s29  }
0xd: {  	s8 =	sadd.s32 s14, s29;
	s18 =	sshrl.u32 s30, $0x3;
	s15 =	sadd.s32 s6, s5  }
0xe: {  	s16 =	ssub.s32 s10, s23;
	s17 =	sadd.s32 s25, s2;
	s5 =	sadd.s32 $0x17000, s9  }
0xf: {  	s6 =	sor.u32 $0x1C03, s28;
	s12 =	sadd.s32 $0x280, s11;
	s31 =	sadd.s32 $0x500, s11  }
.Ltmp0:
0x10: {  	s18 =	sadd.s32 $0x7800, s18;
	s23 =	simm.s32 $0x2;
	(pc) =	sbr.rel .LBB2_1-.Ltmp0, $4  }
0x11: {  	s9 =	sadd.s32 s13, s12;
	s10 =	sadd.s32 s14, s12;
	s11 =	sadd.s32 s13, s31  }
0x12: {  	s12 =	sadd.s32 s14, s31;
	s13 =	sadd.s32 s13, s18;
	s14 =	sadd.s32 s14, s18  }
0x13: {  	s25 =	sadd.s32 $0x67000, s15;
	s15 =	smax.u32 s16, $0x1;
	s16 =	sshrl.u32 s17, $0x3  }
0x14: {  	s17 =	simm.s32 $0x3;
	s18 =	simm.s32 $0x1400;
	s24 =	sadd.s32 s24, s25  }
.LBB2_11:
0x15: {  	s25 =	sshra.s32 s25, $0x2;
	[sflag:s17] =	ssyncadd.s32 $0xFFFFC000  }
0x16: {  	[tilespmem:s20], [sflag:$0x1] =	stream.indirect.gather [hbm4b:s4+s19], $0x80, s25, s19, $0xb8;
	[tilespmem:$0x1E800] =	vst v63  }
0x17: {  	s26 =	sadd.s32 $0x80, s25  }
0x18: {  	[tilespmem:s21], [sflag:$0x2] =	stream.indirect.gather [hbm4b:s4+s19], $0x80, s26, s19, $0xb8;
	[tilespmem:$0x1E800] =	vst v63  }
0x19: {  	_ =	swait.ge [sflag:s22], $0x4000  }
0x1a: {  	[sflag:s22] =	ssyncset.done $0x0  }
0x1b: {  	s31 =	sadd.s32 $0x1400, s25;
	[sflag:s22] =	ssyncadd.s32 $0xFFFFC000  }
0x1c: {  	[spmem:s2] =	stream.indirect.scatter.add.f32 [tilespmem:s20], [sflag:$0x3], $0x80, s31, s19, $0xb8;
	[tilespmem:$0x1E800] =	vst v63  }
0x1d: {  	_ =	swait.ge [sflag:s17], $0x4000  }
0x1e: {  	[sflag:s17] =	ssyncset.done $0x0  }
0x1f: {  	[sflag:s17] =	ssyncadd.s32 $0xFFFFC000  }
0x20: {  	_ =	swait.ge [sflag:s23], $0x4000  }
0x21: {  	[sflag:s23] =	ssyncset.done $0x0  }
0x22: {  	s25 =	sadd.s32 $0x1480, s25;
	[sflag:s23] =	ssyncadd.s32 $0xFFFFC000  }
0x23: {  	[spmem:s2] =	stream.indirect.scatter.add.f32 [tilespmem:s21], [sflag:$0x3], $0x80, s25, s19, $0xb8;
	[tilespmem:$0x1E800] =	vst v63  }
0x24: {  	_ =	swait.ge [sflag:s17], $0x4000  }
0x25: {  	[sflag:s17] =	ssyncset.done $0x0  }
0x26: {  	[sflag:s17] =	ssyncadd.s32 $0xFFFFC000  }
.LBB2_12:
0x27: {  	s3 =	sadd.s32 $0x1, s3  }
0x28: {  	p1 =	sne.s32 s3, s15  }
.Ltmp1:
0x29: {  	[bflag:$0x0] =	sbarrier.arrive $0xFFFF;
	(pc) =	sbr.rel @!p1 .LBB2_13-.Ltmp1, $4  }
0x2a: {  	[hbm:s24], [sflag:s6] =	dma.local [spmem:s16], $0x2800  }
0x2b: {  	_ =	swait.ge [sflag:s17], $0x2800  }
0x2c: {  	[sflag:s17] =	ssyncset.done $0x0  }
0x2d: {  	[sflag:s17] =	ssyncadd.s32 $0xFFFFD800  }
.LBB2_1:
0x2e: {  	[spmem:s16], [sflag:s6] =	dma.local [hbm:s5], $0x2800  }
.Ltmp2:
0x2f: {  	_ =	swait.ge [sflag:s17], $0x2800;
	(pc) =	sbr.rel @!p0 .LBB2_2-.Ltmp2, $4  }
0x30: {  	[sflag:s17] =	ssyncset.done $0x0  }
0x31: {  	[sflag:s17] =	ssyncadd.s32 $0xFFFFD800  }
0x32: {  	[bflag:$0x0] =	sbarrier.arrive $0xFFFF  }
0x33: {  	s25 =	simm.s32 $0x0  }
0x34: {  	[tilespmem:s25], [sflag:$0x3] =	stream.linear.gather [hbm4b:s13+s25], $0x1400, $0x38;
	[tilespmem:$0x1E800] =	vst v63  }
0x35: {  	_ =	swait.ge [sflag:s17], $0x1400  }
0x36: {  	[sflag:s17] =	ssyncset.done $0x0  }
0x37: {  	[sflag:s17] =	ssyncadd.s32 $0xFFFFEC00  }
0x38: {  	[tilespmem:s18], [sflag:$0x3] =	stream.linear.gather [hbm4b:s14+s25], $0x1400, $0x38;
	[tilespmem:$0x1E800] =	vst v63  }
0x39: {  	_ =	swait.ge [sflag:s17], $0x1400  }
0x3a: {  	[sflag:s17] =	ssyncset.done $0x0  }
0x3b: {  	s28 =	simm.s32 $0x0;
	[sflag:s17] =	ssyncadd.s32 $0xFFFFEC00  }
0x3c: {  	[tilespmem:s20], [sflag:$0x1] =	stream.indirect.gather [hbm4b:s4+s19], $0x80, s28, s19, $0xb8;
	[tilespmem:$0x1E800] =	vst v63  }
0x3d: {  	s29 =	simm.s32 $0x80  }
0x3e: {  	[tilespmem:s21], [sflag:$0x2] =	stream.indirect.gather [hbm4b:s4+s19], $0x80, s29, s19, $0xb8;
	[tilespmem:$0x1E800] =	vst v63  }
0x3f: {  	_ =	swait.ge [sflag:s22], $0x4000  }
0x40: {  	[sflag:s22] =	ssyncset.done $0x0  }
0x41: {  	s30 =	simm.s32 $0x1400;
	[sflag:s22] =	ssyncadd.s32 $0xFFFFC000  }
0x42: {  	[spmem:s2] =	stream.indirect.scatter.add.f32 [tilespmem:s20], [sflag:$0x3], $0x80, s30, s19, $0xb8;
	[tilespmem:$0x1E800] =	vst v63  }
0x43: {  	_ =	swait.ge [sflag:s17], $0x4000  }
0x44: {  	[sflag:s17] =	ssyncset.done $0x0  }
0x45: {  	[sflag:s17] =	ssyncadd.s32 $0xFFFFC000  }
0x46: {  	_ =	swait.ge [sflag:s23], $0x4000  }
0x47: {  	[sflag:s23] =	ssyncset.done $0x0  }
0x48: {  	s31 =	simm.s32 $0x1480;
	[sflag:s23] =	ssyncadd.s32 $0xFFFFC000  }
0x49: {  	[spmem:s2] =	stream.indirect.scatter.add.f32 [tilespmem:s21], [sflag:$0x3], $0x80, s31, s19, $0xb8;
	[tilespmem:$0x1E800] =	vst v63  }
0x4a: {  	_ =	swait.ge [sflag:s17], $0x4000  }
0x4b: {  	s26 =	simm.s32 $0x800;
	s25 =	simm.s32 $0x400;
	[sflag:s17] =	ssyncset.done $0x0  }
.LBB2_10:
0x4c: {  	s28 =	sshra.s32 s25, $0x2  }
0x4d: {  	[sflag:s17] =	ssyncadd.s32 $0xFFFFC000;
	s25 =	smov.u32 s26;
	s29 =	sadd.s32 $0x400, s26  }
0x4e: {  	[tilespmem:s20], [sflag:$0x1] =	stream.indirect.gather [hbm4b:s4+s19], $0x80, s28, s19, $0xb8;
	[tilespmem:$0x1E800] =	vst v63  }
0x4f: {  	p1 =	sne.s32 s26, $0x4C00;
	s26 =	sadd.s32 $0x80, s28  }
0x50: {  	[tilespmem:s21], [sflag:$0x2] =	stream.indirect.gather [hbm4b:s4+s19], $0x80, s26, s19, $0xb8;
	[tilespmem:$0x1E800] =	vst v63  }
0x51: {  	_ =	swait.ge [sflag:s22], $0x4000  }
0x52: {  	[sflag:s22] =	ssyncset.done $0x0  }
0x53: {  	s26 =	sadd.s32 $0x1400, s28;
	[sflag:s22] =	ssyncadd.s32 $0xFFFFC000  }
0x54: {  	[spmem:s2] =	stream.indirect.scatter.add.f32 [tilespmem:s20], [sflag:$0x3], $0x80, s26, s19, $0xb8;
	[tilespmem:$0x1E800] =	vst v63  }
0x55: {  	_ =	swait.ge [sflag:s17], $0x4000  }
0x56: {  	[sflag:s17] =	ssyncset.done $0x0  }
0x57: {  	[sflag:s17] =	ssyncadd.s32 $0xFFFFC000  }
0x58: {  	_ =	swait.ge [sflag:s23], $0x4000  }
.Ltmp3:
0x59: {  	[sflag:s23] =	ssyncset.done $0x0;
	(pc) =	sbr.rel @p1 .LBB2_10-.Ltmp3, $4  }
0x5a: {  	s26 =	sadd.s32 $0x1480, s28;
	[sflag:s23] =	ssyncadd.s32 $0xFFFFC000  }
0x5b: {  	[spmem:s2] =	stream.indirect.scatter.add.f32 [tilespmem:s21], [sflag:$0x3], $0x80, s26, s19, $0xb8;
	[tilespmem:$0x1E800] =	vst v63  }
0x5c: {  	_ =	swait.ge [sflag:s17], $0x4000  }
0x5d: {  	s26 =	smov.u32 s29;
	[sflag:s17] =	ssyncset.done $0x0  }
.Ltmp4:
0x5e: {  	_ = 	snop;
	(pc) =	sbr.rel .LBB2_11-.Ltmp4, $1  }
0x5f: {  	_ =	sdelay $0x3  }
.LBB2_2:
0x60: {  	[tilespmem:s25], [sflag:$0x3] =	stream.linear.gather [hbm4b:s7+s25], $0x1400, $0x38;
	[tilespmem:$0x1E800] =	vst v63  }
0x61: {  	_ =	swait.ge [sflag:s17], $0x1400  }
0x62: {  	[sflag:s17] =	ssyncset.done $0x0  }
0x63: {  	[sflag:s17] =	ssyncadd.s32 $0xFFFFEC00  }
0x64: {  	[tilespmem:s18], [sflag:$0x3] =	stream.linear.gather [hbm4b:s8+s25], $0x1400, $0x38;
	[tilespmem:$0x1E800] =	vst v63  }
0x65: {  	_ =	swait.ge [sflag:s17], $0x1400  }
0x66: {  	[sflag:s17] =	ssyncset.done $0x0  }
0x67: {  	s28 =	simm.s32 $0x0;
	[sflag:s17] =	ssyncadd.s32 $0xFFFFEC00  }
0x68: {  	[tilespmem:s20], [sflag:$0x1] =	stream.indirect.gather [hbm4b:s4+s19], $0x80, s28, s19, $0xb8;
	[tilespmem:$0x1E800] =	vst v63  }
0x69: {  	s29 =	simm.s32 $0x80  }
0x6a: {  	[tilespmem:s21], [sflag:$0x2] =	stream.indirect.gather [hbm4b:s4+s19], $0x80, s29, s19, $0xb8;
	[tilespmem:$0x1E800] =	vst v63  }
0x6b: {  	_ =	swait.ge [sflag:s22], $0x4000  }
0x6c: {  	[sflag:s22] =	ssyncset.done $0x0  }
0x6d: {  	s30 =	simm.s32 $0x1400;
	[sflag:s22] =	ssyncadd.s32 $0xFFFFC000  }
0x6e: {  	[spmem:s2] =	stream.indirect.scatter.add.f32 [tilespmem:s20], [sflag:$0x3], $0x80, s30, s19, $0xb8;
	[tilespmem:$0x1E800] =	vst v63  }
0x6f: {  	_ =	swait.ge [sflag:s17], $0x4000  }
0x70: {  	[sflag:s17] =	ssyncset.done $0x0  }
0x71: {  	[sflag:s17] =	ssyncadd.s32 $0xFFFFC000  }
0x72: {  	_ =	swait.ge [sflag:s23], $0x4000  }
0x73: {  	[sflag:s23] =	ssyncset.done $0x0  }
0x74: {  	s31 =	simm.s32 $0x1480;
	[sflag:s23] =	ssyncadd.s32 $0xFFFFC000  }
0x75: {  	[spmem:s2] =	stream.indirect.scatter.add.f32 [tilespmem:s21], [sflag:$0x3], $0x80, s31, s19, $0xb8;
	[tilespmem:$0x1E800] =	vst v63  }
0x76: {  	_ =	swait.ge [sflag:s17], $0x4000  }
0x77: {  	s26 =	simm.s32 $0x800;
	s25 =	simm.s32 $0x400;
	[sflag:s17] =	ssyncset.done $0x0  }
.LBB2_3:
0x78: {  	s28 =	sshra.s32 s25, $0x2  }
0x79: {  	[sflag:s17] =	ssyncadd.s32 $0xFFFFC000;
	s25 =	smov.u32 s26;
	s29 =	sadd.s32 $0x400, s26  }
0x7a: {  	[tilespmem:s20], [sflag:$0x1] =	stream.indirect.gather [hbm4b:s4+s19], $0x80, s28, s19, $0xb8;
	[tilespmem:$0x1E800] =	vst v63  }
0x7b: {  	p1 =	sne.s32 s26, $0x4C00;
	s26 =	sadd.s32 $0x80, s28  }
0x7c: {  	[tilespmem:s21], [sflag:$0x2] =	stream.indirect.gather [hbm4b:s4+s19], $0x80, s26, s19, $0xb8;
	[tilespmem:$0x1E800] =	vst v63  }
0x7d: {  	_ =	swait.ge [sflag:s22], $0x4000  }
0x7e: {  	[sflag:s22] =	ssyncset.done $0x0  }
0x7f: {  	s26 =	sadd.s32 $0x1400, s28;
	[sflag:s22] =	ssyncadd.s32 $0xFFFFC000  }
0x80: {  	[spmem:s2] =	stream.indirect.scatter.add.f32 [tilespmem:s20], [sflag:$0x3], $0x80, s26, s19, $0xb8;
	[tilespmem:$0x1E800] =	vst v63  }
0x81: {  	_ =	swait.ge [sflag:s17], $0x4000  }
0x82: {  	[sflag:s17] =	ssyncset.done $0x0  }
0x83: {  	[sflag:s17] =	ssyncadd.s32 $0xFFFFC000  }
0x84: {  	_ =	swait.ge [sflag:s23], $0x4000  }
.Ltmp5:
0x85: {  	[sflag:s23] =	ssyncset.done $0x0;
	(pc) =	sbr.rel @p1 .LBB2_3-.Ltmp5, $4  }
0x86: {  	s26 =	sadd.s32 $0x1480, s28;
	[sflag:s23] =	ssyncadd.s32 $0xFFFFC000  }
0x87: {  	[spmem:s2] =	stream.indirect.scatter.add.f32 [tilespmem:s21], [sflag:$0x3], $0x80, s26, s19, $0xb8;
	[tilespmem:$0x1E800] =	vst v63  }
0x88: {  	_ =	swait.ge [sflag:s17], $0x4000  }
0x89: {  	s26 =	smov.u32 s29;
	[sflag:s17] =	ssyncset.done $0x0  }
0x8a: {  	s25 =	sshra.s32 s25, $0x2;
	[sflag:s17] =	ssyncadd.s32 $0xFFFFC000  }
0x8b: {  	[tilespmem:s20], [sflag:$0x1] =	stream.indirect.gather [hbm4b:s4+s19], $0x80, s25, s19, $0xb8;
	[tilespmem:$0x1E800] =	vst v63  }
0x8c: {  	s26 =	sadd.s32 $0x80, s25  }
0x8d: {  	[tilespmem:s21], [sflag:$0x2] =	stream.indirect.gather [hbm4b:s4+s19], $0x80, s26, s19, $0xb8;
	[tilespmem:$0x1E800] =	vst v63  }
0x8e: {  	_ =	swait.ge [sflag:s22], $0x4000  }
0x8f: {  	[sflag:s22] =	ssyncset.done $0x0  }
0x90: {  	s31 =	sadd.s32 $0x1400, s25;
	[sflag:s22] =	ssyncadd.s32 $0xFFFFC000  }
0x91: {  	[spmem:s2] =	stream.indirect.scatter.add.f32 [tilespmem:s20], [sflag:$0x3], $0x80, s31, s19, $0xb8;
	[tilespmem:$0x1E800] =	vst v63  }
0x92: {  	_ =	swait.ge [sflag:s17], $0x4000  }
0x93: {  	[sflag:s17] =	ssyncset.done $0x0  }
0x94: {  	[sflag:s17] =	ssyncadd.s32 $0xFFFFC000  }
0x95: {  	_ =	swait.ge [sflag:s23], $0x4000  }
0x96: {  	[sflag:s23] =	ssyncset.done $0x0  }
0x97: {  	s25 =	sadd.s32 $0x1480, s25;
	[sflag:s23] =	ssyncadd.s32 $0xFFFFC000  }
0x98: {  	[spmem:s2] =	stream.indirect.scatter.add.f32 [tilespmem:s21], [sflag:$0x3], $0x80, s25, s19, $0xb8;
	[tilespmem:$0x1E800] =	vst v63  }
0x99: {  	_ =	swait.ge [sflag:s17], $0x4000  }
0x9a: {  	[sflag:s17] =	ssyncset.done $0x0  }
0x9b: {  	s26 =	simm.s32 $0x0;
	[sflag:s17] =	ssyncadd.s32 $0xFFFFC000  }
0x9c: {  	[tilespmem:s26], [sflag:$0x3] =	stream.linear.gather [hbm4b:s9+s26], $0x1400, $0x38;
	[tilespmem:$0x1E800] =	vst v63  }
0x9d: {  	_ =	swait.ge [sflag:s17], $0x1400  }
0x9e: {  	[sflag:s17] =	ssyncset.done $0x0  }
0x9f: {  	[sflag:s17] =	ssyncadd.s32 $0xFFFFEC00  }
0xa0: {  	[tilespmem:s18], [sflag:$0x3] =	stream.linear.gather [hbm4b:s10+s26], $0x1400, $0x38;
	[tilespmem:$0x1E800] =	vst v63  }
0xa1: {  	_ =	swait.ge [sflag:s17], $0x1400  }
0xa2: {  	[sflag:s17] =	ssyncset.done $0x0  }
0xa3: {  	s28 =	simm.s32 $0x0;
	[sflag:s17] =	ssyncadd.s32 $0xFFFFEC00  }
0xa4: {  	[tilespmem:s20], [sflag:$0x1] =	stream.indirect.gather [hbm4b:s4+s19], $0x80, s28, s19, $0xb8;
	[tilespmem:$0x1E800] =	vst v63  }
0xa5: {  	s29 =	simm.s32 $0x80  }
0xa6: {  	[tilespmem:s21], [sflag:$0x2] =	stream.indirect.gather [hbm4b:s4+s19], $0x80, s29, s19, $0xb8;
	[tilespmem:$0x1E800] =	vst v63  }
0xa7: {  	_ =	swait.ge [sflag:s22], $0x4000  }
0xa8: {  	[sflag:s22] =	ssyncset.done $0x0  }
0xa9: {  	s30 =	simm.s32 $0x1400;
	[sflag:s22] =	ssyncadd.s32 $0xFFFFC000  }
0xaa: {  	[spmem:s2] =	stream.indirect.scatter.add.f32 [tilespmem:s20], [sflag:$0x3], $0x80, s30, s19, $0xb8;
	[tilespmem:$0x1E800] =	vst v63  }
0xab: {  	_ =	swait.ge [sflag:s17], $0x4000  }
0xac: {  	[sflag:s17] =	ssyncset.done $0x0  }
0xad: {  	[sflag:s17] =	ssyncadd.s32 $0xFFFFC000  }
0xae: {  	_ =	swait.ge [sflag:s23], $0x4000  }
0xaf: {  	[sflag:s23] =	ssyncset.done $0x0  }
0xb0: {  	s31 =	simm.s32 $0x1480;
	[sflag:s23] =	ssyncadd.s32 $0xFFFFC000  }
0xb1: {  	[spmem:s2] =	stream.indirect.scatter.add.f32 [tilespmem:s21], [sflag:$0x3], $0x80, s31, s19, $0xb8;
	[tilespmem:$0x1E800] =	vst v63  }
0xb2: {  	_ =	swait.ge [sflag:s17], $0x4000  }
0xb3: {  	s25 =	simm.s32 $0x400;
	s26 =	simm.s32 $0x800;
	[sflag:s17] =	ssyncset.done $0x0  }
.LBB2_5:
0xb4: {  	s28 =	sshra.s32 s25, $0x2  }
0xb5: {  	[sflag:s17] =	ssyncadd.s32 $0xFFFFC000;
	s25 =	smov.u32 s26;
	s29 =	sadd.s32 $0x400, s26  }
0xb6: {  	[tilespmem:s20], [sflag:$0x1] =	stream.indirect.gather [hbm4b:s4+s19], $0x80, s28, s19, $0xb8;
	[tilespmem:$0x1E800] =	vst v63  }
0xb7: {  	p1 =	sne.s32 s26, $0x4C00;
	s26 =	sadd.s32 $0x80, s28  }
0xb8: {  	[tilespmem:s21], [sflag:$0x2] =	stream.indirect.gather [hbm4b:s4+s19], $0x80, s26, s19, $0xb8;
	[tilespmem:$0x1E800] =	vst v63  }
0xb9: {  	_ =	swait.ge [sflag:s22], $0x4000  }
0xba: {  	[sflag:s22] =	ssyncset.done $0x0  }
0xbb: {  	s26 =	sadd.s32 $0x1400, s28;
	[sflag:s22] =	ssyncadd.s32 $0xFFFFC000  }
0xbc: {  	[spmem:s2] =	stream.indirect.scatter.add.f32 [tilespmem:s20], [sflag:$0x3], $0x80, s26, s19, $0xb8;
	[tilespmem:$0x1E800] =	vst v63  }
0xbd: {  	_ =	swait.ge [sflag:s17], $0x4000  }
0xbe: {  	[sflag:s17] =	ssyncset.done $0x0  }
0xbf: {  	[sflag:s17] =	ssyncadd.s32 $0xFFFFC000  }
0xc0: {  	_ =	swait.ge [sflag:s23], $0x4000  }
.Ltmp6:
0xc1: {  	[sflag:s23] =	ssyncset.done $0x0;
	(pc) =	sbr.rel @p1 .LBB2_5-.Ltmp6, $4  }
0xc2: {  	s26 =	sadd.s32 $0x1480, s28;
	[sflag:s23] =	ssyncadd.s32 $0xFFFFC000  }
0xc3: {  	[spmem:s2] =	stream.indirect.scatter.add.f32 [tilespmem:s21], [sflag:$0x3], $0x80, s26, s19, $0xb8;
	[tilespmem:$0x1E800] =	vst v63  }
0xc4: {  	_ =	swait.ge [sflag:s17], $0x4000  }
0xc5: {  	s26 =	smov.u32 s29;
	[sflag:s17] =	ssyncset.done $0x0  }
0xc6: {  	s25 =	sshra.s32 s25, $0x2;
	[sflag:s17] =	ssyncadd.s32 $0xFFFFC000  }
0xc7: {  	[tilespmem:s20], [sflag:$0x1] =	stream.indirect.gather [hbm4b:s4+s19], $0x80, s25, s19, $0xb8;
	[tilespmem:$0x1E800] =	vst v63  }
0xc8: {  	s26 =	sadd.s32 $0x80, s25  }
0xc9: {  	[tilespmem:s21], [sflag:$0x2] =	stream.indirect.gather [hbm4b:s4+s19], $0x80, s26, s19, $0xb8;
	[tilespmem:$0x1E800] =	vst v63  }
0xca: {  	_ =	swait.ge [sflag:s22], $0x4000  }
0xcb: {  	[sflag:s22] =	ssyncset.done $0x0  }
0xcc: {  	s31 =	sadd.s32 $0x1400, s25;
	[sflag:s22] =	ssyncadd.s32 $0xFFFFC000  }
0xcd: {  	[spmem:s2] =	stream.indirect.scatter.add.f32 [tilespmem:s20], [sflag:$0x3], $0x80, s31, s19, $0xb8;
	[tilespmem:$0x1E800] =	vst v63  }
0xce: {  	_ =	swait.ge [sflag:s17], $0x4000  }
0xcf: {  	[sflag:s17] =	ssyncset.done $0x0  }
0xd0: {  	[sflag:s17] =	ssyncadd.s32 $0xFFFFC000  }
0xd1: {  	_ =	swait.ge [sflag:s23], $0x4000  }
0xd2: {  	[sflag:s23] =	ssyncset.done $0x0  }
0xd3: {  	s25 =	sadd.s32 $0x1480, s25;
	[sflag:s23] =	ssyncadd.s32 $0xFFFFC000  }
0xd4: {  	[spmem:s2] =	stream.indirect.scatter.add.f32 [tilespmem:s21], [sflag:$0x3], $0x80, s25, s19, $0xb8;
	[tilespmem:$0x1E800] =	vst v63  }
0xd5: {  	_ =	swait.ge [sflag:s17], $0x4000  }
0xd6: {  	[sflag:s17] =	ssyncset.done $0x0  }
0xd7: {  	s26 =	simm.s32 $0x0;
	[sflag:s17] =	ssyncadd.s32 $0xFFFFC000  }
0xd8: {  	[tilespmem:s26], [sflag:$0x3] =	stream.linear.gather [hbm4b:s11+s26], $0x1400, $0x38;
	[tilespmem:$0x1E800] =	vst v63  }
0xd9: {  	_ =	swait.ge [sflag:s17], $0x1400  }
0xda: {  	[sflag:s17] =	ssyncset.done $0x0  }
0xdb: {  	[sflag:s17] =	ssyncadd.s32 $0xFFFFEC00  }
0xdc: {  	[tilespmem:s18], [sflag:$0x3] =	stream.linear.gather [hbm4b:s12+s26], $0x1400, $0x38;
	[tilespmem:$0x1E800] =	vst v63  }
0xdd: {  	_ =	swait.ge [sflag:s17], $0x1400  }
0xde: {  	[sflag:s17] =	ssyncset.done $0x0  }
0xdf: {  	s28 =	simm.s32 $0x0;
	[sflag:s17] =	ssyncadd.s32 $0xFFFFEC00  }
0xe0: {  	[tilespmem:s20], [sflag:$0x1] =	stream.indirect.gather [hbm4b:s4+s19], $0x80, s28, s19, $0xb8;
	[tilespmem:$0x1E800] =	vst v63  }
0xe1: {  	s29 =	simm.s32 $0x80  }
0xe2: {  	[tilespmem:s21], [sflag:$0x2] =	stream.indirect.gather [hbm4b:s4+s19], $0x80, s29, s19, $0xb8;
	[tilespmem:$0x1E800] =	vst v63  }
0xe3: {  	_ =	swait.ge [sflag:s22], $0x4000  }
0xe4: {  	[sflag:s22] =	ssyncset.done $0x0  }
0xe5: {  	s30 =	simm.s32 $0x1400;
	[sflag:s22] =	ssyncadd.s32 $0xFFFFC000  }
0xe6: {  	[spmem:s2] =	stream.indirect.scatter.add.f32 [tilespmem:s20], [sflag:$0x3], $0x80, s30, s19, $0xb8;
	[tilespmem:$0x1E800] =	vst v63  }
0xe7: {  	_ =	swait.ge [sflag:s17], $0x4000  }
0xe8: {  	[sflag:s17] =	ssyncset.done $0x0  }
0xe9: {  	[sflag:s17] =	ssyncadd.s32 $0xFFFFC000  }
0xea: {  	_ =	swait.ge [sflag:s23], $0x4000  }
0xeb: {  	[sflag:s23] =	ssyncset.done $0x0  }
0xec: {  	s31 =	simm.s32 $0x1480;
	[sflag:s23] =	ssyncadd.s32 $0xFFFFC000  }
0xed: {  	[spmem:s2] =	stream.indirect.scatter.add.f32 [tilespmem:s21], [sflag:$0x3], $0x80, s31, s19, $0xb8;
	[tilespmem:$0x1E800] =	vst v63  }
0xee: {  	_ =	swait.ge [sflag:s17], $0x4000  }
0xef: {  	s25 =	simm.s32 $0x400;
	s26 =	simm.s32 $0x800;
	[sflag:s17] =	ssyncset.done $0x0  }
.LBB2_7:
0xf0: {  	s28 =	sshra.s32 s25, $0x2  }
0xf1: {  	[sflag:s17] =	ssyncadd.s32 $0xFFFFC000;
	s25 =	smov.u32 s26;
	s29 =	sadd.s32 $0x400, s26  }
0xf2: {  	[tilespmem:s20], [sflag:$0x1] =	stream.indirect.gather [hbm4b:s4+s19], $0x80, s28, s19, $0xb8;
	[tilespmem:$0x1E800] =	vst v63  }
0xf3: {  	p1 =	seq.s32 s26, $0x4C00;
	s26 =	sadd.s32 $0x80, s28  }
0xf4: {  	[tilespmem:s21], [sflag:$0x2] =	stream.indirect.gather [hbm4b:s4+s19], $0x80, s26, s19, $0xb8;
	[tilespmem:$0x1E800] =	vst v63  }
0xf5: {  	_ =	swait.ge [sflag:s22], $0x4000  }
0xf6: {  	[sflag:s22] =	ssyncset.done $0x0  }
0xf7: {  	s26 =	sadd.s32 $0x1400, s28;
	[sflag:s22] =	ssyncadd.s32 $0xFFFFC000  }
0xf8: {  	[spmem:s2] =	stream.indirect.scatter.add.f32 [tilespmem:s20], [sflag:$0x3], $0x80, s26, s19, $0xb8;
	[tilespmem:$0x1E800] =	vst v63  }
0xf9: {  	_ =	swait.ge [sflag:s17], $0x4000  }
0xfa: {  	[sflag:s17] =	ssyncset.done $0x0  }
0xfb: {  	[sflag:s17] =	ssyncadd.s32 $0xFFFFC000  }
0xfc: {  	_ =	swait.ge [sflag:s23], $0x4000  }
.Ltmp7:
0xfd: {  	[sflag:s23] =	ssyncset.done $0x0;
	(pc) =	sbr.rel @!p1 .LBB2_7-.Ltmp7, $4  }
0xfe: {  	s26 =	sadd.s32 $0x1480, s28;
	[sflag:s23] =	ssyncadd.s32 $0xFFFFC000  }
0xff: {  	[spmem:s2] =	stream.indirect.scatter.add.f32 [tilespmem:s21], [sflag:$0x3], $0x80, s26, s19, $0xb8;
	[tilespmem:$0x1E800] =	vst v63  }
0x100: {  	_ =	swait.ge [sflag:s17], $0x4000  }
0x101: {  	s26 =	smov.u32 s29;
	[sflag:s17] =	ssyncset.done $0x0  }
0x102: {  	s25 =	sshra.s32 s25, $0x2;
	[sflag:s17] =	ssyncadd.s32 $0xFFFFC000  }
0x103: {  	[tilespmem:s20], [sflag:$0x1] =	stream.indirect.gather [hbm4b:s4+s19], $0x80, s25, s19, $0xb8;
	[tilespmem:$0x1E800] =	vst v63  }
0x104: {  	s26 =	sadd.s32 $0x80, s25  }
0x105: {  	[tilespmem:s21], [sflag:$0x2] =	stream.indirect.gather [hbm4b:s4+s19], $0x80, s26, s19, $0xb8;
	[tilespmem:$0x1E800] =	vst v63  }
0x106: {  	_ =	swait.ge [sflag:s22], $0x4000  }
0x107: {  	[sflag:s22] =	ssyncset.done $0x0  }
0x108: {  	s31 =	sadd.s32 $0x1400, s25;
	[sflag:s22] =	ssyncadd.s32 $0xFFFFC000  }
0x109: {  	[spmem:s2] =	stream.indirect.scatter.add.f32 [tilespmem:s20], [sflag:$0x3], $0x80, s31, s19, $0xb8;
	[tilespmem:$0x1E800] =	vst v63  }
0x10a: {  	_ =	swait.ge [sflag:s17], $0x4000  }
0x10b: {  	[sflag:s17] =	ssyncset.done $0x0  }
0x10c: {  	[sflag:s17] =	ssyncadd.s32 $0xFFFFC000  }
0x10d: {  	_ =	swait.ge [sflag:s23], $0x4000  }
0x10e: {  	[sflag:s23] =	ssyncset.done $0x0  }
.Ltmp8:
0x10f: {  	s25 =	sadd.s32 $0x1480, s25;
	[sflag:s23] =	ssyncadd.s32 $0xFFFFC000;
	(pc) =	sbr.rel .LBB2_12-.Ltmp8, $4  }
0x110: {  	[spmem:s2] =	stream.indirect.scatter.add.f32 [tilespmem:s21], [sflag:$0x3], $0x80, s25, s19, $0xb8;
	[tilespmem:$0x1E800] =	vst v63  }
0x111: {  	_ =	swait.ge [sflag:s17], $0x4000  }
0x112: {  	[sflag:s17] =	ssyncset.done $0x0  }
0x113: {  	[sflag:s17] =	ssyncadd.s32 $0xFFFFC000  }
.LBB2_13:
0x114: {  	_ =	sfence.sel $0x180000  }
0x115: {  	[bflag:$0x0] =	sbarrier.arrive $0xFFFF  }
0x116: {  	p0 =	sne.s32 s1, $0x0;
	_ =	strace $0x9000004D  }
0x117: {  	s0 =	sadd.s32 @!p0 $0x100000, s0;
	[bflag:$0x2] =	sbarrier.arrive $0xFFFF  }
0x118: {  	[sflag:s0] =	ssyncadd.tile.s32 @!p0 $0x1;
	_ =	shalt  }
.Lfunc_end2:
_tile_overlayer_lowered:
.L_overlay_start_2:
0x119: {  	(tag) =	ssettag $0x2  }
0x11a: {  	s0 =	rddreg [dreg:$0x0];
	s2 =	stileid.u32  }
0x11b: {  	s1 =	rddreg [dreg:$0x1];
	p0 =	sne.s32 s2, $0x0  }
0x11c: {  	s3 =	rddreg [dreg:$0x2];
	[bflag:$0x3] =	sbarrier.arrive $0xFFFF;
	s2 =	simm.s32 @!p0 $0x1C03  }
0x11d: {  	[timem:s3], [sflag:s2] =	dma.local @!p0 [hbm:s0], s1  }
0x11e: {  	s0 =	simm.s32 @!p0 $0x3  }
0x11f: {  	_ =	swait.ge @!p0 [sflag:s0], s1  }
0x120: {  	s1 =	ssub.s32 @!p0 $0x0, s1;
	[sflag:s0] =	ssyncset.done @!p0 $0x0  }
0x121: {  	[sflag:s0] =	ssyncadd.s32 @!p0 s1  }
0x122: {  	[bflag:$0x3] =	sbarrier.arrive $0xFFFF  }
0x123: {  	_ =	shalt  }

// kernel: kernel.19.cloned.1.call-start
scs
__scs_entry_jumppad:
0x0: {  	(pc) =	sbr.rel $0x88, $3  }
0x1: {  	(tag) =	ssettag $0x0;
	lr =	simm.s32 $0x1  }
0x2: {  	[smem:$0x3F95] =	sst lr;
	_ =	strace $0xD0000000  }
0x3: {  	_ = 	snop  }
0x4: {  	_ = 	snop  }
0x5: {  	_ = 	snop  }
0x6: {  	_ = 	snop  }
0x7: {  	_ = 	snop  }
__scs_overlays_trampoline_lowered:
0x8: {  	[smem:$0x3FA4] =	sst s0  }
0x9: {  	[smem:$0x3FA5] =	sst s1  }
0xa: {  	[smem:$0x3FA6] =	sst s2  }
0xb: {  	[smem:$0x3FA7] =	sst s3  }
0xc: {  	[smem:$0x3FA8] =	sst s4  }
0xd: {  	[smem:$0x3FA9] =	sst s5  }
0xe: {  	[smem:$0x3FAA] =	sst s6  }
0xf: {  	[smem:$0x3FAB] =	sst s7  }
0x10: {  	[smem:$0x3FAC] =	sst s8  }
0x11: {  	[smem:$0x3FAD] =	sst s9;
	s0 =	simm.s32 @!p0 $0x0  }
0x12: {  	s1 =	sld [smem:$0x3F93];
	s0 =	simm.s32 @p0 $0x1  }
0x13: {  	[smem:$0x3FAE] =	sst s0;
	s0 =	simm.s32 @!p1 $0x0  }
0x14: {  	s2 =	sld [smem:$0x3F92];
	s0 =	simm.s32 @p1 $0x1  }
0x15: {  	[smem:$0x3FAF] =	sst s0;
	s0 =	simm.s32 @!p2 $0x0  }
0x16: {  	s3 =	sld [smem:$0x3FDB];
	s0 =	simm.s32 @p2 $0x1  }
0x17: {  	s4 =	simm.s32 $0x1BF5;
	[smem:$0x3FB1] =	sst s0  }
0x18: {  	s0 =	sld [smem:$0x3F94];
	_ =	swait.ge [sflag:s4], $0x0  }
0x19: {  	s7 =	sld [smem:$0x3F95]  }
0x1a: {  	s8 =	sadd.s32 $0xFFFFE003, lr  }
0x1b: {  	s9 =	sadd.s32 $0xFFFFFEF7, lr;
	s5 =	simm.s32 $0xFFFFFFFF;
	p2 =	slt.u32 s8, $0xFFFFF086  }
0x1c: {  	p1 =	slt.u32 s9, $0xF7A;
	s5 =	simm.s32 @!p2 $0x0  }
0x1d: {  	s5 =	simm.s32 @p1 $0x1;
	p0 =	seq.s32 s7, s2  }
0x1e: {  	s7 =	smul.u32 @!p0 $0xF7A, s2;
	p2 =	seq.s32 @!p0 s5, $0x0  }
0x1f: {  	s9 =	smul.u32 $0xF7A, s1;
	s8 =	simm.s32 @!p0 $0x1BF5;
	p2 =	por !p2, p0  }
0x20: {  	[sflag:s8] =	ssyncset.s32 @!p0 $0xFFFFF086;
	s6 =	sadd.s32 @!p0 s3, s7;
	s7 =	simm.s32 @!p0 $0x108  }
0x21: {  	s3 =	sadd.s32 s3, s9;
	s6 =	sadd.s32 @!p0 $0x88, s6;
	s7 =	simm.s32 @p2 $0x1082  }
0x22: {  	[simem:s7], [sflag:s8] =	dma.local @!p0 [hbm:s6], $0xF7A  }
0x23: {  	s9 =	sor.u32 $0xD0000000, s2;
	s6 =	simm.s32 $0x108;
	_ =	swait.ge @!p0 [sflag:s8], $0x0  }
0x24: {  	s3 =	sadd.s32 $0x88, s3;
	s6 =	simm.s32 @!p1 $0x1082;
	[sflag:s4] =	ssyncset.s32 $0xFFFFF086  }
0x25: {  	[simem:s6], [sflag:s4] =	dma.local [hbm:s3], $0xF7A  }
0x26: {  	[smem:$0x3F95] =	sst s1;
	(tag) =	ssettag s2;
	_ =	strace s9  }
0x27: {  	s1 =	sld [smem:$0x3FA5]  }
0x28: {  	s2 =	sld [smem:$0x3FA6]  }
0x29: {  	s4 =	sld [smem:$0x3FA8]  }
0x2a: {  	p0 =	seq.s32 s5, $0x0;
	s5 =	sld [smem:$0x3FA9]  }
0x2b: {  	s6 =	sld [smem:$0x3FAA]  }
0x2c: {  	s7 =	sld [smem:$0x3FAB]  }
0x2d: {  	s3 =	simm.s32 $0x108;
	s8 =	sld [smem:$0x3FAC]  }
0x2e: {  	s3 =	simm.s32 @!p0 $0x1082;
	s9 =	sld [smem:$0x3FAD]  }
0x2f: {  	lr =	sadd.s32 s0, s3;
	s0 =	sld [smem:$0x3FA4]  }
0x30: {  	s3 =	sld [smem:$0x3FA7]  }
0x31: {  	[smem:$0x3FB0] =	sst s10  }
0x32: {  	s10 =	sld [smem:$0x3FAE];
	_ =	sdelay $0x3  }
0x33: {  	p0 =	seq.s32 s10, $0x1;
	s10 =	sld [smem:$0x3FB0];
	_ =	sdelay $0x3  }
0x34: {  	[smem:$0x3FB0] =	sst s10  }
0x35: {  	s10 =	sld [smem:$0x3FAF];
	_ =	sdelay $0x3  }
0x36: {  	p1 =	seq.s32 s10, $0x1;
	s10 =	sld [smem:$0x3FB0];
	_ =	sdelay $0x3  }
0x37: {  	[smem:$0x3FB0] =	sst s10  }
0x38: {  	s10 =	sld [smem:$0x3FB1]  }
0x39: {  	_ = 	snop;
	(pc) =	sbr.ind lr, $3  }
0x3a: {  	_ = 	snop  }
0x3b: {  	_ = 	snop  }
0x3c: {  	p2 =	seq.s32 s10, $0x1;
	s10 =	sld [smem:$0x3FB0]  }
0x3d: {  	_ =	shalt  }
0x3e: {  	_ =	shalt  }
0x3f: {  	_ =	shalt  }
0x40: {  	_ =	shalt  }
0x41: {  	_ =	shalt  }
0x42: {  	_ =	shalt  }
0x43: {  	_ =	shalt  }
0x44: {  	_ =	shalt  }
0x45: {  	_ =	shalt  }
0x46: {  	_ =	shalt  }
0x47: {  	_ =	shalt  }
0x48: {  	_ =	shalt  }
0x49: {  	_ =	shalt  }
0x4a: {  	_ =	shalt  }
0x4b: {  	_ =	shalt  }
0x4c: {  	_ =	shalt  }
0x4d: {  	_ =	shalt  }
0x4e: {  	_ =	shalt  }
0x4f: {  	_ =	shalt  }
0x50: {  	_ =	shalt  }
0x51: {  	_ =	shalt  }
0x52: {  	_ =	shalt  }
0x53: {  	_ =	shalt  }
0x54: {  	_ =	shalt  }
0x55: {  	_ =	shalt  }
0x56: {  	_ =	shalt  }
0x57: {  	_ =	shalt  }
0x58: {  	_ =	shalt  }
0x59: {  	_ =	shalt  }
0x5a: {  	_ =	shalt  }
0x5b: {  	_ =	shalt  }
0x5c: {  	_ =	shalt  }
0x5d: {  	_ =	shalt  }
0x5e: {  	_ =	shalt  }
0x5f: {  	_ =	shalt  }
0x60: {  	_ =	shalt  }
0x61: {  	_ =	shalt  }
0x62: {  	_ =	shalt  }
0x63: {  	_ =	shalt  }
0x64: {  	_ =	shalt  }
0x65: {  	_ =	shalt  }
0x66: {  	_ =	shalt  }
0x67: {  	_ =	shalt  }
0x68: {  	_ =	shalt  }
0x69: {  	_ =	shalt  }
0x6a: {  	_ =	shalt  }
0x6b: {  	_ =	shalt  }
0x6c: {  	_ =	shalt  }
0x6d: {  	_ =	shalt  }
0x6e: {  	_ =	shalt  }
0x6f: {  	_ =	shalt  }
0x70: {  	_ =	shalt  }
0x71: {  	_ =	shalt  }
0x72: {  	_ =	shalt  }
0x73: {  	_ =	shalt  }
0x74: {  	_ =	shalt  }
0x75: {  	_ =	shalt  }
0x76: {  	_ =	shalt  }
0x77: {  	_ =	shalt  }
0x78: {  	_ =	shalt  }
0x79: {  	_ =	shalt  }
0x7a: {  	_ =	shalt  }
0x7b: {  	_ =	shalt  }
0x7c: {  	_ =	shalt  }
0x7d: {  	_ =	shalt  }
0x7e: {  	_ =	shalt  }
0x7f: {  	_ =	shalt  }
0x80: {  	_ =	shalt  }
0x81: {  	_ =	shalt  }
0x82: {  	_ =	shalt  }
0x83: {  	_ =	shalt  }
0x84: {  	_ =	shalt  }
0x85: {  	_ =	shalt  }
0x86: {  	_ =	shalt  }
0x87: {  	_ =	shalt  }
.Lfunc_end0:
.L_simem_size_0:
called_computation.3_lowered:
.L_overlay_start_0:
0x88: {  	s2 =	sld [smem:$0x3FD9]  }
0x89: {  	s3 =	sld [smem:$0x3FFE];
	_ =	sdelay $0x1  }
0x8a: {  	s1 =	srdreg.scid  }
0x8b: {  	s0 =	sand.u32 $0x1, s1  }
0x8c: {  	s17 =	sshll.u32 s0, $0xA;
	s2 =	sadd.s32 s3, s2  }
0x8d: {  	s2 =	sadd.s32 s2, s17  }
0x8e: {  	[smem:$0x3FBC] =	sst s2  }
0x8f: {  	_ = 	snop  }
0x90: {  	s2 =	sld [smem:$0x3FC7]  }
0x91: {  	s18 =	sld [smem:$0x3FC6];
	(tm) =	ssettm $0x1  }
0x92: {  	s4 =	sld [smem:$0x3FFB];
	_ =	sdelay $0x3  }
0x93: {  	_ =	strace s4  }
0x94: {  	s4 =	sld [smem:$0x3FFC];
	_ =	sdelay $0x3  }
0x95: {  	_ =	strace s4  }
0x96: {  	s4 =	sld [smem:$0x3FFD];
	_ =	sdelay $0x3  }
0x97: {  	_ =	strace s4  }
0x98: {  	_ =	strace $0x8FFFFFFF  }
0x99: {  	s19 =	sld [smem:$0x3FDB];
	_ =	sdelay $0x1  }
0x9a: {  	s5 =	simm.s32 $_scs_section_size  }
0x9b: {  	s6 =	simm.s32 $_size__tile_overlayer_lowered;
	s7 =	simm.s32 $_tile_overlayer_lowered  }
0x9c: {  	s22 =	simm.s32 $0x1BFF;
	s21 =	sshll.u32 s7, $0x1;
	s4 =	sadd.s32 s5, s19  }
0x9d: {  	s8 =	simm.s32 $0x0;
	s20 =	sshll.u32 s6, $0x1;
	s6 =	sadd.s32 s21, s4  }
0x9e: {  	[timem:s8], [sflag:s22] =	dma.local [hbm:s6], s20  }
0x9f: {  	_ =	swait.ge [sflag:s22], s20  }
0xa0: {  	s5 =	ssub.s32 $0x0, s20;
	[sflag:s22] =	ssyncset.done $0x0  }
0xa1: {  	[sflag:s22] =	ssyncadd.s32 s5;
	_ =	sdelay $0x1  }
0xa2: {  	s23 =	simm.s32 $0x1B8B  }
0xa3: {  	_ =	swait.ge [sflag:s23], $0x1  }
0xa4: {  	[sflag:s23] =	ssyncset.done $0x0  }
0xa5: {  	s25 =	simm.s32 $0x1B8E;
	s24 =	sld [smem:$0x3FFE];
	[sflag:s23] =	ssyncadd.s32 $0xFFFFFFFF  }
0xa6: {  	s26 =	simm.s32 $execute0_lowered;
	[smem:$0x3FD2] =	sst s25  }
0xa7: {  	s6 =	sshll.u32 s26, $0x1;
	_ =	strace $0x8000004F;
	[dreg:$0x1] =	wrdreg $0xFFFFFFFF  }
0xa8: {  	s28 =	simm.s32 $_size_execute0_lowered;
	s4 =	sadd.s32 s4, s6;
	[dreg:$0x0] =	wrdreg $0x0  }
0xa9: {  	s6 =	sshll.u32 s28, $0x1;
	[dreg:$0x2] =	wrdreg s4  }
0xaa: {  	[dreg:$0x3] =	wrdreg s6  }
0xab: {  	[dreg:$0x4] =	wrdreg $0xC0  }
0xac: {  	_ =	task [dreg:s8], $0x5FFFF  }
0xad: {  	[dreg:$0x1] =	wrdreg $0xFFFFFFFF  }
0xae: {  	[dreg:$0x0] =	wrdreg $0x60  }
0xaf: {  	[dreg:$0x2] =	wrdreg s24  }
0xb0: {  	[dreg:$0x3] =	wrdreg s2  }
0xb1: {  	[dreg:$0x4] =	wrdreg s18  }
0xb2: {  	[dreg:$0x5] =	wrdreg $0x9  }
0xb3: {  	_ =	task.clear_ibuf [dreg:s8], $0x6FFFF;
	_ =	strace $0x9000004F  }
0xb4: {  	s29 =	simm.s32 $0x9;
	_ =	strace $0x80000051  }
0xb5: {  	_ =	swait.ge [sflag:s29], $0x1  }
0xb6: {  	[sflag:s29] =	ssyncadd.s32 $0xFFFFFFFF  }
0xb7: {  	_ =	strace $0x90000051  }
0xb8: {  	_ =	sfence  }
0xb9: {  	s30 =	sld [smem:$0x0];
	_ =	sdelay $0x2  }
0xba: {  	s31 =	sshll.u32 s1, $0xD;
	s1 =	sshrl.u32 s1, $0x2  }
0xbb: {  	s3 =	sand.u32 $0x4000, s31;
	s1 =	sadd.s32 s1, s30  }
0xbc: {  	s0 =	sor.u32 s3, s0;
	s1 =	sshll.u32 s1, $0x11  }
0xbd: {  	s0 =	sor.u32 s1, s0  }
0xbe: {  	s0 =	sadd.s32 $0x8F2B, s0  }
0xbf: {  	[sflag:s0] =	ssyncadd.remote.s32 $0x1  }
0xc0: {  	_ =	sfence.sel $0xFFFF  }
0xc1: {  	[dreg:$0x0] =	wrdreg $0xFFFFFFFF;
	(pc) =	sbr.abs _section_cstart, $3  }
0xc2: {  	[dreg:$0x1] =	wrdreg $0xFFFFFFFF  }
0xc3: {  	_ =	task.clear_ibuf [dreg:s8], $0x2FFFF;
	_ =	strace $0x9FFFFFFF  }
0xc4: {  	(tm) =	ssettm $0x7FFFFFFF  }
0xc5: {  	_ =	shalt  }
tec
execute0_lowered:
.L_overlay_start_1:
0x0: {  	(tag) =	ssettag $0x1  }
0x1: {  	s16 =	rddreg [dreg:$0x0];
	s1 =	srdreg.scid  }
0x2: {  	s13 =	rddreg [dreg:$0x1];
	s0 =	stileid.u32;
	s22 =	sand.u32 $0x1, s1  }
0x3: {  	s21 =	rddreg [dreg:$0x2];
	s3 =	sshll.u32 s0, $0xA;
	s4 =	sshll.u32 s22, $0x9  }
0x4: {  	s2 =	simm.s32 $0x0;
	s1 =	rddreg [dreg:$0x3];
	s14 =	sor.u32 s4, s3  }
0x5: {  	[smem:$0x7FF] =	sst s2;
	s15 =	sshrl.u32 s14, $0x3  }
0x6: {  	_ =	strace $0x80000050;
	s3 =	simm.s32 $0x2;
	s4 =	sadd.s32 s13, s15  }
0x7: {  	[tilespmem:s2], [sflag:$0x2] =	stream.linear.gather [hbm4b:s4+s2], $0x80, $0x38;
	[tilespmem:$0x4080] =	vst v63  }
0x8: {  	_ =	swait.ge [sflag:s3], $0x80  }
0x9: {  	s6 =	simm.s32 $0x80;
	[sflag:s3] =	ssyncset.done $0x0  }
0xa: {  	s7 =	simm.s32 $0x1;
	s5 =	sadd.s32 $0x3000, s16;
	[sflag:s3] =	ssyncadd.s32 $0xFFFFFF80  }
0xb: {  	[tilespmem:s6], [sflag:$0x1] =	stream.indirect.gather [hbm4b:s5+s6], $0x80, s2, s6, $0xb8;
	[tilespmem:$0x4080] =	vst v63  }
0xc: {  	_ =	swait.ge [sflag:s7], $0x4000  }
0xd: {  	s23 =	sadd.s32 $0x2B000, s16;
	s17 =	sshll.u32 s14, $0x4;
	[sflag:s7] =	ssyncset.done $0x0  }
0xe: {  	s8 =	sadd.s32 s23, s17;
	[sflag:s7] =	ssyncadd.s32 $0xFFFFC000  }
0xf: {  	[hbm4b:s8+s2] =	stream.linear.scatter [tilespmem:s6], [sflag:$0x2], $0x4000, $0x38;
	[tilespmem:$0x4080] =	vst v63  }
0x10: {  	s10 =	sor.u32 $0x80, s14;
	_ =	swait.ge [sflag:s3], $0x4000  }
0x11: {  	s18 =	sshrl.u32 s10, $0x3;
	[sflag:s3] =	ssyncset.done $0x0  }
0x12: {  	s9 =	sadd.s32 s13, s18;
	[sflag:s3] =	ssyncadd.s32 $0xFFFFC000  }
0x13: {  	[tilespmem:s2], [sflag:$0x2] =	stream.linear.gather [hbm4b:s9+s2], $0x80, $0x38;
	[tilespmem:$0x4080] =	vst v63  }
0x14: {  	_ =	swait.ge [sflag:s3], $0x80  }
0x15: {  	[sflag:s3] =	ssyncset.done $0x0  }
0x16: {  	[sflag:s3] =	ssyncadd.s32 $0xFFFFFF80  }
0x17: {  	[tilespmem:s6], [sflag:$0x1] =	stream.indirect.gather [hbm4b:s5+s6], $0x80, s2, s6, $0xb8;
	[tilespmem:$0x4080] =	vst v63  }
0x18: {  	_ =	swait.ge [sflag:s7], $0x4000  }
0x19: {  	s19 =	sshll.u32 s10, $0x4;
	[sflag:s7] =	ssyncset.done $0x0  }
0x1a: {  	s10 =	sadd.s32 s23, s19;
	[sflag:s7] =	ssyncadd.s32 $0xFFFFC000  }
0x1b: {  	[hbm4b:s10+s2] =	stream.linear.scatter [tilespmem:s6], [sflag:$0x2], $0x4000, $0x38;
	[tilespmem:$0x4080] =	vst v63  }
0x1c: {  	s12 =	sor.u32 $0x100, s14;
	_ =	swait.ge [sflag:s3], $0x4000  }
0x1d: {  	s20 =	sshrl.u32 s12, $0x3;
	[sflag:s3] =	ssyncset.done $0x0  }
0x1e: {  	s11 =	sadd.s32 s13, s20;
	[sflag:s3] =	ssyncadd.s32 $0xFFFFC000  }
0x1f: {  	[tilespmem:s2], [sflag:$0x2] =	stream.linear.gather [hbm4b:s11+s2], $0x80, $0x38;
	[tilespmem:$0x4080] =	vst v63  }
0x20: {  	_ =	swait.ge [sflag:s3], $0x80  }
0x21: {  	[sflag:s3] =	ssyncset.done $0x0  }
0x22: {  	[sflag:s3] =	ssyncadd.s32 $0xFFFFFF80  }
0x23: {  	[tilespmem:s6], [sflag:$0x1] =	stream.indirect.gather [hbm4b:s5+s6], $0x80, s2, s6, $0xb8;
	[tilespmem:$0x4080] =	vst v63  }
0x24: {  	_ =	swait.ge [sflag:s7], $0x4000  }
0x25: {  	s24 =	sshll.u32 s12, $0x4;
	[sflag:s7] =	ssyncset.done $0x0  }
0x26: {  	s12 =	sadd.s32 s23, s24;
	[sflag:s7] =	ssyncadd.s32 $0xFFFFC000  }
0x27: {  	[hbm4b:s12+s2] =	stream.linear.scatter [tilespmem:s6], [sflag:$0x2], $0x4000, $0x38;
	[tilespmem:$0x4080] =	vst v63  }
0x28: {  	s14 =	sor.u32 $0x180, s14;
	_ =	swait.ge [sflag:s3], $0x4000  }
0x29: {  	s25 =	sshrl.u32 s14, $0x3;
	[sflag:s3] =	ssyncset.done $0x0  }
0x2a: {  	s13 =	sadd.s32 s13, s25;
	[sflag:s3] =	ssyncadd.s32 $0xFFFFC000  }
0x2b: {  	[tilespmem:s2], [sflag:$0x2] =	stream.linear.gather [hbm4b:s13+s2], $0x80, $0x38;
	[tilespmem:$0x4080] =	vst v63  }
0x2c: {  	_ =	swait.ge [sflag:s3], $0x80  }
0x2d: {  	[sflag:s3] =	ssyncset.done $0x0  }
0x2e: {  	[sflag:s3] =	ssyncadd.s32 $0xFFFFFF80  }
0x2f: {  	[tilespmem:s6], [sflag:$0x1] =	stream.indirect.gather [hbm4b:s5+s6], $0x80, s2, s6, $0xb8;
	[tilespmem:$0x4080] =	vst v63  }
0x30: {  	_ =	swait.ge [sflag:s7], $0x4000  }
0x31: {  	s26 =	sshll.u32 s14, $0x4;
	[sflag:s7] =	ssyncset.done $0x0  }
0x32: {  	s14 =	sadd.s32 s23, s26;
	[sflag:s7] =	ssyncadd.s32 $0xFFFFC000  }
0x33: {  	[hbm4b:s14+s2] =	stream.linear.scatter [tilespmem:s6], [sflag:$0x2], $0x4000, $0x38;
	[tilespmem:$0x4080] =	vst v63  }
0x34: {  	_ =	swait.ge [sflag:s3], $0x4000  }
0x35: {  	[sflag:s3] =	ssyncset.done $0x0  }
0x36: {  	s15 =	sadd.s32 s21, s15;
	[sflag:s3] =	ssyncadd.s32 $0xFFFFC000  }
0x37: {  	[tilespmem:s2], [sflag:$0x2] =	stream.linear.gather [hbm4b:s15+s2], $0x80, $0x38;
	[tilespmem:$0x4080] =	vst v63  }
0x38: {  	_ =	swait.ge [sflag:s3], $0x80  }
0x39: {  	[sflag:s3] =	ssyncset.done $0x0  }
0x3a: {  	[sflag:s3] =	ssyncadd.s32 $0xFFFFFF80  }
0x3b: {  	[tilespmem:s6], [sflag:$0x1] =	stream.indirect.gather [hbm4b:s5+s6], $0x80, s2, s6, $0xb8;
	[tilespmem:$0x4080] =	vst v63  }
0x3c: {  	_ =	swait.ge [sflag:s7], $0x4000  }
0x3d: {  	s29 =	sadd.s32 $0x6B000, s16;
	[sflag:s7] =	ssyncset.done $0x0  }
0x3e: {  	s16 =	sadd.s32 s29, s17;
	[sflag:s7] =	ssyncadd.s32 $0xFFFFC000  }
0x3f: {  	[hbm4b:s16+s2] =	stream.linear.scatter [tilespmem:s6], [sflag:$0x2], $0x4000, $0x38;
	[tilespmem:$0x4080] =	vst v63  }
0x40: {  	_ =	swait.ge [sflag:s3], $0x4000  }
0x41: {  	[sflag:s3] =	ssyncset.done $0x0  }
0x42: {  	s17 =	sadd.s32 s21, s18;
	[sflag:s3] =	ssyncadd.s32 $0xFFFFC000  }
0x43: {  	[tilespmem:s2], [sflag:$0x2] =	stream.linear.gather [hbm4b:s17+s2], $0x80, $0x38;
	[tilespmem:$0x4080] =	vst v63  }
0x44: {  	_ =	swait.ge [sflag:s3], $0x80  }
0x45: {  	[sflag:s3] =	ssyncset.done $0x0  }
0x46: {  	[sflag:s3] =	ssyncadd.s32 $0xFFFFFF80  }
0x47: {  	[tilespmem:s6], [sflag:$0x1] =	stream.indirect.gather [hbm4b:s5+s6], $0x80, s2, s6, $0xb8;
	[tilespmem:$0x4080] =	vst v63  }
0x48: {  	_ =	swait.ge [sflag:s7], $0x4000  }
0x49: {  	[sflag:s7] =	ssyncset.done $0x0  }
0x4a: {  	s18 =	sadd.s32 s29, s19;
	[sflag:s7] =	ssyncadd.s32 $0xFFFFC000  }
0x4b: {  	[hbm4b:s18+s2] =	stream.linear.scatter [tilespmem:s6], [sflag:$0x2], $0x4000, $0x38;
	[tilespmem:$0x4080] =	vst v63  }
0x4c: {  	_ =	swait.ge [sflag:s3], $0x4000  }
0x4d: {  	[sflag:s3] =	ssyncset.done $0x0  }
0x4e: {  	s19 =	sadd.s32 s21, s20;
	[sflag:s3] =	ssyncadd.s32 $0xFFFFC000  }
0x4f: {  	[tilespmem:s2], [sflag:$0x2] =	stream.linear.gather [hbm4b:s19+s2], $0x80, $0x38;
	[tilespmem:$0x4080] =	vst v63  }
0x50: {  	_ =	swait.ge [sflag:s3], $0x80  }
0x51: {  	[sflag:s3] =	ssyncset.done $0x0  }
0x52: {  	[sflag:s3] =	ssyncadd.s32 $0xFFFFFF80  }
0x53: {  	[tilespmem:s6], [sflag:$0x1] =	stream.indirect.gather [hbm4b:s5+s6], $0x80, s2, s6, $0xb8;
	[tilespmem:$0x4080] =	vst v63  }
0x54: {  	_ =	swait.ge [sflag:s7], $0x4000  }
0x55: {  	[sflag:s7] =	ssyncset.done $0x0  }
0x56: {  	s20 =	sadd.s32 s29, s24;
	[sflag:s7] =	ssyncadd.s32 $0xFFFFC000  }
0x57: {  	[hbm4b:s20+s2] =	stream.linear.scatter [tilespmem:s6], [sflag:$0x2], $0x4000, $0x38;
	[tilespmem:$0x4080] =	vst v63  }
0x58: {  	_ =	swait.ge [sflag:s3], $0x4000  }
0x59: {  	[sflag:s3] =	ssyncset.done $0x0  }
0x5a: {  	s22 =	ssub.s32 $0x2, s22;
	s21 =	sadd.s32 s21, s25;
	[sflag:s3] =	ssyncadd.s32 $0xFFFFC000  }
0x5b: {  	[tilespmem:s2], [sflag:$0x2] =	stream.linear.gather [hbm4b:s21+s2], $0x80, $0x38;
	[tilespmem:$0x4080] =	vst v63  }
0x5c: {  	s30 =	sshrl.u32 s22, $0x1;
	_ =	swait.ge [sflag:s3], $0x80  }
0x5d: {  	s24 =	ssub.s32 s22, s30;
	[sflag:s3] =	ssyncset.done $0x0  }
0x5e: {  	s31 =	smax.u32 s24, $0x1;
	[sflag:s3] =	ssyncadd.s32 $0xFFFFFF80  }
0x5f: {  	[tilespmem:s6], [sflag:$0x1] =	stream.indirect.gather [hbm4b:s5+s6], $0x80, s2, s6, $0xb8;
	[tilespmem:$0x4080] =	vst v63  }
0x60: {  	p0 =	sne.s32 s31, $0x1;
	_ =	swait.ge [sflag:s7], $0x4000  }
.Ltmp0:
0x61: {  	[sflag:s7] =	ssyncset.done $0x0;
	(pc) =	sbr.rel @!p0 .LBB2_2-.Ltmp0, $4  }
0x62: {  	s22 =	sadd.s32 s29, s26;
	[sflag:s7] =	ssyncadd.s32 $0xFFFFC000  }
0x63: {  	[hbm4b:s22+s2] =	stream.linear.scatter [tilespmem:s6], [sflag:$0x2], $0x4000, $0x38;
	[tilespmem:$0x4080] =	vst v63  }
0x64: {  	_ =	swait.ge [sflag:s3], $0x4000  }
0x65: {  	s23 =	sadd.s32 $0xFFFFFFFF, s31;
	[sflag:s3] =	ssyncset.done $0x0  }
.LBB2_1:
0x66: {  	p0 =	sne.s32 s23, $0x1;
	s23 =	sadd.s32 $0xFFFFFFFF, s23;
	[sflag:s3] =	ssyncadd.s32 $0xFFFFC000  }
0x67: {  	[tilespmem:s2], [sflag:$0x2] =	stream.linear.gather [hbm4b:s4+s2], $0x80, $0x38;
	[tilespmem:$0x4080] =	vst v63  }
0x68: {  	_ =	swait.ge [sflag:s3], $0x80  }
0x69: {  	[sflag:s3] =	ssyncset.done $0x0  }
0x6a: {  	[sflag:s3] =	ssyncadd.s32 $0xFFFFFF80  }
0x6b: {  	[tilespmem:s6], [sflag:$0x1] =	stream.indirect.gather [hbm4b:s5+s6], $0x80, s2, s6, $0xb8;
	[tilespmem:$0x4080] =	vst v63  }
0x6c: {  	_ =	swait.ge [sflag:s7], $0x4000  }
0x6d: {  	[sflag:s7] =	ssyncset.done $0x0  }
0x6e: {  	[sflag:s7] =	ssyncadd.s32 $0xFFFFC000  }
0x6f: {  	[hbm4b:s8+s2] =	stream.linear.scatter [tilespmem:s6], [sflag:$0x2], $0x4000, $0x38;
	[tilespmem:$0x4080] =	vst v63  }
0x70: {  	_ =	swait.ge [sflag:s3], $0x4000  }
0x71: {  	[sflag:s3] =	ssyncset.done $0x0  }
0x72: {  	[sflag:s3] =	ssyncadd.s32 $0xFFFFC000  }
0x73: {  	[tilespmem:s2], [sflag:$0x2] =	stream.linear.gather [hbm4b:s9+s2], $0x80, $0x38;
	[tilespmem:$0x4080] =	vst v63  }
0x74: {  	_ =	swait.ge [sflag:s3], $0x80  }
0x75: {  	[sflag:s3] =	ssyncset.done $0x0  }
0x76: {  	[sflag:s3] =	ssyncadd.s32 $0xFFFFFF80  }
0x77: {  	[tilespmem:s6], [sflag:$0x1] =	stream.indirect.gather [hbm4b:s5+s6], $0x80, s2, s6, $0xb8;
	[tilespmem:$0x4080] =	vst v63  }
0x78: {  	_ =	swait.ge [sflag:s7], $0x4000  }
0x79: {  	[sflag:s7] =	ssyncset.done $0x0  }
0x7a: {  	[sflag:s7] =	ssyncadd.s32 $0xFFFFC000  }
0x7b: {  	[hbm4b:s10+s2] =	stream.linear.scatter [tilespmem:s6], [sflag:$0x2], $0x4000, $0x38;
	[tilespmem:$0x4080] =	vst v63  }
0x7c: {  	_ =	swait.ge [sflag:s3], $0x4000  }
0x7d: {  	[sflag:s3] =	ssyncset.done $0x0  }
0x7e: {  	[sflag:s3] =	ssyncadd.s32 $0xFFFFC000  }
0x7f: {  	[tilespmem:s2], [sflag:$0x2] =	stream.linear.gather [hbm4b:s11+s2], $0x80, $0x38;
	[tilespmem:$0x4080] =	vst v63  }
0x80: {  	_ =	swait.ge [sflag:s3], $0x80  }
0x81: {  	[sflag:s3] =	ssyncset.done $0x0  }
0x82: {  	[sflag:s3] =	ssyncadd.s32 $0xFFFFFF80  }
0x83: {  	[tilespmem:s6], [sflag:$0x1] =	stream.indirect.gather [hbm4b:s5+s6], $0x80, s2, s6, $0xb8;
	[tilespmem:$0x4080] =	vst v63  }
0x84: {  	_ =	swait.ge [sflag:s7], $0x4000  }
0x85: {  	[sflag:s7] =	ssyncset.done $0x0  }
0x86: {  	[sflag:s7] =	ssyncadd.s32 $0xFFFFC000  }
0x87: {  	[hbm4b:s12+s2] =	stream.linear.scatter [tilespmem:s6], [sflag:$0x2], $0x4000, $0x38;
	[tilespmem:$0x4080] =	vst v63  }
0x88: {  	_ =	swait.ge [sflag:s3], $0x4000  }
0x89: {  	[sflag:s3] =	ssyncset.done $0x0  }
0x8a: {  	[sflag:s3] =	ssyncadd.s32 $0xFFFFC000  }
0x8b: {  	[tilespmem:s2], [sflag:$0x2] =	stream.linear.gather [hbm4b:s13+s2], $0x80, $0x38;
	[tilespmem:$0x4080] =	vst v63  }
0x8c: {  	_ =	swait.ge [sflag:s3], $0x80  }
0x8d: {  	[sflag:s3] =	ssyncset.done $0x0  }
0x8e: {  	[sflag:s3] =	ssyncadd.s32 $0xFFFFFF80  }
0x8f: {  	[tilespmem:s6], [sflag:$0x1] =	stream.indirect.gather [hbm4b:s5+s6], $0x80, s2, s6, $0xb8;
	[tilespmem:$0x4080] =	vst v63  }
0x90: {  	_ =	swait.ge [sflag:s7], $0x4000  }
0x91: {  	[sflag:s7] =	ssyncset.done $0x0  }
0x92: {  	[sflag:s7] =	ssyncadd.s32 $0xFFFFC000  }
0x93: {  	[hbm4b:s14+s2] =	stream.linear.scatter [tilespmem:s6], [sflag:$0x2], $0x4000, $0x38;
	[tilespmem:$0x4080] =	vst v63  }
0x94: {  	_ =	swait.ge [sflag:s3], $0x4000  }
0x95: {  	[sflag:s3] =	ssyncset.done $0x0  }
0x96: {  	[sflag:s3] =	ssyncadd.s32 $0xFFFFC000  }
0x97: {  	[tilespmem:s2], [sflag:$0x2] =	stream.linear.gather [hbm4b:s15+s2], $0x80, $0x38;
	[tilespmem:$0x4080] =	vst v63  }
0x98: {  	_ =	swait.ge [sflag:s3], $0x80  }
0x99: {  	[sflag:s3] =	ssyncset.done $0x0  }
0x9a: {  	[sflag:s3] =	ssyncadd.s32 $0xFFFFFF80  }
0x9b: {  	[tilespmem:s6], [sflag:$0x1] =	stream.indirect.gather [hbm4b:s5+s6], $0x80, s2, s6, $0xb8;
	[tilespmem:$0x4080] =	vst v63  }
0x9c: {  	_ =	swait.ge [sflag:s7], $0x4000  }
0x9d: {  	[sflag:s7] =	ssyncset.done $0x0  }
0x9e: {  	[sflag:s7] =	ssyncadd.s32 $0xFFFFC000  }
0x9f: {  	[hbm4b:s16+s2] =	stream.linear.scatter [tilespmem:s6], [sflag:$0x2], $0x4000, $0x38;
	[tilespmem:$0x4080] =	vst v63  }
0xa0: {  	_ =	swait.ge [sflag:s3], $0x4000  }
0xa1: {  	[sflag:s3] =	ssyncset.done $0x0  }
0xa2: {  	[sflag:s3] =	ssyncadd.s32 $0xFFFFC000  }
0xa3: {  	[tilespmem:s2], [sflag:$0x2] =	stream.linear.gather [hbm4b:s17+s2], $0x80, $0x38;
	[tilespmem:$0x4080] =	vst v63  }
0xa4: {  	_ =	swait.ge [sflag:s3], $0x80  }
0xa5: {  	[sflag:s3] =	ssyncset.done $0x0  }
0xa6: {  	[sflag:s3] =	ssyncadd.s32 $0xFFFFFF80  }
0xa7: {  	[tilespmem:s6], [sflag:$0x1] =	stream.indirect.gather [hbm4b:s5+s6], $0x80, s2, s6, $0xb8;
	[tilespmem:$0x4080] =	vst v63  }
0xa8: {  	_ =	swait.ge [sflag:s7], $0x4000  }
0xa9: {  	[sflag:s7] =	ssyncset.done $0x0  }
0xaa: {  	[sflag:s7] =	ssyncadd.s32 $0xFFFFC000  }
0xab: {  	[hbm4b:s18+s2] =	stream.linear.scatter [tilespmem:s6], [sflag:$0x2], $0x4000, $0x38;
	[tilespmem:$0x4080] =	vst v63  }
0xac: {  	_ =	swait.ge [sflag:s3], $0x4000  }
0xad: {  	[sflag:s3] =	ssyncset.done $0x0  }
0xae: {  	[sflag:s3] =	ssyncadd.s32 $0xFFFFC000  }
0xaf: {  	[tilespmem:s2], [sflag:$0x2] =	stream.linear.gather [hbm4b:s19+s2], $0x80, $0x38;
	[tilespmem:$0x4080] =	vst v63  }
0xb0: {  	_ =	swait.ge [sflag:s3], $0x80  }
0xb1: {  	[sflag:s3] =	ssyncset.done $0x0  }
0xb2: {  	[sflag:s3] =	ssyncadd.s32 $0xFFFFFF80  }
0xb3: {  	[tilespmem:s6], [sflag:$0x1] =	stream.indirect.gather [hbm4b:s5+s6], $0x80, s2, s6, $0xb8;
	[tilespmem:$0x4080] =	vst v63  }
0xb4: {  	_ =	swait.ge [sflag:s7], $0x4000  }
0xb5: {  	[sflag:s7] =	ssyncset.done $0x0  }
0xb6: {  	[sflag:s7] =	ssyncadd.s32 $0xFFFFC000  }
0xb7: {  	[hbm4b:s20+s2] =	stream.linear.scatter [tilespmem:s6], [sflag:$0x2], $0x4000, $0x38;
	[tilespmem:$0x4080] =	vst v63  }
0xb8: {  	_ =	swait.ge [sflag:s3], $0x4000  }
0xb9: {  	[sflag:s3] =	ssyncset.done $0x0  }
0xba: {  	[sflag:s3] =	ssyncadd.s32 $0xFFFFC000  }
0xbb: {  	[tilespmem:s2], [sflag:$0x2] =	stream.linear.gather [hbm4b:s21+s2], $0x80, $0x38;
	[tilespmem:$0x4080] =	vst v63  }
0xbc: {  	_ =	swait.ge [sflag:s3], $0x80  }
0xbd: {  	[sflag:s3] =	ssyncset.done $0x0  }
0xbe: {  	[sflag:s3] =	ssyncadd.s32 $0xFFFFFF80  }
0xbf: {  	[tilespmem:s6], [sflag:$0x1] =	stream.indirect.gather [hbm4b:s5+s6], $0x80, s2, s6, $0xb8;
	[tilespmem:$0x4080] =	vst v63  }
0xc0: {  	_ =	swait.ge [sflag:s7], $0x4000  }
.Ltmp1:
0xc1: {  	[sflag:s7] =	ssyncset.done $0x0;
	(pc) =	sbr.rel @p0 .LBB2_1-.Ltmp1, $4  }
0xc2: {  	[sflag:s7] =	ssyncadd.s32 $0xFFFFC000  }
0xc3: {  	[hbm4b:s22+s2] =	stream.linear.scatter [tilespmem:s6], [sflag:$0x2], $0x4000, $0x38;
	[tilespmem:$0x4080] =	vst v63  }
0xc4: {  	_ =	swait.ge [sflag:s3], $0x4000  }
0xc5: {  	[sflag:s3] =	ssyncset.done $0x0  }
.LBB2_2:
0xc6: {  	[sflag:s3] =	ssyncadd.s32 $0xFFFFC000  }
0xc7: {  	_ =	sfence.sel $0x180000  }
0xc8: {  	[bflag:$0x0] =	sbarrier.arrive $0xFFFF  }
0xc9: {  	p0 =	sne.s32 s0, $0x0;
	_ =	strace $0x90000050  }
0xca: {  	s0 =	sadd.s32 @!p0 $0x100000, s1;
	[bflag:$0x2] =	sbarrier.arrive $0xFFFF  }
0xcb: {  	[sflag:s0] =	ssyncadd.tile.s32 @!p0 $0x1;
	_ =	shalt  }
.Lfunc_end2:
_tile_overlayer_lowered:
.L_overlay_start_2:
0xcc: {  	(tag) =	ssettag $0x2  }
0xcd: {  	s0 =	rddreg [dreg:$0x0];
	s2 =	stileid.u32  }
0xce: {  	s1 =	rddreg [dreg:$0x1];
	p0 =	sne.s32 s2, $0x0  }
0xcf: {  	s3 =	rddreg [dreg:$0x2];
	[bflag:$0x3] =	sbarrier.arrive $0xFFFF;
	s2 =	simm.s32 @!p0 $0x1C02  }
0xd0: {  	[timem:s3], [sflag:s2] =	dma.local @!p0 [hbm:s0], s1  }
0xd1: {  	s0 =	simm.s32 @!p0 $0x2  }
0xd2: {  	_ =	swait.ge @!p0 [sflag:s0], s1  }
0xd3: {  	s1 =	ssub.s32 @!p0 $0x0, s1;
	[sflag:s0] =	ssyncset.done @!p0 $0x0  }
0xd4: {  	[sflag:s0] =	ssyncadd.s32 @!p0 s1  }
0xd5: {  	[bflag:$0x3] =	sbarrier.arrive $0xFFFF  }
0xd6: {  	_ =	shalt  }

</sc_bundles>
